<compile_context>
chip_gen: v7x
topology: tpu7x:2x2x1
jax: 0.10.2.dev20260603
libtpu: 0.0.44.dev20260713+nightly
codegen_flags: <defaults>
</compile_context>

<pallas_src>
import functools

import jax
import jax.numpy as jnp
from jax import lax
from jax.experimental import pallas as pl
from jax.experimental.pallas import tpu as pltpu
from jax.experimental.pallas import tpu_sc as plsc

_L = 16
_CHUNK = 128


def _softplus(x):
    y = jnp.exp(-jnp.abs(x))
    s = y / (2.0 + y)
    s2 = s * s
    p = 2.0 * s * (1.0 + s2 * (1.0 / 3.0 + s2 * (0.2 + s2 * (1.0 / 7.0))))
    return jnp.maximum(x, 0.0) + p


@functools.lru_cache(maxsize=None)
def _build(B, V, D, NEG_K):
    info = plsc.get_sparse_core_info()
    NC, NS = info.num_cores, info.num_subcores
    NW = NC * NS
    assert B % (NW * _CHUNK) == 0 and NEG_K == 2
    b_per_w = B // NW
    n_sub = b_per_w // _CHUNK

    mesh = plsc.VectorSubcoreMesh(core_axis_name="c", subcore_axis_name="s")

    @functools.partial(
        pl.kernel,
        mesh=mesh,
        compiler_params=pltpu.CompilerParams(
            needs_layout_passes=False, use_tc_tiling_on_sc=False),
        out_type=jax.ShapeDtypeStruct((B,), jnp.float32),
        scratch_types=[
            pltpu.VMEM((b_per_w,), jnp.int32),
            pltpu.VMEM((b_per_w,), jnp.int32),
            pltpu.VMEM((b_per_w,), jnp.int32),
            pltpu.VMEM((b_per_w,), jnp.int32),
            pltpu.VMEM((2, _CHUNK, D), jnp.float32),
            pltpu.VMEM((2, _CHUNK, D), jnp.float32),
            pltpu.VMEM((2, _CHUNK, D), jnp.float32),
            pltpu.VMEM((2, _CHUNK, D), jnp.float32),
            pltpu.VMEM((_CHUNK * _L,), jnp.float32),
            pltpu.VMEM((_CHUNK * _L,), jnp.float32),
            pltpu.VMEM((_CHUNK * _L,), jnp.float32),
            pltpu.VMEM((_CHUNK,), jnp.float32),
            pltpu.SemaphoreType.DMA,
        ],
    )
    def line_sc(i_hbm, j_hbm, neg_hbm, emb_hbm, out_hbm,
                idx_i, idx_j, idx_n0, idx_n1, ri, rj, rn0, rn1,
                part_p, part_0, part_1, out_v, sem):
        wid = lax.axis_index("s") * NC + lax.axis_index("c")
        wbase = wid * b_per_w
        lanes = lax.iota(jnp.int32, 16)
        zero = jnp.zeros((_L,), jnp.float32)

        pltpu.sync_copy(i_hbm.at[pl.ds(wbase, b_per_w)], idx_i)
        pltpu.sync_copy(j_hbm.at[pl.ds(wbase, b_per_w)], idx_j)
        pltpu.sync_copy(neg_hbm.at[0, pl.ds(wbase, b_per_w)], idx_n0)
        pltpu.sync_copy(neg_hbm.at[1, pl.ds(wbase, b_per_w)], idx_n1)

        def stage(sub, buf):
            sl = pl.ds(sub * _CHUNK, _CHUNK)
            copies = [
                pltpu.make_async_copy(
                    emb_hbm.at[idx_i.at[sl]], ri.at[buf], sem),
                pltpu.make_async_copy(
                    emb_hbm.at[idx_j.at[sl]], rj.at[buf], sem),
                pltpu.make_async_copy(
                    emb_hbm.at[idx_n0.at[sl]], rn0.at[buf], sem),
                pltpu.make_async_copy(
                    emb_hbm.at[idx_n1.at[sl]], rn1.at[buf], sem),
            ]
            for cp in copies:
                cp.start()
            return copies

        def compute(sub, buf):
            rib, rjb, r0b, r1b = ri.at[buf], rj.at[buf], rn0.at[buf], rn1.at[buf]
            base = wbase + sub * _CHUNK

            def row_body(r, _):
                vi = [rib[r, pl.ds(c * _L, _L)] for c in range(D // _L)]
                vj = [rjb[r, pl.ds(c * _L, _L)] for c in range(D // _L)]
                v0 = [r0b[r, pl.ds(c * _L, _L)] for c in range(D // _L)]
                v1 = [r1b[r, pl.ds(c * _L, _L)] for c in range(D // _L)]
                pp = zero
                p0 = zero
                p1 = zero
                for c in range(D // _L):
                    pp = pp + vi[c] * vj[c]
                    p0 = p0 + vi[c] * v0[c]
                    p1 = p1 + vi[c] * v1[c]
                part_p[pl.ds(r * _L, _L)] = pp
                part_0[pl.ds(r * _L, _L)] = p0
                part_1[pl.ds(r * _L, _L)] = p1
                return 0

            lax.fori_loop(0, _CHUNK, row_body, 0)

            def group_body(g, _):
                base_idx = (g * _L + lanes) * _L
                ap, a0, a1 = zero, zero, zero
                for k in range(_L):
                    ap = ap + plsc.load_gather(part_p, [base_idx + k])
                    a0 = a0 + plsc.load_gather(part_0, [base_idx + k])
                    a1 = a1 + plsc.load_gather(part_1, [base_idx + k])
                res = _softplus(-ap) + _softplus(a0) + _softplus(a1)
                out_v[pl.ds(g * _L, _L)] = res
                return 0

            lax.fori_loop(0, _CHUNK // _L, group_body, 0)
            pltpu.sync_copy(out_v, out_hbm.at[pl.ds(base, _CHUNK)])

        inflight = stage(0, 0)
        for sub in range(n_sub):
            for cp in inflight:
                cp.wait()
            if sub + 1 < n_sub:
                nxt = stage(sub + 1, (sub + 1) % 2)
            else:
                nxt = []
            compute(sub, sub % 2)
            inflight = nxt

    return line_sc


def kernel(i, j, neg_set, emb):
    B = i.shape[0]
    V, D = emb.shape
    fn = _build(B, V, D, neg_set.shape[0])
    return fn(i.astype(jnp.int32), j.astype(jnp.int32),
              neg_set.astype(jnp.int32), emb)

# --- scband reference (transcript-rebuilt; emitter-appended) ---
"""Pipeline reference for scband-line-72327249265238 (READ-ONLY COPY).

The authoritative reference and input builder live on the scoring server;
editing this copy changes nothing except your own understanding.
"""

import jax, jax.numpy as jnp
import numpy as np

V = 100000
D = 64
B = 16384
NEG_K = 2

def setup_inputs(seed: int = 0) -> dict:
    key = jax.random.key(seed)
    k1, k2, k3, k4 = jax.random.split(key, 4)
    i = jax.random.randint(k1, (B,), 0, V)
    j = jax.random.randint(k2, (B,), 0, V)
    neg_set = jax.random.randint(k3, (NEG_K, B), 0, V)
    emb = jax.random.normal(k4, (V, D), dtype=jnp.float32) * 0.02
    return {"i": i, "j": j, "neg_set": neg_set, "emb": emb}

def reference(i, j, neg_set, emb):
    # first-order LINE: both endpoints use the same embedding table
    v_i = jnp.take(emb, i, axis=0)              # [B, D] gather
    v_j = jnp.take(emb, j, axis=0)              # [B, D] gather
    # batched dot product (per-edge scalar, matching torch.matmul on 1-D vecs)
    pos_loss = jax.nn.log_sigmoid(jnp.sum(v_i * v_j, axis=-1))  # [B]
    neg_loss = jnp.zeros_like(pos_loss)
    for n in range(NEG_K):
        v_n = jnp.take(emb, neg_set[n], axis=0)  # [B, D] gather
        prob = jnp.sum(v_i * v_n, axis=-1)       # [B]
        neg_loss = neg_loss + jax.nn.log_sigmoid(-prob)
    negative_sampling = pos_loss + neg_loss
    return -negative_sampling

if __name__ == "__main__":
    import jax
    _d = setup_inputs()
    print(jax.jit(kernel)(*tuple(_d.values())))

</pallas_src>

<mosaic_0001>
#map = affine_map<(d0, d1) -> (0)>
#map1 = affine_map<(d0, d1) -> (0, 0)>
module attributes {stable_mosaic.version = 14 : i64} {
  func.func @line_sc(%arg0: i32, %arg1: i32, %arg2: memref<16384xi32, #tpu.memory_space<hbm>>, %arg3: memref<16384xi32, #tpu.memory_space<hbm>>, %arg4: memref<2x16384xi32, #tpu.memory_space<hbm>>, %arg5: memref<100000x64xf32, #tpu.memory_space<hbm>>, %arg6: memref<16384xf32, #tpu.memory_space<hbm>>, %arg7: memref<512xi32, #tpu.memory_space<vmem>>, %arg8: memref<512xi32, #tpu.memory_space<vmem>>, %arg9: memref<512xi32, #tpu.memory_space<vmem>>, %arg10: memref<512xi32, #tpu.memory_space<vmem>>, %arg11: memref<2x128x64xf32, #tpu.memory_space<vmem>>, %arg12: memref<2x128x64xf32, #tpu.memory_space<vmem>>, %arg13: memref<2x128x64xf32, #tpu.memory_space<vmem>>, %arg14: memref<2x128x64xf32, #tpu.memory_space<vmem>>, %arg15: memref<2048xf32, #tpu.memory_space<vmem>>, %arg16: memref<2048xf32, #tpu.memory_space<vmem>>, %arg17: memref<2048xf32, #tpu.memory_space<vmem>>, %arg18: memref<128xf32, #tpu.memory_space<vmem>>, %arg19: memref<!tpu.dma_semaphore, #tpu.memory_space<semaphore_mem>>) attributes {dimension_semantics = [#tpu.dimension_semantics<core_parallel>, #tpu.dimension_semantics<subcore_parallel>], iteration_bounds = array<i64: 2, 16>, scalar_prefetch = 0 : i64, scratch_operands = 13 : i64, tpu.core_type = #tpu.core_type<sc_vector_subcore>, window_params = [{transform_indices = #map}, {transform_indices = #map}, {transform_indices = #map1}, {transform_indices = #map1}, {transform_indices = #map}]} {
    %mul3A = arith.constant 2 : i32
    %mul3A_0 = arith.muli %arg1, %mul3A : i32
    %add3A = arith.addi %mul3A_0, %arg0 : i32
    %mul3A_1 = arith.constant 512 : i32
    %mul3A_2 = arith.muli %add3A, %mul3A_1 : i32
    %iota3A = tpu.iota {dimensions = array<i32: 0>} : vector<16xi32>
    %broadcast_in_dim3A = arith.constant 0.000000e+00 : f32
    %broadcast_in_dim3A_3 = vector.broadcast %broadcast_in_dim3A : f32 to vector<16xf32>
    "tpu.region"() ({
      %run_scoped3A_402 = tpu.sem_alloc : memref<!tpu.dma_semaphore, #tpu.memory_space<semaphore_mem>>
      %dma_start3A_403 = tpu.memref_slice %arg2[%mul3A_2] : memref<16384xi32, #tpu.memory_space<hbm>> -> memref<512xi32, #tpu.memory_space<hbm>>
      %dma_start3A_404 = tpu.memref_slice %arg2[%mul3A_2] : memref<16384xi32, #tpu.memory_space<hbm>> -> memref<512xi32, #tpu.memory_space<hbm>>
      tpu.enqueue_dma source(%dma_start3A_404 : memref<512xi32, #tpu.memory_space<hbm>>) target(%arg7 : memref<512xi32, #tpu.memory_space<vmem>>) target_semaphore(%run_scoped3A_402 : memref<!tpu.dma_semaphore, #tpu.memory_space<semaphore_mem>>)
      %dma_wait3A_405 = tpu.memref_slice %arg2[%mul3A_2] : memref<16384xi32, #tpu.memory_space<hbm>> -> memref<512xi32, #tpu.memory_space<hbm>>
      %dma_wait3A_406 = tpu.memref_slice %arg2[%mul3A_2] : memref<16384xi32, #tpu.memory_space<hbm>> -> memref<512xi32, #tpu.memory_space<hbm>>
      tpu.wait_dma2 semaphore(%run_scoped3A_402 : memref<!tpu.dma_semaphore, #tpu.memory_space<semaphore_mem>>) src(%dma_wait3A_406 : memref<512xi32, #tpu.memory_space<hbm>>) dst(%arg7 : memref<512xi32, #tpu.memory_space<vmem>>)
      tpu.yield
    }) : () -> ()
    "tpu.region"() ({
      %run_scoped3A_402 = tpu.sem_alloc : memref<!tpu.dma_semaphore, #tpu.memory_space<semaphore_mem>>
      %dma_start3A_403 = tpu.memref_slice %arg3[%mul3A_2] : memref<16384xi32, #tpu.memory_space<hbm>> -> memref<512xi32, #tpu.memory_space<hbm>>
      %dma_start3A_404 = tpu.memref_slice %arg3[%mul3A_2] : memref<16384xi32, #tpu.memory_space<hbm>> -> memref<512xi32, #tpu.memory_space<hbm>>
      tpu.enqueue_dma source(%dma_start3A_404 : memref<512xi32, #tpu.memory_space<hbm>>) target(%arg8 : memref<512xi32, #tpu.memory_space<vmem>>) target_semaphore(%run_scoped3A_402 : memref<!tpu.dma_semaphore, #tpu.memory_space<semaphore_mem>>)
      %dma_wait3A_405 = tpu.memref_slice %arg3[%mul3A_2] : memref<16384xi32, #tpu.memory_space<hbm>> -> memref<512xi32, #tpu.memory_space<hbm>>
      %dma_wait3A_406 = tpu.memref_slice %arg3[%mul3A_2] : memref<16384xi32, #tpu.memory_space<hbm>> -> memref<512xi32, #tpu.memory_space<hbm>>
      tpu.wait_dma2 semaphore(%run_scoped3A_402 : memref<!tpu.dma_semaphore, #tpu.memory_space<semaphore_mem>>) src(%dma_wait3A_406 : memref<512xi32, #tpu.memory_space<hbm>>) dst(%arg8 : memref<512xi32, #tpu.memory_space<vmem>>)
      tpu.yield
    }) : () -> ()
    %run_scoped3A = arith.constant 0 : i32
    "tpu.region"() ({
      %run_scoped3A_402 = tpu.sem_alloc : memref<!tpu.dma_semaphore, #tpu.memory_space<semaphore_mem>>
      %dma_start3A_403 = tpu.memref_slice %arg4[%run_scoped3A, %mul3A_2] : memref<2x16384xi32, #tpu.memory_space<hbm>> -> memref<1x512xi32, #tpu.memory_space<hbm>>
      %dma_start3A_404 = tpu.memref_squeeze %dma_start3A_403 : memref<1x512xi32, #tpu.memory_space<hbm>> -> memref<512xi32, #tpu.memory_space<hbm>>
      %dma_start3A_405 = tpu.memref_slice %arg4[%run_scoped3A, %mul3A_2] : memref<2x16384xi32, #tpu.memory_space<hbm>> -> memref<1x512xi32, #tpu.memory_space<hbm>>
      %dma_start3A_406 = tpu.memref_squeeze %dma_start3A_405 : memref<1x512xi32, #tpu.memory_space<hbm>> -> memref<512xi32, #tpu.memory_space<hbm>>
      tpu.enqueue_dma source(%dma_start3A_406 : memref<512xi32, #tpu.memory_space<hbm>>) target(%arg9 : memref<512xi32, #tpu.memory_space<vmem>>) target_semaphore(%run_scoped3A_402 : memref<!tpu.dma_semaphore, #tpu.memory_space<semaphore_mem>>)
      %dma_wait3A_407 = tpu.memref_slice %arg4[%run_scoped3A, %mul3A_2] : memref<2x16384xi32, #tpu.memory_space<hbm>> -> memref<1x512xi32, #tpu.memory_space<hbm>>
      %dma_wait3A_408 = tpu.memref_squeeze %dma_wait3A_407 : memref<1x512xi32, #tpu.memory_space<hbm>> -> memref<512xi32, #tpu.memory_space<hbm>>
      %dma_wait3A_409 = tpu.memref_slice %arg4[%run_scoped3A, %mul3A_2] : memref<2x16384xi32, #tpu.memory_space<hbm>> -> memref<1x512xi32, #tpu.memory_space<hbm>>
      %dma_wait3A_410 = tpu.memref_squeeze %dma_wait3A_409 : memref<1x512xi32, #tpu.memory_space<hbm>> -> memref<512xi32, #tpu.memory_space<hbm>>
      tpu.wait_dma2 semaphore(%run_scoped3A_402 : memref<!tpu.dma_semaphore, #tpu.memory_space<semaphore_mem>>) src(%dma_wait3A_410 : memref<512xi32, #tpu.memory_space<hbm>>) dst(%arg9 : memref<512xi32, #tpu.memory_space<vmem>>)
      tpu.yield
    }) : () -> ()
    %run_scoped3A_4 = arith.constant 1 : i32
    "tpu.region"() ({
      %run_scoped3A_402 = tpu.sem_alloc : memref<!tpu.dma_semaphore, #tpu.memory_space<semaphore_mem>>
      %dma_start3A_403 = tpu.memref_slice %arg4[%run_scoped3A_4, %mul3A_2] : memref<2x16384xi32, #tpu.memory_space<hbm>> -> memref<1x512xi32, #tpu.memory_space<hbm>>
      %dma_start3A_404 = tpu.memref_squeeze %dma_start3A_403 : memref<1x512xi32, #tpu.memory_space<hbm>> -> memref<512xi32, #tpu.memory_space<hbm>>
      %dma_start3A_405 = tpu.memref_slice %arg4[%run_scoped3A_4, %mul3A_2] : memref<2x16384xi32, #tpu.memory_space<hbm>> -> memref<1x512xi32, #tpu.memory_space<hbm>>
      %dma_start3A_406 = tpu.memref_squeeze %dma_start3A_405 : memref<1x512xi32, #tpu.memory_space<hbm>> -> memref<512xi32, #tpu.memory_space<hbm>>
      tpu.enqueue_dma source(%dma_start3A_406 : memref<512xi32, #tpu.memory_space<hbm>>) target(%arg10 : memref<512xi32, #tpu.memory_space<vmem>>) target_semaphore(%run_scoped3A_402 : memref<!tpu.dma_semaphore, #tpu.memory_space<semaphore_mem>>)
      %dma_wait3A_407 = tpu.memref_slice %arg4[%run_scoped3A_4, %mul3A_2] : memref<2x16384xi32, #tpu.memory_space<hbm>> -> memref<1x512xi32, #tpu.memory_space<hbm>>
      %dma_wait3A_408 = tpu.memref_squeeze %dma_wait3A_407 : memref<1x512xi32, #tpu.memory_space<hbm>> -> memref<512xi32, #tpu.memory_space<hbm>>
      %dma_wait3A_409 = tpu.memref_slice %arg4[%run_scoped3A_4, %mul3A_2] : memref<2x16384xi32, #tpu.memory_space<hbm>> -> memref<1x512xi32, #tpu.memory_space<hbm>>
      %dma_wait3A_410 = tpu.memref_squeeze %dma_wait3A_409 : memref<1x512xi32, #tpu.memory_space<hbm>> -> memref<512xi32, #tpu.memory_space<hbm>>
      tpu.wait_dma2 semaphore(%run_scoped3A_402 : memref<!tpu.dma_semaphore, #tpu.memory_space<semaphore_mem>>) src(%dma_wait3A_410 : memref<512xi32, #tpu.memory_space<hbm>>) dst(%arg10 : memref<512xi32, #tpu.memory_space<vmem>>)
      tpu.yield
    }) : () -> ()
    %dma_start3A = arith.constant 0 : i32
    %dma_start3A_5 = arith.constant 0 : i32
    %dma_start3A_6 = arith.constant 0 : i32
    %dma_start3A_7 = tpu.memref_slice %arg11[%dma_start3A, %dma_start3A_5, %dma_start3A_6] : memref<2x128x64xf32, #tpu.memory_space<vmem>> -> memref<1x128x64xf32, #tpu.memory_space<vmem>>
    %dma_start3A_8 = tpu.memref_squeeze %dma_start3A_7 : memref<1x128x64xf32, #tpu.memory_space<vmem>> -> memref<128x64xf32, #tpu.memory_space<vmem>>
    %dma_start3A_9 = arith.constant 0 : i32
    %dma_start3A_10 = tpu.memref_slice %arg7[%dma_start3A_9] : memref<512xi32, #tpu.memory_space<vmem>> -> memref<128xi32, #tpu.memory_space<vmem>>
    %dma_start3A_11 = arith.constant 0 : i32
    %dma_start3A_12 = arith.constant 0 : i32
    %dma_start3A_13 = tpu.memref_slice %arg5[%dma_start3A_11, %dma_start3A_12] : memref<100000x64xf32, #tpu.memory_space<hbm>> -> memref<100000x64xf32, #tpu.memory_space<hbm>>
    tpu.enqueue_indirect_dma source(%dma_start3A_13 : memref<100000x64xf32, #tpu.memory_space<hbm>>) target(%dma_start3A_8 : memref<128x64xf32, #tpu.memory_space<vmem>>) offsets(%dma_start3A_10 : memref<128xi32, #tpu.memory_space<vmem>>) semaphore(%arg19 : memref<!tpu.dma_semaphore, #tpu.memory_space<semaphore_mem>>)
    %dma_start3A_14 = arith.constant 0 : i32
    %dma_start3A_15 = arith.constant 0 : i32
    %dma_start3A_16 = arith.constant 0 : i32
    %dma_start3A_17 = tpu.memref_slice %arg12[%dma_start3A_14, %dma_start3A_15, %dma_start3A_16] : memref<2x128x64xf32, #tpu.memory_space<vmem>> -> memref<1x128x64xf32, #tpu.memory_space<vmem>>
    %dma_start3A_18 = tpu.memref_squeeze %dma_start3A_17 : memref<1x128x64xf32, #tpu.memory_space<vmem>> -> memref<128x64xf32, #tpu.memory_space<vmem>>
    %dma_start3A_19 = arith.constant 0 : i32
    %dma_start3A_20 = tpu.memref_slice %arg8[%dma_start3A_19] : memref<512xi32, #tpu.memory_space<vmem>> -> memref<128xi32, #tpu.memory_space<vmem>>
    %dma_start3A_21 = arith.constant 0 : i32
    %dma_start3A_22 = arith.constant 0 : i32
    %dma_start3A_23 = tpu.memref_slice %arg5[%dma_start3A_21, %dma_start3A_22] : memref<100000x64xf32, #tpu.memory_space<hbm>> -> memref<100000x64xf32, #tpu.memory_space<hbm>>
    tpu.enqueue_indirect_dma source(%dma_start3A_23 : memref<100000x64xf32, #tpu.memory_space<hbm>>) target(%dma_start3A_18 : memref<128x64xf32, #tpu.memory_space<vmem>>) offsets(%dma_start3A_20 : memref<128xi32, #tpu.memory_space<vmem>>) semaphore(%arg19 : memref<!tpu.dma_semaphore, #tpu.memory_space<semaphore_mem>>)
    %dma_start3A_24 = arith.constant 0 : i32
    %dma_start3A_25 = arith.constant 0 : i32
    %dma_start3A_26 = arith.constant 0 : i32
    %dma_start3A_27 = tpu.memref_slice %arg13[%dma_start3A_24, %dma_start3A_25, %dma_start3A_26] : memref<2x128x64xf32, #tpu.memory_space<vmem>> -> memref<1x128x64xf32, #tpu.memory_space<vmem>>
    %dma_start3A_28 = tpu.memref_squeeze %dma_start3A_27 : memref<1x128x64xf32, #tpu.memory_space<vmem>> -> memref<128x64xf32, #tpu.memory_space<vmem>>
    %dma_start3A_29 = arith.constant 0 : i32
    %dma_start3A_30 = tpu.memref_slice %arg9[%dma_start3A_29] : memref<512xi32, #tpu.memory_space<vmem>> -> memref<128xi32, #tpu.memory_space<vmem>>
    %dma_start3A_31 = arith.constant 0 : i32
    %dma_start3A_32 = arith.constant 0 : i32
    %dma_start3A_33 = tpu.memref_slice %arg5[%dma_start3A_31, %dma_start3A_32] : memref<100000x64xf32, #tpu.memory_space<hbm>> -> memref<100000x64xf32, #tpu.memory_space<hbm>>
    tpu.enqueue_indirect_dma source(%dma_start3A_33 : memref<100000x64xf32, #tpu.memory_space<hbm>>) target(%dma_start3A_28 : memref<128x64xf32, #tpu.memory_space<vmem>>) offsets(%dma_start3A_30 : memref<128xi32, #tpu.memory_space<vmem>>) semaphore(%arg19 : memref<!tpu.dma_semaphore, #tpu.memory_space<semaphore_mem>>)
    %dma_start3A_34 = arith.constant 0 : i32
    %dma_start3A_35 = arith.constant 0 : i32
    %dma_start3A_36 = arith.constant 0 : i32
    %dma_start3A_37 = tpu.memref_slice %arg14[%dma_start3A_34, %dma_start3A_35, %dma_start3A_36] : memref<2x128x64xf32, #tpu.memory_space<vmem>> -> memref<1x128x64xf32, #tpu.memory_space<vmem>>
    %dma_start3A_38 = tpu.memref_squeeze %dma_start3A_37 : memref<1x128x64xf32, #tpu.memory_space<vmem>> -> memref<128x64xf32, #tpu.memory_space<vmem>>
    %dma_start3A_39 = arith.constant 0 : i32
    %dma_start3A_40 = tpu.memref_slice %arg10[%dma_start3A_39] : memref<512xi32, #tpu.memory_space<vmem>> -> memref<128xi32, #tpu.memory_space<vmem>>
    %dma_start3A_41 = arith.constant 0 : i32
    %dma_start3A_42 = arith.constant 0 : i32
    %dma_start3A_43 = tpu.memref_slice %arg5[%dma_start3A_41, %dma_start3A_42] : memref<100000x64xf32, #tpu.memory_space<hbm>> -> memref<100000x64xf32, #tpu.memory_space<hbm>>
    tpu.enqueue_indirect_dma source(%dma_start3A_43 : memref<100000x64xf32, #tpu.memory_space<hbm>>) target(%dma_start3A_38 : memref<128x64xf32, #tpu.memory_space<vmem>>) offsets(%dma_start3A_40 : memref<128xi32, #tpu.memory_space<vmem>>) semaphore(%arg19 : memref<!tpu.dma_semaphore, #tpu.memory_space<semaphore_mem>>)
    %dma_wait3A = arith.constant 0 : i32
    %dma_wait3A_44 = arith.constant 0 : i32
    %dma_wait3A_45 = arith.constant 0 : i32
    %dma_wait3A_46 = tpu.memref_slice %arg11[%dma_wait3A, %dma_wait3A_44, %dma_wait3A_45] : memref<2x128x64xf32, #tpu.memory_space<vmem>> -> memref<1x128x64xf32, #tpu.memory_space<vmem>>
    %dma_wait3A_47 = tpu.memref_squeeze %dma_wait3A_46 : memref<1x128x64xf32, #tpu.memory_space<vmem>> -> memref<128x64xf32, #tpu.memory_space<vmem>>
    %dma_wait3A_48 = arith.constant 0 : i32
    %dma_wait3A_49 = tpu.memref_slice %arg7[%dma_wait3A_48] : memref<512xi32, #tpu.memory_space<vmem>> -> memref<128xi32, #tpu.memory_space<vmem>>
    %dma_wait3A_50 = arith.constant 0 : i32
    %dma_wait3A_51 = arith.constant 0 : i32
    %dma_wait3A_52 = tpu.memref_slice %arg5[%dma_wait3A_50, %dma_wait3A_51] : memref<100000x64xf32, #tpu.memory_space<hbm>> -> memref<100000x64xf32, #tpu.memory_space<hbm>>
    tpu.wait_indirect_dma semaphore(%arg19 : memref<!tpu.dma_semaphore, #tpu.memory_space<semaphore_mem>>) src(%dma_wait3A_52 : memref<100000x64xf32, #tpu.memory_space<hbm>>) dst(%dma_wait3A_47 : memref<128x64xf32, #tpu.memory_space<vmem>>)
    %dma_wait3A_53 = arith.constant 0 : i32
    %dma_wait3A_54 = arith.constant 0 : i32
    %dma_wait3A_55 = arith.constant 0 : i32
    %dma_wait3A_56 = tpu.memref_slice %arg12[%dma_wait3A_53, %dma_wait3A_54, %dma_wait3A_55] : memref<2x128x64xf32, #tpu.memory_space<vmem>> -> memref<1x128x64xf32, #tpu.memory_space<vmem>>
    %dma_wait3A_57 = tpu.memref_squeeze %dma_wait3A_56 : memref<1x128x64xf32, #tpu.memory_space<vmem>> -> memref<128x64xf32, #tpu.memory_space<vmem>>
    %dma_wait3A_58 = arith.constant 0 : i32
    %dma_wait3A_59 = tpu.memref_slice %arg8[%dma_wait3A_58] : memref<512xi32, #tpu.memory_space<vmem>> -> memref<128xi32, #tpu.memory_space<vmem>>
    %dma_wait3A_60 = arith.constant 0 : i32
    %dma_wait3A_61 = arith.constant 0 : i32
    %dma_wait3A_62 = tpu.memref_slice %arg5[%dma_wait3A_60, %dma_wait3A_61] : memref<100000x64xf32, #tpu.memory_space<hbm>> -> memref<100000x64xf32, #tpu.memory_space<hbm>>
    tpu.wait_indirect_dma semaphore(%arg19 : memref<!tpu.dma_semaphore, #tpu.memory_space<semaphore_mem>>) src(%dma_wait3A_62 : memref<100000x64xf32, #tpu.memory_space<hbm>>) dst(%dma_wait3A_57 : memref<128x64xf32, #tpu.memory_space<vmem>>)
    %dma_wait3A_63 = arith.constant 0 : i32
    %dma_wait3A_64 = arith.constant 0 : i32
    %dma_wait3A_65 = arith.constant 0 : i32
    %dma_wait3A_66 = tpu.memref_slice %arg13[%dma_wait3A_63, %dma_wait3A_64, %dma_wait3A_65] : memref<2x128x64xf32, #tpu.memory_space<vmem>> -> memref<1x128x64xf32, #tpu.memory_space<vmem>>
    %dma_wait3A_67 = tpu.memref_squeeze %dma_wait3A_66 : memref<1x128x64xf32, #tpu.memory_space<vmem>> -> memref<128x64xf32, #tpu.memory_space<vmem>>
    %dma_wait3A_68 = arith.constant 0 : i32
    %dma_wait3A_69 = tpu.memref_slice %arg9[%dma_wait3A_68] : memref<512xi32, #tpu.memory_space<vmem>> -> memref<128xi32, #tpu.memory_space<vmem>>
    %dma_wait3A_70 = arith.constant 0 : i32
    %dma_wait3A_71 = arith.constant 0 : i32
    %dma_wait3A_72 = tpu.memref_slice %arg5[%dma_wait3A_70, %dma_wait3A_71] : memref<100000x64xf32, #tpu.memory_space<hbm>> -> memref<100000x64xf32, #tpu.memory_space<hbm>>
    tpu.wait_indirect_dma semaphore(%arg19 : memref<!tpu.dma_semaphore, #tpu.memory_space<semaphore_mem>>) src(%dma_wait3A_72 : memref<100000x64xf32, #tpu.memory_space<hbm>>) dst(%dma_wait3A_67 : memref<128x64xf32, #tpu.memory_space<vmem>>)
    %dma_wait3A_73 = arith.constant 0 : i32
    %dma_wait3A_74 = arith.constant 0 : i32
    %dma_wait3A_75 = arith.constant 0 : i32
    %dma_wait3A_76 = tpu.memref_slice %arg14[%dma_wait3A_73, %dma_wait3A_74, %dma_wait3A_75] : memref<2x128x64xf32, #tpu.memory_space<vmem>> -> memref<1x128x64xf32, #tpu.memory_space<vmem>>
    %dma_wait3A_77 = tpu.memref_squeeze %dma_wait3A_76 : memref<1x128x64xf32, #tpu.memory_space<vmem>> -> memref<128x64xf32, #tpu.memory_space<vmem>>
    %dma_wait3A_78 = arith.constant 0 : i32
    %dma_wait3A_79 = tpu.memref_slice %arg10[%dma_wait3A_78] : memref<512xi32, #tpu.memory_space<vmem>> -> memref<128xi32, #tpu.memory_space<vmem>>
    %dma_wait3A_80 = arith.constant 0 : i32
    %dma_wait3A_81 = arith.constant 0 : i32
    %dma_wait3A_82 = tpu.memref_slice %arg5[%dma_wait3A_80, %dma_wait3A_81] : memref<100000x64xf32, #tpu.memory_space<hbm>> -> memref<100000x64xf32, #tpu.memory_space<hbm>>
    tpu.wait_indirect_dma semaphore(%arg19 : memref<!tpu.dma_semaphore, #tpu.memory_space<semaphore_mem>>) src(%dma_wait3A_82 : memref<100000x64xf32, #tpu.memory_space<hbm>>) dst(%dma_wait3A_77 : memref<128x64xf32, #tpu.memory_space<vmem>>)
    %dma_start3A_83 = arith.constant 1 : i32
    %dma_start3A_84 = arith.constant 0 : i32
    %dma_start3A_85 = arith.constant 0 : i32
    %dma_start3A_86 = tpu.memref_slice %arg11[%dma_start3A_83, %dma_start3A_84, %dma_start3A_85] : memref<2x128x64xf32, #tpu.memory_space<vmem>> -> memref<1x128x64xf32, #tpu.memory_space<vmem>>
    %dma_start3A_87 = tpu.memref_squeeze %dma_start3A_86 : memref<1x128x64xf32, #tpu.memory_space<vmem>> -> memref<128x64xf32, #tpu.memory_space<vmem>>
    %dma_start3A_88 = arith.constant 128 : i32
    %dma_start3A_89 = tpu.memref_slice %arg7[%dma_start3A_88] : memref<512xi32, #tpu.memory_space<vmem>> -> memref<128xi32, #tpu.memory_space<vmem>>
    %dma_start3A_90 = arith.constant 0 : i32
    %dma_start3A_91 = arith.constant 0 : i32
    %dma_start3A_92 = tpu.memref_slice %arg5[%dma_start3A_90, %dma_start3A_91] : memref<100000x64xf32, #tpu.memory_space<hbm>> -> memref<100000x64xf32, #tpu.memory_space<hbm>>
    tpu.enqueue_indirect_dma source(%dma_start3A_92 : memref<100000x64xf32, #tpu.memory_space<hbm>>) target(%dma_start3A_87 : memref<128x64xf32, #tpu.memory_space<vmem>>) offsets(%dma_start3A_89 : memref<128xi32, #tpu.memory_space<vmem>>) semaphore(%arg19 : memref<!tpu.dma_semaphore, #tpu.memory_space<semaphore_mem>>)
    %dma_start3A_93 = arith.constant 1 : i32
    %dma_start3A_94 = arith.constant 0 : i32
    %dma_start3A_95 = arith.constant 0 : i32
    %dma_start3A_96 = tpu.memref_slice %arg12[%dma_start3A_93, %dma_start3A_94, %dma_start3A_95] : memref<2x128x64xf32, #tpu.memory_space<vmem>> -> memref<1x128x64xf32, #tpu.memory_space<vmem>>
    %dma_start3A_97 = tpu.memref_squeeze %dma_start3A_96 : memref<1x128x64xf32, #tpu.memory_space<vmem>> -> memref<128x64xf32, #tpu.memory_space<vmem>>
    %dma_start3A_98 = arith.constant 128 : i32
    %dma_start3A_99 = tpu.memref_slice %arg8[%dma_start3A_98] : memref<512xi32, #tpu.memory_space<vmem>> -> memref<128xi32, #tpu.memory_space<vmem>>
    %dma_start3A_100 = arith.constant 0 : i32
    %dma_start3A_101 = arith.constant 0 : i32
    %dma_start3A_102 = tpu.memref_slice %arg5[%dma_start3A_100, %dma_start3A_101] : memref<100000x64xf32, #tpu.memory_space<hbm>> -> memref<100000x64xf32, #tpu.memory_space<hbm>>
    tpu.enqueue_indirect_dma source(%dma_start3A_102 : memref<100000x64xf32, #tpu.memory_space<hbm>>) target(%dma_start3A_97 : memref<128x64xf32, #tpu.memory_space<vmem>>) offsets(%dma_start3A_99 : memref<128xi32, #tpu.memory_space<vmem>>) semaphore(%arg19 : memref<!tpu.dma_semaphore, #tpu.memory_space<semaphore_mem>>)
    %dma_start3A_103 = arith.constant 1 : i32
    %dma_start3A_104 = arith.constant 0 : i32
    %dma_start3A_105 = arith.constant 0 : i32
    %dma_start3A_106 = tpu.memref_slice %arg13[%dma_start3A_103, %dma_start3A_104, %dma_start3A_105] : memref<2x128x64xf32, #tpu.memory_space<vmem>> -> memref<1x128x64xf32, #tpu.memory_space<vmem>>
    %dma_start3A_107 = tpu.memref_squeeze %dma_start3A_106 : memref<1x128x64xf32, #tpu.memory_space<vmem>> -> memref<128x64xf32, #tpu.memory_space<vmem>>
    %dma_start3A_108 = arith.constant 128 : i32
    %dma_start3A_109 = tpu.memref_slice %arg9[%dma_start3A_108] : memref<512xi32, #tpu.memory_space<vmem>> -> memref<128xi32, #tpu.memory_space<vmem>>
    %dma_start3A_110 = arith.constant 0 : i32
    %dma_start3A_111 = arith.constant 0 : i32
    %dma_start3A_112 = tpu.memref_slice %arg5[%dma_start3A_110, %dma_start3A_111] : memref<100000x64xf32, #tpu.memory_space<hbm>> -> memref<100000x64xf32, #tpu.memory_space<hbm>>
    tpu.enqueue_indirect_dma source(%dma_start3A_112 : memref<100000x64xf32, #tpu.memory_space<hbm>>) target(%dma_start3A_107 : memref<128x64xf32, #tpu.memory_space<vmem>>) offsets(%dma_start3A_109 : memref<128xi32, #tpu.memory_space<vmem>>) semaphore(%arg19 : memref<!tpu.dma_semaphore, #tpu.memory_space<semaphore_mem>>)
    %dma_start3A_113 = arith.constant 1 : i32
    %dma_start3A_114 = arith.constant 0 : i32
    %dma_start3A_115 = arith.constant 0 : i32
    %dma_start3A_116 = tpu.memref_slice %arg14[%dma_start3A_113, %dma_start3A_114, %dma_start3A_115] : memref<2x128x64xf32, #tpu.memory_space<vmem>> -> memref<1x128x64xf32, #tpu.memory_space<vmem>>
    %dma_start3A_117 = tpu.memref_squeeze %dma_start3A_116 : memref<1x128x64xf32, #tpu.memory_space<vmem>> -> memref<128x64xf32, #tpu.memory_space<vmem>>
    %dma_start3A_118 = arith.constant 128 : i32
    %dma_start3A_119 = tpu.memref_slice %arg10[%dma_start3A_118] : memref<512xi32, #tpu.memory_space<vmem>> -> memref<128xi32, #tpu.memory_space<vmem>>
    %dma_start3A_120 = arith.constant 0 : i32
    %dma_start3A_121 = arith.constant 0 : i32
    %dma_start3A_122 = tpu.memref_slice %arg5[%dma_start3A_120, %dma_start3A_121] : memref<100000x64xf32, #tpu.memory_space<hbm>> -> memref<100000x64xf32, #tpu.memory_space<hbm>>
    tpu.enqueue_indirect_dma source(%dma_start3A_122 : memref<100000x64xf32, #tpu.memory_space<hbm>>) target(%dma_start3A_117 : memref<128x64xf32, #tpu.memory_space<vmem>>) offsets(%dma_start3A_119 : memref<128xi32, #tpu.memory_space<vmem>>) semaphore(%arg19 : memref<!tpu.dma_semaphore, #tpu.memory_space<semaphore_mem>>)
    %add3A_123 = arith.constant 0 : i32
    %add3A_124 = arith.addi %mul3A_2, %add3A_123 : i32
    %scan3A = arith.constant 0 : i32
    %scan3A_125 = arith.constant 0 : i32
    %scan3A_126 = arith.constant 0 : i32
    %scan3A_127 = arith.constant 0 : i32
    %scan3A_128 = arith.constant 0 : i32
    %scan3A_129 = arith.constant 0 : i32
    %scan3A_130 = arith.constant 128 : i32
    %scan3A_131 = arith.addi %scan3A_129, %scan3A_130 : i32
    %scan3A_132 = arith.constant 1 : i32
    %scan3A_133 = scf.for %scan3A_402 = %scan3A_129 to %scan3A_131 step %scan3A_132 iter_args(%scan3A_403 = %scan3A_128) -> (i32)  : i32 {
      %get3A = arith.constant 0 : i32
      %get3A_404 = arith.constant 0 : i32
      %get3A_405 = tpu.memref_slice %arg11[%scan3A, %get3A, %get3A_404] : memref<2x128x64xf32, #tpu.memory_space<vmem>> -> memref<1x128x64xf32, #tpu.memory_space<vmem>>
      %get3A_406 = tpu.memref_squeeze %get3A_405 : memref<1x128x64xf32, #tpu.memory_space<vmem>> -> memref<128x64xf32, #tpu.memory_space<vmem>>
      %get3A_407 = arith.index_cast %scan3A_402 : i32 to index
      %get3A_408 = arith.constant 0 : index
      %get3A_409 = tpu.vector_load %get3A_406[%get3A_407, %get3A_408] {strides = array<i32>} : memref<128x64xf32, #tpu.memory_space<vmem>>, vector<16xf32>,
      %get3A_410 = arith.constant 0 : i32
      %get3A_411 = arith.constant 0 : i32
      %get3A_412 = tpu.memref_slice %arg11[%scan3A, %get3A_410, %get3A_411] : memref<2x128x64xf32, #tpu.memory_space<vmem>> -> memref<1x128x64xf32, #tpu.memory_space<vmem>>
      %get3A_413 = tpu.memref_squeeze %get3A_412 : memref<1x128x64xf32, #tpu.memory_space<vmem>> -> memref<128x64xf32, #tpu.memory_space<vmem>>
      %get3A_414 = arith.index_cast %scan3A_402 : i32 to index
      %get3A_415 = arith.constant 16 : index
      %get3A_416 = tpu.vector_load %get3A_413[%get3A_414, %get3A_415] {strides = array<i32>} : memref<128x64xf32, #tpu.memory_space<vmem>>, vector<16xf32>,
      %get3A_417 = arith.constant 0 : i32
      %get3A_418 = arith.constant 0 : i32
      %get3A_419 = tpu.memref_slice %arg11[%scan3A, %get3A_417, %get3A_418] : memref<2x128x64xf32, #tpu.memory_space<vmem>> -> memref<1x128x64xf32, #tpu.memory_space<vmem>>
      %get3A_420 = tpu.memref_squeeze %get3A_419 : memref<1x128x64xf32, #tpu.memory_space<vmem>> -> memref<128x64xf32, #tpu.memory_space<vmem>>
      %get3A_421 = arith.index_cast %scan3A_402 : i32 to index
      %get3A_422 = arith.constant 32 : index
      %get3A_423 = tpu.vector_load %get3A_420[%get3A_421, %get3A_422] {strides = array<i32>} : memref<128x64xf32, #tpu.memory_space<vmem>>, vector<16xf32>,
      %get3A_424 = arith.constant 0 : i32
      %get3A_425 = arith.constant 0 : i32
      %get3A_426 = tpu.memref_slice %arg11[%scan3A, %get3A_424, %get3A_425] : memref<2x128x64xf32, #tpu.memory_space<vmem>> -> memref<1x128x64xf32, #tpu.memory_space<vmem>>
      %get3A_427 = tpu.memref_squeeze %get3A_426 : memref<1x128x64xf32, #tpu.memory_space<vmem>> -> memref<128x64xf32, #tpu.memory_space<vmem>>
      %get3A_428 = arith.index_cast %scan3A_402 : i32 to index
      %get3A_429 = arith.constant 48 : index
      %get3A_430 = tpu.vector_load %get3A_427[%get3A_428, %get3A_429] {strides = array<i32>} : memref<128x64xf32, #tpu.memory_space<vmem>>, vector<16xf32>,
      %get3A_431 = arith.constant 0 : i32
      %get3A_432 = arith.constant 0 : i32
      %get3A_433 = tpu.memref_slice %arg12[%scan3A_125, %get3A_431, %get3A_432] : memref<2x128x64xf32, #tpu.memory_space<vmem>> -> memref<1x128x64xf32, #tpu.memory_space<vmem>>
      %get3A_434 = tpu.memref_squeeze %get3A_433 : memref<1x128x64xf32, #tpu.memory_space<vmem>> -> memref<128x64xf32, #tpu.memory_space<vmem>>
      %get3A_435 = arith.index_cast %scan3A_402 : i32 to index
      %get3A_436 = arith.constant 0 : index
      %get3A_437 = tpu.vector_load %get3A_434[%get3A_435, %get3A_436] {strides = array<i32>} : memref<128x64xf32, #tpu.memory_space<vmem>>, vector<16xf32>,
      %get3A_438 = arith.constant 0 : i32
      %get3A_439 = arith.constant 0 : i32
      %get3A_440 = tpu.memref_slice %arg12[%scan3A_125, %get3A_438, %get3A_439] : memref<2x128x64xf32, #tpu.memory_space<vmem>> -> memref<1x128x64xf32, #tpu.memory_space<vmem>>
      %get3A_441 = tpu.memref_squeeze %get3A_440 : memref<1x128x64xf32, #tpu.memory_space<vmem>> -> memref<128x64xf32, #tpu.memory_space<vmem>>
      %get3A_442 = arith.index_cast %scan3A_402 : i32 to index
      %get3A_443 = arith.constant 16 : index
      %get3A_444 = tpu.vector_load %get3A_441[%get3A_442, %get3A_443] {strides = array<i32>} : memref<128x64xf32, #tpu.memory_space<vmem>>, vector<16xf32>,
      %get3A_445 = arith.constant 0 : i32
      %get3A_446 = arith.constant 0 : i32
      %get3A_447 = tpu.memref_slice %arg12[%scan3A_125, %get3A_445, %get3A_446] : memref<2x128x64xf32, #tpu.memory_space<vmem>> -> memref<1x128x64xf32, #tpu.memory_space<vmem>>
      %get3A_448 = tpu.memref_squeeze %get3A_447 : memref<1x128x64xf32, #tpu.memory_space<vmem>> -> memref<128x64xf32, #tpu.memory_space<vmem>>
      %get3A_449 = arith.index_cast %scan3A_402 : i32 to index
      %get3A_450 = arith.constant 32 : index
      %get3A_451 = tpu.vector_load %get3A_448[%get3A_449, %get3A_450] {strides = array<i32>} : memref<128x64xf32, #tpu.memory_space<vmem>>, vector<16xf32>,
      %get3A_452 = arith.constant 0 : i32
      %get3A_453 = arith.constant 0 : i32
      %get3A_454 = tpu.memref_slice %arg12[%scan3A_125, %get3A_452, %get3A_453] : memref<2x128x64xf32, #tpu.memory_space<vmem>> -> memref<1x128x64xf32, #tpu.memory_space<vmem>>
      %get3A_455 = tpu.memref_squeeze %get3A_454 : memref<1x128x64xf32, #tpu.memory_space<vmem>> -> memref<128x64xf32, #tpu.memory_space<vmem>>
      %get3A_456 = arith.index_cast %scan3A_402 : i32 to index
      %get3A_457 = arith.constant 48 : index
      %get3A_458 = tpu.vector_load %get3A_455[%get3A_456, %get3A_457] {strides = array<i32>} : memref<128x64xf32, #tpu.memory_space<vmem>>, vector<16xf32>,
      %get3A_459 = arith.constant 0 : i32
      %get3A_460 = arith.constant 0 : i32
      %get3A_461 = tpu.memref_slice %arg13[%scan3A_126, %get3A_459, %get3A_460] : memref<2x128x64xf32, #tpu.memory_space<vmem>> -> memref<1x128x64xf32, #tpu.memory_space<vmem>>
      %get3A_462 = tpu.memref_squeeze %get3A_461 : memref<1x128x64xf32, #tpu.memory_space<vmem>> -> memref<128x64xf32, #tpu.memory_space<vmem>>
      %get3A_463 = arith.index_cast %scan3A_402 : i32 to index
      %get3A_464 = arith.constant 0 : index
      %get3A_465 = tpu.vector_load %get3A_462[%get3A_463, %get3A_464] {strides = array<i32>} : memref<128x64xf32, #tpu.memory_space<vmem>>, vector<16xf32>,
      %get3A_466 = arith.constant 0 : i32
      %get3A_467 = arith.constant 0 : i32
      %get3A_468 = tpu.memref_slice %arg13[%scan3A_126, %get3A_466, %get3A_467] : memref<2x128x64xf32, #tpu.memory_space<vmem>> -> memref<1x128x64xf32, #tpu.memory_space<vmem>>
      %get3A_469 = tpu.memref_squeeze %get3A_468 : memref<1x128x64xf32, #tpu.memory_space<vmem>> -> memref<128x64xf32, #tpu.memory_space<vmem>>
      %get3A_470 = arith.index_cast %scan3A_402 : i32 to index
      %get3A_471 = arith.constant 16 : index
      %get3A_472 = tpu.vector_load %get3A_469[%get3A_470, %get3A_471] {strides = array<i32>} : memref<128x64xf32, #tpu.memory_space<vmem>>, vector<16xf32>,
      %get3A_473 = arith.constant 0 : i32
      %get3A_474 = arith.constant 0 : i32
      %get3A_475 = tpu.memref_slice %arg13[%scan3A_126, %get3A_473, %get3A_474] : memref<2x128x64xf32, #tpu.memory_space<vmem>> -> memref<1x128x64xf32, #tpu.memory_space<vmem>>
      %get3A_476 = tpu.memref_squeeze %get3A_475 : memref<1x128x64xf32, #tpu.memory_space<vmem>> -> memref<128x64xf32, #tpu.memory_space<vmem>>
      %get3A_477 = arith.index_cast %scan3A_402 : i32 to index
      %get3A_478 = arith.constant 32 : index
      %get3A_479 = tpu.vector_load %get3A_476[%get3A_477, %get3A_478] {strides = array<i32>} : memref<128x64xf32, #tpu.memory_space<vmem>>, vector<16xf32>,
      %get3A_480 = arith.constant 0 : i32
      %get3A_481 = arith.constant 0 : i32
      %get3A_482 = tpu.memref_slice %arg13[%scan3A_126, %get3A_480, %get3A_481] : memref<2x128x64xf32, #tpu.memory_space<vmem>> -> memref<1x128x64xf32, #tpu.memory_space<vmem>>
      %get3A_483 = tpu.memref_squeeze %get3A_482 : memref<1x128x64xf32, #tpu.memory_space<vmem>> -> memref<128x64xf32, #tpu.memory_space<vmem>>
      %get3A_484 = arith.index_cast %scan3A_402 : i32 to index
      %get3A_485 = arith.constant 48 : index
      %get3A_486 = tpu.vector_load %get3A_483[%get3A_484, %get3A_485] {strides = array<i32>} : memref<128x64xf32, #tpu.memory_space<vmem>>, vector<16xf32>,
      %get3A_487 = arith.constant 0 : i32
      %get3A_488 = arith.constant 0 : i32
      %get3A_489 = tpu.memref_slice %arg14[%scan3A_127, %get3A_487, %get3A_488] : memref<2x128x64xf32, #tpu.memory_space<vmem>> -> memref<1x128x64xf32, #tpu.memory_space<vmem>>
      %get3A_490 = tpu.memref_squeeze %get3A_489 : memref<1x128x64xf32, #tpu.memory_space<vmem>> -> memref<128x64xf32, #tpu.memory_space<vmem>>
      %get3A_491 = arith.index_cast %scan3A_402 : i32 to index
      %get3A_492 = arith.constant 0 : index
      %get3A_493 = tpu.vector_load %get3A_490[%get3A_491, %get3A_492] {strides = array<i32>} : memref<128x64xf32, #tpu.memory_space<vmem>>, vector<16xf32>,
      %get3A_494 = arith.constant 0 : i32
      %get3A_495 = arith.constant 0 : i32
      %get3A_496 = tpu.memref_slice %arg14[%scan3A_127, %get3A_494, %get3A_495] : memref<2x128x64xf32, #tpu.memory_space<vmem>> -> memref<1x128x64xf32, #tpu.memory_space<vmem>>
      %get3A_497 = tpu.memref_squeeze %get3A_496 : memref<1x128x64xf32, #tpu.memory_space<vmem>> -> memref<128x64xf32, #tpu.memory_space<vmem>>
      %get3A_498 = arith.index_cast %scan3A_402 : i32 to index
      %get3A_499 = arith.constant 16 : index
      %get3A_500 = tpu.vector_load %get3A_497[%get3A_498, %get3A_499] {strides = array<i32>} : memref<128x64xf32, #tpu.memory_space<vmem>>, vector<16xf32>,
      %get3A_501 = arith.constant 0 : i32
      %get3A_502 = arith.constant 0 : i32
      %get3A_503 = tpu.memref_slice %arg14[%scan3A_127, %get3A_501, %get3A_502] : memref<2x128x64xf32, #tpu.memory_space<vmem>> -> memref<1x128x64xf32, #tpu.memory_space<vmem>>
      %get3A_504 = tpu.memref_squeeze %get3A_503 : memref<1x128x64xf32, #tpu.memory_space<vmem>> -> memref<128x64xf32, #tpu.memory_space<vmem>>
      %get3A_505 = arith.index_cast %scan3A_402 : i32 to index
      %get3A_506 = arith.constant 32 : index
      %get3A_507 = tpu.vector_load %get3A_504[%get3A_505, %get3A_506] {strides = array<i32>} : memref<128x64xf32, #tpu.memory_space<vmem>>, vector<16xf32>,
      %get3A_508 = arith.constant 0 : i32
      %get3A_509 = arith.constant 0 : i32
      %get3A_510 = tpu.memref_slice %arg14[%scan3A_127, %get3A_508, %get3A_509] : memref<2x128x64xf32, #tpu.memory_space<vmem>> -> memref<1x128x64xf32, #tpu.memory_space<vmem>>
      %get3A_511 = tpu.memref_squeeze %get3A_510 : memref<1x128x64xf32, #tpu.memory_space<vmem>> -> memref<128x64xf32, #tpu.memory_space<vmem>>
      %get3A_512 = arith.index_cast %scan3A_402 : i32 to index
      %get3A_513 = arith.constant 48 : index
      %get3A_514 = tpu.vector_load %get3A_511[%get3A_512, %get3A_513] {strides = array<i32>} : memref<128x64xf32, #tpu.memory_space<vmem>>, vector<16xf32>,
      %mul3A_515 = arith.mulf %get3A_409, %get3A_437 : vector<16xf32>
      %add3A_516 = arith.addf %broadcast_in_dim3A_3, %mul3A_515 : vector<16xf32>
      %mul3A_517 = arith.mulf %get3A_409, %get3A_465 : vector<16xf32>
      %add3A_518 = arith.addf %broadcast_in_dim3A_3, %mul3A_517 : vector<16xf32>
      %mul3A_519 = arith.mulf %get3A_409, %get3A_493 : vector<16xf32>
      %add3A_520 = arith.addf %broadcast_in_dim3A_3, %mul3A_519 : vector<16xf32>
      %mul3A_521 = arith.mulf %get3A_416, %get3A_444 : vector<16xf32>
      %add3A_522 = arith.addf %add3A_516, %mul3A_521 : vector<16xf32>
      %mul3A_523 = arith.mulf %get3A_416, %get3A_472 : vector<16xf32>
      %add3A_524 = arith.addf %add3A_518, %mul3A_523 : vector<16xf32>
      %mul3A_525 = arith.mulf %get3A_416, %get3A_500 : vector<16xf32>
      %add3A_526 = arith.addf %add3A_520, %mul3A_525 : vector<16xf32>
      %mul3A_527 = arith.mulf %get3A_423, %get3A_451 : vector<16xf32>
      %add3A_528 = arith.addf %add3A_522, %mul3A_527 : vector<16xf32>
      %mul3A_529 = arith.mulf %get3A_423, %get3A_479 : vector<16xf32>
      %add3A_530 = arith.addf %add3A_524, %mul3A_529 : vector<16xf32>
      %mul3A_531 = arith.mulf %get3A_423, %get3A_507 : vector<16xf32>
      %add3A_532 = arith.addf %add3A_526, %mul3A_531 : vector<16xf32>
      %mul3A_533 = arith.mulf %get3A_430, %get3A_458 : vector<16xf32>
      %add3A_534 = arith.addf %add3A_528, %mul3A_533 : vector<16xf32>
      %mul3A_535 = arith.mulf %get3A_430, %get3A_486 : vector<16xf32>
      %add3A_536 = arith.addf %add3A_530, %mul3A_535 : vector<16xf32>
      %mul3A_537 = arith.mulf %get3A_430, %get3A_514 : vector<16xf32>
      %add3A_538 = arith.addf %add3A_532, %mul3A_537 : vector<16xf32>
      %mul3A_539 = arith.constant 16 : i32
      %mul3A_540 = arith.muli %scan3A_402, %mul3A_539 : i32
      %swap3A = arith.index_cast %mul3A_540 : i32 to index
      %swap3A_541 = tpu.vector_load %arg15[%swap3A] {strides = array<i32>} : memref<2048xf32, #tpu.memory_space<vmem>>, vector<16xf32>,
      tpu.vector_store %arg15[%swap3A], %add3A_534 {strides = array<i32>} : memref<2048xf32, #tpu.memory_space<vmem>>, vector<16xf32>,
      %mul3A_542 = arith.constant 16 : i32
      %mul3A_543 = arith.muli %scan3A_402, %mul3A_542 : i32
      %swap3A_544 = arith.index_cast %mul3A_543 : i32 to index
      %swap3A_545 = tpu.vector_load %arg16[%swap3A_544] {strides = array<i32>} : memref<2048xf32, #tpu.memory_space<vmem>>, vector<16xf32>,
      tpu.vector_store %arg16[%swap3A_544], %add3A_536 {strides = array<i32>} : memref<2048xf32, #tpu.memory_space<vmem>>, vector<16xf32>,
      %mul3A_546 = arith.constant 16 : i32
      %mul3A_547 = arith.muli %scan3A_402, %mul3A_546 : i32
      %swap3A_548 = arith.index_cast %mul3A_547 : i32 to index
      %swap3A_549 = tpu.vector_load %arg17[%swap3A_548] {strides = array<i32>} : memref<2048xf32, #tpu.memory_space<vmem>>, vector<16xf32>,
      tpu.vector_store %arg17[%swap3A_548], %add3A_538 {strides = array<i32>} : memref<2048xf32, #tpu.memory_space<vmem>>, vector<16xf32>,
      %scan3A_550 = arith.constant 0 : i32
      scf.yield %scan3A_550 : i32
    }
    %scan3A_134 = arith.constant 128 : i32
    %scan3A_135 = arith.constant 0 : i32
    %scan3A_136 = arith.constant 0 : i32
    %scan3A_137 = arith.constant 8 : i32
    %scan3A_138 = arith.addi %scan3A_136, %scan3A_137 : i32
    %scan3A_139 = arith.constant 1 : i32
    %scan3A_140 = scf.for %scan3A_402 = %scan3A_136 to %scan3A_138 step %scan3A_139 iter_args(%scan3A_403 = %scan3A_135) -> (i32)  : i32 {
      %mul3A_404 = arith.constant 16 : i32
      %mul3A_405 = arith.muli %scan3A_402, %mul3A_404 : i32
      %add3A_406 = vector.broadcast %mul3A_405 : i32 to vector<16xi32>
      %add3A_407 = arith.addi %add3A_406, %iota3A : vector<16xi32>
      %mul3A_408 = arith.constant 16 : i32
      %mul3A_409 = vector.broadcast %mul3A_408 : i32 to vector<16xi32>
      %mul3A_410 = arith.muli %add3A_407, %mul3A_409 : vector<16xi32>
      %add3A_411 = arith.constant 0 : i32
      %add3A_412 = vector.broadcast %add3A_411 : i32 to vector<16xi32>
      %add3A_413 = arith.addi %mul3A_410, %add3A_412 : vector<16xi32>
      %gather3A = tpu.vector_load_idx %arg15[%add3A_413] : memref<2048xf32, #tpu.memory_space<vmem>>[vector<16xi32>], vector<16xf32>,
      %add3A_414 = arith.addf %broadcast_in_dim3A_3, %gather3A : vector<16xf32>
      %add3A_415 = arith.constant 0 : i32
      %add3A_416 = vector.broadcast %add3A_415 : i32 to vector<16xi32>
      %add3A_417 = arith.addi %mul3A_410, %add3A_416 : vector<16xi32>
      %gather3A_418 = tpu.vector_load_idx %arg16[%add3A_417] : memref<2048xf32, #tpu.memory_space<vmem>>[vector<16xi32>], vector<16xf32>,
      %add3A_419 = arith.addf %broadcast_in_dim3A_3, %gather3A_418 : vector<16xf32>
      %add3A_420 = arith.constant 0 : i32
      %add3A_421 = vector.broadcast %add3A_420 : i32 to vector<16xi32>
      %add3A_422 = arith.addi %mul3A_410, %add3A_421 : vector<16xi32>
      %gather3A_423 = tpu.vector_load_idx %arg17[%add3A_422] : memref<2048xf32, #tpu.memory_space<vmem>>[vector<16xi32>], vector<16xf32>,
      %add3A_424 = arith.addf %broadcast_in_dim3A_3, %gather3A_423 : vector<16xf32>
      %add3A_425 = arith.constant 1 : i32
      %add3A_426 = vector.broadcast %add3A_425 : i32 to vector<16xi32>
      %add3A_427 = arith.addi %mul3A_410, %add3A_426 : vector<16xi32>
      %gather3A_428 = tpu.vector_load_idx %arg15[%add3A_427] : memref<2048xf32, #tpu.memory_space<vmem>>[vector<16xi32>], vector<16xf32>,
      %add3A_429 = arith.addf %add3A_414, %gather3A_428 : vector<16xf32>
      %add3A_430 = arith.constant 1 : i32
      %add3A_431 = vector.broadcast %add3A_430 : i32 to vector<16xi32>
      %add3A_432 = arith.addi %mul3A_410, %add3A_431 : vector<16xi32>
      %gather3A_433 = tpu.vector_load_idx %arg16[%add3A_432] : memref<2048xf32, #tpu.memory_space<vmem>>[vector<16xi32>], vector<16xf32>,
      %add3A_434 = arith.addf %add3A_419, %gather3A_433 : vector<16xf32>
      %add3A_435 = arith.constant 1 : i32
      %add3A_436 = vector.broadcast %add3A_435 : i32 to vector<16xi32>
      %add3A_437 = arith.addi %mul3A_410, %add3A_436 : vector<16xi32>
      %gather3A_438 = tpu.vector_load_idx %arg17[%add3A_437] : memref<2048xf32, #tpu.memory_space<vmem>>[vector<16xi32>], vector<16xf32>,
      %add3A_439 = arith.addf %add3A_424, %gather3A_438 : vector<16xf32>
      %add3A_440 = arith.constant 2 : i32
      %add3A_441 = vector.broadcast %add3A_440 : i32 to vector<16xi32>
      %add3A_442 = arith.addi %mul3A_410, %add3A_441 : vector<16xi32>
      %gather3A_443 = tpu.vector_load_idx %arg15[%add3A_442] : memref<2048xf32, #tpu.memory_space<vmem>>[vector<16xi32>], vector<16xf32>,
      %add3A_444 = arith.addf %add3A_429, %gather3A_443 : vector<16xf32>
      %add3A_445 = arith.constant 2 : i32
      %add3A_446 = vector.broadcast %add3A_445 : i32 to vector<16xi32>
      %add3A_447 = arith.addi %mul3A_410, %add3A_446 : vector<16xi32>
      %gather3A_448 = tpu.vector_load_idx %arg16[%add3A_447] : memref<2048xf32, #tpu.memory_space<vmem>>[vector<16xi32>], vector<16xf32>,
      %add3A_449 = arith.addf %add3A_434, %gather3A_448 : vector<16xf32>
      %add3A_450 = arith.constant 2 : i32
      %add3A_451 = vector.broadcast %add3A_450 : i32 to vector<16xi32>
      %add3A_452 = arith.addi %mul3A_410, %add3A_451 : vector<16xi32>
      %gather3A_453 = tpu.vector_load_idx %arg17[%add3A_452] : memref<2048xf32, #tpu.memory_space<vmem>>[vector<16xi32>], vector<16xf32>,
      %add3A_454 = arith.addf %add3A_439, %gather3A_453 : vector<16xf32>
      %add3A_455 = arith.constant 3 : i32
      %add3A_456 = vector.broadcast %add3A_455 : i32 to vector<16xi32>
      %add3A_457 = arith.addi %mul3A_410, %add3A_456 : vector<16xi32>
      %gather3A_458 = tpu.vector_load_idx %arg15[%add3A_457] : memref<2048xf32, #tpu.memory_space<vmem>>[vector<16xi32>], vector<16xf32>,
      %add3A_459 = arith.addf %add3A_444, %gather3A_458 : vector<16xf32>
      %add3A_460 = arith.constant 3 : i32
      %add3A_461 = vector.broadcast %add3A_460 : i32 to vector<16xi32>
      %add3A_462 = arith.addi %mul3A_410, %add3A_461 : vector<16xi32>
      %gather3A_463 = tpu.vector_load_idx %arg16[%add3A_462] : memref<2048xf32, #tpu.memory_space<vmem>>[vector<16xi32>], vector<16xf32>,
      %add3A_464 = arith.addf %add3A_449, %gather3A_463 : vector<16xf32>
      %add3A_465 = arith.constant 3 : i32
      %add3A_466 = vector.broadcast %add3A_465 : i32 to vector<16xi32>
      %add3A_467 = arith.addi %mul3A_410, %add3A_466 : vector<16xi32>
      %gather3A_468 = tpu.vector_load_idx %arg17[%add3A_467] : memref<2048xf32, #tpu.memory_space<vmem>>[vector<16xi32>], vector<16xf32>,
      %add3A_469 = arith.addf %add3A_454, %gather3A_468 : vector<16xf32>
      %add3A_470 = arith.constant 4 : i32
      %add3A_471 = vector.broadcast %add3A_470 : i32 to vector<16xi32>
      %add3A_472 = arith.addi %mul3A_410, %add3A_471 : vector<16xi32>
      %gather3A_473 = tpu.vector_load_idx %arg15[%add3A_472] : memref<2048xf32, #tpu.memory_space<vmem>>[vector<16xi32>], vector<16xf32>,
      %add3A_474 = arith.addf %add3A_459, %gather3A_473 : vector<16xf32>
      %add3A_475 = arith.constant 4 : i32
      %add3A_476 = vector.broadcast %add3A_475 : i32 to vector<16xi32>
      %add3A_477 = arith.addi %mul3A_410, %add3A_476 : vector<16xi32>
      %gather3A_478 = tpu.vector_load_idx %arg16[%add3A_477] : memref<2048xf32, #tpu.memory_space<vmem>>[vector<16xi32>], vector<16xf32>,
      %add3A_479 = arith.addf %add3A_464, %gather3A_478 : vector<16xf32>
      %add3A_480 = arith.constant 4 : i32
      %add3A_481 = vector.broadcast %add3A_480 : i32 to vector<16xi32>
      %add3A_482 = arith.addi %mul3A_410, %add3A_481 : vector<16xi32>
      %gather3A_483 = tpu.vector_load_idx %arg17[%add3A_482] : memref<2048xf32, #tpu.memory_space<vmem>>[vector<16xi32>], vector<16xf32>,
      %add3A_484 = arith.addf %add3A_469, %gather3A_483 : vector<16xf32>
      %add3A_485 = arith.constant 5 : i32
      %add3A_486 = vector.broadcast %add3A_485 : i32 to vector<16xi32>
      %add3A_487 = arith.addi %mul3A_410, %add3A_486 : vector<16xi32>
      %gather3A_488 = tpu.vector_load_idx %arg15[%add3A_487] : memref<2048xf32, #tpu.memory_space<vmem>>[vector<16xi32>], vector<16xf32>,
      %add3A_489 = arith.addf %add3A_474, %gather3A_488 : vector<16xf32>
      %add3A_490 = arith.constant 5 : i32
      %add3A_491 = vector.broadcast %add3A_490 : i32 to vector<16xi32>
      %add3A_492 = arith.addi %mul3A_410, %add3A_491 : vector<16xi32>
      %gather3A_493 = tpu.vector_load_idx %arg16[%add3A_492] : memref<2048xf32, #tpu.memory_space<vmem>>[vector<16xi32>], vector<16xf32>,
      %add3A_494 = arith.addf %add3A_479, %gather3A_493 : vector<16xf32>
      %add3A_495 = arith.constant 5 : i32
      %add3A_496 = vector.broadcast %add3A_495 : i32 to vector<16xi32>
      %add3A_497 = arith.addi %mul3A_410, %add3A_496 : vector<16xi32>
      %gather3A_498 = tpu.vector_load_idx %arg17[%add3A_497] : memref<2048xf32, #tpu.memory_space<vmem>>[vector<16xi32>], vector<16xf32>,
      %add3A_499 = arith.addf %add3A_484, %gather3A_498 : vector<16xf32>
      %add3A_500 = arith.constant 6 : i32
      %add3A_501 = vector.broadcast %add3A_500 : i32 to vector<16xi32>
      %add3A_502 = arith.addi %mul3A_410, %add3A_501 : vector<16xi32>
      %gather3A_503 = tpu.vector_load_idx %arg15[%add3A_502] : memref<2048xf32, #tpu.memory_space<vmem>>[vector<16xi32>], vector<16xf32>,
      %add3A_504 = arith.addf %add3A_489, %gather3A_503 : vector<16xf32>
      %add3A_505 = arith.constant 6 : i32
      %add3A_506 = vector.broadcast %add3A_505 : i32 to vector<16xi32>
      %add3A_507 = arith.addi %mul3A_410, %add3A_506 : vector<16xi32>
      %gather3A_508 = tpu.vector_load_idx %arg16[%add3A_507] : memref<2048xf32, #tpu.memory_space<vmem>>[vector<16xi32>], vector<16xf32>,
      %add3A_509 = arith.addf %add3A_494, %gather3A_508 : vector<16xf32>
      %add3A_510 = arith.constant 6 : i32
      %add3A_511 = vector.broadcast %add3A_510 : i32 to vector<16xi32>
      %add3A_512 = arith.addi %mul3A_410, %add3A_511 : vector<16xi32>
      %gather3A_513 = tpu.vector_load_idx %arg17[%add3A_512] : memref<2048xf32, #tpu.memory_space<vmem>>[vector<16xi32>], vector<16xf32>,
      %add3A_514 = arith.addf %add3A_499, %gather3A_513 : vector<16xf32>
      %add3A_515 = arith.constant 7 : i32
      %add3A_516 = vector.broadcast %add3A_515 : i32 to vector<16xi32>
      %add3A_517 = arith.addi %mul3A_410, %add3A_516 : vector<16xi32>
      %gather3A_518 = tpu.vector_load_idx %arg15[%add3A_517] : memref<2048xf32, #tpu.memory_space<vmem>>[vector<16xi32>], vector<16xf32>,
      %add3A_519 = arith.addf %add3A_504, %gather3A_518 : vector<16xf32>
      %add3A_520 = arith.constant 7 : i32
      %add3A_521 = vector.broadcast %add3A_520 : i32 to vector<16xi32>
      %add3A_522 = arith.addi %mul3A_410, %add3A_521 : vector<16xi32>
      %gather3A_523 = tpu.vector_load_idx %arg16[%add3A_522] : memref<2048xf32, #tpu.memory_space<vmem>>[vector<16xi32>], vector<16xf32>,
      %add3A_524 = arith.addf %add3A_509, %gather3A_523 : vector<16xf32>
      %add3A_525 = arith.constant 7 : i32
      %add3A_526 = vector.broadcast %add3A_525 : i32 to vector<16xi32>
      %add3A_527 = arith.addi %mul3A_410, %add3A_526 : vector<16xi32>
      %gather3A_528 = tpu.vector_load_idx %arg17[%add3A_527] : memref<2048xf32, #tpu.memory_space<vmem>>[vector<16xi32>], vector<16xf32>,
      %add3A_529 = arith.addf %add3A_514, %gather3A_528 : vector<16xf32>
      %add3A_530 = arith.constant 8 : i32
      %add3A_531 = vector.broadcast %add3A_530 : i32 to vector<16xi32>
      %add3A_532 = arith.addi %mul3A_410, %add3A_531 : vector<16xi32>
      %gather3A_533 = tpu.vector_load_idx %arg15[%add3A_532] : memref<2048xf32, #tpu.memory_space<vmem>>[vector<16xi32>], vector<16xf32>,
      %add3A_534 = arith.addf %add3A_519, %gather3A_533 : vector<16xf32>
      %add3A_535 = arith.constant 8 : i32
      %add3A_536 = vector.broadcast %add3A_535 : i32 to vector<16xi32>
      %add3A_537 = arith.addi %mul3A_410, %add3A_536 : vector<16xi32>
      %gather3A_538 = tpu.vector_load_idx %arg16[%add3A_537] : memref<2048xf32, #tpu.memory_space<vmem>>[vector<16xi32>], vector<16xf32>,
      %add3A_539 = arith.addf %add3A_524, %gather3A_538 : vector<16xf32>
      %add3A_540 = arith.constant 8 : i32
      %add3A_541 = vector.broadcast %add3A_540 : i32 to vector<16xi32>
      %add3A_542 = arith.addi %mul3A_410, %add3A_541 : vector<16xi32>
      %gather3A_543 = tpu.vector_load_idx %arg17[%add3A_542] : memref<2048xf32, #tpu.memory_space<vmem>>[vector<16xi32>], vector<16xf32>,
      %add3A_544 = arith.addf %add3A_529, %gather3A_543 : vector<16xf32>
      %add3A_545 = arith.constant 9 : i32
      %add3A_546 = vector.broadcast %add3A_545 : i32 to vector<16xi32>
      %add3A_547 = arith.addi %mul3A_410, %add3A_546 : vector<16xi32>
      %gather3A_548 = tpu.vector_load_idx %arg15[%add3A_547] : memref<2048xf32, #tpu.memory_space<vmem>>[vector<16xi32>], vector<16xf32>,
      %add3A_549 = arith.addf %add3A_534, %gather3A_548 : vector<16xf32>
      %add3A_550 = arith.constant 9 : i32
      %add3A_551 = vector.broadcast %add3A_550 : i32 to vector<16xi32>
      %add3A_552 = arith.addi %mul3A_410, %add3A_551 : vector<16xi32>
      %gather3A_553 = tpu.vector_load_idx %arg16[%add3A_552] : memref<2048xf32, #tpu.memory_space<vmem>>[vector<16xi32>], vector<16xf32>,
      %add3A_554 = arith.addf %add3A_539, %gather3A_553 : vector<16xf32>
      %add3A_555 = arith.constant 9 : i32
      %add3A_556 = vector.broadcast %add3A_555 : i32 to vector<16xi32>
      %add3A_557 = arith.addi %mul3A_410, %add3A_556 : vector<16xi32>
      %gather3A_558 = tpu.vector_load_idx %arg17[%add3A_557] : memref<2048xf32, #tpu.memory_space<vmem>>[vector<16xi32>], vector<16xf32>,
      %add3A_559 = arith.addf %add3A_544, %gather3A_558 : vector<16xf32>
      %add3A_560 = arith.constant 10 : i32
      %add3A_561 = vector.broadcast %add3A_560 : i32 to vector<16xi32>
      %add3A_562 = arith.addi %mul3A_410, %add3A_561 : vector<16xi32>
      %gather3A_563 = tpu.vector_load_idx %arg15[%add3A_562] : memref<2048xf32, #tpu.memory_space<vmem>>[vector<16xi32>], vector<16xf32>,
      %add3A_564 = arith.addf %add3A_549, %gather3A_563 : vector<16xf32>
      %add3A_565 = arith.constant 10 : i32
      %add3A_566 = vector.broadcast %add3A_565 : i32 to vector<16xi32>
      %add3A_567 = arith.addi %mul3A_410, %add3A_566 : vector<16xi32>
      %gather3A_568 = tpu.vector_load_idx %arg16[%add3A_567] : memref<2048xf32, #tpu.memory_space<vmem>>[vector<16xi32>], vector<16xf32>,
      %add3A_569 = arith.addf %add3A_554, %gather3A_568 : vector<16xf32>
      %add3A_570 = arith.constant 10 : i32
      %add3A_571 = vector.broadcast %add3A_570 : i32 to vector<16xi32>
      %add3A_572 = arith.addi %mul3A_410, %add3A_571 : vector<16xi32>
      %gather3A_573 = tpu.vector_load_idx %arg17[%add3A_572] : memref<2048xf32, #tpu.memory_space<vmem>>[vector<16xi32>], vector<16xf32>,
      %add3A_574 = arith.addf %add3A_559, %gather3A_573 : vector<16xf32>
      %add3A_575 = arith.constant 11 : i32
      %add3A_576 = vector.broadcast %add3A_575 : i32 to vector<16xi32>
      %add3A_577 = arith.addi %mul3A_410, %add3A_576 : vector<16xi32>
      %gather3A_578 = tpu.vector_load_idx %arg15[%add3A_577] : memref<2048xf32, #tpu.memory_space<vmem>>[vector<16xi32>], vector<16xf32>,
      %add3A_579 = arith.addf %add3A_564, %gather3A_578 : vector<16xf32>
      %add3A_580 = arith.constant 11 : i32
      %add3A_581 = vector.broadcast %add3A_580 : i32 to vector<16xi32>
      %add3A_582 = arith.addi %mul3A_410, %add3A_581 : vector<16xi32>
      %gather3A_583 = tpu.vector_load_idx %arg16[%add3A_582] : memref<2048xf32, #tpu.memory_space<vmem>>[vector<16xi32>], vector<16xf32>,
      %add3A_584 = arith.addf %add3A_569, %gather3A_583 : vector<16xf32>
      %add3A_585 = arith.constant 11 : i32
      %add3A_586 = vector.broadcast %add3A_585 : i32 to vector<16xi32>
      %add3A_587 = arith.addi %mul3A_410, %add3A_586 : vector<16xi32>
      %gather3A_588 = tpu.vector_load_idx %arg17[%add3A_587] : memref<2048xf32, #tpu.memory_space<vmem>>[vector<16xi32>], vector<16xf32>,
      %add3A_589 = arith.addf %add3A_574, %gather3A_588 : vector<16xf32>
      %add3A_590 = arith.constant 12 : i32
      %add3A_591 = vector.broadcast %add3A_590 : i32 to vector<16xi32>
      %add3A_592 = arith.addi %mul3A_410, %add3A_591 : vector<16xi32>
      %gather3A_593 = tpu.vector_load_idx %arg15[%add3A_592] : memref<2048xf32, #tpu.memory_space<vmem>>[vector<16xi32>], vector<16xf32>,
      %add3A_594 = arith.addf %add3A_579, %gather3A_593 : vector<16xf32>
      %add3A_595 = arith.constant 12 : i32
      %add3A_596 = vector.broadcast %add3A_595 : i32 to vector<16xi32>
      %add3A_597 = arith.addi %mul3A_410, %add3A_596 : vector<16xi32>
      %gather3A_598 = tpu.vector_load_idx %arg16[%add3A_597] : memref<2048xf32, #tpu.memory_space<vmem>>[vector<16xi32>], vector<16xf32>,
      %add3A_599 = arith.addf %add3A_584, %gather3A_598 : vector<16xf32>
      %add3A_600 = arith.constant 12 : i32
      %add3A_601 = vector.broadcast %add3A_600 : i32 to vector<16xi32>
      %add3A_602 = arith.addi %mul3A_410, %add3A_601 : vector<16xi32>
      %gather3A_603 = tpu.vector_load_idx %arg17[%add3A_602] : memref<2048xf32, #tpu.memory_space<vmem>>[vector<16xi32>], vector<16xf32>,
      %add3A_604 = arith.addf %add3A_589, %gather3A_603 : vector<16xf32>
      %add3A_605 = arith.constant 13 : i32
      %add3A_606 = vector.broadcast %add3A_605 : i32 to vector<16xi32>
      %add3A_607 = arith.addi %mul3A_410, %add3A_606 : vector<16xi32>
      %gather3A_608 = tpu.vector_load_idx %arg15[%add3A_607] : memref<2048xf32, #tpu.memory_space<vmem>>[vector<16xi32>], vector<16xf32>,
      %add3A_609 = arith.addf %add3A_594, %gather3A_608 : vector<16xf32>
      %add3A_610 = arith.constant 13 : i32
      %add3A_611 = vector.broadcast %add3A_610 : i32 to vector<16xi32>
      %add3A_612 = arith.addi %mul3A_410, %add3A_611 : vector<16xi32>
      %gather3A_613 = tpu.vector_load_idx %arg16[%add3A_612] : memref<2048xf32, #tpu.memory_space<vmem>>[vector<16xi32>], vector<16xf32>,
      %add3A_614 = arith.addf %add3A_599, %gather3A_613 : vector<16xf32>
      %add3A_615 = arith.constant 13 : i32
      %add3A_616 = vector.broadcast %add3A_615 : i32 to vector<16xi32>
      %add3A_617 = arith.addi %mul3A_410, %add3A_616 : vector<16xi32>
      %gather3A_618 = tpu.vector_load_idx %arg17[%add3A_617] : memref<2048xf32, #tpu.memory_space<vmem>>[vector<16xi32>], vector<16xf32>,
      %add3A_619 = arith.addf %add3A_604, %gather3A_618 : vector<16xf32>
      %add3A_620 = arith.constant 14 : i32
      %add3A_621 = vector.broadcast %add3A_620 : i32 to vector<16xi32>
      %add3A_622 = arith.addi %mul3A_410, %add3A_621 : vector<16xi32>
      %gather3A_623 = tpu.vector_load_idx %arg15[%add3A_622] : memref<2048xf32, #tpu.memory_space<vmem>>[vector<16xi32>], vector<16xf32>,
      %add3A_624 = arith.addf %add3A_609, %gather3A_623 : vector<16xf32>
      %add3A_625 = arith.constant 14 : i32
      %add3A_626 = vector.broadcast %add3A_625 : i32 to vector<16xi32>
      %add3A_627 = arith.addi %mul3A_410, %add3A_626 : vector<16xi32>
      %gather3A_628 = tpu.vector_load_idx %arg16[%add3A_627] : memref<2048xf32, #tpu.memory_space<vmem>>[vector<16xi32>], vector<16xf32>,
      %add3A_629 = arith.addf %add3A_614, %gather3A_628 : vector<16xf32>
      %add3A_630 = arith.constant 14 : i32
      %add3A_631 = vector.broadcast %add3A_630 : i32 to vector<16xi32>
      %add3A_632 = arith.addi %mul3A_410, %add3A_631 : vector<16xi32>
      %gather3A_633 = tpu.vector_load_idx %arg17[%add3A_632] : memref<2048xf32, #tpu.memory_space<vmem>>[vector<16xi32>], vector<16xf32>,
      %add3A_634 = arith.addf %add3A_619, %gather3A_633 : vector<16xf32>
      %add3A_635 = arith.constant 15 : i32
      %add3A_636 = vector.broadcast %add3A_635 : i32 to vector<16xi32>
      %add3A_637 = arith.addi %mul3A_410, %add3A_636 : vector<16xi32>
      %gather3A_638 = tpu.vector_load_idx %arg15[%add3A_637] : memref<2048xf32, #tpu.memory_space<vmem>>[vector<16xi32>], vector<16xf32>,
      %add3A_639 = arith.addf %add3A_624, %gather3A_638 : vector<16xf32>
      %add3A_640 = arith.constant 15 : i32
      %add3A_641 = vector.broadcast %add3A_640 : i32 to vector<16xi32>
      %add3A_642 = arith.addi %mul3A_410, %add3A_641 : vector<16xi32>
      %gather3A_643 = tpu.vector_load_idx %arg16[%add3A_642] : memref<2048xf32, #tpu.memory_space<vmem>>[vector<16xi32>], vector<16xf32>,
      %add3A_644 = arith.addf %add3A_629, %gather3A_643 : vector<16xf32>
      %add3A_645 = arith.constant 15 : i32
      %add3A_646 = vector.broadcast %add3A_645 : i32 to vector<16xi32>
      %add3A_647 = arith.addi %mul3A_410, %add3A_646 : vector<16xi32>
      %gather3A_648 = tpu.vector_load_idx %arg17[%add3A_647] : memref<2048xf32, #tpu.memory_space<vmem>>[vector<16xi32>], vector<16xf32>,
      %add3A_649 = arith.addf %add3A_634, %gather3A_648 : vector<16xf32>
      %neg3A = arith.constant 0.000000e+00 : f32
      %neg3A_650 = vector.broadcast %neg3A : f32 to vector<16xf32>
      %neg3A_651 = arith.subf %neg3A_650, %add3A_639 : vector<16xf32>
      %abs3A = math.absf %neg3A_651 : vector<16xf32>
      %neg3A_652 = arith.constant 0.000000e+00 : f32
      %neg3A_653 = vector.broadcast %neg3A_652 : f32 to vector<16xf32>
      %neg3A_654 = arith.subf %neg3A_653, %abs3A : vector<16xf32>
      %exp3A = math.exp %neg3A_654 : vector<16xf32>
      %add3A_655 = arith.constant 2.000000e+00 : f32
      %add3A_656 = vector.broadcast %add3A_655 : f32 to vector<16xf32>
      %add3A_657 = arith.addf %add3A_656, %exp3A : vector<16xf32>
      %div3A = arith.divf %exp3A, %add3A_657 : vector<16xf32>
      %mul3A_658 = arith.mulf %div3A, %div3A : vector<16xf32>
      %mul3A_659 = arith.constant 2.000000e+00 : f32
      %mul3A_660 = vector.broadcast %mul3A_659 : f32 to vector<16xf32>
      %mul3A_661 = arith.mulf %mul3A_660, %div3A : vector<16xf32>
      %mul3A_662 = arith.constant 0.142857149 : f32
      %mul3A_663 = vector.broadcast %mul3A_662 : f32 to vector<16xf32>
      %mul3A_664 = arith.mulf %mul3A_658, %mul3A_663 : vector<16xf32>
      %add3A_665 = arith.constant 2.000000e-01 : f32
      %add3A_666 = vector.broadcast %add3A_665 : f32 to vector<16xf32>
      %add3A_667 = arith.addf %add3A_666, %mul3A_664 : vector<16xf32>
      %mul3A_668 = arith.mulf %mul3A_658, %add3A_667 : vector<16xf32>
      %add3A_669 = arith.constant 0.333333343 : f32
      %add3A_670 = vector.broadcast %add3A_669 : f32 to vector<16xf32>
      %add3A_671 = arith.addf %add3A_670, %mul3A_668 : vector<16xf32>
      %mul3A_672 = arith.mulf %mul3A_658, %add3A_671 : vector<16xf32>
      %add3A_673 = arith.constant 1.000000e+00 : f32
      %add3A_674 = vector.broadcast %add3A_673 : f32 to vector<16xf32>
      %add3A_675 = arith.addf %add3A_674, %mul3A_672 : vector<16xf32>
      %mul3A_676 = arith.mulf %mul3A_661, %add3A_675 : vector<16xf32>
      %max3A = arith.constant 0.000000e+00 : f32
      %max3A_677 = vector.broadcast %max3A : f32 to vector<16xf32>
      %max3A_678 = arith.maximumf %neg3A_651, %max3A_677 : vector<16xf32>
      %add3A_679 = arith.addf %max3A_678, %mul3A_676 : vector<16xf32>
      %abs3A_680 = math.absf %add3A_644 : vector<16xf32>
      %neg3A_681 = arith.constant 0.000000e+00 : f32
      %neg3A_682 = vector.broadcast %neg3A_681 : f32 to vector<16xf32>
      %neg3A_683 = arith.subf %neg3A_682, %abs3A_680 : vector<16xf32>
      %exp3A_684 = math.exp %neg3A_683 : vector<16xf32>
      %add3A_685 = arith.constant 2.000000e+00 : f32
      %add3A_686 = vector.broadcast %add3A_685 : f32 to vector<16xf32>
      %add3A_687 = arith.addf %add3A_686, %exp3A_684 : vector<16xf32>
      %div3A_688 = arith.divf %exp3A_684, %add3A_687 : vector<16xf32>
      %mul3A_689 = arith.mulf %div3A_688, %div3A_688 : vector<16xf32>
      %mul3A_690 = arith.constant 2.000000e+00 : f32
      %mul3A_691 = vector.broadcast %mul3A_690 : f32 to vector<16xf32>
      %mul3A_692 = arith.mulf %mul3A_691, %div3A_688 : vector<16xf32>
      %mul3A_693 = arith.constant 0.142857149 : f32
      %mul3A_694 = vector.broadcast %mul3A_693 : f32 to vector<16xf32>
      %mul3A_695 = arith.mulf %mul3A_689, %mul3A_694 : vector<16xf32>
      %add3A_696 = arith.constant 2.000000e-01 : f32
      %add3A_697 = vector.broadcast %add3A_696 : f32 to vector<16xf32>
      %add3A_698 = arith.addf %add3A_697, %mul3A_695 : vector<16xf32>
      %mul3A_699 = arith.mulf %mul3A_689, %add3A_698 : vector<16xf32>
      %add3A_700 = arith.constant 0.333333343 : f32
      %add3A_701 = vector.broadcast %add3A_700 : f32 to vector<16xf32>
      %add3A_702 = arith.addf %add3A_701, %mul3A_699 : vector<16xf32>
      %mul3A_703 = arith.mulf %mul3A_689, %add3A_702 : vector<16xf32>
      %add3A_704 = arith.constant 1.000000e+00 : f32
      %add3A_705 = vector.broadcast %add3A_704 : f32 to vector<16xf32>
      %add3A_706 = arith.addf %add3A_705, %mul3A_703 : vector<16xf32>
      %mul3A_707 = arith.mulf %mul3A_692, %add3A_706 : vector<16xf32>
      %max3A_708 = arith.constant 0.000000e+00 : f32
      %max3A_709 = vector.broadcast %max3A_708 : f32 to vector<16xf32>
      %max3A_710 = arith.maximumf %add3A_644, %max3A_709 : vector<16xf32>
      %add3A_711 = arith.addf %max3A_710, %mul3A_707 : vector<16xf32>
      %add3A_712 = arith.addf %add3A_679, %add3A_711 : vector<16xf32>
      %abs3A_713 = math.absf %add3A_649 : vector<16xf32>
      %neg3A_714 = arith.constant 0.000000e+00 : f32
      %neg3A_715 = vector.broadcast %neg3A_714 : f32 to vector<16xf32>
      %neg3A_716 = arith.subf %neg3A_715, %abs3A_713 : vector<16xf32>
      %exp3A_717 = math.exp %neg3A_716 : vector<16xf32>
      %add3A_718 = arith.constant 2.000000e+00 : f32
      %add3A_719 = vector.broadcast %add3A_718 : f32 to vector<16xf32>
      %add3A_720 = arith.addf %add3A_719, %exp3A_717 : vector<16xf32>
      %div3A_721 = arith.divf %exp3A_717, %add3A_720 : vector<16xf32>
      %mul3A_722 = arith.mulf %div3A_721, %div3A_721 : vector<16xf32>
      %mul3A_723 = arith.constant 2.000000e+00 : f32
      %mul3A_724 = vector.broadcast %mul3A_723 : f32 to vector<16xf32>
      %mul3A_725 = arith.mulf %mul3A_724, %div3A_721 : vector<16xf32>
      %mul3A_726 = arith.constant 0.142857149 : f32
      %mul3A_727 = vector.broadcast %mul3A_726 : f32 to vector<16xf32>
      %mul3A_728 = arith.mulf %mul3A_722, %mul3A_727 : vector<16xf32>
      %add3A_729 = arith.constant 2.000000e-01 : f32
      %add3A_730 = vector.broadcast %add3A_729 : f32 to vector<16xf32>
      %add3A_731 = arith.addf %add3A_730, %mul3A_728 : vector<16xf32>
      %mul3A_732 = arith.mulf %mul3A_722, %add3A_731 : vector<16xf32>
      %add3A_733 = arith.constant 0.333333343 : f32
      %add3A_734 = vector.broadcast %add3A_733 : f32 to vector<16xf32>
      %add3A_735 = arith.addf %add3A_734, %mul3A_732 : vector<16xf32>
      %mul3A_736 = arith.mulf %mul3A_722, %add3A_735 : vector<16xf32>
      %add3A_737 = arith.constant 1.000000e+00 : f32
      %add3A_738 = vector.broadcast %add3A_737 : f32 to vector<16xf32>
      %add3A_739 = arith.addf %add3A_738, %mul3A_736 : vector<16xf32>
      %mul3A_740 = arith.mulf %mul3A_725, %add3A_739 : vector<16xf32>
      %max3A_741 = arith.constant 0.000000e+00 : f32
      %max3A_742 = vector.broadcast %max3A_741 : f32 to vector<16xf32>
      %max3A_743 = arith.maximumf %add3A_649, %max3A_742 : vector<16xf32>
      %add3A_744 = arith.addf %max3A_743, %mul3A_740 : vector<16xf32>
      %add3A_745 = arith.addf %add3A_712, %add3A_744 : vector<16xf32>
      %mul3A_746 = arith.constant 16 : i32
      %mul3A_747 = arith.muli %scan3A_402, %mul3A_746 : i32
      %swap3A = arith.index_cast %mul3A_747 : i32 to index
      %swap3A_748 = tpu.vector_load %arg18[%swap3A] {strides = array<i32>} : memref<128xf32, #tpu.memory_space<vmem>>, vector<16xf32>,
      tpu.vector_store %arg18[%swap3A], %add3A_745 {strides = array<i32>} : memref<128xf32, #tpu.memory_space<vmem>>, vector<16xf32>,
      %scan3A_749 = arith.constant 0 : i32
      scf.yield %scan3A_749 : i32
    }
    %scan3A_141 = arith.constant 8 : i32
    "tpu.region"() ({
      %run_scoped3A_402 = tpu.sem_alloc : memref<!tpu.dma_semaphore, #tpu.memory_space<semaphore_mem>>
      %dma_start3A_403 = tpu.memref_slice %arg6[%add3A_124] : memref<16384xf32, #tpu.memory_space<hbm>> -> memref<128xf32, #tpu.memory_space<hbm>>
      %dma_start3A_404 = tpu.memref_slice %arg6[%add3A_124] : memref<16384xf32, #tpu.memory_space<hbm>> -> memref<128xf32, #tpu.memory_space<hbm>>
      tpu.enqueue_dma source(%arg18 : memref<128xf32, #tpu.memory_space<vmem>>) target(%dma_start3A_404 : memref<128xf32, #tpu.memory_space<hbm>>) target_semaphore(%run_scoped3A_402 : memref<!tpu.dma_semaphore, #tpu.memory_space<semaphore_mem>>)
      %dma_wait3A_405 = tpu.memref_slice %arg6[%add3A_124] : memref<16384xf32, #tpu.memory_space<hbm>> -> memref<128xf32, #tpu.memory_space<hbm>>
      %dma_wait3A_406 = tpu.memref_slice %arg6[%add3A_124] : memref<16384xf32, #tpu.memory_space<hbm>> -> memref<128xf32, #tpu.memory_space<hbm>>
      tpu.wait_dma2 semaphore(%run_scoped3A_402 : memref<!tpu.dma_semaphore, #tpu.memory_space<semaphore_mem>>) src(%arg18 : memref<128xf32, #tpu.memory_space<vmem>>) dst(%dma_wait3A_406 : memref<128xf32, #tpu.memory_space<hbm>>)
      tpu.yield
    }) : () -> ()
    %dma_wait3A_142 = arith.constant 1 : i32
    %dma_wait3A_143 = arith.constant 0 : i32
    %dma_wait3A_144 = arith.constant 0 : i32
    %dma_wait3A_145 = tpu.memref_slice %arg11[%dma_wait3A_142, %dma_wait3A_143, %dma_wait3A_144] : memref<2x128x64xf32, #tpu.memory_space<vmem>> -> memref<1x128x64xf32, #tpu.memory_space<vmem>>
    %dma_wait3A_146 = tpu.memref_squeeze %dma_wait3A_145 : memref<1x128x64xf32, #tpu.memory_space<vmem>> -> memref<128x64xf32, #tpu.memory_space<vmem>>
    %dma_wait3A_147 = arith.constant 128 : i32
    %dma_wait3A_148 = tpu.memref_slice %arg7[%dma_wait3A_147] : memref<512xi32, #tpu.memory_space<vmem>> -> memref<128xi32, #tpu.memory_space<vmem>>
    %dma_wait3A_149 = arith.constant 0 : i32
    %dma_wait3A_150 = arith.constant 0 : i32
    %dma_wait3A_151 = tpu.memref_slice %arg5[%dma_wait3A_149, %dma_wait3A_150] : memref<100000x64xf32, #tpu.memory_space<hbm>> -> memref<100000x64xf32, #tpu.memory_space<hbm>>
    tpu.wait_indirect_dma semaphore(%arg19 : memref<!tpu.dma_semaphore, #tpu.memory_space<semaphore_mem>>) src(%dma_wait3A_151 : memref<100000x64xf32, #tpu.memory_space<hbm>>) dst(%dma_wait3A_146 : memref<128x64xf32, #tpu.memory_space<vmem>>)
    %dma_wait3A_152 = arith.constant 1 : i32
    %dma_wait3A_153 = arith.constant 0 : i32
    %dma_wait3A_154 = arith.constant 0 : i32
    %dma_wait3A_155 = tpu.memref_slice %arg12[%dma_wait3A_152, %dma_wait3A_153, %dma_wait3A_154] : memref<2x128x64xf32, #tpu.memory_space<vmem>> -> memref<1x128x64xf32, #tpu.memory_space<vmem>>
    %dma_wait3A_156 = tpu.memref_squeeze %dma_wait3A_155 : memref<1x128x64xf32, #tpu.memory_space<vmem>> -> memref<128x64xf32, #tpu.memory_space<vmem>>
    %dma_wait3A_157 = arith.constant 128 : i32
    %dma_wait3A_158 = tpu.memref_slice %arg8[%dma_wait3A_157] : memref<512xi32, #tpu.memory_space<vmem>> -> memref<128xi32, #tpu.memory_space<vmem>>
    %dma_wait3A_159 = arith.constant 0 : i32
    %dma_wait3A_160 = arith.constant 0 : i32
    %dma_wait3A_161 = tpu.memref_slice %arg5[%dma_wait3A_159, %dma_wait3A_160] : memref<100000x64xf32, #tpu.memory_space<hbm>> -> memref<100000x64xf32, #tpu.memory_space<hbm>>
    tpu.wait_indirect_dma semaphore(%arg19 : memref<!tpu.dma_semaphore, #tpu.memory_space<semaphore_mem>>) src(%dma_wait3A_161 : memref<100000x64xf32, #tpu.memory_space<hbm>>) dst(%dma_wait3A_156 : memref<128x64xf32, #tpu.memory_space<vmem>>)
    %dma_wait3A_162 = arith.constant 1 : i32
    %dma_wait3A_163 = arith.constant 0 : i32
    %dma_wait3A_164 = arith.constant 0 : i32
    %dma_wait3A_165 = tpu.memref_slice %arg13[%dma_wait3A_162, %dma_wait3A_163, %dma_wait3A_164] : memref<2x128x64xf32, #tpu.memory_space<vmem>> -> memref<1x128x64xf32, #tpu.memory_space<vmem>>
    %dma_wait3A_166 = tpu.memref_squeeze %dma_wait3A_165 : memref<1x128x64xf32, #tpu.memory_space<vmem>> -> memref<128x64xf32, #tpu.memory_space<vmem>>
    %dma_wait3A_167 = arith.constant 128 : i32
    %dma_wait3A_168 = tpu.memref_slice %arg9[%dma_wait3A_167] : memref<512xi32, #tpu.memory_space<vmem>> -> memref<128xi32, #tpu.memory_space<vmem>>
    %dma_wait3A_169 = arith.constant 0 : i32
    %dma_wait3A_170 = arith.constant 0 : i32
    %dma_wait3A_171 = tpu.memref_slice %arg5[%dma_wait3A_169, %dma_wait3A_170] : memref<100000x64xf32, #tpu.memory_space<hbm>> -> memref<100000x64xf32, #tpu.memory_space<hbm>>
    tpu.wait_indirect_dma semaphore(%arg19 : memref<!tpu.dma_semaphore, #tpu.memory_space<semaphore_mem>>) src(%dma_wait3A_171 : memref<100000x64xf32, #tpu.memory_space<hbm>>) dst(%dma_wait3A_166 : memref<128x64xf32, #tpu.memory_space<vmem>>)
    %dma_wait3A_172 = arith.constant 1 : i32
    %dma_wait3A_173 = arith.constant 0 : i32
    %dma_wait3A_174 = arith.constant 0 : i32
    %dma_wait3A_175 = tpu.memref_slice %arg14[%dma_wait3A_172, %dma_wait3A_173, %dma_wait3A_174] : memref<2x128x64xf32, #tpu.memory_space<vmem>> -> memref<1x128x64xf32, #tpu.memory_space<vmem>>
    %dma_wait3A_176 = tpu.memref_squeeze %dma_wait3A_175 : memref<1x128x64xf32, #tpu.memory_space<vmem>> -> memref<128x64xf32, #tpu.memory_space<vmem>>
    %dma_wait3A_177 = arith.constant 128 : i32
    %dma_wait3A_178 = tpu.memref_slice %arg10[%dma_wait3A_177] : memref<512xi32, #tpu.memory_space<vmem>> -> memref<128xi32, #tpu.memory_space<vmem>>
    %dma_wait3A_179 = arith.constant 0 : i32
    %dma_wait3A_180 = arith.constant 0 : i32
    %dma_wait3A_181 = tpu.memref_slice %arg5[%dma_wait3A_179, %dma_wait3A_180] : memref<100000x64xf32, #tpu.memory_space<hbm>> -> memref<100000x64xf32, #tpu.memory_space<hbm>>
    tpu.wait_indirect_dma semaphore(%arg19 : memref<!tpu.dma_semaphore, #tpu.memory_space<semaphore_mem>>) src(%dma_wait3A_181 : memref<100000x64xf32, #tpu.memory_space<hbm>>) dst(%dma_wait3A_176 : memref<128x64xf32, #tpu.memory_space<vmem>>)
    %dma_start3A_182 = arith.constant 0 : i32
    %dma_start3A_183 = arith.constant 0 : i32
    %dma_start3A_184 = arith.constant 0 : i32
    %dma_start3A_185 = tpu.memref_slice %arg11[%dma_start3A_182, %dma_start3A_183, %dma_start3A_184] : memref<2x128x64xf32, #tpu.memory_space<vmem>> -> memref<1x128x64xf32, #tpu.memory_space<vmem>>
    %dma_start3A_186 = tpu.memref_squeeze %dma_start3A_185 : memref<1x128x64xf32, #tpu.memory_space<vmem>> -> memref<128x64xf32, #tpu.memory_space<vmem>>
    %dma_start3A_187 = arith.constant 256 : i32
    %dma_start3A_188 = tpu.memref_slice %arg7[%dma_start3A_187] : memref<512xi32, #tpu.memory_space<vmem>> -> memref<128xi32, #tpu.memory_space<vmem>>
    %dma_start3A_189 = arith.constant 0 : i32
    %dma_start3A_190 = arith.constant 0 : i32
    %dma_start3A_191 = tpu.memref_slice %arg5[%dma_start3A_189, %dma_start3A_190] : memref<100000x64xf32, #tpu.memory_space<hbm>> -> memref<100000x64xf32, #tpu.memory_space<hbm>>
    tpu.enqueue_indirect_dma source(%dma_start3A_191 : memref<100000x64xf32, #tpu.memory_space<hbm>>) target(%dma_start3A_186 : memref<128x64xf32, #tpu.memory_space<vmem>>) offsets(%dma_start3A_188 : memref<128xi32, #tpu.memory_space<vmem>>) semaphore(%arg19 : memref<!tpu.dma_semaphore, #tpu.memory_space<semaphore_mem>>)
    %dma_start3A_192 = arith.constant 0 : i32
    %dma_start3A_193 = arith.constant 0 : i32
    %dma_start3A_194 = arith.constant 0 : i32
    %dma_start3A_195 = tpu.memref_slice %arg12[%dma_start3A_192, %dma_start3A_193, %dma_start3A_194] : memref<2x128x64xf32, #tpu.memory_space<vmem>> -> memref<1x128x64xf32, #tpu.memory_space<vmem>>
    %dma_start3A_196 = tpu.memref_squeeze %dma_start3A_195 : memref<1x128x64xf32, #tpu.memory_space<vmem>> -> memref<128x64xf32, #tpu.memory_space<vmem>>
    %dma_start3A_197 = arith.constant 256 : i32
    %dma_start3A_198 = tpu.memref_slice %arg8[%dma_start3A_197] : memref<512xi32, #tpu.memory_space<vmem>> -> memref<128xi32, #tpu.memory_space<vmem>>
    %dma_start3A_199 = arith.constant 0 : i32
    %dma_start3A_200 = arith.constant 0 : i32
    %dma_start3A_201 = tpu.memref_slice %arg5[%dma_start3A_199, %dma_start3A_200] : memref<100000x64xf32, #tpu.memory_space<hbm>> -> memref<100000x64xf32, #tpu.memory_space<hbm>>
    tpu.enqueue_indirect_dma source(%dma_start3A_201 : memref<100000x64xf32, #tpu.memory_space<hbm>>) target(%dma_start3A_196 : memref<128x64xf32, #tpu.memory_space<vmem>>) offsets(%dma_start3A_198 : memref<128xi32, #tpu.memory_space<vmem>>) semaphore(%arg19 : memref<!tpu.dma_semaphore, #tpu.memory_space<semaphore_mem>>)
    %dma_start3A_202 = arith.constant 0 : i32
    %dma_start3A_203 = arith.constant 0 : i32
    %dma_start3A_204 = arith.constant 0 : i32
    %dma_start3A_205 = tpu.memref_slice %arg13[%dma_start3A_202, %dma_start3A_203, %dma_start3A_204] : memref<2x128x64xf32, #tpu.memory_space<vmem>> -> memref<1x128x64xf32, #tpu.memory_space<vmem>>
    %dma_start3A_206 = tpu.memref_squeeze %dma_start3A_205 : memref<1x128x64xf32, #tpu.memory_space<vmem>> -> memref<128x64xf32, #tpu.memory_space<vmem>>
    %dma_start3A_207 = arith.constant 256 : i32
    %dma_start3A_208 = tpu.memref_slice %arg9[%dma_start3A_207] : memref<512xi32, #tpu.memory_space<vmem>> -> memref<128xi32, #tpu.memory_space<vmem>>
    %dma_start3A_209 = arith.constant 0 : i32
    %dma_start3A_210 = arith.constant 0 : i32
    %dma_start3A_211 = tpu.memref_slice %arg5[%dma_start3A_209, %dma_start3A_210] : memref<100000x64xf32, #tpu.memory_space<hbm>> -> memref<100000x64xf32, #tpu.memory_space<hbm>>
    tpu.enqueue_indirect_dma source(%dma_start3A_211 : memref<100000x64xf32, #tpu.memory_space<hbm>>) target(%dma_start3A_206 : memref<128x64xf32, #tpu.memory_space<vmem>>) offsets(%dma_start3A_208 : memref<128xi32, #tpu.memory_space<vmem>>) semaphore(%arg19 : memref<!tpu.dma_semaphore, #tpu.memory_space<semaphore_mem>>)
    %dma_start3A_212 = arith.constant 0 : i32
    %dma_start3A_213 = arith.constant 0 : i32
    %dma_start3A_214 = arith.constant 0 : i32
    %dma_start3A_215 = tpu.memref_slice %arg14[%dma_start3A_212, %dma_start3A_213, %dma_start3A_214] : memref<2x128x64xf32, #tpu.memory_space<vmem>> -> memref<1x128x64xf32, #tpu.memory_space<vmem>>
    %dma_start3A_216 = tpu.memref_squeeze %dma_start3A_215 : memref<1x128x64xf32, #tpu.memory_space<vmem>> -> memref<128x64xf32, #tpu.memory_space<vmem>>
    %dma_start3A_217 = arith.constant 256 : i32
    %dma_start3A_218 = tpu.memref_slice %arg10[%dma_start3A_217] : memref<512xi32, #tpu.memory_space<vmem>> -> memref<128xi32, #tpu.memory_space<vmem>>
    %dma_start3A_219 = arith.constant 0 : i32
    %dma_start3A_220 = arith.constant 0 : i32
    %dma_start3A_221 = tpu.memref_slice %arg5[%dma_start3A_219, %dma_start3A_220] : memref<100000x64xf32, #tpu.memory_space<hbm>> -> memref<100000x64xf32, #tpu.memory_space<hbm>>
    tpu.enqueue_indirect_dma source(%dma_start3A_221 : memref<100000x64xf32, #tpu.memory_space<hbm>>) target(%dma_start3A_216 : memref<128x64xf32, #tpu.memory_space<vmem>>) offsets(%dma_start3A_218 : memref<128xi32, #tpu.memory_space<vmem>>) semaphore(%arg19 : memref<!tpu.dma_semaphore, #tpu.memory_space<semaphore_mem>>)
    %add3A_222 = arith.constant 128 : i32
    %add3A_223 = arith.addi %mul3A_2, %add3A_222 : i32
    %scan3A_224 = arith.constant 1 : i32
    %scan3A_225 = arith.constant 1 : i32
    %scan3A_226 = arith.constant 1 : i32
    %scan3A_227 = arith.constant 1 : i32
    %scan3A_228 = arith.constant 0 : i32
    %scan3A_229 = arith.constant 0 : i32
    %scan3A_230 = arith.constant 128 : i32
    %scan3A_231 = arith.addi %scan3A_229, %scan3A_230 : i32
    %scan3A_232 = arith.constant 1 : i32
    %scan3A_233 = scf.for %scan3A_402 = %scan3A_229 to %scan3A_231 step %scan3A_232 iter_args(%scan3A_403 = %scan3A_228) -> (i32)  : i32 {
      %get3A = arith.constant 0 : i32
      %get3A_404 = arith.constant 0 : i32
      %get3A_405 = tpu.memref_slice %arg11[%scan3A_224, %get3A, %get3A_404] : memref<2x128x64xf32, #tpu.memory_space<vmem>> -> memref<1x128x64xf32, #tpu.memory_space<vmem>>
      %get3A_406 = tpu.memref_squeeze %get3A_405 : memref<1x128x64xf32, #tpu.memory_space<vmem>> -> memref<128x64xf32, #tpu.memory_space<vmem>>
      %get3A_407 = arith.index_cast %scan3A_402 : i32 to index
      %get3A_408 = arith.constant 0 : index
      %get3A_409 = tpu.vector_load %get3A_406[%get3A_407, %get3A_408] {strides = array<i32>} : memref<128x64xf32, #tpu.memory_space<vmem>>, vector<16xf32>,
      %get3A_410 = arith.constant 0 : i32
      %get3A_411 = arith.constant 0 : i32
      %get3A_412 = tpu.memref_slice %arg11[%scan3A_224, %get3A_410, %get3A_411] : memref<2x128x64xf32, #tpu.memory_space<vmem>> -> memref<1x128x64xf32, #tpu.memory_space<vmem>>
      %get3A_413 = tpu.memref_squeeze %get3A_412 : memref<1x128x64xf32, #tpu.memory_space<vmem>> -> memref<128x64xf32, #tpu.memory_space<vmem>>
      %get3A_414 = arith.index_cast %scan3A_402 : i32 to index
      %get3A_415 = arith.constant 16 : index
      %get3A_416 = tpu.vector_load %get3A_413[%get3A_414, %get3A_415] {strides = array<i32>} : memref<128x64xf32, #tpu.memory_space<vmem>>, vector<16xf32>,
      %get3A_417 = arith.constant 0 : i32
      %get3A_418 = arith.constant 0 : i32
      %get3A_419 = tpu.memref_slice %arg11[%scan3A_224, %get3A_417, %get3A_418] : memref<2x128x64xf32, #tpu.memory_space<vmem>> -> memref<1x128x64xf32, #tpu.memory_space<vmem>>
      %get3A_420 = tpu.memref_squeeze %get3A_419 : memref<1x128x64xf32, #tpu.memory_space<vmem>> -> memref<128x64xf32, #tpu.memory_space<vmem>>
      %get3A_421 = arith.index_cast %scan3A_402 : i32 to index
      %get3A_422 = arith.constant 32 : index
      %get3A_423 = tpu.vector_load %get3A_420[%get3A_421, %get3A_422] {strides = array<i32>} : memref<128x64xf32, #tpu.memory_space<vmem>>, vector<16xf32>,
      %get3A_424 = arith.constant 0 : i32
      %get3A_425 = arith.constant 0 : i32
      %get3A_426 = tpu.memref_slice %arg11[%scan3A_224, %get3A_424, %get3A_425] : memref<2x128x64xf32, #tpu.memory_space<vmem>> -> memref<1x128x64xf32, #tpu.memory_space<vmem>>
      %get3A_427 = tpu.memref_squeeze %get3A_426 : memref<1x128x64xf32, #tpu.memory_space<vmem>> -> memref<128x64xf32, #tpu.memory_space<vmem>>
      %get3A_428 = arith.index_cast %scan3A_402 : i32 to index
      %get3A_429 = arith.constant 48 : index
      %get3A_430 = tpu.vector_load %get3A_427[%get3A_428, %get3A_429] {strides = array<i32>} : memref<128x64xf32, #tpu.memory_space<vmem>>, vector<16xf32>,
      %get3A_431 = arith.constant 0 : i32
      %get3A_432 = arith.constant 0 : i32
      %get3A_433 = tpu.memref_slice %arg12[%scan3A_225, %get3A_431, %get3A_432] : memref<2x128x64xf32, #tpu.memory_space<vmem>> -> memref<1x128x64xf32, #tpu.memory_space<vmem>>
      %get3A_434 = tpu.memref_squeeze %get3A_433 : memref<1x128x64xf32, #tpu.memory_space<vmem>> -> memref<128x64xf32, #tpu.memory_space<vmem>>
      %get3A_435 = arith.index_cast %scan3A_402 : i32 to index
      %get3A_436 = arith.constant 0 : index
      %get3A_437 = tpu.vector_load %get3A_434[%get3A_435, %get3A_436] {strides = array<i32>} : memref<128x64xf32, #tpu.memory_space<vmem>>, vector<16xf32>,
      %get3A_438 = arith.constant 0 : i32
      %get3A_439 = arith.constant 0 : i32
      %get3A_440 = tpu.memref_slice %arg12[%scan3A_225, %get3A_438, %get3A_439] : memref<2x128x64xf32, #tpu.memory_space<vmem>> -> memref<1x128x64xf32, #tpu.memory_space<vmem>>
      %get3A_441 = tpu.memref_squeeze %get3A_440 : memref<1x128x64xf32, #tpu.memory_space<vmem>> -> memref<128x64xf32, #tpu.memory_space<vmem>>
      %get3A_442 = arith.index_cast %scan3A_402 : i32 to index
      %get3A_443 = arith.constant 16 : index
      %get3A_444 = tpu.vector_load %get3A_441[%get3A_442, %get3A_443] {strides = array<i32>} : memref<128x64xf32, #tpu.memory_space<vmem>>, vector<16xf32>,
      %get3A_445 = arith.constant 0 : i32
      %get3A_446 = arith.constant 0 : i32
      %get3A_447 = tpu.memref_slice %arg12[%scan3A_225, %get3A_445, %get3A_446] : memref<2x128x64xf32, #tpu.memory_space<vmem>> -> memref<1x128x64xf32, #tpu.memory_space<vmem>>
      %get3A_448 = tpu.memref_squeeze %get3A_447 : memref<1x128x64xf32, #tpu.memory_space<vmem>> -> memref<128x64xf32, #tpu.memory_space<vmem>>
      %get3A_449 = arith.index_cast %scan3A_402 : i32 to index
      %get3A_450 = arith.constant 32 : index
      %get3A_451 = tpu.vector_load %get3A_448[%get3A_449, %get3A_450] {strides = array<i32>} : memref<128x64xf32, #tpu.memory_space<vmem>>, vector<16xf32>,
      %get3A_452 = arith.constant 0 : i32
      %get3A_453 = arith.constant 0 : i32
      %get3A_454 = tpu.memref_slice %arg12[%scan3A_225, %get3A_452, %get3A_453] : memref<2x128x64xf32, #tpu.memory_space<vmem>> -> memref<1x128x64xf32, #tpu.memory_space<vmem>>
      %get3A_455 = tpu.memref_squeeze %get3A_454 : memref<1x128x64xf32, #tpu.memory_space<vmem>> -> memref<128x64xf32, #tpu.memory_space<vmem>>
      %get3A_456 = arith.index_cast %scan3A_402 : i32 to index
      %get3A_457 = arith.constant 48 : index
      %get3A_458 = tpu.vector_load %get3A_455[%get3A_456, %get3A_457] {strides = array<i32>} : memref<128x64xf32, #tpu.memory_space<vmem>>, vector<16xf32>,
      %get3A_459 = arith.constant 0 : i32
      %get3A_460 = arith.constant 0 : i32
      %get3A_461 = tpu.memref_slice %arg13[%scan3A_226, %get3A_459, %get3A_460] : memref<2x128x64xf32, #tpu.memory_space<vmem>> -> memref<1x128x64xf32, #tpu.memory_space<vmem>>
      %get3A_462 = tpu.memref_squeeze %get3A_461 : memref<1x128x64xf32, #tpu.memory_space<vmem>> -> memref<128x64xf32, #tpu.memory_space<vmem>>
      %get3A_463 = arith.index_cast %scan3A_402 : i32 to index
      %get3A_464 = arith.constant 0 : index
      %get3A_465 = tpu.vector_load %get3A_462[%get3A_463, %get3A_464] {strides = array<i32>} : memref<128x64xf32, #tpu.memory_space<vmem>>, vector<16xf32>,
      %get3A_466 = arith.constant 0 : i32
      %get3A_467 = arith.constant 0 : i32
      %get3A_468 = tpu.memref_slice %arg13[%scan3A_226, %get3A_466, %get3A_467] : memref<2x128x64xf32, #tpu.memory_space<vmem>> -> memref<1x128x64xf32, #tpu.memory_space<vmem>>
      %get3A_469 = tpu.memref_squeeze %get3A_468 : memref<1x128x64xf32, #tpu.memory_space<vmem>> -> memref<128x64xf32, #tpu.memory_space<vmem>>
      %get3A_470 = arith.index_cast %scan3A_402 : i32 to index
      %get3A_471 = arith.constant 16 : index
      %get3A_472 = tpu.vector_load %get3A_469[%get3A_470, %get3A_471] {strides = array<i32>} : memref<128x64xf32, #tpu.memory_space<vmem>>, vector<16xf32>,
      %get3A_473 = arith.constant 0 : i32
      %get3A_474 = arith.constant 0 : i32
      %get3A_475 = tpu.memref_slice %arg13[%scan3A_226, %get3A_473, %get3A_474] : memref<2x128x64xf32, #tpu.memory_space<vmem>> -> memref<1x128x64xf32, #tpu.memory_space<vmem>>
      %get3A_476 = tpu.memref_squeeze %get3A_475 : memref<1x128x64xf32, #tpu.memory_space<vmem>> -> memref<128x64xf32, #tpu.memory_space<vmem>>
      %get3A_477 = arith.index_cast %scan3A_402 : i32 to index
      %get3A_478 = arith.constant 32 : index
      %get3A_479 = tpu.vector_load %get3A_476[%get3A_477, %get3A_478] {strides = array<i32>} : memref<128x64xf32, #tpu.memory_space<vmem>>, vector<16xf32>,
      %get3A_480 = arith.constant 0 : i32
      %get3A_481 = arith.constant 0 : i32
      %get3A_482 = tpu.memref_slice %arg13[%scan3A_226, %get3A_480, %get3A_481] : memref<2x128x64xf32, #tpu.memory_space<vmem>> -> memref<1x128x64xf32, #tpu.memory_space<vmem>>
      %get3A_483 = tpu.memref_squeeze %get3A_482 : memref<1x128x64xf32, #tpu.memory_space<vmem>> -> memref<128x64xf32, #tpu.memory_space<vmem>>
      %get3A_484 = arith.index_cast %scan3A_402 : i32 to index
      %get3A_485 = arith.constant 48 : index
      %get3A_486 = tpu.vector_load %get3A_483[%get3A_484, %get3A_485] {strides = array<i32>} : memref<128x64xf32, #tpu.memory_space<vmem>>, vector<16xf32>,
      %get3A_487 = arith.constant 0 : i32
      %get3A_488 = arith.constant 0 : i32
      %get3A_489 = tpu.memref_slice %arg14[%scan3A_227, %get3A_487, %get3A_488] : memref<2x128x64xf32, #tpu.memory_space<vmem>> -> memref<1x128x64xf32, #tpu.memory_space<vmem>>
      %get3A_490 = tpu.memref_squeeze %get3A_489 : memref<1x128x64xf32, #tpu.memory_space<vmem>> -> memref<128x64xf32, #tpu.memory_space<vmem>>
      %get3A_491 = arith.index_cast %scan3A_402 : i32 to index
      %get3A_492 = arith.constant 0 : index
      %get3A_493 = tpu.vector_load %get3A_490[%get3A_491, %get3A_492] {strides = array<i32>} : memref<128x64xf32, #tpu.memory_space<vmem>>, vector<16xf32>,
      %get3A_494 = arith.constant 0 : i32
      %get3A_495 = arith.constant 0 : i32
      %get3A_496 = tpu.memref_slice %arg14[%scan3A_227, %get3A_494, %get3A_495] : memref<2x128x64xf32, #tpu.memory_space<vmem>> -> memref<1x128x64xf32, #tpu.memory_space<vmem>>
      %get3A_497 = tpu.memref_squeeze %get3A_496 : memref<1x128x64xf32, #tpu.memory_space<vmem>> -> memref<128x64xf32, #tpu.memory_space<vmem>>
      %get3A_498 = arith.index_cast %scan3A_402 : i32 to index
      %get3A_499 = arith.constant 16 : index
      %get3A_500 = tpu.vector_load %get3A_497[%get3A_498, %get3A_499] {strides = array<i32>} : memref<128x64xf32, #tpu.memory_space<vmem>>, vector<16xf32>,
      %get3A_501 = arith.constant 0 : i32
      %get3A_502 = arith.constant 0 : i32
      %get3A_503 = tpu.memref_slice %arg14[%scan3A_227, %get3A_501, %get3A_502] : memref<2x128x64xf32, #tpu.memory_space<vmem>> -> memref<1x128x64xf32, #tpu.memory_space<vmem>>
      %get3A_504 = tpu.memref_squeeze %get3A_503 : memref<1x128x64xf32, #tpu.memory_space<vmem>> -> memref<128x64xf32, #tpu.memory_space<vmem>>
      %get3A_505 = arith.index_cast %scan3A_402 : i32 to index
      %get3A_506 = arith.constant 32 : index
      %get3A_507 = tpu.vector_load %get3A_504[%get3A_505, %get3A_506] {strides = array<i32>} : memref<128x64xf32, #tpu.memory_space<vmem>>, vector<16xf32>,
      %get3A_508 = arith.constant 0 : i32
      %get3A_509 = arith.constant 0 : i32
      %get3A_510 = tpu.memref_slice %arg14[%scan3A_227, %get3A_508, %get3A_509] : memref<2x128x64xf32, #tpu.memory_space<vmem>> -> memref<1x128x64xf32, #tpu.memory_space<vmem>>
      %get3A_511 = tpu.memref_squeeze %get3A_510 : memref<1x128x64xf32, #tpu.memory_space<vmem>> -> memref<128x64xf32, #tpu.memory_space<vmem>>
      %get3A_512 = arith.index_cast %scan3A_402 : i32 to index
      %get3A_513 = arith.constant 48 : index
      %get3A_514 = tpu.vector_load %get3A_511[%get3A_512, %get3A_513] {strides = array<i32>} : memref<128x64xf32, #tpu.memory_space<vmem>>, vector<16xf32>,
      %mul3A_515 = arith.mulf %get3A_409, %get3A_437 : vector<16xf32>
      %add3A_516 = arith.addf %broadcast_in_dim3A_3, %mul3A_515 : vector<16xf32>
      %mul3A_517 = arith.mulf %get3A_409, %get3A_465 : vector<16xf32>
      %add3A_518 = arith.addf %broadcast_in_dim3A_3, %mul3A_517 : vector<16xf32>
      %mul3A_519 = arith.mulf %get3A_409, %get3A_493 : vector<16xf32>
      %add3A_520 = arith.addf %broadcast_in_dim3A_3, %mul3A_519 : vector<16xf32>
      %mul3A_521 = arith.mulf %get3A_416, %get3A_444 : vector<16xf32>
      %add3A_522 = arith.addf %add3A_516, %mul3A_521 : vector<16xf32>
      %mul3A_523 = arith.mulf %get3A_416, %get3A_472 : vector<16xf32>
      %add3A_524 = arith.addf %add3A_518, %mul3A_523 : vector<16xf32>
      %mul3A_525 = arith.mulf %get3A_416, %get3A_500 : vector<16xf32>
      %add3A_526 = arith.addf %add3A_520, %mul3A_525 : vector<16xf32>
      %mul3A_527 = arith.mulf %get3A_423, %get3A_451 : vector<16xf32>
      %add3A_528 = arith.addf %add3A_522, %mul3A_527 : vector<16xf32>
      %mul3A_529 = arith.mulf %get3A_423, %get3A_479 : vector<16xf32>
      %add3A_530 = arith.addf %add3A_524, %mul3A_529 : vector<16xf32>
      %mul3A_531 = arith.mulf %get3A_423, %get3A_507 : vector<16xf32>
      %add3A_532 = arith.addf %add3A_526, %mul3A_531 : vector<16xf32>
      %mul3A_533 = arith.mulf %get3A_430, %get3A_458 : vector<16xf32>
      %add3A_534 = arith.addf %add3A_528, %mul3A_533 : vector<16xf32>
      %mul3A_535 = arith.mulf %get3A_430, %get3A_486 : vector<16xf32>
      %add3A_536 = arith.addf %add3A_530, %mul3A_535 : vector<16xf32>
      %mul3A_537 = arith.mulf %get3A_430, %get3A_514 : vector<16xf32>
      %add3A_538 = arith.addf %add3A_532, %mul3A_537 : vector<16xf32>
      %mul3A_539 = arith.constant 16 : i32
      %mul3A_540 = arith.muli %scan3A_402, %mul3A_539 : i32
      %swap3A = arith.index_cast %mul3A_540 : i32 to index
      %swap3A_541 = tpu.vector_load %arg15[%swap3A] {strides = array<i32>} : memref<2048xf32, #tpu.memory_space<vmem>>, vector<16xf32>,
      tpu.vector_store %arg15[%swap3A], %add3A_534 {strides = array<i32>} : memref<2048xf32, #tpu.memory_space<vmem>>, vector<16xf32>,
      %mul3A_542 = arith.constant 16 : i32
      %mul3A_543 = arith.muli %scan3A_402, %mul3A_542 : i32
      %swap3A_544 = arith.index_cast %mul3A_543 : i32 to index
      %swap3A_545 = tpu.vector_load %arg16[%swap3A_544] {strides = array<i32>} : memref<2048xf32, #tpu.memory_space<vmem>>, vector<16xf32>,
      tpu.vector_store %arg16[%swap3A_544], %add3A_536 {strides = array<i32>} : memref<2048xf32, #tpu.memory_space<vmem>>, vector<16xf32>,
      %mul3A_546 = arith.constant 16 : i32
      %mul3A_547 = arith.muli %scan3A_402, %mul3A_546 : i32
      %swap3A_548 = arith.index_cast %mul3A_547 : i32 to index
      %swap3A_549 = tpu.vector_load %arg17[%swap3A_548] {strides = array<i32>} : memref<2048xf32, #tpu.memory_space<vmem>>, vector<16xf32>,
      tpu.vector_store %arg17[%swap3A_548], %add3A_538 {strides = array<i32>} : memref<2048xf32, #tpu.memory_space<vmem>>, vector<16xf32>,
      %scan3A_550 = arith.constant 0 : i32
      scf.yield %scan3A_550 : i32
    }
    %scan3A_234 = arith.constant 128 : i32
    %scan3A_235 = arith.constant 0 : i32
    %scan3A_236 = arith.constant 0 : i32
    %scan3A_237 = arith.constant 8 : i32
    %scan3A_238 = arith.addi %scan3A_236, %scan3A_237 : i32
    %scan3A_239 = arith.constant 1 : i32
    %scan3A_240 = scf.for %scan3A_402 = %scan3A_236 to %scan3A_238 step %scan3A_239 iter_args(%scan3A_403 = %scan3A_235) -> (i32)  : i32 {
      %mul3A_404 = arith.constant 16 : i32
      %mul3A_405 = arith.muli %scan3A_402, %mul3A_404 : i32
      %add3A_406 = vector.broadcast %mul3A_405 : i32 to vector<16xi32>
      %add3A_407 = arith.addi %add3A_406, %iota3A : vector<16xi32>
      %mul3A_408 = arith.constant 16 : i32
      %mul3A_409 = vector.broadcast %mul3A_408 : i32 to vector<16xi32>
      %mul3A_410 = arith.muli %add3A_407, %mul3A_409 : vector<16xi32>
      %add3A_411 = arith.constant 0 : i32
      %add3A_412 = vector.broadcast %add3A_411 : i32 to vector<16xi32>
      %add3A_413 = arith.addi %mul3A_410, %add3A_412 : vector<16xi32>
      %gather3A = tpu.vector_load_idx %arg15[%add3A_413] : memref<2048xf32, #tpu.memory_space<vmem>>[vector<16xi32>], vector<16xf32>,
      %add3A_414 = arith.addf %broadcast_in_dim3A_3, %gather3A : vector<16xf32>
      %add3A_415 = arith.constant 0 : i32
      %add3A_416 = vector.broadcast %add3A_415 : i32 to vector<16xi32>
      %add3A_417 = arith.addi %mul3A_410, %add3A_416 : vector<16xi32>
      %gather3A_418 = tpu.vector_load_idx %arg16[%add3A_417] : memref<2048xf32, #tpu.memory_space<vmem>>[vector<16xi32>], vector<16xf32>,
      %add3A_419 = arith.addf %broadcast_in_dim3A_3, %gather3A_418 : vector<16xf32>
      %add3A_420 = arith.constant 0 : i32
      %add3A_421 = vector.broadcast %add3A_420 : i32 to vector<16xi32>
      %add3A_422 = arith.addi %mul3A_410, %add3A_421 : vector<16xi32>
      %gather3A_423 = tpu.vector_load_idx %arg17[%add3A_422] : memref<2048xf32, #tpu.memory_space<vmem>>[vector<16xi32>], vector<16xf32>,
      %add3A_424 = arith.addf %broadcast_in_dim3A_3, %gather3A_423 : vector<16xf32>
      %add3A_425 = arith.constant 1 : i32
      %add3A_426 = vector.broadcast %add3A_425 : i32 to vector<16xi32>
      %add3A_427 = arith.addi %mul3A_410, %add3A_426 : vector<16xi32>
      %gather3A_428 = tpu.vector_load_idx %arg15[%add3A_427] : memref<2048xf32, #tpu.memory_space<vmem>>[vector<16xi32>], vector<16xf32>,
      %add3A_429 = arith.addf %add3A_414, %gather3A_428 : vector<16xf32>
      %add3A_430 = arith.constant 1 : i32
      %add3A_431 = vector.broadcast %add3A_430 : i32 to vector<16xi32>
      %add3A_432 = arith.addi %mul3A_410, %add3A_431 : vector<16xi32>
      %gather3A_433 = tpu.vector_load_idx %arg16[%add3A_432] : memref<2048xf32, #tpu.memory_space<vmem>>[vector<16xi32>], vector<16xf32>,
      %add3A_434 = arith.addf %add3A_419, %gather3A_433 : vector<16xf32>
      %add3A_435 = arith.constant 1 : i32
      %add3A_436 = vector.broadcast %add3A_435 : i32 to vector<16xi32>
      %add3A_437 = arith.addi %mul3A_410, %add3A_436 : vector<16xi32>
      %gather3A_438 = tpu.vector_load_idx %arg17[%add3A_437] : memref<2048xf32, #tpu.memory_space<vmem>>[vector<16xi32>], vector<16xf32>,
      %add3A_439 = arith.addf %add3A_424, %gather3A_438 : vector<16xf32>
      %add3A_440 = arith.constant 2 : i32
      %add3A_441 = vector.broadcast %add3A_440 : i32 to vector<16xi32>
      %add3A_442 = arith.addi %mul3A_410, %add3A_441 : vector<16xi32>
      %gather3A_443 = tpu.vector_load_idx %arg15[%add3A_442] : memref<2048xf32, #tpu.memory_space<vmem>>[vector<16xi32>], vector<16xf32>,
      %add3A_444 = arith.addf %add3A_429, %gather3A_443 : vector<16xf32>
      %add3A_445 = arith.constant 2 : i32
      %add3A_446 = vector.broadcast %add3A_445 : i32 to vector<16xi32>
      %add3A_447 = arith.addi %mul3A_410, %add3A_446 : vector<16xi32>
      %gather3A_448 = tpu.vector_load_idx %arg16[%add3A_447] : memref<2048xf32, #tpu.memory_space<vmem>>[vector<16xi32>], vector<16xf32>,
      %add3A_449 = arith.addf %add3A_434, %gather3A_448 : vector<16xf32>
      %add3A_450 = arith.constant 2 : i32
      %add3A_451 = vector.broadcast %add3A_450 : i32 to vector<16xi32>
      %add3A_452 = arith.addi %mul3A_410, %add3A_451 : vector<16xi32>
      %gather3A_453 = tpu.vector_load_idx %arg17[%add3A_452] : memref<2048xf32, #tpu.memory_space<vmem>>[vector<16xi32>], vector<16xf32>,
      %add3A_454 = arith.addf %add3A_439, %gather3A_453 : vector<16xf32>
      %add3A_455 = arith.constant 3 : i32
      %add3A_456 = vector.broadcast %add3A_455 : i32 to vector<16xi32>
      %add3A_457 = arith.addi %mul3A_410, %add3A_456 : vector<16xi32>
      %gather3A_458 = tpu.vector_load_idx %arg15[%add3A_457] : memref<2048xf32, #tpu.memory_space<vmem>>[vector<16xi32>], vector<16xf32>,
      %add3A_459 = arith.addf %add3A_444, %gather3A_458 : vector<16xf32>
      %add3A_460 = arith.constant 3 : i32
      %add3A_461 = vector.broadcast %add3A_460 : i32 to vector<16xi32>
      %add3A_462 = arith.addi %mul3A_410, %add3A_461 : vector<16xi32>
      %gather3A_463 = tpu.vector_load_idx %arg16[%add3A_462] : memref<2048xf32, #tpu.memory_space<vmem>>[vector<16xi32>], vector<16xf32>,
      %add3A_464 = arith.addf %add3A_449, %gather3A_463 : vector<16xf32>
      %add3A_465 = arith.constant 3 : i32
      %add3A_466 = vector.broadcast %add3A_465 : i32 to vector<16xi32>
      %add3A_467 = arith.addi %mul3A_410, %add3A_466 : vector<16xi32>
      %gather3A_468 = tpu.vector_load_idx %arg17[%add3A_467] : memref<2048xf32, #tpu.memory_space<vmem>>[vector<16xi32>], vector<16xf32>,
      %add3A_469 = arith.addf %add3A_454, %gather3A_468 : vector<16xf32>
      %add3A_470 = arith.constant 4 : i32
      %add3A_471 = vector.broadcast %add3A_470 : i32 to vector<16xi32>
      %add3A_472 = arith.addi %mul3A_410, %add3A_471 : vector<16xi32>
      %gather3A_473 = tpu.vector_load_idx %arg15[%add3A_472] : memref<2048xf32, #tpu.memory_space<vmem>>[vector<16xi32>], vector<16xf32>,
      %add3A_474 = arith.addf %add3A_459, %gather3A_473 : vector<16xf32>
      %add3A_475 = arith.constant 4 : i32
      %add3A_476 = vector.broadcast %add3A_475 : i32 to vector<16xi32>
      %add3A_477 = arith.addi %mul3A_410, %add3A_476 : vector<16xi32>
      %gather3A_478 = tpu.vector_load_idx %arg16[%add3A_477] : memref<2048xf32, #tpu.memory_space<vmem>>[vector<16xi32>], vector<16xf32>,
      %add3A_479 = arith.addf %add3A_464, %gather3A_478 : vector<16xf32>
      %add3A_480 = arith.constant 4 : i32
      %add3A_481 = vector.broadcast %add3A_480 : i32 to vector<16xi32>
      %add3A_482 = arith.addi %mul3A_410, %add3A_481 : vector<16xi32>
      %gather3A_483 = tpu.vector_load_idx %arg17[%add3A_482] : memref<2048xf32, #tpu.memory_space<vmem>>[vector<16xi32>], vector<16xf32>,
      %add3A_484 = arith.addf %add3A_469, %gather3A_483 : vector<16xf32>
      %add3A_485 = arith.constant 5 : i32
      %add3A_486 = vector.broadcast %add3A_485 : i32 to vector<16xi32>
      %add3A_487 = arith.addi %mul3A_410, %add3A_486 : vector<16xi32>
      %gather3A_488 = tpu.vector_load_idx %arg15[%add3A_487] : memref<2048xf32, #tpu.memory_space<vmem>>[vector<16xi32>], vector<16xf32>,
      %add3A_489 = arith.addf %add3A_474, %gather3A_488 : vector<16xf32>
      %add3A_490 = arith.constant 5 : i32
      %add3A_491 = vector.broadcast %add3A_490 : i32 to vector<16xi32>
      %add3A_492 = arith.addi %mul3A_410, %add3A_491 : vector<16xi32>
      %gather3A_493 = tpu.vector_load_idx %arg16[%add3A_492] : memref<2048xf32, #tpu.memory_space<vmem>>[vector<16xi32>], vector<16xf32>,
      %add3A_494 = arith.addf %add3A_479, %gather3A_493 : vector<16xf32>
      %add3A_495 = arith.constant 5 : i32
      %add3A_496 = vector.broadcast %add3A_495 : i32 to vector<16xi32>
      %add3A_497 = arith.addi %mul3A_410, %add3A_496 : vector<16xi32>
      %gather3A_498 = tpu.vector_load_idx %arg17[%add3A_497] : memref<2048xf32, #tpu.memory_space<vmem>>[vector<16xi32>], vector<16xf32>,
      %add3A_499 = arith.addf %add3A_484, %gather3A_498 : vector<16xf32>
      %add3A_500 = arith.constant 6 : i32
      %add3A_501 = vector.broadcast %add3A_500 : i32 to vector<16xi32>
      %add3A_502 = arith.addi %mul3A_410, %add3A_501 : vector<16xi32>
      %gather3A_503 = tpu.vector_load_idx %arg15[%add3A_502] : memref<2048xf32, #tpu.memory_space<vmem>>[vector<16xi32>], vector<16xf32>,
      %add3A_504 = arith.addf %add3A_489, %gather3A_503 : vector<16xf32>
      %add3A_505 = arith.constant 6 : i32
      %add3A_506 = vector.broadcast %add3A_505 : i32 to vector<16xi32>
      %add3A_507 = arith.addi %mul3A_410, %add3A_506 : vector<16xi32>
      %gather3A_508 = tpu.vector_load_idx %arg16[%add3A_507] : memref<2048xf32, #tpu.memory_space<vmem>>[vector<16xi32>], vector<16xf32>,
      %add3A_509 = arith.addf %add3A_494, %gather3A_508 : vector<16xf32>
      %add3A_510 = arith.constant 6 : i32
      %add3A_511 = vector.broadcast %add3A_510 : i32 to vector<16xi32>
      %add3A_512 = arith.addi %mul3A_410, %add3A_511 : vector<16xi32>
      %gather3A_513 = tpu.vector_load_idx %arg17[%add3A_512] : memref<2048xf32, #tpu.memory_space<vmem>>[vector<16xi32>], vector<16xf32>,
      %add3A_514 = arith.addf %add3A_499, %gather3A_513 : vector<16xf32>
      %add3A_515 = arith.constant 7 : i32
      %add3A_516 = vector.broadcast %add3A_515 : i32 to vector<16xi32>
      %add3A_517 = arith.addi %mul3A_410, %add3A_516 : vector<16xi32>
      %gather3A_518 = tpu.vector_load_idx %arg15[%add3A_517] : memref<2048xf32, #tpu.memory_space<vmem>>[vector<16xi32>], vector<16xf32>,
      %add3A_519 = arith.addf %add3A_504, %gather3A_518 : vector<16xf32>
      %add3A_520 = arith.constant 7 : i32
      %add3A_521 = vector.broadcast %add3A_520 : i32 to vector<16xi32>
      %add3A_522 = arith.addi %mul3A_410, %add3A_521 : vector<16xi32>
      %gather3A_523 = tpu.vector_load_idx %arg16[%add3A_522] : memref<2048xf32, #tpu.memory_space<vmem>>[vector<16xi32>], vector<16xf32>,
      %add3A_524 = arith.addf %add3A_509, %gather3A_523 : vector<16xf32>
      %add3A_525 = arith.constant 7 : i32
      %add3A_526 = vector.broadcast %add3A_525 : i32 to vector<16xi32>
      %add3A_527 = arith.addi %mul3A_410, %add3A_526 : vector<16xi32>
      %gather3A_528 = tpu.vector_load_idx %arg17[%add3A_527] : memref<2048xf32, #tpu.memory_space<vmem>>[vector<16xi32>], vector<16xf32>,
      %add3A_529 = arith.addf %add3A_514, %gather3A_528 : vector<16xf32>
      %add3A_530 = arith.constant 8 : i32
      %add3A_531 = vector.broadcast %add3A_530 : i32 to vector<16xi32>
      %add3A_532 = arith.addi %mul3A_410, %add3A_531 : vector<16xi32>
      %gather3A_533 = tpu.vector_load_idx %arg15[%add3A_532] : memref<2048xf32, #tpu.memory_space<vmem>>[vector<16xi32>], vector<16xf32>,
      %add3A_534 = arith.addf %add3A_519, %gather3A_533 : vector<16xf32>
      %add3A_535 = arith.constant 8 : i32
      %add3A_536 = vector.broadcast %add3A_535 : i32 to vector<16xi32>
      %add3A_537 = arith.addi %mul3A_410, %add3A_536 : vector<16xi32>
      %gather3A_538 = tpu.vector_load_idx %arg16[%add3A_537] : memref<2048xf32, #tpu.memory_space<vmem>>[vector<16xi32>], vector<16xf32>,
      %add3A_539 = arith.addf %add3A_524, %gather3A_538 : vector<16xf32>
      %add3A_540 = arith.constant 8 : i32
      %add3A_541 = vector.broadcast %add3A_540 : i32 to vector<16xi32>
      %add3A_542 = arith.addi %mul3A_410, %add3A_541 : vector<16xi32>
      %gather3A_543 = tpu.vector_load_idx %arg17[%add3A_542] : memref<2048xf32, #tpu.memory_space<vmem>>[vector<16xi32>], vector<16xf32>,
      %add3A_544 = arith.addf %add3A_529, %gather3A_543 : vector<16xf32>
      %add3A_545 = arith.constant 9 : i32
      %add3A_546 = vector.broadcast %add3A_545 : i32 to vector<16xi32>
      %add3A_547 = arith.addi %mul3A_410, %add3A_546 : vector<16xi32>
      %gather3A_548 = tpu.vector_load_idx %arg15[%add3A_547] : memref<2048xf32, #tpu.memory_space<vmem>>[vector<16xi32>], vector<16xf32>,
      %add3A_549 = arith.addf %add3A_534, %gather3A_548 : vector<16xf32>
      %add3A_550 = arith.constant 9 : i32
      %add3A_551 = vector.broadcast %add3A_550 : i32 to vector<16xi32>
      %add3A_552 = arith.addi %mul3A_410, %add3A_551 : vector<16xi32>
      %gather3A_553 = tpu.vector_load_idx %arg16[%add3A_552] : memref<2048xf32, #tpu.memory_space<vmem>>[vector<16xi32>], vector<16xf32>,
      %add3A_554 = arith.addf %add3A_539, %gather3A_553 : vector<16xf32>
      %add3A_555 = arith.constant 9 : i32
      %add3A_556 = vector.broadcast %add3A_555 : i32 to vector<16xi32>
      %add3A_557 = arith.addi %mul3A_410, %add3A_556 : vector<16xi32>
      %gather3A_558 = tpu.vector_load_idx %arg17[%add3A_557] : memref<2048xf32, #tpu.memory_space<vmem>>[vector<16xi32>], vector<16xf32>,
      %add3A_559 = arith.addf %add3A_544, %gather3A_558 : vector<16xf32>
      %add3A_560 = arith.constant 10 : i32
      %add3A_561 = vector.broadcast %add3A_560 : i32 to vector<16xi32>
      %add3A_562 = arith.addi %mul3A_410, %add3A_561 : vector<16xi32>
      %gather3A_563 = tpu.vector_load_idx %arg15[%add3A_562] : memref<2048xf32, #tpu.memory_space<vmem>>[vector<16xi32>], vector<16xf32>,
      %add3A_564 = arith.addf %add3A_549, %gather3A_563 : vector<16xf32>
      %add3A_565 = arith.constant 10 : i32
      %add3A_566 = vector.broadcast %add3A_565 : i32 to vector<16xi32>
      %add3A_567 = arith.addi %mul3A_410, %add3A_566 : vector<16xi32>
      %gather3A_568 = tpu.vector_load_idx %arg16[%add3A_567] : memref<2048xf32, #tpu.memory_space<vmem>>[vector<16xi32>], vector<16xf32>,
      %add3A_569 = arith.addf %add3A_554, %gather3A_568 : vector<16xf32>
      %add3A_570 = arith.constant 10 : i32
      %add3A_571 = vector.broadcast %add3A_570 : i32 to vector<16xi32>
      %add3A_572 = arith.addi %mul3A_410, %add3A_571 : vector<16xi32>
      %gather3A_573 = tpu.vector_load_idx %arg17[%add3A_572] : memref<2048xf32, #tpu.memory_space<vmem>>[vector<16xi32>], vector<16xf32>,
      %add3A_574 = arith.addf %add3A_559, %gather3A_573 : vector<16xf32>
      %add3A_575 = arith.constant 11 : i32
      %add3A_576 = vector.broadcast %add3A_575 : i32 to vector<16xi32>
      %add3A_577 = arith.addi %mul3A_410, %add3A_576 : vector<16xi32>
      %gather3A_578 = tpu.vector_load_idx %arg15[%add3A_577] : memref<2048xf32, #tpu.memory_space<vmem>>[vector<16xi32>], vector<16xf32>,
      %add3A_579 = arith.addf %add3A_564, %gather3A_578 : vector<16xf32>
      %add3A_580 = arith.constant 11 : i32
      %add3A_581 = vector.broadcast %add3A_580 : i32 to vector<16xi32>
      %add3A_582 = arith.addi %mul3A_410, %add3A_581 : vector<16xi32>
      %gather3A_583 = tpu.vector_load_idx %arg16[%add3A_582] : memref<2048xf32, #tpu.memory_space<vmem>>[vector<16xi32>], vector<16xf32>,
      %add3A_584 = arith.addf %add3A_569, %gather3A_583 : vector<16xf32>
      %add3A_585 = arith.constant 11 : i32
      %add3A_586 = vector.broadcast %add3A_585 : i32 to vector<16xi32>
      %add3A_587 = arith.addi %mul3A_410, %add3A_586 : vector<16xi32>
      %gather3A_588 = tpu.vector_load_idx %arg17[%add3A_587] : memref<2048xf32, #tpu.memory_space<vmem>>[vector<16xi32>], vector<16xf32>,
      %add3A_589 = arith.addf %add3A_574, %gather3A_588 : vector<16xf32>
      %add3A_590 = arith.constant 12 : i32
      %add3A_591 = vector.broadcast %add3A_590 : i32 to vector<16xi32>
      %add3A_592 = arith.addi %mul3A_410, %add3A_591 : vector<16xi32>
      %gather3A_593 = tpu.vector_load_idx %arg15[%add3A_592] : memref<2048xf32, #tpu.memory_space<vmem>>[vector<16xi32>], vector<16xf32>,
      %add3A_594 = arith.addf %add3A_579, %gather3A_593 : vector<16xf32>
      %add3A_595 = arith.constant 12 : i32
      %add3A_596 = vector.broadcast %add3A_595 : i32 to vector<16xi32>
      %add3A_597 = arith.addi %mul3A_410, %add3A_596 : vector<16xi32>
      %gather3A_598 = tpu.vector_load_idx %arg16[%add3A_597] : memref<2048xf32, #tpu.memory_space<vmem>>[vector<16xi32>], vector<16xf32>,
      %add3A_599 = arith.addf %add3A_584, %gather3A_598 : vector<16xf32>
      %add3A_600 = arith.constant 12 : i32
      %add3A_601 = vector.broadcast %add3A_600 : i32 to vector<16xi32>
      %add3A_602 = arith.addi %mul3A_410, %add3A_601 : vector<16xi32>
      %gather3A_603 = tpu.vector_load_idx %arg17[%add3A_602] : memref<2048xf32, #tpu.memory_space<vmem>>[vector<16xi32>], vector<16xf32>,
      %add3A_604 = arith.addf %add3A_589, %gather3A_603 : vector<16xf32>
      %add3A_605 = arith.constant 13 : i32
      %add3A_606 = vector.broadcast %add3A_605 : i32 to vector<16xi32>
      %add3A_607 = arith.addi %mul3A_410, %add3A_606 : vector<16xi32>
      %gather3A_608 = tpu.vector_load_idx %arg15[%add3A_607] : memref<2048xf32, #tpu.memory_space<vmem>>[vector<16xi32>], vector<16xf32>,
      %add3A_609 = arith.addf %add3A_594, %gather3A_608 : vector<16xf32>
      %add3A_610 = arith.constant 13 : i32
      %add3A_611 = vector.broadcast %add3A_610 : i32 to vector<16xi32>
      %add3A_612 = arith.addi %mul3A_410, %add3A_611 : vector<16xi32>
      %gather3A_613 = tpu.vector_load_idx %arg16[%add3A_612] : memref<2048xf32, #tpu.memory_space<vmem>>[vector<16xi32>], vector<16xf32>,
      %add3A_614 = arith.addf %add3A_599, %gather3A_613 : vector<16xf32>
      %add3A_615 = arith.constant 13 : i32
      %add3A_616 = vector.broadcast %add3A_615 : i32 to vector<16xi32>
      %add3A_617 = arith.addi %mul3A_410, %add3A_616 : vector<16xi32>
      %gather3A_618 = tpu.vector_load_idx %arg17[%add3A_617] : memref<2048xf32, #tpu.memory_space<vmem>>[vector<16xi32>], vector<16xf32>,
      %add3A_619 = arith.addf %add3A_604, %gather3A_618 : vector<16xf32>
      %add3A_620 = arith.constant 14 : i32
      %add3A_621 = vector.broadcast %add3A_620 : i32 to vector<16xi32>
      %add3A_622 = arith.addi %mul3A_410, %add3A_621 : vector<16xi32>
      %gather3A_623 = tpu.vector_load_idx %arg15[%add3A_622] : memref<2048xf32, #tpu.memory_space<vmem>>[vector<16xi32>], vector<16xf32>,
      %add3A_624 = arith.addf %add3A_609, %gather3A_623 : vector<16xf32>
      %add3A_625 = arith.constant 14 : i32
      %add3A_626 = vector.broadcast %add3A_625 : i32 to vector<16xi32>
      %add3A_627 = arith.addi %mul3A_410, %add3A_626 : vector<16xi32>
      %gather3A_628 = tpu.vector_load_idx %arg16[%add3A_627] : memref<2048xf32, #tpu.memory_space<vmem>>[vector<16xi32>], vector<16xf32>,
      %add3A_629 = arith.addf %add3A_614, %gather3A_628 : vector<16xf32>
      %add3A_630 = arith.constant 14 : i32
      %add3A_631 = vector.broadcast %add3A_630 : i32 to vector<16xi32>
      %add3A_632 = arith.addi %mul3A_410, %add3A_631 : vector<16xi32>
      %gather3A_633 = tpu.vector_load_idx %arg17[%add3A_632] : memref<2048xf32, #tpu.memory_space<vmem>>[vector<16xi32>], vector<16xf32>,
      %add3A_634 = arith.addf %add3A_619, %gather3A_633 : vector<16xf32>
      %add3A_635 = arith.constant 15 : i32
      %add3A_636 = vector.broadcast %add3A_635 : i32 to vector<16xi32>
      %add3A_637 = arith.addi %mul3A_410, %add3A_636 : vector<16xi32>
      %gather3A_638 = tpu.vector_load_idx %arg15[%add3A_637] : memref<2048xf32, #tpu.memory_space<vmem>>[vector<16xi32>], vector<16xf32>,
      %add3A_639 = arith.addf %add3A_624, %gather3A_638 : vector<16xf32>
      %add3A_640 = arith.constant 15 : i32
      %add3A_641 = vector.broadcast %add3A_640 : i32 to vector<16xi32>
      %add3A_642 = arith.addi %mul3A_410, %add3A_641 : vector<16xi32>
      %gather3A_643 = tpu.vector_load_idx %arg16[%add3A_642] : memref<2048xf32, #tpu.memory_space<vmem>>[vector<16xi32>], vector<16xf32>,
      %add3A_644 = arith.addf %add3A_629, %gather3A_643 : vector<16xf32>
      %add3A_645 = arith.constant 15 : i32
      %add3A_646 = vector.broadcast %add3A_645 : i32 to vector<16xi32>
      %add3A_647 = arith.addi %mul3A_410, %add3A_646 : vector<16xi32>
      %gather3A_648 = tpu.vector_load_idx %arg17[%add3A_647] : memref<2048xf32, #tpu.memory_space<vmem>>[vector<16xi32>], vector<16xf32>,
      %add3A_649 = arith.addf %add3A_634, %gather3A_648 : vector<16xf32>
      %neg3A = arith.constant 0.000000e+00 : f32
      %neg3A_650 = vector.broadcast %neg3A : f32 to vector<16xf32>
      %neg3A_651 = arith.subf %neg3A_650, %add3A_639 : vector<16xf32>
      %abs3A = math.absf %neg3A_651 : vector<16xf32>
      %neg3A_652 = arith.constant 0.000000e+00 : f32
      %neg3A_653 = vector.broadcast %neg3A_652 : f32 to vector<16xf32>
      %neg3A_654 = arith.subf %neg3A_653, %abs3A : vector<16xf32>
      %exp3A = math.exp %neg3A_654 : vector<16xf32>
      %add3A_655 = arith.constant 2.000000e+00 : f32
      %add3A_656 = vector.broadcast %add3A_655 : f32 to vector<16xf32>
      %add3A_657 = arith.addf %add3A_656, %exp3A : vector<16xf32>
      %div3A = arith.divf %exp3A, %add3A_657 : vector<16xf32>
      %mul3A_658 = arith.mulf %div3A, %div3A : vector<16xf32>
      %mul3A_659 = arith.constant 2.000000e+00 : f32
      %mul3A_660 = vector.broadcast %mul3A_659 : f32 to vector<16xf32>
      %mul3A_661 = arith.mulf %mul3A_660, %div3A : vector<16xf32>
      %mul3A_662 = arith.constant 0.142857149 : f32
      %mul3A_663 = vector.broadcast %mul3A_662 : f32 to vector<16xf32>
      %mul3A_664 = arith.mulf %mul3A_658, %mul3A_663 : vector<16xf32>
      %add3A_665 = arith.constant 2.000000e-01 : f32
      %add3A_666 = vector.broadcast %add3A_665 : f32 to vector<16xf32>
      %add3A_667 = arith.addf %add3A_666, %mul3A_664 : vector<16xf32>
      %mul3A_668 = arith.mulf %mul3A_658, %add3A_667 : vector<16xf32>
      %add3A_669 = arith.constant 0.333333343 : f32
      %add3A_670 = vector.broadcast %add3A_669 : f32 to vector<16xf32>
      %add3A_671 = arith.addf %add3A_670, %mul3A_668 : vector<16xf32>
      %mul3A_672 = arith.mulf %mul3A_658, %add3A_671 : vector<16xf32>
      %add3A_673 = arith.constant 1.000000e+00 : f32
      %add3A_674 = vector.broadcast %add3A_673 : f32 to vector<16xf32>
      %add3A_675 = arith.addf %add3A_674, %mul3A_672 : vector<16xf32>
      %mul3A_676 = arith.mulf %mul3A_661, %add3A_675 : vector<16xf32>
      %max3A = arith.constant 0.000000e+00 : f32
      %max3A_677 = vector.broadcast %max3A : f32 to vector<16xf32>
      %max3A_678 = arith.maximumf %neg3A_651, %max3A_677 : vector<16xf32>
      %add3A_679 = arith.addf %max3A_678, %mul3A_676 : vector<16xf32>
      %abs3A_680 = math.absf %add3A_644 : vector<16xf32>
      %neg3A_681 = arith.constant 0.000000e+00 : f32
      %neg3A_682 = vector.broadcast %neg3A_681 : f32 to vector<16xf32>
      %neg3A_683 = arith.subf %neg3A_682, %abs3A_680 : vector<16xf32>
      %exp3A_684 = math.exp %neg3A_683 : vector<16xf32>
      %add3A_685 = arith.constant 2.000000e+00 : f32
      %add3A_686 = vector.broadcast %add3A_685 : f32 to vector<16xf32>
      %add3A_687 = arith.addf %add3A_686, %exp3A_684 : vector<16xf32>
      %div3A_688 = arith.divf %exp3A_684, %add3A_687 : vector<16xf32>
      %mul3A_689 = arith.mulf %div3A_688, %div3A_688 : vector<16xf32>
      %mul3A_690 = arith.constant 2.000000e+00 : f32
      %mul3A_691 = vector.broadcast %mul3A_690 : f32 to vector<16xf32>
      %mul3A_692 = arith.mulf %mul3A_691, %div3A_688 : vector<16xf32>
      %mul3A_693 = arith.constant 0.142857149 : f32
      %mul3A_694 = vector.broadcast %mul3A_693 : f32 to vector<16xf32>
      %mul3A_695 = arith.mulf %mul3A_689, %mul3A_694 : vector<16xf32>
      %add3A_696 = arith.constant 2.000000e-01 : f32
      %add3A_697 = vector.broadcast %add3A_696 : f32 to vector<16xf32>
      %add3A_698 = arith.addf %add3A_697, %mul3A_695 : vector<16xf32>
      %mul3A_699 = arith.mulf %mul3A_689, %add3A_698 : vector<16xf32>
      %add3A_700 = arith.constant 0.333333343 : f32
      %add3A_701 = vector.broadcast %add3A_700 : f32 to vector<16xf32>
      %add3A_702 = arith.addf %add3A_701, %mul3A_699 : vector<16xf32>
      %mul3A_703 = arith.mulf %mul3A_689, %add3A_702 : vector<16xf32>
      %add3A_704 = arith.constant 1.000000e+00 : f32
      %add3A_705 = vector.broadcast %add3A_704 : f32 to vector<16xf32>
      %add3A_706 = arith.addf %add3A_705, %mul3A_703 : vector<16xf32>
      %mul3A_707 = arith.mulf %mul3A_692, %add3A_706 : vector<16xf32>
      %max3A_708 = arith.constant 0.000000e+00 : f32
      %max3A_709 = vector.broadcast %max3A_708 : f32 to vector<16xf32>
      %max3A_710 = arith.maximumf %add3A_644, %max3A_709 : vector<16xf32>
      %add3A_711 = arith.addf %max3A_710, %mul3A_707 : vector<16xf32>
      %add3A_712 = arith.addf %add3A_679, %add3A_711 : vector<16xf32>
      %abs3A_713 = math.absf %add3A_649 : vector<16xf32>
      %neg3A_714 = arith.constant 0.000000e+00 : f32
      %neg3A_715 = vector.broadcast %neg3A_714 : f32 to vector<16xf32>
      %neg3A_716 = arith.subf %neg3A_715, %abs3A_713 : vector<16xf32>
      %exp3A_717 = math.exp %neg3A_716 : vector<16xf32>
      %add3A_718 = arith.constant 2.000000e+00 : f32
      %add3A_719 = vector.broadcast %add3A_718 : f32 to vector<16xf32>
      %add3A_720 = arith.addf %add3A_719, %exp3A_717 : vector<16xf32>
      %div3A_721 = arith.divf %exp3A_717, %add3A_720 : vector<16xf32>
      %mul3A_722 = arith.mulf %div3A_721, %div3A_721 : vector<16xf32>
      %mul3A_723 = arith.constant 2.000000e+00 : f32
      %mul3A_724 = vector.broadcast %mul3A_723 : f32 to vector<16xf32>
      %mul3A_725 = arith.mulf %mul3A_724, %div3A_721 : vector<16xf32>
      %mul3A_726 = arith.constant 0.142857149 : f32
      %mul3A_727 = vector.broadcast %mul3A_726 : f32 to vector<16xf32>
      %mul3A_728 = arith.mulf %mul3A_722, %mul3A_727 : vector<16xf32>
      %add3A_729 = arith.constant 2.000000e-01 : f32
      %add3A_730 = vector.broadcast %add3A_729 : f32 to vector<16xf32>
      %add3A_731 = arith.addf %add3A_730, %mul3A_728 : vector<16xf32>
      %mul3A_732 = arith.mulf %mul3A_722, %add3A_731 : vector<16xf32>
      %add3A_733 = arith.constant 0.333333343 : f32
      %add3A_734 = vector.broadcast %add3A_733 : f32 to vector<16xf32>
      %add3A_735 = arith.addf %add3A_734, %mul3A_732 : vector<16xf32>
      %mul3A_736 = arith.mulf %mul3A_722, %add3A_735 : vector<16xf32>
      %add3A_737 = arith.constant 1.000000e+00 : f32
      %add3A_738 = vector.broadcast %add3A_737 : f32 to vector<16xf32>
      %add3A_739 = arith.addf %add3A_738, %mul3A_736 : vector<16xf32>
      %mul3A_740 = arith.mulf %mul3A_725, %add3A_739 : vector<16xf32>
      %max3A_741 = arith.constant 0.000000e+00 : f32
      %max3A_742 = vector.broadcast %max3A_741 : f32 to vector<16xf32>
      %max3A_743 = arith.maximumf %add3A_649, %max3A_742 : vector<16xf32>
      %add3A_744 = arith.addf %max3A_743, %mul3A_740 : vector<16xf32>
      %add3A_745 = arith.addf %add3A_712, %add3A_744 : vector<16xf32>
      %mul3A_746 = arith.constant 16 : i32
      %mul3A_747 = arith.muli %scan3A_402, %mul3A_746 : i32
      %swap3A = arith.index_cast %mul3A_747 : i32 to index
      %swap3A_748 = tpu.vector_load %arg18[%swap3A] {strides = array<i32>} : memref<128xf32, #tpu.memory_space<vmem>>, vector<16xf32>,
      tpu.vector_store %arg18[%swap3A], %add3A_745 {strides = array<i32>} : memref<128xf32, #tpu.memory_space<vmem>>, vector<16xf32>,
      %scan3A_749 = arith.constant 0 : i32
      scf.yield %scan3A_749 : i32
    }
    %scan3A_241 = arith.constant 8 : i32
    "tpu.region"() ({
      %run_scoped3A_402 = tpu.sem_alloc : memref<!tpu.dma_semaphore, #tpu.memory_space<semaphore_mem>>
      %dma_start3A_403 = tpu.memref_slice %arg6[%add3A_223] : memref<16384xf32, #tpu.memory_space<hbm>> -> memref<128xf32, #tpu.memory_space<hbm>>
      %dma_start3A_404 = tpu.memref_slice %arg6[%add3A_223] : memref<16384xf32, #tpu.memory_space<hbm>> -> memref<128xf32, #tpu.memory_space<hbm>>
      tpu.enqueue_dma source(%arg18 : memref<128xf32, #tpu.memory_space<vmem>>) target(%dma_start3A_404 : memref<128xf32, #tpu.memory_space<hbm>>) target_semaphore(%run_scoped3A_402 : memref<!tpu.dma_semaphore, #tpu.memory_space<semaphore_mem>>)
      %dma_wait3A_405 = tpu.memref_slice %arg6[%add3A_223] : memref<16384xf32, #tpu.memory_space<hbm>> -> memref<128xf32, #tpu.memory_space<hbm>>
      %dma_wait3A_406 = tpu.memref_slice %arg6[%add3A_223] : memref<16384xf32, #tpu.memory_space<hbm>> -> memref<128xf32, #tpu.memory_space<hbm>>
      tpu.wait_dma2 semaphore(%run_scoped3A_402 : memref<!tpu.dma_semaphore, #tpu.memory_space<semaphore_mem>>) src(%arg18 : memref<128xf32, #tpu.memory_space<vmem>>) dst(%dma_wait3A_406 : memref<128xf32, #tpu.memory_space<hbm>>)
      tpu.yield
    }) : () -> ()
    %dma_wait3A_242 = arith.constant 0 : i32
    %dma_wait3A_243 = arith.constant 0 : i32
    %dma_wait3A_244 = arith.constant 0 : i32
    %dma_wait3A_245 = tpu.memref_slice %arg11[%dma_wait3A_242, %dma_wait3A_243, %dma_wait3A_244] : memref<2x128x64xf32, #tpu.memory_space<vmem>> -> memref<1x128x64xf32, #tpu.memory_space<vmem>>
    %dma_wait3A_246 = tpu.memref_squeeze %dma_wait3A_245 : memref<1x128x64xf32, #tpu.memory_space<vmem>> -> memref<128x64xf32, #tpu.memory_space<vmem>>
    %dma_wait3A_247 = arith.constant 256 : i32
    %dma_wait3A_248 = tpu.memref_slice %arg7[%dma_wait3A_247] : memref<512xi32, #tpu.memory_space<vmem>> -> memref<128xi32, #tpu.memory_space<vmem>>
    %dma_wait3A_249 = arith.constant 0 : i32
    %dma_wait3A_250 = arith.constant 0 : i32
    %dma_wait3A_251 = tpu.memref_slice %arg5[%dma_wait3A_249, %dma_wait3A_250] : memref<100000x64xf32, #tpu.memory_space<hbm>> -> memref<100000x64xf32, #tpu.memory_space<hbm>>
    tpu.wait_indirect_dma semaphore(%arg19 : memref<!tpu.dma_semaphore, #tpu.memory_space<semaphore_mem>>) src(%dma_wait3A_251 : memref<100000x64xf32, #tpu.memory_space<hbm>>) dst(%dma_wait3A_246 : memref<128x64xf32, #tpu.memory_space<vmem>>)
    %dma_wait3A_252 = arith.constant 0 : i32
    %dma_wait3A_253 = arith.constant 0 : i32
    %dma_wait3A_254 = arith.constant 0 : i32
    %dma_wait3A_255 = tpu.memref_slice %arg12[%dma_wait3A_252, %dma_wait3A_253, %dma_wait3A_254] : memref<2x128x64xf32, #tpu.memory_space<vmem>> -> memref<1x128x64xf32, #tpu.memory_space<vmem>>
    %dma_wait3A_256 = tpu.memref_squeeze %dma_wait3A_255 : memref<1x128x64xf32, #tpu.memory_space<vmem>> -> memref<128x64xf32, #tpu.memory_space<vmem>>
    %dma_wait3A_257 = arith.constant 256 : i32
    %dma_wait3A_258 = tpu.memref_slice %arg8[%dma_wait3A_257] : memref<512xi32, #tpu.memory_space<vmem>> -> memref<128xi32, #tpu.memory_space<vmem>>
    %dma_wait3A_259 = arith.constant 0 : i32
    %dma_wait3A_260 = arith.constant 0 : i32
    %dma_wait3A_261 = tpu.memref_slice %arg5[%dma_wait3A_259, %dma_wait3A_260] : memref<100000x64xf32, #tpu.memory_space<hbm>> -> memref<100000x64xf32, #tpu.memory_space<hbm>>
    tpu.wait_indirect_dma semaphore(%arg19 : memref<!tpu.dma_semaphore, #tpu.memory_space<semaphore_mem>>) src(%dma_wait3A_261 : memref<100000x64xf32, #tpu.memory_space<hbm>>) dst(%dma_wait3A_256 : memref<128x64xf32, #tpu.memory_space<vmem>>)
    %dma_wait3A_262 = arith.constant 0 : i32
    %dma_wait3A_263 = arith.constant 0 : i32
    %dma_wait3A_264 = arith.constant 0 : i32
    %dma_wait3A_265 = tpu.memref_slice %arg13[%dma_wait3A_262, %dma_wait3A_263, %dma_wait3A_264] : memref<2x128x64xf32, #tpu.memory_space<vmem>> -> memref<1x128x64xf32, #tpu.memory_space<vmem>>
    %dma_wait3A_266 = tpu.memref_squeeze %dma_wait3A_265 : memref<1x128x64xf32, #tpu.memory_space<vmem>> -> memref<128x64xf32, #tpu.memory_space<vmem>>
    %dma_wait3A_267 = arith.constant 256 : i32
    %dma_wait3A_268 = tpu.memref_slice %arg9[%dma_wait3A_267] : memref<512xi32, #tpu.memory_space<vmem>> -> memref<128xi32, #tpu.memory_space<vmem>>
    %dma_wait3A_269 = arith.constant 0 : i32
    %dma_wait3A_270 = arith.constant 0 : i32
    %dma_wait3A_271 = tpu.memref_slice %arg5[%dma_wait3A_269, %dma_wait3A_270] : memref<100000x64xf32, #tpu.memory_space<hbm>> -> memref<100000x64xf32, #tpu.memory_space<hbm>>
    tpu.wait_indirect_dma semaphore(%arg19 : memref<!tpu.dma_semaphore, #tpu.memory_space<semaphore_mem>>) src(%dma_wait3A_271 : memref<100000x64xf32, #tpu.memory_space<hbm>>) dst(%dma_wait3A_266 : memref<128x64xf32, #tpu.memory_space<vmem>>)
    %dma_wait3A_272 = arith.constant 0 : i32
    %dma_wait3A_273 = arith.constant 0 : i32
    %dma_wait3A_274 = arith.constant 0 : i32
    %dma_wait3A_275 = tpu.memref_slice %arg14[%dma_wait3A_272, %dma_wait3A_273, %dma_wait3A_274] : memref<2x128x64xf32, #tpu.memory_space<vmem>> -> memref<1x128x64xf32, #tpu.memory_space<vmem>>
    %dma_wait3A_276 = tpu.memref_squeeze %dma_wait3A_275 : memref<1x128x64xf32, #tpu.memory_space<vmem>> -> memref<128x64xf32, #tpu.memory_space<vmem>>
    %dma_wait3A_277 = arith.constant 256 : i32
    %dma_wait3A_278 = tpu.memref_slice %arg10[%dma_wait3A_277] : memref<512xi32, #tpu.memory_space<vmem>> -> memref<128xi32, #tpu.memory_space<vmem>>
    %dma_wait3A_279 = arith.constant 0 : i32
    %dma_wait3A_280 = arith.constant 0 : i32
    %dma_wait3A_281 = tpu.memref_slice %arg5[%dma_wait3A_279, %dma_wait3A_280] : memref<100000x64xf32, #tpu.memory_space<hbm>> -> memref<100000x64xf32, #tpu.memory_space<hbm>>
    tpu.wait_indirect_dma semaphore(%arg19 : memref<!tpu.dma_semaphore, #tpu.memory_space<semaphore_mem>>) src(%dma_wait3A_281 : memref<100000x64xf32, #tpu.memory_space<hbm>>) dst(%dma_wait3A_276 : memref<128x64xf32, #tpu.memory_space<vmem>>)
    %dma_start3A_282 = arith.constant 1 : i32
    %dma_start3A_283 = arith.constant 0 : i32
    %dma_start3A_284 = arith.constant 0 : i32
    %dma_start3A_285 = tpu.memref_slice %arg11[%dma_start3A_282, %dma_start3A_283, %dma_start3A_284] : memref<2x128x64xf32, #tpu.memory_space<vmem>> -> memref<1x128x64xf32, #tpu.memory_space<vmem>>
    %dma_start3A_286 = tpu.memref_squeeze %dma_start3A_285 : memref<1x128x64xf32, #tpu.memory_space<vmem>> -> memref<128x64xf32, #tpu.memory_space<vmem>>
    %dma_start3A_287 = arith.constant 384 : i32
    %dma_start3A_288 = tpu.memref_slice %arg7[%dma_start3A_287] : memref<512xi32, #tpu.memory_space<vmem>> -> memref<128xi32, #tpu.memory_space<vmem>>
    %dma_start3A_289 = arith.constant 0 : i32
    %dma_start3A_290 = arith.constant 0 : i32
    %dma_start3A_291 = tpu.memref_slice %arg5[%dma_start3A_289, %dma_start3A_290] : memref<100000x64xf32, #tpu.memory_space<hbm>> -> memref<100000x64xf32, #tpu.memory_space<hbm>>
    tpu.enqueue_indirect_dma source(%dma_start3A_291 : memref<100000x64xf32, #tpu.memory_space<hbm>>) target(%dma_start3A_286 : memref<128x64xf32, #tpu.memory_space<vmem>>) offsets(%dma_start3A_288 : memref<128xi32, #tpu.memory_space<vmem>>) semaphore(%arg19 : memref<!tpu.dma_semaphore, #tpu.memory_space<semaphore_mem>>)
    %dma_start3A_292 = arith.constant 1 : i32
    %dma_start3A_293 = arith.constant 0 : i32
    %dma_start3A_294 = arith.constant 0 : i32
    %dma_start3A_295 = tpu.memref_slice %arg12[%dma_start3A_292, %dma_start3A_293, %dma_start3A_294] : memref<2x128x64xf32, #tpu.memory_space<vmem>> -> memref<1x128x64xf32, #tpu.memory_space<vmem>>
    %dma_start3A_296 = tpu.memref_squeeze %dma_start3A_295 : memref<1x128x64xf32, #tpu.memory_space<vmem>> -> memref<128x64xf32, #tpu.memory_space<vmem>>
    %dma_start3A_297 = arith.constant 384 : i32
    %dma_start3A_298 = tpu.memref_slice %arg8[%dma_start3A_297] : memref<512xi32, #tpu.memory_space<vmem>> -> memref<128xi32, #tpu.memory_space<vmem>>
    %dma_start3A_299 = arith.constant 0 : i32
    %dma_start3A_300 = arith.constant 0 : i32
    %dma_start3A_301 = tpu.memref_slice %arg5[%dma_start3A_299, %dma_start3A_300] : memref<100000x64xf32, #tpu.memory_space<hbm>> -> memref<100000x64xf32, #tpu.memory_space<hbm>>
    tpu.enqueue_indirect_dma source(%dma_start3A_301 : memref<100000x64xf32, #tpu.memory_space<hbm>>) target(%dma_start3A_296 : memref<128x64xf32, #tpu.memory_space<vmem>>) offsets(%dma_start3A_298 : memref<128xi32, #tpu.memory_space<vmem>>) semaphore(%arg19 : memref<!tpu.dma_semaphore, #tpu.memory_space<semaphore_mem>>)
    %dma_start3A_302 = arith.constant 1 : i32
    %dma_start3A_303 = arith.constant 0 : i32
    %dma_start3A_304 = arith.constant 0 : i32
    %dma_start3A_305 = tpu.memref_slice %arg13[%dma_start3A_302, %dma_start3A_303, %dma_start3A_304] : memref<2x128x64xf32, #tpu.memory_space<vmem>> -> memref<1x128x64xf32, #tpu.memory_space<vmem>>
    %dma_start3A_306 = tpu.memref_squeeze %dma_start3A_305 : memref<1x128x64xf32, #tpu.memory_space<vmem>> -> memref<128x64xf32, #tpu.memory_space<vmem>>
    %dma_start3A_307 = arith.constant 384 : i32
    %dma_start3A_308 = tpu.memref_slice %arg9[%dma_start3A_307] : memref<512xi32, #tpu.memory_space<vmem>> -> memref<128xi32, #tpu.memory_space<vmem>>
    %dma_start3A_309 = arith.constant 0 : i32
    %dma_start3A_310 = arith.constant 0 : i32
    %dma_start3A_311 = tpu.memref_slice %arg5[%dma_start3A_309, %dma_start3A_310] : memref<100000x64xf32, #tpu.memory_space<hbm>> -> memref<100000x64xf32, #tpu.memory_space<hbm>>
    tpu.enqueue_indirect_dma source(%dma_start3A_311 : memref<100000x64xf32, #tpu.memory_space<hbm>>) target(%dma_start3A_306 : memref<128x64xf32, #tpu.memory_space<vmem>>) offsets(%dma_start3A_308 : memref<128xi32, #tpu.memory_space<vmem>>) semaphore(%arg19 : memref<!tpu.dma_semaphore, #tpu.memory_space<semaphore_mem>>)
    %dma_start3A_312 = arith.constant 1 : i32
    %dma_start3A_313 = arith.constant 0 : i32
    %dma_start3A_314 = arith.constant 0 : i32
    %dma_start3A_315 = tpu.memref_slice %arg14[%dma_start3A_312, %dma_start3A_313, %dma_start3A_314] : memref<2x128x64xf32, #tpu.memory_space<vmem>> -> memref<1x128x64xf32, #tpu.memory_space<vmem>>
    %dma_start3A_316 = tpu.memref_squeeze %dma_start3A_315 : memref<1x128x64xf32, #tpu.memory_space<vmem>> -> memref<128x64xf32, #tpu.memory_space<vmem>>
    %dma_start3A_317 = arith.constant 384 : i32
    %dma_start3A_318 = tpu.memref_slice %arg10[%dma_start3A_317] : memref<512xi32, #tpu.memory_space<vmem>> -> memref<128xi32, #tpu.memory_space<vmem>>
    %dma_start3A_319 = arith.constant 0 : i32
    %dma_start3A_320 = arith.constant 0 : i32
    %dma_start3A_321 = tpu.memref_slice %arg5[%dma_start3A_319, %dma_start3A_320] : memref<100000x64xf32, #tpu.memory_space<hbm>> -> memref<100000x64xf32, #tpu.memory_space<hbm>>
    tpu.enqueue_indirect_dma source(%dma_start3A_321 : memref<100000x64xf32, #tpu.memory_space<hbm>>) target(%dma_start3A_316 : memref<128x64xf32, #tpu.memory_space<vmem>>) offsets(%dma_start3A_318 : memref<128xi32, #tpu.memory_space<vmem>>) semaphore(%arg19 : memref<!tpu.dma_semaphore, #tpu.memory_space<semaphore_mem>>)
    %add3A_322 = arith.constant 256 : i32
    %add3A_323 = arith.addi %mul3A_2, %add3A_322 : i32
    %scan3A_324 = arith.constant 0 : i32
    %scan3A_325 = arith.constant 0 : i32
    %scan3A_326 = arith.constant 0 : i32
    %scan3A_327 = arith.constant 0 : i32
    %scan3A_328 = arith.constant 0 : i32
    %scan3A_329 = arith.constant 0 : i32
    %scan3A_330 = arith.constant 128 : i32
    %scan3A_331 = arith.addi %scan3A_329, %scan3A_330 : i32
    %scan3A_332 = arith.constant 1 : i32
    %scan3A_333 = scf.for %scan3A_402 = %scan3A_329 to %scan3A_331 step %scan3A_332 iter_args(%scan3A_403 = %scan3A_328) -> (i32)  : i32 {
      %get3A = arith.constant 0 : i32
      %get3A_404 = arith.constant 0 : i32
      %get3A_405 = tpu.memref_slice %arg11[%scan3A_324, %get3A, %get3A_404] : memref<2x128x64xf32, #tpu.memory_space<vmem>> -> memref<1x128x64xf32, #tpu.memory_space<vmem>>
      %get3A_406 = tpu.memref_squeeze %get3A_405 : memref<1x128x64xf32, #tpu.memory_space<vmem>> -> memref<128x64xf32, #tpu.memory_space<vmem>>
      %get3A_407 = arith.index_cast %scan3A_402 : i32 to index
      %get3A_408 = arith.constant 0 : index
      %get3A_409 = tpu.vector_load %get3A_406[%get3A_407, %get3A_408] {strides = array<i32>} : memref<128x64xf32, #tpu.memory_space<vmem>>, vector<16xf32>,
      %get3A_410 = arith.constant 0 : i32
      %get3A_411 = arith.constant 0 : i32
      %get3A_412 = tpu.memref_slice %arg11[%scan3A_324, %get3A_410, %get3A_411] : memref<2x128x64xf32, #tpu.memory_space<vmem>> -> memref<1x128x64xf32, #tpu.memory_space<vmem>>
      %get3A_413 = tpu.memref_squeeze %get3A_412 : memref<1x128x64xf32, #tpu.memory_space<vmem>> -> memref<128x64xf32, #tpu.memory_space<vmem>>
      %get3A_414 = arith.index_cast %scan3A_402 : i32 to index
      %get3A_415 = arith.constant 16 : index
      %get3A_416 = tpu.vector_load %get3A_413[%get3A_414, %get3A_415] {strides = array<i32>} : memref<128x64xf32, #tpu.memory_space<vmem>>, vector<16xf32>,
      %get3A_417 = arith.constant 0 : i32
      %get3A_418 = arith.constant 0 : i32
      %get3A_419 = tpu.memref_slice %arg11[%scan3A_324, %get3A_417, %get3A_418] : memref<2x128x64xf32, #tpu.memory_space<vmem>> -> memref<1x128x64xf32, #tpu.memory_space<vmem>>
      %get3A_420 = tpu.memref_squeeze %get3A_419 : memref<1x128x64xf32, #tpu.memory_space<vmem>> -> memref<128x64xf32, #tpu.memory_space<vmem>>
      %get3A_421 = arith.index_cast %scan3A_402 : i32 to index
      %get3A_422 = arith.constant 32 : index
      %get3A_423 = tpu.vector_load %get3A_420[%get3A_421, %get3A_422] {strides = array<i32>} : memref<128x64xf32, #tpu.memory_space<vmem>>, vector<16xf32>,
      %get3A_424 = arith.constant 0 : i32
      %get3A_425 = arith.constant 0 : i32
      %get3A_426 = tpu.memref_slice %arg11[%scan3A_324, %get3A_424, %get3A_425] : memref<2x128x64xf32, #tpu.memory_space<vmem>> -> memref<1x128x64xf32, #tpu.memory_space<vmem>>
      %get3A_427 = tpu.memref_squeeze %get3A_426 : memref<1x128x64xf32, #tpu.memory_space<vmem>> -> memref<128x64xf32, #tpu.memory_space<vmem>>
      %get3A_428 = arith.index_cast %scan3A_402 : i32 to index
      %get3A_429 = arith.constant 48 : index
      %get3A_430 = tpu.vector_load %get3A_427[%get3A_428, %get3A_429] {strides = array<i32>} : memref<128x64xf32, #tpu.memory_space<vmem>>, vector<16xf32>,
      %get3A_431 = arith.constant 0 : i32
      %get3A_432 = arith.constant 0 : i32
      %get3A_433 = tpu.memref_slice %arg12[%scan3A_325, %get3A_431, %get3A_432] : memref<2x128x64xf32, #tpu.memory_space<vmem>> -> memref<1x128x64xf32, #tpu.memory_space<vmem>>
      %get3A_434 = tpu.memref_squeeze %get3A_433 : memref<1x128x64xf32, #tpu.memory_space<vmem>> -> memref<128x64xf32, #tpu.memory_space<vmem>>
      %get3A_435 = arith.index_cast %scan3A_402 : i32 to index
      %get3A_436 = arith.constant 0 : index
      %get3A_437 = tpu.vector_load %get3A_434[%get3A_435, %get3A_436] {strides = array<i32>} : memref<128x64xf32, #tpu.memory_space<vmem>>, vector<16xf32>,
      %get3A_438 = arith.constant 0 : i32
      %get3A_439 = arith.constant 0 : i32
      %get3A_440 = tpu.memref_slice %arg12[%scan3A_325, %get3A_438, %get3A_439] : memref<2x128x64xf32, #tpu.memory_space<vmem>> -> memref<1x128x64xf32, #tpu.memory_space<vmem>>
      %get3A_441 = tpu.memref_squeeze %get3A_440 : memref<1x128x64xf32, #tpu.memory_space<vmem>> -> memref<128x64xf32, #tpu.memory_space<vmem>>
      %get3A_442 = arith.index_cast %scan3A_402 : i32 to index
      %get3A_443 = arith.constant 16 : index
      %get3A_444 = tpu.vector_load %get3A_441[%get3A_442, %get3A_443] {strides = array<i32>} : memref<128x64xf32, #tpu.memory_space<vmem>>, vector<16xf32>,
      %get3A_445 = arith.constant 0 : i32
      %get3A_446 = arith.constant 0 : i32
      %get3A_447 = tpu.memref_slice %arg12[%scan3A_325, %get3A_445, %get3A_446] : memref<2x128x64xf32, #tpu.memory_space<vmem>> -> memref<1x128x64xf32, #tpu.memory_space<vmem>>
      %get3A_448 = tpu.memref_squeeze %get3A_447 : memref<1x128x64xf32, #tpu.memory_space<vmem>> -> memref<128x64xf32, #tpu.memory_space<vmem>>
      %get3A_449 = arith.index_cast %scan3A_402 : i32 to index
      %get3A_450 = arith.constant 32 : index
      %get3A_451 = tpu.vector_load %get3A_448[%get3A_449, %get3A_450] {strides = array<i32>} : memref<128x64xf32, #tpu.memory_space<vmem>>, vector<16xf32>,
      %get3A_452 = arith.constant 0 : i32
      %get3A_453 = arith.constant 0 : i32
      %get3A_454 = tpu.memref_slice %arg12[%scan3A_325, %get3A_452, %get3A_453] : memref<2x128x64xf32, #tpu.memory_space<vmem>> -> memref<1x128x64xf32, #tpu.memory_space<vmem>>
      %get3A_455 = tpu.memref_squeeze %get3A_454 : memref<1x128x64xf32, #tpu.memory_space<vmem>> -> memref<128x64xf32, #tpu.memory_space<vmem>>
      %get3A_456 = arith.index_cast %scan3A_402 : i32 to index
      %get3A_457 = arith.constant 48 : index
      %get3A_458 = tpu.vector_load %get3A_455[%get3A_456, %get3A_457] {strides = array<i32>} : memref<128x64xf32, #tpu.memory_space<vmem>>, vector<16xf32>,
      %get3A_459 = arith.constant 0 : i32
      %get3A_460 = arith.constant 0 : i32
      %get3A_461 = tpu.memref_slice %arg13[%scan3A_326, %get3A_459, %get3A_460] : memref<2x128x64xf32, #tpu.memory_space<vmem>> -> memref<1x128x64xf32, #tpu.memory_space<vmem>>
      %get3A_462 = tpu.memref_squeeze %get3A_461 : memref<1x128x64xf32, #tpu.memory_space<vmem>> -> memref<128x64xf32, #tpu.memory_space<vmem>>
      %get3A_463 = arith.index_cast %scan3A_402 : i32 to index
      %get3A_464 = arith.constant 0 : index
      %get3A_465 = tpu.vector_load %get3A_462[%get3A_463, %get3A_464] {strides = array<i32>} : memref<128x64xf32, #tpu.memory_space<vmem>>, vector<16xf32>,
      %get3A_466 = arith.constant 0 : i32
      %get3A_467 = arith.constant 0 : i32
      %get3A_468 = tpu.memref_slice %arg13[%scan3A_326, %get3A_466, %get3A_467] : memref<2x128x64xf32, #tpu.memory_space<vmem>> -> memref<1x128x64xf32, #tpu.memory_space<vmem>>
      %get3A_469 = tpu.memref_squeeze %get3A_468 : memref<1x128x64xf32, #tpu.memory_space<vmem>> -> memref<128x64xf32, #tpu.memory_space<vmem>>
      %get3A_470 = arith.index_cast %scan3A_402 : i32 to index
      %get3A_471 = arith.constant 16 : index
      %get3A_472 = tpu.vector_load %get3A_469[%get3A_470, %get3A_471] {strides = array<i32>} : memref<128x64xf32, #tpu.memory_space<vmem>>, vector<16xf32>,
      %get3A_473 = arith.constant 0 : i32
      %get3A_474 = arith.constant 0 : i32
      %get3A_475 = tpu.memref_slice %arg13[%scan3A_326, %get3A_473, %get3A_474] : memref<2x128x64xf32, #tpu.memory_space<vmem>> -> memref<1x128x64xf32, #tpu.memory_space<vmem>>
      %get3A_476 = tpu.memref_squeeze %get3A_475 : memref<1x128x64xf32, #tpu.memory_space<vmem>> -> memref<128x64xf32, #tpu.memory_space<vmem>>
      %get3A_477 = arith.index_cast %scan3A_402 : i32 to index
      %get3A_478 = arith.constant 32 : index
      %get3A_479 = tpu.vector_load %get3A_476[%get3A_477, %get3A_478] {strides = array<i32>} : memref<128x64xf32, #tpu.memory_space<vmem>>, vector<16xf32>,
      %get3A_480 = arith.constant 0 : i32
      %get3A_481 = arith.constant 0 : i32
      %get3A_482 = tpu.memref_slice %arg13[%scan3A_326, %get3A_480, %get3A_481] : memref<2x128x64xf32, #tpu.memory_space<vmem>> -> memref<1x128x64xf32, #tpu.memory_space<vmem>>
      %get3A_483 = tpu.memref_squeeze %get3A_482 : memref<1x128x64xf32, #tpu.memory_space<vmem>> -> memref<128x64xf32, #tpu.memory_space<vmem>>
      %get3A_484 = arith.index_cast %scan3A_402 : i32 to index
      %get3A_485 = arith.constant 48 : index
      %get3A_486 = tpu.vector_load %get3A_483[%get3A_484, %get3A_485] {strides = array<i32>} : memref<128x64xf32, #tpu.memory_space<vmem>>, vector<16xf32>,
      %get3A_487 = arith.constant 0 : i32
      %get3A_488 = arith.constant 0 : i32
      %get3A_489 = tpu.memref_slice %arg14[%scan3A_327, %get3A_487, %get3A_488] : memref<2x128x64xf32, #tpu.memory_space<vmem>> -> memref<1x128x64xf32, #tpu.memory_space<vmem>>
      %get3A_490 = tpu.memref_squeeze %get3A_489 : memref<1x128x64xf32, #tpu.memory_space<vmem>> -> memref<128x64xf32, #tpu.memory_space<vmem>>
      %get3A_491 = arith.index_cast %scan3A_402 : i32 to index
      %get3A_492 = arith.constant 0 : index
      %get3A_493 = tpu.vector_load %get3A_490[%get3A_491, %get3A_492] {strides = array<i32>} : memref<128x64xf32, #tpu.memory_space<vmem>>, vector<16xf32>,
      %get3A_494 = arith.constant 0 : i32
      %get3A_495 = arith.constant 0 : i32
      %get3A_496 = tpu.memref_slice %arg14[%scan3A_327, %get3A_494, %get3A_495] : memref<2x128x64xf32, #tpu.memory_space<vmem>> -> memref<1x128x64xf32, #tpu.memory_space<vmem>>
      %get3A_497 = tpu.memref_squeeze %get3A_496 : memref<1x128x64xf32, #tpu.memory_space<vmem>> -> memref<128x64xf32, #tpu.memory_space<vmem>>
      %get3A_498 = arith.index_cast %scan3A_402 : i32 to index
      %get3A_499 = arith.constant 16 : index
      %get3A_500 = tpu.vector_load %get3A_497[%get3A_498, %get3A_499] {strides = array<i32>} : memref<128x64xf32, #tpu.memory_space<vmem>>, vector<16xf32>,
      %get3A_501 = arith.constant 0 : i32
      %get3A_502 = arith.constant 0 : i32
      %get3A_503 = tpu.memref_slice %arg14[%scan3A_327, %get3A_501, %get3A_502] : memref<2x128x64xf32, #tpu.memory_space<vmem>> -> memref<1x128x64xf32, #tpu.memory_space<vmem>>
      %get3A_504 = tpu.memref_squeeze %get3A_503 : memref<1x128x64xf32, #tpu.memory_space<vmem>> -> memref<128x64xf32, #tpu.memory_space<vmem>>
      %get3A_505 = arith.index_cast %scan3A_402 : i32 to index
      %get3A_506 = arith.constant 32 : index
      %get3A_507 = tpu.vector_load %get3A_504[%get3A_505, %get3A_506] {strides = array<i32>} : memref<128x64xf32, #tpu.memory_space<vmem>>, vector<16xf32>,
      %get3A_508 = arith.constant 0 : i32
      %get3A_509 = arith.constant 0 : i32
      %get3A_510 = tpu.memref_slice %arg14[%scan3A_327, %get3A_508, %get3A_509] : memref<2x128x64xf32, #tpu.memory_space<vmem>> -> memref<1x128x64xf32, #tpu.memory_space<vmem>>
      %get3A_511 = tpu.memref_squeeze %get3A_510 : memref<1x128x64xf32, #tpu.memory_space<vmem>> -> memref<128x64xf32, #tpu.memory_space<vmem>>
      %get3A_512 = arith.index_cast %scan3A_402 : i32 to index
      %get3A_513 = arith.constant 48 : index
      %get3A_514 = tpu.vector_load %get3A_511[%get3A_512, %get3A_513] {strides = array<i32>} : memref<128x64xf32, #tpu.memory_space<vmem>>, vector<16xf32>,
      %mul3A_515 = arith.mulf %get3A_409, %get3A_437 : vector<16xf32>
      %add3A_516 = arith.addf %broadcast_in_dim3A_3, %mul3A_515 : vector<16xf32>
      %mul3A_517 = arith.mulf %get3A_409, %get3A_465 : vector<16xf32>
      %add3A_518 = arith.addf %broadcast_in_dim3A_3, %mul3A_517 : vector<16xf32>
      %mul3A_519 = arith.mulf %get3A_409, %get3A_493 : vector<16xf32>
      %add3A_520 = arith.addf %broadcast_in_dim3A_3, %mul3A_519 : vector<16xf32>
      %mul3A_521 = arith.mulf %get3A_416, %get3A_444 : vector<16xf32>
      %add3A_522 = arith.addf %add3A_516, %mul3A_521 : vector<16xf32>
      %mul3A_523 = arith.mulf %get3A_416, %get3A_472 : vector<16xf32>
      %add3A_524 = arith.addf %add3A_518, %mul3A_523 : vector<16xf32>
      %mul3A_525 = arith.mulf %get3A_416, %get3A_500 : vector<16xf32>
      %add3A_526 = arith.addf %add3A_520, %mul3A_525 : vector<16xf32>
      %mul3A_527 = arith.mulf %get3A_423, %get3A_451 : vector<16xf32>
      %add3A_528 = arith.addf %add3A_522, %mul3A_527 : vector<16xf32>
      %mul3A_529 = arith.mulf %get3A_423, %get3A_479 : vector<16xf32>
      %add3A_530 = arith.addf %add3A_524, %mul3A_529 : vector<16xf32>
      %mul3A_531 = arith.mulf %get3A_423, %get3A_507 : vector<16xf32>
      %add3A_532 = arith.addf %add3A_526, %mul3A_531 : vector<16xf32>
      %mul3A_533 = arith.mulf %get3A_430, %get3A_458 : vector<16xf32>
      %add3A_534 = arith.addf %add3A_528, %mul3A_533 : vector<16xf32>
      %mul3A_535 = arith.mulf %get3A_430, %get3A_486 : vector<16xf32>
      %add3A_536 = arith.addf %add3A_530, %mul3A_535 : vector<16xf32>
      %mul3A_537 = arith.mulf %get3A_430, %get3A_514 : vector<16xf32>
      %add3A_538 = arith.addf %add3A_532, %mul3A_537 : vector<16xf32>
      %mul3A_539 = arith.constant 16 : i32
      %mul3A_540 = arith.muli %scan3A_402, %mul3A_539 : i32
      %swap3A = arith.index_cast %mul3A_540 : i32 to index
      %swap3A_541 = tpu.vector_load %arg15[%swap3A] {strides = array<i32>} : memref<2048xf32, #tpu.memory_space<vmem>>, vector<16xf32>,
      tpu.vector_store %arg15[%swap3A], %add3A_534 {strides = array<i32>} : memref<2048xf32, #tpu.memory_space<vmem>>, vector<16xf32>,
      %mul3A_542 = arith.constant 16 : i32
      %mul3A_543 = arith.muli %scan3A_402, %mul3A_542 : i32
      %swap3A_544 = arith.index_cast %mul3A_543 : i32 to index
      %swap3A_545 = tpu.vector_load %arg16[%swap3A_544] {strides = array<i32>} : memref<2048xf32, #tpu.memory_space<vmem>>, vector<16xf32>,
      tpu.vector_store %arg16[%swap3A_544], %add3A_536 {strides = array<i32>} : memref<2048xf32, #tpu.memory_space<vmem>>, vector<16xf32>,
      %mul3A_546 = arith.constant 16 : i32
      %mul3A_547 = arith.muli %scan3A_402, %mul3A_546 : i32
      %swap3A_548 = arith.index_cast %mul3A_547 : i32 to index
      %swap3A_549 = tpu.vector_load %arg17[%swap3A_548] {strides = array<i32>} : memref<2048xf32, #tpu.memory_space<vmem>>, vector<16xf32>,
      tpu.vector_store %arg17[%swap3A_548], %add3A_538 {strides = array<i32>} : memref<2048xf32, #tpu.memory_space<vmem>>, vector<16xf32>,
      %scan3A_550 = arith.constant 0 : i32
      scf.yield %scan3A_550 : i32
    }
    %scan3A_334 = arith.constant 128 : i32
    %scan3A_335 = arith.constant 0 : i32
    %scan3A_336 = arith.constant 0 : i32
    %scan3A_337 = arith.constant 8 : i32
    %scan3A_338 = arith.addi %scan3A_336, %scan3A_337 : i32
    %scan3A_339 = arith.constant 1 : i32
    %scan3A_340 = scf.for %scan3A_402 = %scan3A_336 to %scan3A_338 step %scan3A_339 iter_args(%scan3A_403 = %scan3A_335) -> (i32)  : i32 {
      %mul3A_404 = arith.constant 16 : i32
      %mul3A_405 = arith.muli %scan3A_402, %mul3A_404 : i32
      %add3A_406 = vector.broadcast %mul3A_405 : i32 to vector<16xi32>
      %add3A_407 = arith.addi %add3A_406, %iota3A : vector<16xi32>
      %mul3A_408 = arith.constant 16 : i32
      %mul3A_409 = vector.broadcast %mul3A_408 : i32 to vector<16xi32>
      %mul3A_410 = arith.muli %add3A_407, %mul3A_409 : vector<16xi32>
      %add3A_411 = arith.constant 0 : i32
      %add3A_412 = vector.broadcast %add3A_411 : i32 to vector<16xi32>
      %add3A_413 = arith.addi %mul3A_410, %add3A_412 : vector<16xi32>
      %gather3A = tpu.vector_load_idx %arg15[%add3A_413] : memref<2048xf32, #tpu.memory_space<vmem>>[vector<16xi32>], vector<16xf32>,
      %add3A_414 = arith.addf %broadcast_in_dim3A_3, %gather3A : vector<16xf32>
      %add3A_415 = arith.constant 0 : i32
      %add3A_416 = vector.broadcast %add3A_415 : i32 to vector<16xi32>
      %add3A_417 = arith.addi %mul3A_410, %add3A_416 : vector<16xi32>
      %gather3A_418 = tpu.vector_load_idx %arg16[%add3A_417] : memref<2048xf32, #tpu.memory_space<vmem>>[vector<16xi32>], vector<16xf32>,
      %add3A_419 = arith.addf %broadcast_in_dim3A_3, %gather3A_418 : vector<16xf32>
      %add3A_420 = arith.constant 0 : i32
      %add3A_421 = vector.broadcast %add3A_420 : i32 to vector<16xi32>
      %add3A_422 = arith.addi %mul3A_410, %add3A_421 : vector<16xi32>
      %gather3A_423 = tpu.vector_load_idx %arg17[%add3A_422] : memref<2048xf32, #tpu.memory_space<vmem>>[vector<16xi32>], vector<16xf32>,
      %add3A_424 = arith.addf %broadcast_in_dim3A_3, %gather3A_423 : vector<16xf32>
      %add3A_425 = arith.constant 1 : i32
      %add3A_426 = vector.broadcast %add3A_425 : i32 to vector<16xi32>
      %add3A_427 = arith.addi %mul3A_410, %add3A_426 : vector<16xi32>
      %gather3A_428 = tpu.vector_load_idx %arg15[%add3A_427] : memref<2048xf32, #tpu.memory_space<vmem>>[vector<16xi32>], vector<16xf32>,
      %add3A_429 = arith.addf %add3A_414, %gather3A_428 : vector<16xf32>
      %add3A_430 = arith.constant 1 : i32
      %add3A_431 = vector.broadcast %add3A_430 : i32 to vector<16xi32>
      %add3A_432 = arith.addi %mul3A_410, %add3A_431 : vector<16xi32>
      %gather3A_433 = tpu.vector_load_idx %arg16[%add3A_432] : memref<2048xf32, #tpu.memory_space<vmem>>[vector<16xi32>], vector<16xf32>,
      %add3A_434 = arith.addf %add3A_419, %gather3A_433 : vector<16xf32>
      %add3A_435 = arith.constant 1 : i32
      %add3A_436 = vector.broadcast %add3A_435 : i32 to vector<16xi32>
      %add3A_437 = arith.addi %mul3A_410, %add3A_436 : vector<16xi32>
      %gather3A_438 = tpu.vector_load_idx %arg17[%add3A_437] : memref<2048xf32, #tpu.memory_space<vmem>>[vector<16xi32>], vector<16xf32>,
      %add3A_439 = arith.addf %add3A_424, %gather3A_438 : vector<16xf32>
      %add3A_440 = arith.constant 2 : i32
      %add3A_441 = vector.broadcast %add3A_440 : i32 to vector<16xi32>
      %add3A_442 = arith.addi %mul3A_410, %add3A_441 : vector<16xi32>
      %gather3A_443 = tpu.vector_load_idx %arg15[%add3A_442] : memref<2048xf32, #tpu.memory_space<vmem>>[vector<16xi32>], vector<16xf32>,
      %add3A_444 = arith.addf %add3A_429, %gather3A_443 : vector<16xf32>
      %add3A_445 = arith.constant 2 : i32
      %add3A_446 = vector.broadcast %add3A_445 : i32 to vector<16xi32>
      %add3A_447 = arith.addi %mul3A_410, %add3A_446 : vector<16xi32>
      %gather3A_448 = tpu.vector_load_idx %arg16[%add3A_447] : memref<2048xf32, #tpu.memory_space<vmem>>[vector<16xi32>], vector<16xf32>,
      %add3A_449 = arith.addf %add3A_434, %gather3A_448 : vector<16xf32>
      %add3A_450 = arith.constant 2 : i32
      %add3A_451 = vector.broadcast %add3A_450 : i32 to vector<16xi32>
      %add3A_452 = arith.addi %mul3A_410, %add3A_451 : vector<16xi32>
      %gather3A_453 = tpu.vector_load_idx %arg17[%add3A_452] : memref<2048xf32, #tpu.memory_space<vmem>>[vector<16xi32>], vector<16xf32>,
      %add3A_454 = arith.addf %add3A_439, %gather3A_453 : vector<16xf32>
      %add3A_455 = arith.constant 3 : i32
      %add3A_456 = vector.broadcast %add3A_455 : i32 to vector<16xi32>
      %add3A_457 = arith.addi %mul3A_410, %add3A_456 : vector<16xi32>
      %gather3A_458 = tpu.vector_load_idx %arg15[%add3A_457] : memref<2048xf32, #tpu.memory_space<vmem>>[vector<16xi32>], vector<16xf32>,
      %add3A_459 = arith.addf %add3A_444, %gather3A_458 : vector<16xf32>
      %add3A_460 = arith.constant 3 : i32
      %add3A_461 = vector.broadcast %add3A_460 : i32 to vector<16xi32>
      %add3A_462 = arith.addi %mul3A_410, %add3A_461 : vector<16xi32>
      %gather3A_463 = tpu.vector_load_idx %arg16[%add3A_462] : memref<2048xf32, #tpu.memory_space<vmem>>[vector<16xi32>], vector<16xf32>,
      %add3A_464 = arith.addf %add3A_449, %gather3A_463 : vector<16xf32>
      %add3A_465 = arith.constant 3 : i32
      %add3A_466 = vector.broadcast %add3A_465 : i32 to vector<16xi32>
      %add3A_467 = arith.addi %mul3A_410, %add3A_466 : vector<16xi32>
      %gather3A_468 = tpu.vector_load_idx %arg17[%add3A_467] : memref<2048xf32, #tpu.memory_space<vmem>>[vector<16xi32>], vector<16xf32>,
      %add3A_469 = arith.addf %add3A_454, %gather3A_468 : vector<16xf32>
      %add3A_470 = arith.constant 4 : i32
      %add3A_471 = vector.broadcast %add3A_470 : i32 to vector<16xi32>
      %add3A_472 = arith.addi %mul3A_410, %add3A_471 : vector<16xi32>
      %gather3A_473 = tpu.vector_load_idx %arg15[%add3A_472] : memref<2048xf32, #tpu.memory_space<vmem>>[vector<16xi32>], vector<16xf32>,
      %add3A_474 = arith.addf %add3A_459, %gather3A_473 : vector<16xf32>
      %add3A_475 = arith.constant 4 : i32
      %add3A_476 = vector.broadcast %add3A_475 : i32 to vector<16xi32>
      %add3A_477 = arith.addi %mul3A_410, %add3A_476 : vector<16xi32>
      %gather3A_478 = tpu.vector_load_idx %arg16[%add3A_477] : memref<2048xf32, #tpu.memory_space<vmem>>[vector<16xi32>], vector<16xf32>,
      %add3A_479 = arith.addf %add3A_464, %gather3A_478 : vector<16xf32>
      %add3A_480 = arith.constant 4 : i32
      %add3A_481 = vector.broadcast %add3A_480 : i32 to vector<16xi32>
      %add3A_482 = arith.addi %mul3A_410, %add3A_481 : vector<16xi32>
      %gather3A_483 = tpu.vector_load_idx %arg17[%add3A_482] : memref<2048xf32, #tpu.memory_space<vmem>>[vector<16xi32>], vector<16xf32>,
      %add3A_484 = arith.addf %add3A_469, %gather3A_483 : vector<16xf32>
      %add3A_485 = arith.constant 5 : i32
      %add3A_486 = vector.broadcast %add3A_485 : i32 to vector<16xi32>
      %add3A_487 = arith.addi %mul3A_410, %add3A_486 : vector<16xi32>
      %gather3A_488 = tpu.vector_load_idx %arg15[%add3A_487] : memref<2048xf32, #tpu.memory_space<vmem>>[vector<16xi32>], vector<16xf32>,
      %add3A_489 = arith.addf %add3A_474, %gather3A_488 : vector<16xf32>
      %add3A_490 = arith.constant 5 : i32
      %add3A_491 = vector.broadcast %add3A_490 : i32 to vector<16xi32>
      %add3A_492 = arith.addi %mul3A_410, %add3A_491 : vector<16xi32>
      %gather3A_493 = tpu.vector_load_idx %arg16[%add3A_492] : memref<2048xf32, #tpu.memory_space<vmem>>[vector<16xi32>], vector<16xf32>,
      %add3A_494 = arith.addf %add3A_479, %gather3A_493 : vector<16xf32>
      %add3A_495 = arith.constant 5 : i32
      %add3A_496 = vector.broadcast %add3A_495 : i32 to vector<16xi32>
      %add3A_497 = arith.addi %mul3A_410, %add3A_496 : vector<16xi32>
      %gather3A_498 = tpu.vector_load_idx %arg17[%add3A_497] : memref<2048xf32, #tpu.memory_space<vmem>>[vector<16xi32>], vector<16xf32>,
      %add3A_499 = arith.addf %add3A_484, %gather3A_498 : vector<16xf32>
      %add3A_500 = arith.constant 6 : i32
      %add3A_501 = vector.broadcast %add3A_500 : i32 to vector<16xi32>
      %add3A_502 = arith.addi %mul3A_410, %add3A_501 : vector<16xi32>
      %gather3A_503 = tpu.vector_load_idx %arg15[%add3A_502] : memref<2048xf32, #tpu.memory_space<vmem>>[vector<16xi32>], vector<16xf32>,
      %add3A_504 = arith.addf %add3A_489, %gather3A_503 : vector<16xf32>
      %add3A_505 = arith.constant 6 : i32
      %add3A_506 = vector.broadcast %add3A_505 : i32 to vector<16xi32>
      %add3A_507 = arith.addi %mul3A_410, %add3A_506 : vector<16xi32>
      %gather3A_508 = tpu.vector_load_idx %arg16[%add3A_507] : memref<2048xf32, #tpu.memory_space<vmem>>[vector<16xi32>], vector<16xf32>,
      %add3A_509 = arith.addf %add3A_494, %gather3A_508 : vector<16xf32>
      %add3A_510 = arith.constant 6 : i32
      %add3A_511 = vector.broadcast %add3A_510 : i32 to vector<16xi32>
      %add3A_512 = arith.addi %mul3A_410, %add3A_511 : vector<16xi32>
      %gather3A_513 = tpu.vector_load_idx %arg17[%add3A_512] : memref<2048xf32, #tpu.memory_space<vmem>>[vector<16xi32>], vector<16xf32>,
      %add3A_514 = arith.addf %add3A_499, %gather3A_513 : vector<16xf32>
      %add3A_515 = arith.constant 7 : i32
      %add3A_516 = vector.broadcast %add3A_515 : i32 to vector<16xi32>
      %add3A_517 = arith.addi %mul3A_410, %add3A_516 : vector<16xi32>
      %gather3A_518 = tpu.vector_load_idx %arg15[%add3A_517] : memref<2048xf32, #tpu.memory_space<vmem>>[vector<16xi32>], vector<16xf32>,
      %add3A_519 = arith.addf %add3A_504, %gather3A_518 : vector<16xf32>
      %add3A_520 = arith.constant 7 : i32
      %add3A_521 = vector.broadcast %add3A_520 : i32 to vector<16xi32>
      %add3A_522 = arith.addi %mul3A_410, %add3A_521 : vector<16xi32>
      %gather3A_523 = tpu.vector_load_idx %arg16[%add3A_522] : memref<2048xf32, #tpu.memory_space<vmem>>[vector<16xi32>], vector<16xf32>,
      %add3A_524 = arith.addf %add3A_509, %gather3A_523 : vector<16xf32>
      %add3A_525 = arith.constant 7 : i32
      %add3A_526 = vector.broadcast %add3A_525 : i32 to vector<16xi32>
      %add3A_527 = arith.addi %mul3A_410, %add3A_526 : vector<16xi32>
      %gather3A_528 = tpu.vector_load_idx %arg17[%add3A_527] : memref<2048xf32, #tpu.memory_space<vmem>>[vector<16xi32>], vector<16xf32>,
      %add3A_529 = arith.addf %add3A_514, %gather3A_528 : vector<16xf32>
      %add3A_530 = arith.constant 8 : i32
      %add3A_531 = vector.broadcast %add3A_530 : i32 to vector<16xi32>
      %add3A_532 = arith.addi %mul3A_410, %add3A_531 : vector<16xi32>
      %gather3A_533 = tpu.vector_load_idx %arg15[%add3A_532] : memref<2048xf32, #tpu.memory_space<vmem>>[vector<16xi32>], vector<16xf32>,
      %add3A_534 = arith.addf %add3A_519, %gather3A_533 : vector<16xf32>
      %add3A_535 = arith.constant 8 : i32
      %add3A_536 = vector.broadcast %add3A_535 : i32 to vector<16xi32>
      %add3A_537 = arith.addi %mul3A_410, %add3A_536 : vector<16xi32>
      %gather3A_538 = tpu.vector_load_idx %arg16[%add3A_537] : memref<2048xf32, #tpu.memory_space<vmem>>[vector<16xi32>], vector<16xf32>,
      %add3A_539 = arith.addf %add3A_524, %gather3A_538 : vector<16xf32>
      %add3A_540 = arith.constant 8 : i32
      %add3A_541 = vector.broadcast %add3A_540 : i32 to vector<16xi32>
      %add3A_542 = arith.addi %mul3A_410, %add3A_541 : vector<16xi32>
      %gather3A_543 = tpu.vector_load_idx %arg17[%add3A_542] : memref<2048xf32, #tpu.memory_space<vmem>>[vector<16xi32>], vector<16xf32>,
      %add3A_544 = arith.addf %add3A_529, %gather3A_543 : vector<16xf32>
      %add3A_545 = arith.constant 9 : i32
      %add3A_546 = vector.broadcast %add3A_545 : i32 to vector<16xi32>
      %add3A_547 = arith.addi %mul3A_410, %add3A_546 : vector<16xi32>
      %gather3A_548 = tpu.vector_load_idx %arg15[%add3A_547] : memref<2048xf32, #tpu.memory_space<vmem>>[vector<16xi32>], vector<16xf32>,
      %add3A_549 = arith.addf %add3A_534, %gather3A_548 : vector<16xf32>
      %add3A_550 = arith.constant 9 : i32
      %add3A_551 = vector.broadcast %add3A_550 : i32 to vector<16xi32>
      %add3A_552 = arith.addi %mul3A_410, %add3A_551 : vector<16xi32>
      %gather3A_553 = tpu.vector_load_idx %arg16[%add3A_552] : memref<2048xf32, #tpu.memory_space<vmem>>[vector<16xi32>], vector<16xf32>,
      %add3A_554 = arith.addf %add3A_539, %gather3A_553 : vector<16xf32>
      %add3A_555 = arith.constant 9 : i32
      %add3A_556 = vector.broadcast %add3A_555 : i32 to vector<16xi32>
      %add3A_557 = arith.addi %mul3A_410, %add3A_556 : vector<16xi32>
      %gather3A_558 = tpu.vector_load_idx %arg17[%add3A_557] : memref<2048xf32, #tpu.memory_space<vmem>>[vector<16xi32>], vector<16xf32>,
      %add3A_559 = arith.addf %add3A_544, %gather3A_558 : vector<16xf32>
      %add3A_560 = arith.constant 10 : i32
      %add3A_561 = vector.broadcast %add3A_560 : i32 to vector<16xi32>
      %add3A_562 = arith.addi %mul3A_410, %add3A_561 : vector<16xi32>
      %gather3A_563 = tpu.vector_load_idx %arg15[%add3A_562] : memref<2048xf32, #tpu.memory_space<vmem>>[vector<16xi32>], vector<16xf32>,
      %add3A_564 = arith.addf %add3A_549, %gather3A_563 : vector<16xf32>
      %add3A_565 = arith.constant 10 : i32
      %add3A_566 = vector.broadcast %add3A_565 : i32 to vector<16xi32>
      %add3A_567 = arith.addi %mul3A_410, %add3A_566 : vector<16xi32>
      %gather3A_568 = tpu.vector_load_idx %arg16[%add3A_567] : memref<2048xf32, #tpu.memory_space<vmem>>[vector<16xi32>], vector<16xf32>,
      %add3A_569 = arith.addf %add3A_554, %gather3A_568 : vector<16xf32>
      %add3A_570 = arith.constant 10 : i32
      %add3A_571 = vector.broadcast %add3A_570 : i32 to vector<16xi32>
      %add3A_572 = arith.addi %mul3A_410, %add3A_571 : vector<16xi32>
      %gather3A_573 = tpu.vector_load_idx %arg17[%add3A_572] : memref<2048xf32, #tpu.memory_space<vmem>>[vector<16xi32>], vector<16xf32>,
      %add3A_574 = arith.addf %add3A_559, %gather3A_573 : vector<16xf32>
      %add3A_575 = arith.constant 11 : i32
      %add3A_576 = vector.broadcast %add3A_575 : i32 to vector<16xi32>
      %add3A_577 = arith.addi %mul3A_410, %add3A_576 : vector<16xi32>
      %gather3A_578 = tpu.vector_load_idx %arg15[%add3A_577] : memref<2048xf32, #tpu.memory_space<vmem>>[vector<16xi32>], vector<16xf32>,
      %add3A_579 = arith.addf %add3A_564, %gather3A_578 : vector<16xf32>
      %add3A_580 = arith.constant 11 : i32
      %add3A_581 = vector.broadcast %add3A_580 : i32 to vector<16xi32>
      %add3A_582 = arith.addi %mul3A_410, %add3A_581 : vector<16xi32>
      %gather3A_583 = tpu.vector_load_idx %arg16[%add3A_582] : memref<2048xf32, #tpu.memory_space<vmem>>[vector<16xi32>], vector<16xf32>,
      %add3A_584 = arith.addf %add3A_569, %gather3A_583 : vector<16xf32>
      %add3A_585 = arith.constant 11 : i32
      %add3A_586 = vector.broadcast %add3A_585 : i32 to vector<16xi32>
      %add3A_587 = arith.addi %mul3A_410, %add3A_586 : vector<16xi32>
      %gather3A_588 = tpu.vector_load_idx %arg17[%add3A_587] : memref<2048xf32, #tpu.memory_space<vmem>>[vector<16xi32>], vector<16xf32>,
      %add3A_589 = arith.addf %add3A_574, %gather3A_588 : vector<16xf32>
      %add3A_590 = arith.constant 12 : i32
      %add3A_591 = vector.broadcast %add3A_590 : i32 to vector<16xi32>
      %add3A_592 = arith.addi %mul3A_410, %add3A_591 : vector<16xi32>
      %gather3A_593 = tpu.vector_load_idx %arg15[%add3A_592] : memref<2048xf32, #tpu.memory_space<vmem>>[vector<16xi32>], vector<16xf32>,
      %add3A_594 = arith.addf %add3A_579, %gather3A_593 : vector<16xf32>
      %add3A_595 = arith.constant 12 : i32
      %add3A_596 = vector.broadcast %add3A_595 : i32 to vector<16xi32>
      %add3A_597 = arith.addi %mul3A_410, %add3A_596 : vector<16xi32>
      %gather3A_598 = tpu.vector_load_idx %arg16[%add3A_597] : memref<2048xf32, #tpu.memory_space<vmem>>[vector<16xi32>], vector<16xf32>,
      %add3A_599 = arith.addf %add3A_584, %gather3A_598 : vector<16xf32>
      %add3A_600 = arith.constant 12 : i32
      %add3A_601 = vector.broadcast %add3A_600 : i32 to vector<16xi32>
      %add3A_602 = arith.addi %mul3A_410, %add3A_601 : vector<16xi32>
      %gather3A_603 = tpu.vector_load_idx %arg17[%add3A_602] : memref<2048xf32, #tpu.memory_space<vmem>>[vector<16xi32>], vector<16xf32>,
      %add3A_604 = arith.addf %add3A_589, %gather3A_603 : vector<16xf32>
      %add3A_605 = arith.constant 13 : i32
      %add3A_606 = vector.broadcast %add3A_605 : i32 to vector<16xi32>
      %add3A_607 = arith.addi %mul3A_410, %add3A_606 : vector<16xi32>
      %gather3A_608 = tpu.vector_load_idx %arg15[%add3A_607] : memref<2048xf32, #tpu.memory_space<vmem>>[vector<16xi32>], vector<16xf32>,
      %add3A_609 = arith.addf %add3A_594, %gather3A_608 : vector<16xf32>
      %add3A_610 = arith.constant 13 : i32
      %add3A_611 = vector.broadcast %add3A_610 : i32 to vector<16xi32>
      %add3A_612 = arith.addi %mul3A_410, %add3A_611 : vector<16xi32>
      %gather3A_613 = tpu.vector_load_idx %arg16[%add3A_612] : memref<2048xf32, #tpu.memory_space<vmem>>[vector<16xi32>], vector<16xf32>,
      %add3A_614 = arith.addf %add3A_599, %gather3A_613 : vector<16xf32>
      %add3A_615 = arith.constant 13 : i32
      %add3A_616 = vector.broadcast %add3A_615 : i32 to vector<16xi32>
      %add3A_617 = arith.addi %mul3A_410, %add3A_616 : vector<16xi32>
      %gather3A_618 = tpu.vector_load_idx %arg17[%add3A_617] : memref<2048xf32, #tpu.memory_space<vmem>>[vector<16xi32>], vector<16xf32>,
      %add3A_619 = arith.addf %add3A_604, %gather3A_618 : vector<16xf32>
      %add3A_620 = arith.constant 14 : i32
      %add3A_621 = vector.broadcast %add3A_620 : i32 to vector<16xi32>
      %add3A_622 = arith.addi %mul3A_410, %add3A_621 : vector<16xi32>
      %gather3A_623 = tpu.vector_load_idx %arg15[%add3A_622] : memref<2048xf32, #tpu.memory_space<vmem>>[vector<16xi32>], vector<16xf32>,
      %add3A_624 = arith.addf %add3A_609, %gather3A_623 : vector<16xf32>
      %add3A_625 = arith.constant 14 : i32
      %add3A_626 = vector.broadcast %add3A_625 : i32 to vector<16xi32>
      %add3A_627 = arith.addi %mul3A_410, %add3A_626 : vector<16xi32>
      %gather3A_628 = tpu.vector_load_idx %arg16[%add3A_627] : memref<2048xf32, #tpu.memory_space<vmem>>[vector<16xi32>], vector<16xf32>,
      %add3A_629 = arith.addf %add3A_614, %gather3A_628 : vector<16xf32>
      %add3A_630 = arith.constant 14 : i32
      %add3A_631 = vector.broadcast %add3A_630 : i32 to vector<16xi32>
      %add3A_632 = arith.addi %mul3A_410, %add3A_631 : vector<16xi32>
      %gather3A_633 = tpu.vector_load_idx %arg17[%add3A_632] : memref<2048xf32, #tpu.memory_space<vmem>>[vector<16xi32>], vector<16xf32>,
      %add3A_634 = arith.addf %add3A_619, %gather3A_633 : vector<16xf32>
      %add3A_635 = arith.constant 15 : i32
      %add3A_636 = vector.broadcast %add3A_635 : i32 to vector<16xi32>
      %add3A_637 = arith.addi %mul3A_410, %add3A_636 : vector<16xi32>
      %gather3A_638 = tpu.vector_load_idx %arg15[%add3A_637] : memref<2048xf32, #tpu.memory_space<vmem>>[vector<16xi32>], vector<16xf32>,
      %add3A_639 = arith.addf %add3A_624, %gather3A_638 : vector<16xf32>
      %add3A_640 = arith.constant 15 : i32
      %add3A_641 = vector.broadcast %add3A_640 : i32 to vector<16xi32>
      %add3A_642 = arith.addi %mul3A_410, %add3A_641 : vector<16xi32>
      %gather3A_643 = tpu.vector_load_idx %arg16[%add3A_642] : memref<2048xf32, #tpu.memory_space<vmem>>[vector<16xi32>], vector<16xf32>,
      %add3A_644 = arith.addf %add3A_629, %gather3A_643 : vector<16xf32>
      %add3A_645 = arith.constant 15 : i32
      %add3A_646 = vector.broadcast %add3A_645 : i32 to vector<16xi32>
      %add3A_647 = arith.addi %mul3A_410, %add3A_646 : vector<16xi32>
      %gather3A_648 = tpu.vector_load_idx %arg17[%add3A_647] : memref<2048xf32, #tpu.memory_space<vmem>>[vector<16xi32>], vector<16xf32>,
      %add3A_649 = arith.addf %add3A_634, %gather3A_648 : vector<16xf32>
      %neg3A = arith.constant 0.000000e+00 : f32
      %neg3A_650 = vector.broadcast %neg3A : f32 to vector<16xf32>
      %neg3A_651 = arith.subf %neg3A_650, %add3A_639 : vector<16xf32>
      %abs3A = math.absf %neg3A_651 : vector<16xf32>
      %neg3A_652 = arith.constant 0.000000e+00 : f32
      %neg3A_653 = vector.broadcast %neg3A_652 : f32 to vector<16xf32>
      %neg3A_654 = arith.subf %neg3A_653, %abs3A : vector<16xf32>
      %exp3A = math.exp %neg3A_654 : vector<16xf32>
      %add3A_655 = arith.constant 2.000000e+00 : f32
      %add3A_656 = vector.broadcast %add3A_655 : f32 to vector<16xf32>
      %add3A_657 = arith.addf %add3A_656, %exp3A : vector<16xf32>
      %div3A = arith.divf %exp3A, %add3A_657 : vector<16xf32>
      %mul3A_658 = arith.mulf %div3A, %div3A : vector<16xf32>
      %mul3A_659 = arith.constant 2.000000e+00 : f32
      %mul3A_660 = vector.broadcast %mul3A_659 : f32 to vector<16xf32>
      %mul3A_661 = arith.mulf %mul3A_660, %div3A : vector<16xf32>
      %mul3A_662 = arith.constant 0.142857149 : f32
      %mul3A_663 = vector.broadcast %mul3A_662 : f32 to vector<16xf32>
      %mul3A_664 = arith.mulf %mul3A_658, %mul3A_663 : vector<16xf32>
      %add3A_665 = arith.constant 2.000000e-01 : f32
      %add3A_666 = vector.broadcast %add3A_665 : f32 to vector<16xf32>
      %add3A_667 = arith.addf %add3A_666, %mul3A_664 : vector<16xf32>
      %mul3A_668 = arith.mulf %mul3A_658, %add3A_667 : vector<16xf32>
      %add3A_669 = arith.constant 0.333333343 : f32
      %add3A_670 = vector.broadcast %add3A_669 : f32 to vector<16xf32>
      %add3A_671 = arith.addf %add3A_670, %mul3A_668 : vector<16xf32>
      %mul3A_672 = arith.mulf %mul3A_658, %add3A_671 : vector<16xf32>
      %add3A_673 = arith.constant 1.000000e+00 : f32
      %add3A_674 = vector.broadcast %add3A_673 : f32 to vector<16xf32>
      %add3A_675 = arith.addf %add3A_674, %mul3A_672 : vector<16xf32>
      %mul3A_676 = arith.mulf %mul3A_661, %add3A_675 : vector<16xf32>
      %max3A = arith.constant 0.000000e+00 : f32
      %max3A_677 = vector.broadcast %max3A : f32 to vector<16xf32>
      %max3A_678 = arith.maximumf %neg3A_651, %max3A_677 : vector<16xf32>
      %add3A_679 = arith.addf %max3A_678, %mul3A_676 : vector<16xf32>
      %abs3A_680 = math.absf %add3A_644 : vector<16xf32>
      %neg3A_681 = arith.constant 0.000000e+00 : f32
      %neg3A_682 = vector.broadcast %neg3A_681 : f32 to vector<16xf32>
      %neg3A_683 = arith.subf %neg3A_682, %abs3A_680 : vector<16xf32>
      %exp3A_684 = math.exp %neg3A_683 : vector<16xf32>
      %add3A_685 = arith.constant 2.000000e+00 : f32
      %add3A_686 = vector.broadcast %add3A_685 : f32 to vector<16xf32>
      %add3A_687 = arith.addf %add3A_686, %exp3A_684 : vector<16xf32>
      %div3A_688 = arith.divf %exp3A_684, %add3A_687 : vector<16xf32>
      %mul3A_689 = arith.mulf %div3A_688, %div3A_688 : vector<16xf32>
      %mul3A_690 = arith.constant 2.000000e+00 : f32
      %mul3A_691 = vector.broadcast %mul3A_690 : f32 to vector<16xf32>
      %mul3A_692 = arith.mulf %mul3A_691, %div3A_688 : vector<16xf32>
      %mul3A_693 = arith.constant 0.142857149 : f32
      %mul3A_694 = vector.broadcast %mul3A_693 : f32 to vector<16xf32>
      %mul3A_695 = arith.mulf %mul3A_689, %mul3A_694 : vector<16xf32>
      %add3A_696 = arith.constant 2.000000e-01 : f32
      %add3A_697 = vector.broadcast %add3A_696 : f32 to vector<16xf32>
      %add3A_698 = arith.addf %add3A_697, %mul3A_695 : vector<16xf32>
      %mul3A_699 = arith.mulf %mul3A_689, %add3A_698 : vector<16xf32>
      %add3A_700 = arith.constant 0.333333343 : f32
      %add3A_701 = vector.broadcast %add3A_700 : f32 to vector<16xf32>
      %add3A_702 = arith.addf %add3A_701, %mul3A_699 : vector<16xf32>
      %mul3A_703 = arith.mulf %mul3A_689, %add3A_702 : vector<16xf32>
      %add3A_704 = arith.constant 1.000000e+00 : f32
      %add3A_705 = vector.broadcast %add3A_704 : f32 to vector<16xf32>
      %add3A_706 = arith.addf %add3A_705, %mul3A_703 : vector<16xf32>
      %mul3A_707 = arith.mulf %mul3A_692, %add3A_706 : vector<16xf32>
      %max3A_708 = arith.constant 0.000000e+00 : f32
      %max3A_709 = vector.broadcast %max3A_708 : f32 to vector<16xf32>
      %max3A_710 = arith.maximumf %add3A_644, %max3A_709 : vector<16xf32>
      %add3A_711 = arith.addf %max3A_710, %mul3A_707 : vector<16xf32>
      %add3A_712 = arith.addf %add3A_679, %add3A_711 : vector<16xf32>
      %abs3A_713 = math.absf %add3A_649 : vector<16xf32>
      %neg3A_714 = arith.constant 0.000000e+00 : f32
      %neg3A_715 = vector.broadcast %neg3A_714 : f32 to vector<16xf32>
      %neg3A_716 = arith.subf %neg3A_715, %abs3A_713 : vector<16xf32>
      %exp3A_717 = math.exp %neg3A_716 : vector<16xf32>
      %add3A_718 = arith.constant 2.000000e+00 : f32
      %add3A_719 = vector.broadcast %add3A_718 : f32 to vector<16xf32>
      %add3A_720 = arith.addf %add3A_719, %exp3A_717 : vector<16xf32>
      %div3A_721 = arith.divf %exp3A_717, %add3A_720 : vector<16xf32>
      %mul3A_722 = arith.mulf %div3A_721, %div3A_721 : vector<16xf32>
      %mul3A_723 = arith.constant 2.000000e+00 : f32
      %mul3A_724 = vector.broadcast %mul3A_723 : f32 to vector<16xf32>
      %mul3A_725 = arith.mulf %mul3A_724, %div3A_721 : vector<16xf32>
      %mul3A_726 = arith.constant 0.142857149 : f32
      %mul3A_727 = vector.broadcast %mul3A_726 : f32 to vector<16xf32>
      %mul3A_728 = arith.mulf %mul3A_722, %mul3A_727 : vector<16xf32>
      %add3A_729 = arith.constant 2.000000e-01 : f32
      %add3A_730 = vector.broadcast %add3A_729 : f32 to vector<16xf32>
      %add3A_731 = arith.addf %add3A_730, %mul3A_728 : vector<16xf32>
      %mul3A_732 = arith.mulf %mul3A_722, %add3A_731 : vector<16xf32>
      %add3A_733 = arith.constant 0.333333343 : f32
      %add3A_734 = vector.broadcast %add3A_733 : f32 to vector<16xf32>
      %add3A_735 = arith.addf %add3A_734, %mul3A_732 : vector<16xf32>
      %mul3A_736 = arith.mulf %mul3A_722, %add3A_735 : vector<16xf32>
      %add3A_737 = arith.constant 1.000000e+00 : f32
      %add3A_738 = vector.broadcast %add3A_737 : f32 to vector<16xf32>
      %add3A_739 = arith.addf %add3A_738, %mul3A_736 : vector<16xf32>
      %mul3A_740 = arith.mulf %mul3A_725, %add3A_739 : vector<16xf32>
      %max3A_741 = arith.constant 0.000000e+00 : f32
      %max3A_742 = vector.broadcast %max3A_741 : f32 to vector<16xf32>
      %max3A_743 = arith.maximumf %add3A_649, %max3A_742 : vector<16xf32>
      %add3A_744 = arith.addf %max3A_743, %mul3A_740 : vector<16xf32>
      %add3A_745 = arith.addf %add3A_712, %add3A_744 : vector<16xf32>
      %mul3A_746 = arith.constant 16 : i32
      %mul3A_747 = arith.muli %scan3A_402, %mul3A_746 : i32
      %swap3A = arith.index_cast %mul3A_747 : i32 to index
      %swap3A_748 = tpu.vector_load %arg18[%swap3A] {strides = array<i32>} : memref<128xf32, #tpu.memory_space<vmem>>, vector<16xf32>,
      tpu.vector_store %arg18[%swap3A], %add3A_745 {strides = array<i32>} : memref<128xf32, #tpu.memory_space<vmem>>, vector<16xf32>,
      %scan3A_749 = arith.constant 0 : i32
      scf.yield %scan3A_749 : i32
    }
    %scan3A_341 = arith.constant 8 : i32
    "tpu.region"() ({
      %run_scoped3A_402 = tpu.sem_alloc : memref<!tpu.dma_semaphore, #tpu.memory_space<semaphore_mem>>
      %dma_start3A_403 = tpu.memref_slice %arg6[%add3A_323] : memref<16384xf32, #tpu.memory_space<hbm>> -> memref<128xf32, #tpu.memory_space<hbm>>
      %dma_start3A_404 = tpu.memref_slice %arg6[%add3A_323] : memref<16384xf32, #tpu.memory_space<hbm>> -> memref<128xf32, #tpu.memory_space<hbm>>
      tpu.enqueue_dma source(%arg18 : memref<128xf32, #tpu.memory_space<vmem>>) target(%dma_start3A_404 : memref<128xf32, #tpu.memory_space<hbm>>) target_semaphore(%run_scoped3A_402 : memref<!tpu.dma_semaphore, #tpu.memory_space<semaphore_mem>>)
      %dma_wait3A_405 = tpu.memref_slice %arg6[%add3A_323] : memref<16384xf32, #tpu.memory_space<hbm>> -> memref<128xf32, #tpu.memory_space<hbm>>
      %dma_wait3A_406 = tpu.memref_slice %arg6[%add3A_323] : memref<16384xf32, #tpu.memory_space<hbm>> -> memref<128xf32, #tpu.memory_space<hbm>>
      tpu.wait_dma2 semaphore(%run_scoped3A_402 : memref<!tpu.dma_semaphore, #tpu.memory_space<semaphore_mem>>) src(%arg18 : memref<128xf32, #tpu.memory_space<vmem>>) dst(%dma_wait3A_406 : memref<128xf32, #tpu.memory_space<hbm>>)
      tpu.yield
    }) : () -> ()
    %dma_wait3A_342 = arith.constant 1 : i32
    %dma_wait3A_343 = arith.constant 0 : i32
    %dma_wait3A_344 = arith.constant 0 : i32
    %dma_wait3A_345 = tpu.memref_slice %arg11[%dma_wait3A_342, %dma_wait3A_343, %dma_wait3A_344] : memref<2x128x64xf32, #tpu.memory_space<vmem>> -> memref<1x128x64xf32, #tpu.memory_space<vmem>>
    %dma_wait3A_346 = tpu.memref_squeeze %dma_wait3A_345 : memref<1x128x64xf32, #tpu.memory_space<vmem>> -> memref<128x64xf32, #tpu.memory_space<vmem>>
    %dma_wait3A_347 = arith.constant 384 : i32
    %dma_wait3A_348 = tpu.memref_slice %arg7[%dma_wait3A_347] : memref<512xi32, #tpu.memory_space<vmem>> -> memref<128xi32, #tpu.memory_space<vmem>>
    %dma_wait3A_349 = arith.constant 0 : i32
    %dma_wait3A_350 = arith.constant 0 : i32
    %dma_wait3A_351 = tpu.memref_slice %arg5[%dma_wait3A_349, %dma_wait3A_350] : memref<100000x64xf32, #tpu.memory_space<hbm>> -> memref<100000x64xf32, #tpu.memory_space<hbm>>
    tpu.wait_indirect_dma semaphore(%arg19 : memref<!tpu.dma_semaphore, #tpu.memory_space<semaphore_mem>>) src(%dma_wait3A_351 : memref<100000x64xf32, #tpu.memory_space<hbm>>) dst(%dma_wait3A_346 : memref<128x64xf32, #tpu.memory_space<vmem>>)
    %dma_wait3A_352 = arith.constant 1 : i32
    %dma_wait3A_353 = arith.constant 0 : i32
    %dma_wait3A_354 = arith.constant 0 : i32
    %dma_wait3A_355 = tpu.memref_slice %arg12[%dma_wait3A_352, %dma_wait3A_353, %dma_wait3A_354] : memref<2x128x64xf32, #tpu.memory_space<vmem>> -> memref<1x128x64xf32, #tpu.memory_space<vmem>>
    %dma_wait3A_356 = tpu.memref_squeeze %dma_wait3A_355 : memref<1x128x64xf32, #tpu.memory_space<vmem>> -> memref<128x64xf32, #tpu.memory_space<vmem>>
    %dma_wait3A_357 = arith.constant 384 : i32
    %dma_wait3A_358 = tpu.memref_slice %arg8[%dma_wait3A_357] : memref<512xi32, #tpu.memory_space<vmem>> -> memref<128xi32, #tpu.memory_space<vmem>>
    %dma_wait3A_359 = arith.constant 0 : i32
    %dma_wait3A_360 = arith.constant 0 : i32
    %dma_wait3A_361 = tpu.memref_slice %arg5[%dma_wait3A_359, %dma_wait3A_360] : memref<100000x64xf32, #tpu.memory_space<hbm>> -> memref<100000x64xf32, #tpu.memory_space<hbm>>
    tpu.wait_indirect_dma semaphore(%arg19 : memref<!tpu.dma_semaphore, #tpu.memory_space<semaphore_mem>>) src(%dma_wait3A_361 : memref<100000x64xf32, #tpu.memory_space<hbm>>) dst(%dma_wait3A_356 : memref<128x64xf32, #tpu.memory_space<vmem>>)
    %dma_wait3A_362 = arith.constant 1 : i32
    %dma_wait3A_363 = arith.constant 0 : i32
    %dma_wait3A_364 = arith.constant 0 : i32
    %dma_wait3A_365 = tpu.memref_slice %arg13[%dma_wait3A_362, %dma_wait3A_363, %dma_wait3A_364] : memref<2x128x64xf32, #tpu.memory_space<vmem>> -> memref<1x128x64xf32, #tpu.memory_space<vmem>>
    %dma_wait3A_366 = tpu.memref_squeeze %dma_wait3A_365 : memref<1x128x64xf32, #tpu.memory_space<vmem>> -> memref<128x64xf32, #tpu.memory_space<vmem>>
    %dma_wait3A_367 = arith.constant 384 : i32
    %dma_wait3A_368 = tpu.memref_slice %arg9[%dma_wait3A_367] : memref<512xi32, #tpu.memory_space<vmem>> -> memref<128xi32, #tpu.memory_space<vmem>>
    %dma_wait3A_369 = arith.constant 0 : i32
    %dma_wait3A_370 = arith.constant 0 : i32
    %dma_wait3A_371 = tpu.memref_slice %arg5[%dma_wait3A_369, %dma_wait3A_370] : memref<100000x64xf32, #tpu.memory_space<hbm>> -> memref<100000x64xf32, #tpu.memory_space<hbm>>
    tpu.wait_indirect_dma semaphore(%arg19 : memref<!tpu.dma_semaphore, #tpu.memory_space<semaphore_mem>>) src(%dma_wait3A_371 : memref<100000x64xf32, #tpu.memory_space<hbm>>) dst(%dma_wait3A_366 : memref<128x64xf32, #tpu.memory_space<vmem>>)
    %dma_wait3A_372 = arith.constant 1 : i32
    %dma_wait3A_373 = arith.constant 0 : i32
    %dma_wait3A_374 = arith.constant 0 : i32
    %dma_wait3A_375 = tpu.memref_slice %arg14[%dma_wait3A_372, %dma_wait3A_373, %dma_wait3A_374] : memref<2x128x64xf32, #tpu.memory_space<vmem>> -> memref<1x128x64xf32, #tpu.memory_space<vmem>>
    %dma_wait3A_376 = tpu.memref_squeeze %dma_wait3A_375 : memref<1x128x64xf32, #tpu.memory_space<vmem>> -> memref<128x64xf32, #tpu.memory_space<vmem>>
    %dma_wait3A_377 = arith.constant 384 : i32
    %dma_wait3A_378 = tpu.memref_slice %arg10[%dma_wait3A_377] : memref<512xi32, #tpu.memory_space<vmem>> -> memref<128xi32, #tpu.memory_space<vmem>>
    %dma_wait3A_379 = arith.constant 0 : i32
    %dma_wait3A_380 = arith.constant 0 : i32
    %dma_wait3A_381 = tpu.memref_slice %arg5[%dma_wait3A_379, %dma_wait3A_380] : memref<100000x64xf32, #tpu.memory_space<hbm>> -> memref<100000x64xf32, #tpu.memory_space<hbm>>
    tpu.wait_indirect_dma semaphore(%arg19 : memref<!tpu.dma_semaphore, #tpu.memory_space<semaphore_mem>>) src(%dma_wait3A_381 : memref<100000x64xf32, #tpu.memory_space<hbm>>) dst(%dma_wait3A_376 : memref<128x64xf32, #tpu.memory_space<vmem>>)
    %add3A_382 = arith.constant 384 : i32
    %add3A_383 = arith.addi %mul3A_2, %add3A_382 : i32
    %scan3A_384 = arith.constant 1 : i32
    %scan3A_385 = arith.constant 1 : i32
    %scan3A_386 = arith.constant 1 : i32
    %scan3A_387 = arith.constant 1 : i32
    %scan3A_388 = arith.constant 0 : i32
    %scan3A_389 = arith.constant 0 : i32
    %scan3A_390 = arith.constant 128 : i32
    %scan3A_391 = arith.addi %scan3A_389, %scan3A_390 : i32
    %scan3A_392 = arith.constant 1 : i32
    %scan3A_393 = scf.for %scan3A_402 = %scan3A_389 to %scan3A_391 step %scan3A_392 iter_args(%scan3A_403 = %scan3A_388) -> (i32)  : i32 {
      %get3A = arith.constant 0 : i32
      %get3A_404 = arith.constant 0 : i32
      %get3A_405 = tpu.memref_slice %arg11[%scan3A_384, %get3A, %get3A_404] : memref<2x128x64xf32, #tpu.memory_space<vmem>> -> memref<1x128x64xf32, #tpu.memory_space<vmem>>
      %get3A_406 = tpu.memref_squeeze %get3A_405 : memref<1x128x64xf32, #tpu.memory_space<vmem>> -> memref<128x64xf32, #tpu.memory_space<vmem>>
      %get3A_407 = arith.index_cast %scan3A_402 : i32 to index
      %get3A_408 = arith.constant 0 : index
      %get3A_409 = tpu.vector_load %get3A_406[%get3A_407, %get3A_408] {strides = array<i32>} : memref<128x64xf32, #tpu.memory_space<vmem>>, vector<16xf32>,
      %get3A_410 = arith.constant 0 : i32
      %get3A_411 = arith.constant 0 : i32
      %get3A_412 = tpu.memref_slice %arg11[%scan3A_384, %get3A_410, %get3A_411] : memref<2x128x64xf32, #tpu.memory_space<vmem>> -> memref<1x128x64xf32, #tpu.memory_space<vmem>>
      %get3A_413 = tpu.memref_squeeze %get3A_412 : memref<1x128x64xf32, #tpu.memory_space<vmem>> -> memref<128x64xf32, #tpu.memory_space<vmem>>
      %get3A_414 = arith.index_cast %scan3A_402 : i32 to index
      %get3A_415 = arith.constant 16 : index
      %get3A_416 = tpu.vector_load %get3A_413[%get3A_414, %get3A_415] {strides = array<i32>} : memref<128x64xf32, #tpu.memory_space<vmem>>, vector<16xf32>,
      %get3A_417 = arith.constant 0 : i32
      %get3A_418 = arith.constant 0 : i32
      %get3A_419 = tpu.memref_slice %arg11[%scan3A_384, %get3A_417, %get3A_418] : memref<2x128x64xf32, #tpu.memory_space<vmem>> -> memref<1x128x64xf32, #tpu.memory_space<vmem>>
      %get3A_420 = tpu.memref_squeeze %get3A_419 : memref<1x128x64xf32, #tpu.memory_space<vmem>> -> memref<128x64xf32, #tpu.memory_space<vmem>>
      %get3A_421 = arith.index_cast %scan3A_402 : i32 to index
      %get3A_422 = arith.constant 32 : index
      %get3A_423 = tpu.vector_load %get3A_420[%get3A_421, %get3A_422] {strides = array<i32>} : memref<128x64xf32, #tpu.memory_space<vmem>>, vector<16xf32>,
      %get3A_424 = arith.constant 0 : i32
      %get3A_425 = arith.constant 0 : i32
      %get3A_426 = tpu.memref_slice %arg11[%scan3A_384, %get3A_424, %get3A_425] : memref<2x128x64xf32, #tpu.memory_space<vmem>> -> memref<1x128x64xf32, #tpu.memory_space<vmem>>
      %get3A_427 = tpu.memref_squeeze %get3A_426 : memref<1x128x64xf32, #tpu.memory_space<vmem>> -> memref<128x64xf32, #tpu.memory_space<vmem>>
      %get3A_428 = arith.index_cast %scan3A_402 : i32 to index
      %get3A_429 = arith.constant 48 : index
      %get3A_430 = tpu.vector_load %get3A_427[%get3A_428, %get3A_429] {strides = array<i32>} : memref<128x64xf32, #tpu.memory_space<vmem>>, vector<16xf32>,
      %get3A_431 = arith.constant 0 : i32
      %get3A_432 = arith.constant 0 : i32
      %get3A_433 = tpu.memref_slice %arg12[%scan3A_385, %get3A_431, %get3A_432] : memref<2x128x64xf32, #tpu.memory_space<vmem>> -> memref<1x128x64xf32, #tpu.memory_space<vmem>>
      %get3A_434 = tpu.memref_squeeze %get3A_433 : memref<1x128x64xf32, #tpu.memory_space<vmem>> -> memref<128x64xf32, #tpu.memory_space<vmem>>
      %get3A_435 = arith.index_cast %scan3A_402 : i32 to index
      %get3A_436 = arith.constant 0 : index
      %get3A_437 = tpu.vector_load %get3A_434[%get3A_435, %get3A_436] {strides = array<i32>} : memref<128x64xf32, #tpu.memory_space<vmem>>, vector<16xf32>,
      %get3A_438 = arith.constant 0 : i32
      %get3A_439 = arith.constant 0 : i32
      %get3A_440 = tpu.memref_slice %arg12[%scan3A_385, %get3A_438, %get3A_439] : memref<2x128x64xf32, #tpu.memory_space<vmem>> -> memref<1x128x64xf32, #tpu.memory_space<vmem>>
      %get3A_441 = tpu.memref_squeeze %get3A_440 : memref<1x128x64xf32, #tpu.memory_space<vmem>> -> memref<128x64xf32, #tpu.memory_space<vmem>>
      %get3A_442 = arith.index_cast %scan3A_402 : i32 to index
      %get3A_443 = arith.constant 16 : index
      %get3A_444 = tpu.vector_load %get3A_441[%get3A_442, %get3A_443] {strides = array<i32>} : memref<128x64xf32, #tpu.memory_space<vmem>>, vector<16xf32>,
      %get3A_445 = arith.constant 0 : i32
      %get3A_446 = arith.constant 0 : i32
      %get3A_447 = tpu.memref_slice %arg12[%scan3A_385, %get3A_445, %get3A_446] : memref<2x128x64xf32, #tpu.memory_space<vmem>> -> memref<1x128x64xf32, #tpu.memory_space<vmem>>
      %get3A_448 = tpu.memref_squeeze %get3A_447 : memref<1x128x64xf32, #tpu.memory_space<vmem>> -> memref<128x64xf32, #tpu.memory_space<vmem>>
      %get3A_449 = arith.index_cast %scan3A_402 : i32 to index
      %get3A_450 = arith.constant 32 : index
      %get3A_451 = tpu.vector_load %get3A_448[%get3A_449, %get3A_450] {strides = array<i32>} : memref<128x64xf32, #tpu.memory_space<vmem>>, vector<16xf32>,
      %get3A_452 = arith.constant 0 : i32
      %get3A_453 = arith.constant 0 : i32
      %get3A_454 = tpu.memref_slice %arg12[%scan3A_385, %get3A_452, %get3A_453] : memref<2x128x64xf32, #tpu.memory_space<vmem>> -> memref<1x128x64xf32, #tpu.memory_space<vmem>>
      %get3A_455 = tpu.memref_squeeze %get3A_454 : memref<1x128x64xf32, #tpu.memory_space<vmem>> -> memref<128x64xf32, #tpu.memory_space<vmem>>
      %get3A_456 = arith.index_cast %scan3A_402 : i32 to index
      %get3A_457 = arith.constant 48 : index
      %get3A_458 = tpu.vector_load %get3A_455[%get3A_456, %get3A_457] {strides = array<i32>} : memref<128x64xf32, #tpu.memory_space<vmem>>, vector<16xf32>,
      %get3A_459 = arith.constant 0 : i32
      %get3A_460 = arith.constant 0 : i32
      %get3A_461 = tpu.memref_slice %arg13[%scan3A_386, %get3A_459, %get3A_460] : memref<2x128x64xf32, #tpu.memory_space<vmem>> -> memref<1x128x64xf32, #tpu.memory_space<vmem>>
      %get3A_462 = tpu.memref_squeeze %get3A_461 : memref<1x128x64xf32, #tpu.memory_space<vmem>> -> memref<128x64xf32, #tpu.memory_space<vmem>>
      %get3A_463 = arith.index_cast %scan3A_402 : i32 to index
      %get3A_464 = arith.constant 0 : index
      %get3A_465 = tpu.vector_load %get3A_462[%get3A_463, %get3A_464] {strides = array<i32>} : memref<128x64xf32, #tpu.memory_space<vmem>>, vector<16xf32>,
      %get3A_466 = arith.constant 0 : i32
      %get3A_467 = arith.constant 0 : i32
      %get3A_468 = tpu.memref_slice %arg13[%scan3A_386, %get3A_466, %get3A_467] : memref<2x128x64xf32, #tpu.memory_space<vmem>> -> memref<1x128x64xf32, #tpu.memory_space<vmem>>
      %get3A_469 = tpu.memref_squeeze %get3A_468 : memref<1x128x64xf32, #tpu.memory_space<vmem>> -> memref<128x64xf32, #tpu.memory_space<vmem>>
      %get3A_470 = arith.index_cast %scan3A_402 : i32 to index
      %get3A_471 = arith.constant 16 : index
      %get3A_472 = tpu.vector_load %get3A_469[%get3A_470, %get3A_471] {strides = array<i32>} : memref<128x64xf32, #tpu.memory_space<vmem>>, vector<16xf32>,
      %get3A_473 = arith.constant 0 : i32
      %get3A_474 = arith.constant 0 : i32
      %get3A_475 = tpu.memref_slice %arg13[%scan3A_386, %get3A_473, %get3A_474] : memref<2x128x64xf32, #tpu.memory_space<vmem>> -> memref<1x128x64xf32, #tpu.memory_space<vmem>>
      %get3A_476 = tpu.memref_squeeze %get3A_475 : memref<1x128x64xf32, #tpu.memory_space<vmem>> -> memref<128x64xf32, #tpu.memory_space<vmem>>
      %get3A_477 = arith.index_cast %scan3A_402 : i32 to index
      %get3A_478 = arith.constant 32 : index
      %get3A_479 = tpu.vector_load %get3A_476[%get3A_477, %get3A_478] {strides = array<i32>} : memref<128x64xf32, #tpu.memory_space<vmem>>, vector<16xf32>,
      %get3A_480 = arith.constant 0 : i32
      %get3A_481 = arith.constant 0 : i32
      %get3A_482 = tpu.memref_slice %arg13[%scan3A_386, %get3A_480, %get3A_481] : memref<2x128x64xf32, #tpu.memory_space<vmem>> -> memref<1x128x64xf32, #tpu.memory_space<vmem>>
      %get3A_483 = tpu.memref_squeeze %get3A_482 : memref<1x128x64xf32, #tpu.memory_space<vmem>> -> memref<128x64xf32, #tpu.memory_space<vmem>>
      %get3A_484 = arith.index_cast %scan3A_402 : i32 to index
      %get3A_485 = arith.constant 48 : index
      %get3A_486 = tpu.vector_load %get3A_483[%get3A_484, %get3A_485] {strides = array<i32>} : memref<128x64xf32, #tpu.memory_space<vmem>>, vector<16xf32>,
      %get3A_487 = arith.constant 0 : i32
      %get3A_488 = arith.constant 0 : i32
      %get3A_489 = tpu.memref_slice %arg14[%scan3A_387, %get3A_487, %get3A_488] : memref<2x128x64xf32, #tpu.memory_space<vmem>> -> memref<1x128x64xf32, #tpu.memory_space<vmem>>
      %get3A_490 = tpu.memref_squeeze %get3A_489 : memref<1x128x64xf32, #tpu.memory_space<vmem>> -> memref<128x64xf32, #tpu.memory_space<vmem>>
      %get3A_491 = arith.index_cast %scan3A_402 : i32 to index
      %get3A_492 = arith.constant 0 : index
      %get3A_493 = tpu.vector_load %get3A_490[%get3A_491, %get3A_492] {strides = array<i32>} : memref<128x64xf32, #tpu.memory_space<vmem>>, vector<16xf32>,
      %get3A_494 = arith.constant 0 : i32
      %get3A_495 = arith.constant 0 : i32
      %get3A_496 = tpu.memref_slice %arg14[%scan3A_387, %get3A_494, %get3A_495] : memref<2x128x64xf32, #tpu.memory_space<vmem>> -> memref<1x128x64xf32, #tpu.memory_space<vmem>>
      %get3A_497 = tpu.memref_squeeze %get3A_496 : memref<1x128x64xf32, #tpu.memory_space<vmem>> -> memref<128x64xf32, #tpu.memory_space<vmem>>
      %get3A_498 = arith.index_cast %scan3A_402 : i32 to index
      %get3A_499 = arith.constant 16 : index
      %get3A_500 = tpu.vector_load %get3A_497[%get3A_498, %get3A_499] {strides = array<i32>} : memref<128x64xf32, #tpu.memory_space<vmem>>, vector<16xf32>,
      %get3A_501 = arith.constant 0 : i32
      %get3A_502 = arith.constant 0 : i32
      %get3A_503 = tpu.memref_slice %arg14[%scan3A_387, %get3A_501, %get3A_502] : memref<2x128x64xf32, #tpu.memory_space<vmem>> -> memref<1x128x64xf32, #tpu.memory_space<vmem>>
      %get3A_504 = tpu.memref_squeeze %get3A_503 : memref<1x128x64xf32, #tpu.memory_space<vmem>> -> memref<128x64xf32, #tpu.memory_space<vmem>>
      %get3A_505 = arith.index_cast %scan3A_402 : i32 to index
      %get3A_506 = arith.constant 32 : index
      %get3A_507 = tpu.vector_load %get3A_504[%get3A_505, %get3A_506] {strides = array<i32>} : memref<128x64xf32, #tpu.memory_space<vmem>>, vector<16xf32>,
      %get3A_508 = arith.constant 0 : i32
      %get3A_509 = arith.constant 0 : i32
      %get3A_510 = tpu.memref_slice %arg14[%scan3A_387, %get3A_508, %get3A_509] : memref<2x128x64xf32, #tpu.memory_space<vmem>> -> memref<1x128x64xf32, #tpu.memory_space<vmem>>
      %get3A_511 = tpu.memref_squeeze %get3A_510 : memref<1x128x64xf32, #tpu.memory_space<vmem>> -> memref<128x64xf32, #tpu.memory_space<vmem>>
      %get3A_512 = arith.index_cast %scan3A_402 : i32 to index
      %get3A_513 = arith.constant 48 : index
      %get3A_514 = tpu.vector_load %get3A_511[%get3A_512, %get3A_513] {strides = array<i32>} : memref<128x64xf32, #tpu.memory_space<vmem>>, vector<16xf32>,
      %mul3A_515 = arith.mulf %get3A_409, %get3A_437 : vector<16xf32>
      %add3A_516 = arith.addf %broadcast_in_dim3A_3, %mul3A_515 : vector<16xf32>
      %mul3A_517 = arith.mulf %get3A_409, %get3A_465 : vector<16xf32>
      %add3A_518 = arith.addf %broadcast_in_dim3A_3, %mul3A_517 : vector<16xf32>
      %mul3A_519 = arith.mulf %get3A_409, %get3A_493 : vector<16xf32>
      %add3A_520 = arith.addf %broadcast_in_dim3A_3, %mul3A_519 : vector<16xf32>
      %mul3A_521 = arith.mulf %get3A_416, %get3A_444 : vector<16xf32>
      %add3A_522 = arith.addf %add3A_516, %mul3A_521 : vector<16xf32>
      %mul3A_523 = arith.mulf %get3A_416, %get3A_472 : vector<16xf32>
      %add3A_524 = arith.addf %add3A_518, %mul3A_523 : vector<16xf32>
      %mul3A_525 = arith.mulf %get3A_416, %get3A_500 : vector<16xf32>
      %add3A_526 = arith.addf %add3A_520, %mul3A_525 : vector<16xf32>
      %mul3A_527 = arith.mulf %get3A_423, %get3A_451 : vector<16xf32>
      %add3A_528 = arith.addf %add3A_522, %mul3A_527 : vector<16xf32>
      %mul3A_529 = arith.mulf %get3A_423, %get3A_479 : vector<16xf32>
      %add3A_530 = arith.addf %add3A_524, %mul3A_529 : vector<16xf32>
      %mul3A_531 = arith.mulf %get3A_423, %get3A_507 : vector<16xf32>
      %add3A_532 = arith.addf %add3A_526, %mul3A_531 : vector<16xf32>
      %mul3A_533 = arith.mulf %get3A_430, %get3A_458 : vector<16xf32>
      %add3A_534 = arith.addf %add3A_528, %mul3A_533 : vector<16xf32>
      %mul3A_535 = arith.mulf %get3A_430, %get3A_486 : vector<16xf32>
      %add3A_536 = arith.addf %add3A_530, %mul3A_535 : vector<16xf32>
      %mul3A_537 = arith.mulf %get3A_430, %get3A_514 : vector<16xf32>
      %add3A_538 = arith.addf %add3A_532, %mul3A_537 : vector<16xf32>
      %mul3A_539 = arith.constant 16 : i32
      %mul3A_540 = arith.muli %scan3A_402, %mul3A_539 : i32
      %swap3A = arith.index_cast %mul3A_540 : i32 to index
      %swap3A_541 = tpu.vector_load %arg15[%swap3A] {strides = array<i32>} : memref<2048xf32, #tpu.memory_space<vmem>>, vector<16xf32>,
      tpu.vector_store %arg15[%swap3A], %add3A_534 {strides = array<i32>} : memref<2048xf32, #tpu.memory_space<vmem>>, vector<16xf32>,
      %mul3A_542 = arith.constant 16 : i32
      %mul3A_543 = arith.muli %scan3A_402, %mul3A_542 : i32
      %swap3A_544 = arith.index_cast %mul3A_543 : i32 to index
      %swap3A_545 = tpu.vector_load %arg16[%swap3A_544] {strides = array<i32>} : memref<2048xf32, #tpu.memory_space<vmem>>, vector<16xf32>,
      tpu.vector_store %arg16[%swap3A_544], %add3A_536 {strides = array<i32>} : memref<2048xf32, #tpu.memory_space<vmem>>, vector<16xf32>,
      %mul3A_546 = arith.constant 16 : i32
      %mul3A_547 = arith.muli %scan3A_402, %mul3A_546 : i32
      %swap3A_548 = arith.index_cast %mul3A_547 : i32 to index
      %swap3A_549 = tpu.vector_load %arg17[%swap3A_548] {strides = array<i32>} : memref<2048xf32, #tpu.memory_space<vmem>>, vector<16xf32>,
      tpu.vector_store %arg17[%swap3A_548], %add3A_538 {strides = array<i32>} : memref<2048xf32, #tpu.memory_space<vmem>>, vector<16xf32>,
      %scan3A_550 = arith.constant 0 : i32
      scf.yield %scan3A_550 : i32
    }
    %scan3A_394 = arith.constant 128 : i32
    %scan3A_395 = arith.constant 0 : i32
    %scan3A_396 = arith.constant 0 : i32
    %scan3A_397 = arith.constant 8 : i32
    %scan3A_398 = arith.addi %scan3A_396, %scan3A_397 : i32
    %scan3A_399 = arith.constant 1 : i32
    %scan3A_400 = scf.for %scan3A_402 = %scan3A_396 to %scan3A_398 step %scan3A_399 iter_args(%scan3A_403 = %scan3A_395) -> (i32)  : i32 {
      %mul3A_404 = arith.constant 16 : i32
      %mul3A_405 = arith.muli %scan3A_402, %mul3A_404 : i32
      %add3A_406 = vector.broadcast %mul3A_405 : i32 to vector<16xi32>
      %add3A_407 = arith.addi %add3A_406, %iota3A : vector<16xi32>
      %mul3A_408 = arith.constant 16 : i32
      %mul3A_409 = vector.broadcast %mul3A_408 : i32 to vector<16xi32>
      %mul3A_410 = arith.muli %add3A_407, %mul3A_409 : vector<16xi32>
      %add3A_411 = arith.constant 0 : i32
      %add3A_412 = vector.broadcast %add3A_411 : i32 to vector<16xi32>
      %add3A_413 = arith.addi %mul3A_410, %add3A_412 : vector<16xi32>
      %gather3A = tpu.vector_load_idx %arg15[%add3A_413] : memref<2048xf32, #tpu.memory_space<vmem>>[vector<16xi32>], vector<16xf32>,
      %add3A_414 = arith.addf %broadcast_in_dim3A_3, %gather3A : vector<16xf32>
      %add3A_415 = arith.constant 0 : i32
      %add3A_416 = vector.broadcast %add3A_415 : i32 to vector<16xi32>
      %add3A_417 = arith.addi %mul3A_410, %add3A_416 : vector<16xi32>
      %gather3A_418 = tpu.vector_load_idx %arg16[%add3A_417] : memref<2048xf32, #tpu.memory_space<vmem>>[vector<16xi32>], vector<16xf32>,
      %add3A_419 = arith.addf %broadcast_in_dim3A_3, %gather3A_418 : vector<16xf32>
      %add3A_420 = arith.constant 0 : i32
      %add3A_421 = vector.broadcast %add3A_420 : i32 to vector<16xi32>
      %add3A_422 = arith.addi %mul3A_410, %add3A_421 : vector<16xi32>
      %gather3A_423 = tpu.vector_load_idx %arg17[%add3A_422] : memref<2048xf32, #tpu.memory_space<vmem>>[vector<16xi32>], vector<16xf32>,
      %add3A_424 = arith.addf %broadcast_in_dim3A_3, %gather3A_423 : vector<16xf32>
      %add3A_425 = arith.constant 1 : i32
      %add3A_426 = vector.broadcast %add3A_425 : i32 to vector<16xi32>
      %add3A_427 = arith.addi %mul3A_410, %add3A_426 : vector<16xi32>
      %gather3A_428 = tpu.vector_load_idx %arg15[%add3A_427] : memref<2048xf32, #tpu.memory_space<vmem>>[vector<16xi32>], vector<16xf32>,
      %add3A_429 = arith.addf %add3A_414, %gather3A_428 : vector<16xf32>
      %add3A_430 = arith.constant 1 : i32
      %add3A_431 = vector.broadcast %add3A_430 : i32 to vector<16xi32>
      %add3A_432 = arith.addi %mul3A_410, %add3A_431 : vector<16xi32>
      %gather3A_433 = tpu.vector_load_idx %arg16[%add3A_432] : memref<2048xf32, #tpu.memory_space<vmem>>[vector<16xi32>], vector<16xf32>,
      %add3A_434 = arith.addf %add3A_419, %gather3A_433 : vector<16xf32>
      %add3A_435 = arith.constant 1 : i32
      %add3A_436 = vector.broadcast %add3A_435 : i32 to vector<16xi32>
      %add3A_437 = arith.addi %mul3A_410, %add3A_436 : vector<16xi32>
      %gather3A_438 = tpu.vector_load_idx %arg17[%add3A_437] : memref<2048xf32, #tpu.memory_space<vmem>>[vector<16xi32>], vector<16xf32>,
      %add3A_439 = arith.addf %add3A_424, %gather3A_438 : vector<16xf32>
      %add3A_440 = arith.constant 2 : i32
      %add3A_441 = vector.broadcast %add3A_440 : i32 to vector<16xi32>
      %add3A_442 = arith.addi %mul3A_410, %add3A_441 : vector<16xi32>
      %gather3A_443 = tpu.vector_load_idx %arg15[%add3A_442] : memref<2048xf32, #tpu.memory_space<vmem>>[vector<16xi32>], vector<16xf32>,
      %add3A_444 = arith.addf %add3A_429, %gather3A_443 : vector<16xf32>
      %add3A_445 = arith.constant 2 : i32
      %add3A_446 = vector.broadcast %add3A_445 : i32 to vector<16xi32>
      %add3A_447 = arith.addi %mul3A_410, %add3A_446 : vector<16xi32>
      %gather3A_448 = tpu.vector_load_idx %arg16[%add3A_447] : memref<2048xf32, #tpu.memory_space<vmem>>[vector<16xi32>], vector<16xf32>,
      %add3A_449 = arith.addf %add3A_434, %gather3A_448 : vector<16xf32>
      %add3A_450 = arith.constant 2 : i32
      %add3A_451 = vector.broadcast %add3A_450 : i32 to vector<16xi32>
      %add3A_452 = arith.addi %mul3A_410, %add3A_451 : vector<16xi32>
      %gather3A_453 = tpu.vector_load_idx %arg17[%add3A_452] : memref<2048xf32, #tpu.memory_space<vmem>>[vector<16xi32>], vector<16xf32>,
      %add3A_454 = arith.addf %add3A_439, %gather3A_453 : vector<16xf32>
      %add3A_455 = arith.constant 3 : i32
      %add3A_456 = vector.broadcast %add3A_455 : i32 to vector<16xi32>
      %add3A_457 = arith.addi %mul3A_410, %add3A_456 : vector<16xi32>
      %gather3A_458 = tpu.vector_load_idx %arg15[%add3A_457] : memref<2048xf32, #tpu.memory_space<vmem>>[vector<16xi32>], vector<16xf32>,
      %add3A_459 = arith.addf %add3A_444, %gather3A_458 : vector<16xf32>
      %add3A_460 = arith.constant 3 : i32
      %add3A_461 = vector.broadcast %add3A_460 : i32 to vector<16xi32>
      %add3A_462 = arith.addi %mul3A_410, %add3A_461 : vector<16xi32>
      %gather3A_463 = tpu.vector_load_idx %arg16[%add3A_462] : memref<2048xf32, #tpu.memory_space<vmem>>[vector<16xi32>], vector<16xf32>,
      %add3A_464 = arith.addf %add3A_449, %gather3A_463 : vector<16xf32>
      %add3A_465 = arith.constant 3 : i32
      %add3A_466 = vector.broadcast %add3A_465 : i32 to vector<16xi32>
      %add3A_467 = arith.addi %mul3A_410, %add3A_466 : vector<16xi32>
      %gather3A_468 = tpu.vector_load_idx %arg17[%add3A_467] : memref<2048xf32, #tpu.memory_space<vmem>>[vector<16xi32>], vector<16xf32>,
      %add3A_469 = arith.addf %add3A_454, %gather3A_468 : vector<16xf32>
      %add3A_470 = arith.constant 4 : i32
      %add3A_471 = vector.broadcast %add3A_470 : i32 to vector<16xi32>
      %add3A_472 = arith.addi %mul3A_410, %add3A_471 : vector<16xi32>
      %gather3A_473 = tpu.vector_load_idx %arg15[%add3A_472] : memref<2048xf32, #tpu.memory_space<vmem>>[vector<16xi32>], vector<16xf32>,
      %add3A_474 = arith.addf %add3A_459, %gather3A_473 : vector<16xf32>
      %add3A_475 = arith.constant 4 : i32
      %add3A_476 = vector.broadcast %add3A_475 : i32 to vector<16xi32>
      %add3A_477 = arith.addi %mul3A_410, %add3A_476 : vector<16xi32>
      %gather3A_478 = tpu.vector_load_idx %arg16[%add3A_477] : memref<2048xf32, #tpu.memory_space<vmem>>[vector<16xi32>], vector<16xf32>,
      %add3A_479 = arith.addf %add3A_464, %gather3A_478 : vector<16xf32>
      %add3A_480 = arith.constant 4 : i32
      %add3A_481 = vector.broadcast %add3A_480 : i32 to vector<16xi32>
      %add3A_482 = arith.addi %mul3A_410, %add3A_481 : vector<16xi32>
      %gather3A_483 = tpu.vector_load_idx %arg17[%add3A_482] : memref<2048xf32, #tpu.memory_space<vmem>>[vector<16xi32>], vector<16xf32>,
      %add3A_484 = arith.addf %add3A_469, %gather3A_483 : vector<16xf32>
      %add3A_485 = arith.constant 5 : i32
      %add3A_486 = vector.broadcast %add3A_485 : i32 to vector<16xi32>
      %add3A_487 = arith.addi %mul3A_410, %add3A_486 : vector<16xi32>
      %gather3A_488 = tpu.vector_load_idx %arg15[%add3A_487] : memref<2048xf32, #tpu.memory_space<vmem>>[vector<16xi32>], vector<16xf32>,
      %add3A_489 = arith.addf %add3A_474, %gather3A_488 : vector<16xf32>
      %add3A_490 = arith.constant 5 : i32
      %add3A_491 = vector.broadcast %add3A_490 : i32 to vector<16xi32>
      %add3A_492 = arith.addi %mul3A_410, %add3A_491 : vector<16xi32>
      %gather3A_493 = tpu.vector_load_idx %arg16[%add3A_492] : memref<2048xf32, #tpu.memory_space<vmem>>[vector<16xi32>], vector<16xf32>,
      %add3A_494 = arith.addf %add3A_479, %gather3A_493 : vector<16xf32>
      %add3A_495 = arith.constant 5 : i32
      %add3A_496 = vector.broadcast %add3A_495 : i32 to vector<16xi32>
      %add3A_497 = arith.addi %mul3A_410, %add3A_496 : vector<16xi32>
      %gather3A_498 = tpu.vector_load_idx %arg17[%add3A_497] : memref<2048xf32, #tpu.memory_space<vmem>>[vector<16xi32>], vector<16xf32>,
      %add3A_499 = arith.addf %add3A_484, %gather3A_498 : vector<16xf32>
      %add3A_500 = arith.constant 6 : i32
      %add3A_501 = vector.broadcast %add3A_500 : i32 to vector<16xi32>
      %add3A_502 = arith.addi %mul3A_410, %add3A_501 : vector<16xi32>
      %gather3A_503 = tpu.vector_load_idx %arg15[%add3A_502] : memref<2048xf32, #tpu.memory_space<vmem>>[vector<16xi32>], vector<16xf32>,
      %add3A_504 = arith.addf %add3A_489, %gather3A_503 : vector<16xf32>
      %add3A_505 = arith.constant 6 : i32
      %add3A_506 = vector.broadcast %add3A_505 : i32 to vector<16xi32>
      %add3A_507 = arith.addi %mul3A_410, %add3A_506 : vector<16xi32>
      %gather3A_508 = tpu.vector_load_idx %arg16[%add3A_507] : memref<2048xf32, #tpu.memory_space<vmem>>[vector<16xi32>], vector<16xf32>,
      %add3A_509 = arith.addf %add3A_494, %gather3A_508 : vector<16xf32>
      %add3A_510 = arith.constant 6 : i32
      %add3A_511 = vector.broadcast %add3A_510 : i32 to vector<16xi32>
      %add3A_512 = arith.addi %mul3A_410, %add3A_511 : vector<16xi32>
      %gather3A_513 = tpu.vector_load_idx %arg17[%add3A_512] : memref<2048xf32, #tpu.memory_space<vmem>>[vector<16xi32>], vector<16xf32>,
      %add3A_514 = arith.addf %add3A_499, %gather3A_513 : vector<16xf32>
      %add3A_515 = arith.constant 7 : i32
      %add3A_516 = vector.broadcast %add3A_515 : i32 to vector<16xi32>
      %add3A_517 = arith.addi %mul3A_410, %add3A_516 : vector<16xi32>
      %gather3A_518 = tpu.vector_load_idx %arg15[%add3A_517] : memref<2048xf32, #tpu.memory_space<vmem>>[vector<16xi32>], vector<16xf32>,
      %add3A_519 = arith.addf %add3A_504, %gather3A_518 : vector<16xf32>
      %add3A_520 = arith.constant 7 : i32
      %add3A_521 = vector.broadcast %add3A_520 : i32 to vector<16xi32>
      %add3A_522 = arith.addi %mul3A_410, %add3A_521 : vector<16xi32>
      %gather3A_523 = tpu.vector_load_idx %arg16[%add3A_522] : memref<2048xf32, #tpu.memory_space<vmem>>[vector<16xi32>], vector<16xf32>,
      %add3A_524 = arith.addf %add3A_509, %gather3A_523 : vector<16xf32>
      %add3A_525 = arith.constant 7 : i32
      %add3A_526 = vector.broadcast %add3A_525 : i32 to vector<16xi32>
      %add3A_527 = arith.addi %mul3A_410, %add3A_526 : vector<16xi32>
      %gather3A_528 = tpu.vector_load_idx %arg17[%add3A_527] : memref<2048xf32, #tpu.memory_space<vmem>>[vector<16xi32>], vector<16xf32>,
      %add3A_529 = arith.addf %add3A_514, %gather3A_528 : vector<16xf32>
      %add3A_530 = arith.constant 8 : i32
      %add3A_531 = vector.broadcast %add3A_530 : i32 to vector<16xi32>
      %add3A_532 = arith.addi %mul3A_410, %add3A_531 : vector<16xi32>
      %gather3A_533 = tpu.vector_load_idx %arg15[%add3A_532] : memref<2048xf32, #tpu.memory_space<vmem>>[vector<16xi32>], vector<16xf32>,
      %add3A_534 = arith.addf %add3A_519, %gather3A_533 : vector<16xf32>
      %add3A_535 = arith.constant 8 : i32
      %add3A_536 = vector.broadcast %add3A_535 : i32 to vector<16xi32>
      %add3A_537 = arith.addi %mul3A_410, %add3A_536 : vector<16xi32>
      %gather3A_538 = tpu.vector_load_idx %arg16[%add3A_537] : memref<2048xf32, #tpu.memory_space<vmem>>[vector<16xi32>], vector<16xf32>,
      %add3A_539 = arith.addf %add3A_524, %gather3A_538 : vector<16xf32>
      %add3A_540 = arith.constant 8 : i32
      %add3A_541 = vector.broadcast %add3A_540 : i32 to vector<16xi32>
      %add3A_542 = arith.addi %mul3A_410, %add3A_541 : vector<16xi32>
      %gather3A_543 = tpu.vector_load_idx %arg17[%add3A_542] : memref<2048xf32, #tpu.memory_space<vmem>>[vector<16xi32>], vector<16xf32>,
      %add3A_544 = arith.addf %add3A_529, %gather3A_543 : vector<16xf32>
      %add3A_545 = arith.constant 9 : i32
      %add3A_546 = vector.broadcast %add3A_545 : i32 to vector<16xi32>
      %add3A_547 = arith.addi %mul3A_410, %add3A_546 : vector<16xi32>
      %gather3A_548 = tpu.vector_load_idx %arg15[%add3A_547] : memref<2048xf32, #tpu.memory_space<vmem>>[vector<16xi32>], vector<16xf32>,
      %add3A_549 = arith.addf %add3A_534, %gather3A_548 : vector<16xf32>
      %add3A_550 = arith.constant 9 : i32
      %add3A_551 = vector.broadcast %add3A_550 : i32 to vector<16xi32>
      %add3A_552 = arith.addi %mul3A_410, %add3A_551 : vector<16xi32>
      %gather3A_553 = tpu.vector_load_idx %arg16[%add3A_552] : memref<2048xf32, #tpu.memory_space<vmem>>[vector<16xi32>], vector<16xf32>,
      %add3A_554 = arith.addf %add3A_539, %gather3A_553 : vector<16xf32>
      %add3A_555 = arith.constant 9 : i32
      %add3A_556 = vector.broadcast %add3A_555 : i32 to vector<16xi32>
      %add3A_557 = arith.addi %mul3A_410, %add3A_556 : vector<16xi32>
      %gather3A_558 = tpu.vector_load_idx %arg17[%add3A_557] : memref<2048xf32, #tpu.memory_space<vmem>>[vector<16xi32>], vector<16xf32>,
      %add3A_559 = arith.addf %add3A_544, %gather3A_558 : vector<16xf32>
      %add3A_560 = arith.constant 10 : i32
      %add3A_561 = vector.broadcast %add3A_560 : i32 to vector<16xi32>
      %add3A_562 = arith.addi %mul3A_410, %add3A_561 : vector<16xi32>
      %gather3A_563 = tpu.vector_load_idx %arg15[%add3A_562] : memref<2048xf32, #tpu.memory_space<vmem>>[vector<16xi32>], vector<16xf32>,
      %add3A_564 = arith.addf %add3A_549, %gather3A_563 : vector<16xf32>
      %add3A_565 = arith.constant 10 : i32
      %add3A_566 = vector.broadcast %add3A_565 : i32 to vector<16xi32>
      %add3A_567 = arith.addi %mul3A_410, %add3A_566 : vector<16xi32>
      %gather3A_568 = tpu.vector_load_idx %arg16[%add3A_567] : memref<2048xf32, #tpu.memory_space<vmem>>[vector<16xi32>], vector<16xf32>,
      %add3A_569 = arith.addf %add3A_554, %gather3A_568 : vector<16xf32>
      %add3A_570 = arith.constant 10 : i32
      %add3A_571 = vector.broadcast %add3A_570 : i32 to vector<16xi32>
      %add3A_572 = arith.addi %mul3A_410, %add3A_571 : vector<16xi32>
      %gather3A_573 = tpu.vector_load_idx %arg17[%add3A_572] : memref<2048xf32, #tpu.memory_space<vmem>>[vector<16xi32>], vector<16xf32>,
      %add3A_574 = arith.addf %add3A_559, %gather3A_573 : vector<16xf32>
      %add3A_575 = arith.constant 11 : i32
      %add3A_576 = vector.broadcast %add3A_575 : i32 to vector<16xi32>
      %add3A_577 = arith.addi %mul3A_410, %add3A_576 : vector<16xi32>
      %gather3A_578 = tpu.vector_load_idx %arg15[%add3A_577] : memref<2048xf32, #tpu.memory_space<vmem>>[vector<16xi32>], vector<16xf32>,
      %add3A_579 = arith.addf %add3A_564, %gather3A_578 : vector<16xf32>
      %add3A_580 = arith.constant 11 : i32
      %add3A_581 = vector.broadcast %add3A_580 : i32 to vector<16xi32>
      %add3A_582 = arith.addi %mul3A_410, %add3A_581 : vector<16xi32>
      %gather3A_583 = tpu.vector_load_idx %arg16[%add3A_582] : memref<2048xf32, #tpu.memory_space<vmem>>[vector<16xi32>], vector<16xf32>,
      %add3A_584 = arith.addf %add3A_569, %gather3A_583 : vector<16xf32>
      %add3A_585 = arith.constant 11 : i32
      %add3A_586 = vector.broadcast %add3A_585 : i32 to vector<16xi32>
      %add3A_587 = arith.addi %mul3A_410, %add3A_586 : vector<16xi32>
      %gather3A_588 = tpu.vector_load_idx %arg17[%add3A_587] : memref<2048xf32, #tpu.memory_space<vmem>>[vector<16xi32>], vector<16xf32>,
      %add3A_589 = arith.addf %add3A_574, %gather3A_588 : vector<16xf32>
      %add3A_590 = arith.constant 12 : i32
      %add3A_591 = vector.broadcast %add3A_590 : i32 to vector<16xi32>
      %add3A_592 = arith.addi %mul3A_410, %add3A_591 : vector<16xi32>
      %gather3A_593 = tpu.vector_load_idx %arg15[%add3A_592] : memref<2048xf32, #tpu.memory_space<vmem>>[vector<16xi32>], vector<16xf32>,
      %add3A_594 = arith.addf %add3A_579, %gather3A_593 : vector<16xf32>
      %add3A_595 = arith.constant 12 : i32
      %add3A_596 = vector.broadcast %add3A_595 : i32 to vector<16xi32>
      %add3A_597 = arith.addi %mul3A_410, %add3A_596 : vector<16xi32>
      %gather3A_598 = tpu.vector_load_idx %arg16[%add3A_597] : memref<2048xf32, #tpu.memory_space<vmem>>[vector<16xi32>], vector<16xf32>,
      %add3A_599 = arith.addf %add3A_584, %gather3A_598 : vector<16xf32>
      %add3A_600 = arith.constant 12 : i32
      %add3A_601 = vector.broadcast %add3A_600 : i32 to vector<16xi32>
      %add3A_602 = arith.addi %mul3A_410, %add3A_601 : vector<16xi32>
      %gather3A_603 = tpu.vector_load_idx %arg17[%add3A_602] : memref<2048xf32, #tpu.memory_space<vmem>>[vector<16xi32>], vector<16xf32>,
      %add3A_604 = arith.addf %add3A_589, %gather3A_603 : vector<16xf32>
      %add3A_605 = arith.constant 13 : i32
      %add3A_606 = vector.broadcast %add3A_605 : i32 to vector<16xi32>
      %add3A_607 = arith.addi %mul3A_410, %add3A_606 : vector<16xi32>
      %gather3A_608 = tpu.vector_load_idx %arg15[%add3A_607] : memref<2048xf32, #tpu.memory_space<vmem>>[vector<16xi32>], vector<16xf32>,
      %add3A_609 = arith.addf %add3A_594, %gather3A_608 : vector<16xf32>
      %add3A_610 = arith.constant 13 : i32
      %add3A_611 = vector.broadcast %add3A_610 : i32 to vector<16xi32>
      %add3A_612 = arith.addi %mul3A_410, %add3A_611 : vector<16xi32>
      %gather3A_613 = tpu.vector_load_idx %arg16[%add3A_612] : memref<2048xf32, #tpu.memory_space<vmem>>[vector<16xi32>], vector<16xf32>,
      %add3A_614 = arith.addf %add3A_599, %gather3A_613 : vector<16xf32>
      %add3A_615 = arith.constant 13 : i32
      %add3A_616 = vector.broadcast %add3A_615 : i32 to vector<16xi32>
      %add3A_617 = arith.addi %mul3A_410, %add3A_616 : vector<16xi32>
      %gather3A_618 = tpu.vector_load_idx %arg17[%add3A_617] : memref<2048xf32, #tpu.memory_space<vmem>>[vector<16xi32>], vector<16xf32>,
      %add3A_619 = arith.addf %add3A_604, %gather3A_618 : vector<16xf32>
      %add3A_620 = arith.constant 14 : i32
      %add3A_621 = vector.broadcast %add3A_620 : i32 to vector<16xi32>
      %add3A_622 = arith.addi %mul3A_410, %add3A_621 : vector<16xi32>
      %gather3A_623 = tpu.vector_load_idx %arg15[%add3A_622] : memref<2048xf32, #tpu.memory_space<vmem>>[vector<16xi32>], vector<16xf32>,
      %add3A_624 = arith.addf %add3A_609, %gather3A_623 : vector<16xf32>
      %add3A_625 = arith.constant 14 : i32
      %add3A_626 = vector.broadcast %add3A_625 : i32 to vector<16xi32>
      %add3A_627 = arith.addi %mul3A_410, %add3A_626 : vector<16xi32>
      %gather3A_628 = tpu.vector_load_idx %arg16[%add3A_627] : memref<2048xf32, #tpu.memory_space<vmem>>[vector<16xi32>], vector<16xf32>,
      %add3A_629 = arith.addf %add3A_614, %gather3A_628 : vector<16xf32>
      %add3A_630 = arith.constant 14 : i32
      %add3A_631 = vector.broadcast %add3A_630 : i32 to vector<16xi32>
      %add3A_632 = arith.addi %mul3A_410, %add3A_631 : vector<16xi32>
      %gather3A_633 = tpu.vector_load_idx %arg17[%add3A_632] : memref<2048xf32, #tpu.memory_space<vmem>>[vector<16xi32>], vector<16xf32>,
      %add3A_634 = arith.addf %add3A_619, %gather3A_633 : vector<16xf32>
      %add3A_635 = arith.constant 15 : i32
      %add3A_636 = vector.broadcast %add3A_635 : i32 to vector<16xi32>
      %add3A_637 = arith.addi %mul3A_410, %add3A_636 : vector<16xi32>
      %gather3A_638 = tpu.vector_load_idx %arg15[%add3A_637] : memref<2048xf32, #tpu.memory_space<vmem>>[vector<16xi32>], vector<16xf32>,
      %add3A_639 = arith.addf %add3A_624, %gather3A_638 : vector<16xf32>
      %add3A_640 = arith.constant 15 : i32
      %add3A_641 = vector.broadcast %add3A_640 : i32 to vector<16xi32>
      %add3A_642 = arith.addi %mul3A_410, %add3A_641 : vector<16xi32>
      %gather3A_643 = tpu.vector_load_idx %arg16[%add3A_642] : memref<2048xf32, #tpu.memory_space<vmem>>[vector<16xi32>], vector<16xf32>,
      %add3A_644 = arith.addf %add3A_629, %gather3A_643 : vector<16xf32>
      %add3A_645 = arith.constant 15 : i32
      %add3A_646 = vector.broadcast %add3A_645 : i32 to vector<16xi32>
      %add3A_647 = arith.addi %mul3A_410, %add3A_646 : vector<16xi32>
      %gather3A_648 = tpu.vector_load_idx %arg17[%add3A_647] : memref<2048xf32, #tpu.memory_space<vmem>>[vector<16xi32>], vector<16xf32>,
      %add3A_649 = arith.addf %add3A_634, %gather3A_648 : vector<16xf32>
      %neg3A = arith.constant 0.000000e+00 : f32
      %neg3A_650 = vector.broadcast %neg3A : f32 to vector<16xf32>
      %neg3A_651 = arith.subf %neg3A_650, %add3A_639 : vector<16xf32>
      %abs3A = math.absf %neg3A_651 : vector<16xf32>
      %neg3A_652 = arith.constant 0.000000e+00 : f32
      %neg3A_653 = vector.broadcast %neg3A_652 : f32 to vector<16xf32>
      %neg3A_654 = arith.subf %neg3A_653, %abs3A : vector<16xf32>
      %exp3A = math.exp %neg3A_654 : vector<16xf32>
      %add3A_655 = arith.constant 2.000000e+00 : f32
      %add3A_656 = vector.broadcast %add3A_655 : f32 to vector<16xf32>
      %add3A_657 = arith.addf %add3A_656, %exp3A : vector<16xf32>
      %div3A = arith.divf %exp3A, %add3A_657 : vector<16xf32>
      %mul3A_658 = arith.mulf %div3A, %div3A : vector<16xf32>
      %mul3A_659 = arith.constant 2.000000e+00 : f32
      %mul3A_660 = vector.broadcast %mul3A_659 : f32 to vector<16xf32>
      %mul3A_661 = arith.mulf %mul3A_660, %div3A : vector<16xf32>
      %mul3A_662 = arith.constant 0.142857149 : f32
      %mul3A_663 = vector.broadcast %mul3A_662 : f32 to vector<16xf32>
      %mul3A_664 = arith.mulf %mul3A_658, %mul3A_663 : vector<16xf32>
      %add3A_665 = arith.constant 2.000000e-01 : f32
      %add3A_666 = vector.broadcast %add3A_665 : f32 to vector<16xf32>
      %add3A_667 = arith.addf %add3A_666, %mul3A_664 : vector<16xf32>
      %mul3A_668 = arith.mulf %mul3A_658, %add3A_667 : vector<16xf32>
      %add3A_669 = arith.constant 0.333333343 : f32
      %add3A_670 = vector.broadcast %add3A_669 : f32 to vector<16xf32>
      %add3A_671 = arith.addf %add3A_670, %mul3A_668 : vector<16xf32>
      %mul3A_672 = arith.mulf %mul3A_658, %add3A_671 : vector<16xf32>
      %add3A_673 = arith.constant 1.000000e+00 : f32
      %add3A_674 = vector.broadcast %add3A_673 : f32 to vector<16xf32>
      %add3A_675 = arith.addf %add3A_674, %mul3A_672 : vector<16xf32>
      %mul3A_676 = arith.mulf %mul3A_661, %add3A_675 : vector<16xf32>
      %max3A = arith.constant 0.000000e+00 : f32
      %max3A_677 = vector.broadcast %max3A : f32 to vector<16xf32>
      %max3A_678 = arith.maximumf %neg3A_651, %max3A_677 : vector<16xf32>
      %add3A_679 = arith.addf %max3A_678, %mul3A_676 : vector<16xf32>
      %abs3A_680 = math.absf %add3A_644 : vector<16xf32>
      %neg3A_681 = arith.constant 0.000000e+00 : f32
      %neg3A_682 = vector.broadcast %neg3A_681 : f32 to vector<16xf32>
      %neg3A_683 = arith.subf %neg3A_682, %abs3A_680 : vector<16xf32>
      %exp3A_684 = math.exp %neg3A_683 : vector<16xf32>
      %add3A_685 = arith.constant 2.000000e+00 : f32
      %add3A_686 = vector.broadcast %add3A_685 : f32 to vector<16xf32>
      %add3A_687 = arith.addf %add3A_686, %exp3A_684 : vector<16xf32>
      %div3A_688 = arith.divf %exp3A_684, %add3A_687 : vector<16xf32>
      %mul3A_689 = arith.mulf %div3A_688, %div3A_688 : vector<16xf32>
      %mul3A_690 = arith.constant 2.000000e+00 : f32
      %mul3A_691 = vector.broadcast %mul3A_690 : f32 to vector<16xf32>
      %mul3A_692 = arith.mulf %mul3A_691, %div3A_688 : vector<16xf32>
      %mul3A_693 = arith.constant 0.142857149 : f32
      %mul3A_694 = vector.broadcast %mul3A_693 : f32 to vector<16xf32>
      %mul3A_695 = arith.mulf %mul3A_689, %mul3A_694 : vector<16xf32>
      %add3A_696 = arith.constant 2.000000e-01 : f32
      %add3A_697 = vector.broadcast %add3A_696 : f32 to vector<16xf32>
      %add3A_698 = arith.addf %add3A_697, %mul3A_695 : vector<16xf32>
      %mul3A_699 = arith.mulf %mul3A_689, %add3A_698 : vector<16xf32>
      %add3A_700 = arith.constant 0.333333343 : f32
      %add3A_701 = vector.broadcast %add3A_700 : f32 to vector<16xf32>
      %add3A_702 = arith.addf %add3A_701, %mul3A_699 : vector<16xf32>
      %mul3A_703 = arith.mulf %mul3A_689, %add3A_702 : vector<16xf32>
      %add3A_704 = arith.constant 1.000000e+00 : f32
      %add3A_705 = vector.broadcast %add3A_704 : f32 to vector<16xf32>
      %add3A_706 = arith.addf %add3A_705, %mul3A_703 : vector<16xf32>
      %mul3A_707 = arith.mulf %mul3A_692, %add3A_706 : vector<16xf32>
      %max3A_708 = arith.constant 0.000000e+00 : f32
      %max3A_709 = vector.broadcast %max3A_708 : f32 to vector<16xf32>
      %max3A_710 = arith.maximumf %add3A_644, %max3A_709 : vector<16xf32>
      %add3A_711 = arith.addf %max3A_710, %mul3A_707 : vector<16xf32>
      %add3A_712 = arith.addf %add3A_679, %add3A_711 : vector<16xf32>
      %abs3A_713 = math.absf %add3A_649 : vector<16xf32>
      %neg3A_714 = arith.constant 0.000000e+00 : f32
      %neg3A_715 = vector.broadcast %neg3A_714 : f32 to vector<16xf32>
      %neg3A_716 = arith.subf %neg3A_715, %abs3A_713 : vector<16xf32>
      %exp3A_717 = math.exp %neg3A_716 : vector<16xf32>
      %add3A_718 = arith.constant 2.000000e+00 : f32
      %add3A_719 = vector.broadcast %add3A_718 : f32 to vector<16xf32>
      %add3A_720 = arith.addf %add3A_719, %exp3A_717 : vector<16xf32>
      %div3A_721 = arith.divf %exp3A_717, %add3A_720 : vector<16xf32>
      %mul3A_722 = arith.mulf %div3A_721, %div3A_721 : vector<16xf32>
      %mul3A_723 = arith.constant 2.000000e+00 : f32
      %mul3A_724 = vector.broadcast %mul3A_723 : f32 to vector<16xf32>
      %mul3A_725 = arith.mulf %mul3A_724, %div3A_721 : vector<16xf32>
      %mul3A_726 = arith.constant 0.142857149 : f32
      %mul3A_727 = vector.broadcast %mul3A_726 : f32 to vector<16xf32>
      %mul3A_728 = arith.mulf %mul3A_722, %mul3A_727 : vector<16xf32>
      %add3A_729 = arith.constant 2.000000e-01 : f32
      %add3A_730 = vector.broadcast %add3A_729 : f32 to vector<16xf32>
      %add3A_731 = arith.addf %add3A_730, %mul3A_728 : vector<16xf32>
      %mul3A_732 = arith.mulf %mul3A_722, %add3A_731 : vector<16xf32>
      %add3A_733 = arith.constant 0.333333343 : f32
      %add3A_734 = vector.broadcast %add3A_733 : f32 to vector<16xf32>
      %add3A_735 = arith.addf %add3A_734, %mul3A_732 : vector<16xf32>
      %mul3A_736 = arith.mulf %mul3A_722, %add3A_735 : vector<16xf32>
      %add3A_737 = arith.constant 1.000000e+00 : f32
      %add3A_738 = vector.broadcast %add3A_737 : f32 to vector<16xf32>
      %add3A_739 = arith.addf %add3A_738, %mul3A_736 : vector<16xf32>
      %mul3A_740 = arith.mulf %mul3A_725, %add3A_739 : vector<16xf32>
      %max3A_741 = arith.constant 0.000000e+00 : f32
      %max3A_742 = vector.broadcast %max3A_741 : f32 to vector<16xf32>
      %max3A_743 = arith.maximumf %add3A_649, %max3A_742 : vector<16xf32>
      %add3A_744 = arith.addf %max3A_743, %mul3A_740 : vector<16xf32>
      %add3A_745 = arith.addf %add3A_712, %add3A_744 : vector<16xf32>
      %mul3A_746 = arith.constant 16 : i32
      %mul3A_747 = arith.muli %scan3A_402, %mul3A_746 : i32
      %swap3A = arith.index_cast %mul3A_747 : i32 to index
      %swap3A_748 = tpu.vector_load %arg18[%swap3A] {strides = array<i32>} : memref<128xf32, #tpu.memory_space<vmem>>, vector<16xf32>,
      tpu.vector_store %arg18[%swap3A], %add3A_745 {strides = array<i32>} : memref<128xf32, #tpu.memory_space<vmem>>, vector<16xf32>,
      %scan3A_749 = arith.constant 0 : i32
      scf.yield %scan3A_749 : i32
    }
    %scan3A_401 = arith.constant 8 : i32
    "tpu.region"() ({
      %run_scoped3A_402 = tpu.sem_alloc : memref<!tpu.dma_semaphore, #tpu.memory_space<semaphore_mem>>
      %dma_start3A_403 = tpu.memref_slice %arg6[%add3A_383] : memref<16384xf32, #tpu.memory_space<hbm>> -> memref<128xf32, #tpu.memory_space<hbm>>
      %dma_start3A_404 = tpu.memref_slice %arg6[%add3A_383] : memref<16384xf32, #tpu.memory_space<hbm>> -> memref<128xf32, #tpu.memory_space<hbm>>
      tpu.enqueue_dma source(%arg18 : memref<128xf32, #tpu.memory_space<vmem>>) target(%dma_start3A_404 : memref<128xf32, #tpu.memory_space<hbm>>) target_semaphore(%run_scoped3A_402 : memref<!tpu.dma_semaphore, #tpu.memory_space<semaphore_mem>>)
      %dma_wait3A_405 = tpu.memref_slice %arg6[%add3A_383] : memref<16384xf32, #tpu.memory_space<hbm>> -> memref<128xf32, #tpu.memory_space<hbm>>
      %dma_wait3A_406 = tpu.memref_slice %arg6[%add3A_383] : memref<16384xf32, #tpu.memory_space<hbm>> -> memref<128xf32, #tpu.memory_space<hbm>>
      tpu.wait_dma2 semaphore(%run_scoped3A_402 : memref<!tpu.dma_semaphore, #tpu.memory_space<semaphore_mem>>) src(%arg18 : memref<128xf32, #tpu.memory_space<vmem>>) dst(%dma_wait3A_406 : memref<128xf32, #tpu.memory_space<hbm>>)
      tpu.yield
    }) : () -> ()
    return
  }
}

</mosaic_0001>

<sc_bundles>
// kernel: kernel.3.cloned.1.call-start
scs
__scs_entry_jumppad:
0x0: {  	(pc) =	sbr.rel $0x88, $3  }
0x1: {  	(tag) =	ssettag $0x0;
	lr =	simm.s32 $0x1  }
0x2: {  	[smem:$0x3F9D] =	sst lr;
	_ =	strace $0xD0000000  }
0x3: {  	_ = 	snop  }
0x4: {  	_ = 	snop  }
0x5: {  	_ = 	snop  }
0x6: {  	_ = 	snop  }
0x7: {  	_ = 	snop  }
__scs_overlays_trampoline_lowered:
0x8: {  	[smem:$0x3FAC] =	sst s0  }
0x9: {  	[smem:$0x3FAD] =	sst s1  }
0xa: {  	[smem:$0x3FAE] =	sst s2  }
0xb: {  	[smem:$0x3FAF] =	sst s3  }
0xc: {  	[smem:$0x3FB0] =	sst s4  }
0xd: {  	[smem:$0x3FB1] =	sst s5  }
0xe: {  	[smem:$0x3FB2] =	sst s6  }
0xf: {  	[smem:$0x3FB3] =	sst s7  }
0x10: {  	[smem:$0x3FB4] =	sst s8  }
0x11: {  	[smem:$0x3FB5] =	sst s9;
	s0 =	simm.s32 @!p0 $0x0  }
0x12: {  	s1 =	sld [smem:$0x3F9B];
	s0 =	simm.s32 @p0 $0x1  }
0x13: {  	[smem:$0x3FB6] =	sst s0;
	s0 =	simm.s32 @!p1 $0x0  }
0x14: {  	s2 =	sld [smem:$0x3F9A];
	s0 =	simm.s32 @p1 $0x1  }
0x15: {  	[smem:$0x3FB7] =	sst s0;
	s0 =	simm.s32 @!p2 $0x0  }
0x16: {  	s3 =	sld [smem:$0x3FDB];
	s0 =	simm.s32 @p2 $0x1  }
0x17: {  	s4 =	simm.s32 $0x1BF5;
	[smem:$0x3FB9] =	sst s0  }
0x18: {  	s0 =	sld [smem:$0x3F9C];
	_ =	swait.ge [sflag:s4], $0x0  }
0x19: {  	s7 =	sld [smem:$0x3F9D]  }
0x1a: {  	s8 =	sadd.s32 $0xFFFFE003, lr  }
0x1b: {  	s9 =	sadd.s32 $0xFFFFFEF7, lr;
	s5 =	simm.s32 $0xFFFFFFFF;
	p2 =	slt.u32 s8, $0xFFFFF086  }
0x1c: {  	p1 =	slt.u32 s9, $0xF7A;
	s5 =	simm.s32 @!p2 $0x0  }
0x1d: {  	s5 =	simm.s32 @p1 $0x1;
	p0 =	seq.s32 s7, s2  }
0x1e: {  	s7 =	smul.u32 @!p0 $0xF7A, s2;
	p2 =	seq.s32 @!p0 s5, $0x0  }
0x1f: {  	s9 =	smul.u32 $0xF7A, s1;
	s8 =	simm.s32 @!p0 $0x1BF5;
	p2 =	por !p2, p0  }
0x20: {  	[sflag:s8] =	ssyncset.s32 @!p0 $0xFFFFF086;
	s6 =	sadd.s32 @!p0 s3, s7;
	s7 =	simm.s32 @!p0 $0x108  }
0x21: {  	s3 =	sadd.s32 s3, s9;
	s6 =	sadd.s32 @!p0 $0x88, s6;
	s7 =	simm.s32 @p2 $0x1082  }
0x22: {  	[simem:s7], [sflag:s8] =	dma.local @!p0 [hbm:s6], $0xF7A  }
0x23: {  	s9 =	sor.u32 $0xD0000000, s2;
	s6 =	simm.s32 $0x108;
	_ =	swait.ge @!p0 [sflag:s8], $0x0  }
0x24: {  	s3 =	sadd.s32 $0x88, s3;
	s6 =	simm.s32 @!p1 $0x1082;
	[sflag:s4] =	ssyncset.s32 $0xFFFFF086  }
0x25: {  	[simem:s6], [sflag:s4] =	dma.local [hbm:s3], $0xF7A  }
0x26: {  	[smem:$0x3F9D] =	sst s1;
	(tag) =	ssettag s2;
	_ =	strace s9  }
0x27: {  	s1 =	sld [smem:$0x3FAD]  }
0x28: {  	s2 =	sld [smem:$0x3FAE]  }
0x29: {  	s4 =	sld [smem:$0x3FB0]  }
0x2a: {  	p0 =	seq.s32 s5, $0x0;
	s5 =	sld [smem:$0x3FB1]  }
0x2b: {  	s6 =	sld [smem:$0x3FB2]  }
0x2c: {  	s7 =	sld [smem:$0x3FB3]  }
0x2d: {  	s3 =	simm.s32 $0x108;
	s8 =	sld [smem:$0x3FB4]  }
0x2e: {  	s3 =	simm.s32 @!p0 $0x1082;
	s9 =	sld [smem:$0x3FB5]  }
0x2f: {  	lr =	sadd.s32 s0, s3;
	s0 =	sld [smem:$0x3FAC]  }
0x30: {  	s3 =	sld [smem:$0x3FAF]  }
0x31: {  	[smem:$0x3FB8] =	sst s10  }
0x32: {  	s10 =	sld [smem:$0x3FB6];
	_ =	sdelay $0x3  }
0x33: {  	p0 =	seq.s32 s10, $0x1;
	s10 =	sld [smem:$0x3FB8];
	_ =	sdelay $0x3  }
0x34: {  	[smem:$0x3FB8] =	sst s10  }
0x35: {  	s10 =	sld [smem:$0x3FB7];
	_ =	sdelay $0x3  }
0x36: {  	p1 =	seq.s32 s10, $0x1;
	s10 =	sld [smem:$0x3FB8];
	_ =	sdelay $0x3  }
0x37: {  	[smem:$0x3FB8] =	sst s10  }
0x38: {  	s10 =	sld [smem:$0x3FB9]  }
0x39: {  	_ = 	snop;
	(pc) =	sbr.ind lr, $3  }
0x3a: {  	_ = 	snop  }
0x3b: {  	_ = 	snop  }
0x3c: {  	p2 =	seq.s32 s10, $0x1;
	s10 =	sld [smem:$0x3FB8]  }
0x3d: {  	_ =	shalt  }
0x3e: {  	_ =	shalt  }
0x3f: {  	_ =	shalt  }
0x40: {  	_ =	shalt  }
0x41: {  	_ =	shalt  }
0x42: {  	_ =	shalt  }
0x43: {  	_ =	shalt  }
0x44: {  	_ =	shalt  }
0x45: {  	_ =	shalt  }
0x46: {  	_ =	shalt  }
0x47: {  	_ =	shalt  }
0x48: {  	_ =	shalt  }
0x49: {  	_ =	shalt  }
0x4a: {  	_ =	shalt  }
0x4b: {  	_ =	shalt  }
0x4c: {  	_ =	shalt  }
0x4d: {  	_ =	shalt  }
0x4e: {  	_ =	shalt  }
0x4f: {  	_ =	shalt  }
0x50: {  	_ =	shalt  }
0x51: {  	_ =	shalt  }
0x52: {  	_ =	shalt  }
0x53: {  	_ =	shalt  }
0x54: {  	_ =	shalt  }
0x55: {  	_ =	shalt  }
0x56: {  	_ =	shalt  }
0x57: {  	_ =	shalt  }
0x58: {  	_ =	shalt  }
0x59: {  	_ =	shalt  }
0x5a: {  	_ =	shalt  }
0x5b: {  	_ =	shalt  }
0x5c: {  	_ =	shalt  }
0x5d: {  	_ =	shalt  }
0x5e: {  	_ =	shalt  }
0x5f: {  	_ =	shalt  }
0x60: {  	_ =	shalt  }
0x61: {  	_ =	shalt  }
0x62: {  	_ =	shalt  }
0x63: {  	_ =	shalt  }
0x64: {  	_ =	shalt  }
0x65: {  	_ =	shalt  }
0x66: {  	_ =	shalt  }
0x67: {  	_ =	shalt  }
0x68: {  	_ =	shalt  }
0x69: {  	_ =	shalt  }
0x6a: {  	_ =	shalt  }
0x6b: {  	_ =	shalt  }
0x6c: {  	_ =	shalt  }
0x6d: {  	_ =	shalt  }
0x6e: {  	_ =	shalt  }
0x6f: {  	_ =	shalt  }
0x70: {  	_ =	shalt  }
0x71: {  	_ =	shalt  }
0x72: {  	_ =	shalt  }
0x73: {  	_ =	shalt  }
0x74: {  	_ =	shalt  }
0x75: {  	_ =	shalt  }
0x76: {  	_ =	shalt  }
0x77: {  	_ =	shalt  }
0x78: {  	_ =	shalt  }
0x79: {  	_ =	shalt  }
0x7a: {  	_ =	shalt  }
0x7b: {  	_ =	shalt  }
0x7c: {  	_ =	shalt  }
0x7d: {  	_ =	shalt  }
0x7e: {  	_ =	shalt  }
0x7f: {  	_ =	shalt  }
0x80: {  	_ =	shalt  }
0x81: {  	_ =	shalt  }
0x82: {  	_ =	shalt  }
0x83: {  	_ =	shalt  }
0x84: {  	_ =	shalt  }
0x85: {  	_ =	shalt  }
0x86: {  	_ =	shalt  }
0x87: {  	_ =	shalt  }
.Lfunc_end0:
.L_simem_size_0:
called_computation_lowered:
.L_overlay_start_0:
0x88: {  	s2 =	sld [smem:$0x3FD9]  }
0x89: {  	s3 =	sld [smem:$0x3FFE];
	_ =	sdelay $0x1  }
0x8a: {  	s1 =	srdreg.scid  }
0x8b: {  	s0 =	sand.u32 $0x1, s1  }
0x8c: {  	s17 =	sshll.u32 s0, $0xA;
	s2 =	sadd.s32 s3, s2  }
0x8d: {  	s2 =	sadd.s32 s2, s17  }
0x8e: {  	[smem:$0x3FC4] =	sst s2  }
0x8f: {  	_ = 	snop  }
0x90: {  	s2 =	sld [smem:$0x3FC9]  }
0x91: {  	s18 =	sld [smem:$0x3FC8]  }
0x92: {  	s4 =	sld [smem:$0x3FD0];
	(tm) =	ssettm $0x1  }
0x93: {  	s5 =	sld [smem:$0x3FFB];
	_ =	sdelay $0x3  }
0x94: {  	_ =	strace s5  }
0x95: {  	s5 =	sld [smem:$0x3FFC];
	_ =	sdelay $0x3  }
0x96: {  	_ =	strace s5  }
0x97: {  	s5 =	sld [smem:$0x3FFD];
	_ =	sdelay $0x3  }
0x98: {  	_ =	strace s5  }
0x99: {  	_ =	strace $0x8FFFFFFF  }
0x9a: {  	s19 =	sld [smem:$0x3FDB];
	_ =	sdelay $0x1  }
0x9b: {  	s6 =	simm.s32 $_scs_section_size  }
0x9c: {  	s7 =	simm.s32 $_size__tile_overlayer_lowered;
	s8 =	simm.s32 $_tile_overlayer_lowered  }
0x9d: {  	s22 =	simm.s32 $0x1BFF;
	s21 =	sshll.u32 s8, $0x1;
	s5 =	sadd.s32 s6, s19  }
0x9e: {  	s9 =	simm.s32 $0x0;
	s20 =	sshll.u32 s7, $0x1;
	s7 =	sadd.s32 s21, s5  }
0x9f: {  	[timem:s9], [sflag:s22] =	dma.local [hbm:s7], s20  }
0xa0: {  	_ =	swait.ge [sflag:s22], s20  }
0xa1: {  	s6 =	ssub.s32 $0x0, s20;
	[sflag:s22] =	ssyncset.done $0x0  }
0xa2: {  	[sflag:s22] =	ssyncadd.s32 s6;
	_ =	sdelay $0x1  }
0xa3: {  	s23 =	simm.s32 $0x1B8B  }
0xa4: {  	_ =	swait.ge [sflag:s23], $0x1  }
0xa5: {  	[sflag:s23] =	ssyncset.done $0x0  }
0xa6: {  	s25 =	simm.s32 $0x1B8E;
	s24 =	sld [smem:$0x3FFE];
	[sflag:s23] =	ssyncadd.s32 $0xFFFFFFFF  }
0xa7: {  	s26 =	simm.s32 $execute0_lowered;
	[smem:$0x3FD2] =	sst s25  }
0xa8: {  	s7 =	sshll.u32 s26, $0x1;
	_ =	strace $0x80000046;
	[dreg:$0x1] =	wrdreg $0xFFFFFFFF  }
0xa9: {  	s28 =	simm.s32 $_size_execute0_lowered;
	s5 =	sadd.s32 s5, s7;
	[dreg:$0x0] =	wrdreg $0x0  }
0xaa: {  	s7 =	sshll.u32 s28, $0x1;
	[dreg:$0x2] =	wrdreg s5  }
0xab: {  	[dreg:$0x3] =	wrdreg s7  }
0xac: {  	[dreg:$0x4] =	wrdreg $0xC0  }
0xad: {  	_ =	task [dreg:s9], $0x5FFFF  }
0xae: {  	[dreg:$0x1] =	wrdreg $0xFFFFFFFF  }
0xaf: {  	[dreg:$0x0] =	wrdreg $0x60  }
0xb0: {  	[dreg:$0x2] =	wrdreg s2  }
0xb1: {  	[dreg:$0x3] =	wrdreg s18  }
0xb2: {  	[dreg:$0x4] =	wrdreg s24  }
0xb3: {  	[dreg:$0x5] =	wrdreg s4  }
0xb4: {  	[dreg:$0x6] =	wrdreg $0x9  }
0xb5: {  	_ =	task.clear_ibuf [dreg:s9], $0x7FFFF;
	_ =	strace $0x90000046  }
0xb6: {  	s29 =	simm.s32 $0x9;
	_ =	strace $0x80000048  }
0xb7: {  	_ =	swait.ge [sflag:s29], $0x1  }
0xb8: {  	[sflag:s29] =	ssyncadd.s32 $0xFFFFFFFF  }
0xb9: {  	_ =	strace $0x90000048  }
0xba: {  	_ =	sfence  }
0xbb: {  	s30 =	sld [smem:$0x0];
	_ =	sdelay $0x2  }
0xbc: {  	s31 =	sshll.u32 s1, $0xD;
	s1 =	sshrl.u32 s1, $0x2  }
0xbd: {  	s3 =	sand.u32 $0x4000, s31;
	s1 =	sadd.s32 s1, s30  }
0xbe: {  	s0 =	sor.u32 s3, s0;
	s1 =	sshll.u32 s1, $0x11  }
0xbf: {  	s0 =	sor.u32 s1, s0  }
0xc0: {  	s0 =	sadd.s32 $0x8F2B, s0  }
0xc1: {  	[sflag:s0] =	ssyncadd.remote.s32 $0x1  }
0xc2: {  	_ =	sfence.sel $0xFFFF  }
0xc3: {  	[dreg:$0x0] =	wrdreg $0xFFFFFFFF;
	(pc) =	sbr.abs _section_cstart, $3  }
0xc4: {  	[dreg:$0x1] =	wrdreg $0xFFFFFFFF  }
0xc5: {  	_ =	task.clear_ibuf [dreg:s9], $0x2FFFF;
	_ =	strace $0x9FFFFFFF  }
0xc6: {  	(tm) =	ssettm $0x7FFFFFFF  }
0xc7: {  	_ =	shalt  }
tec
execute0_lowered:
.L_overlay_start_1:
0x0: {  	(tag) =	ssettag $0x1  }
0x1: {  	s0 =	rddreg [dreg:$0x0]  }
0x2: {  	s1 =	rddreg [dreg:$0x1]  }
0x3: {  	s3 =	rddreg [dreg:$0x2]  }
0x4: {  	s4 =	rddreg [dreg:$0x3]  }
0x5: {  	s2 =	simm.s32 $0x0;
	s5 =	srdreg.scid;
	s6 =	stileid.u32  }
0x6: {  	s13 =	simm.s32 $0x2;
	s17 =	simm.s32 $0x80;
	s22 =	simm.s32 $0x1  }
0x7: {  	s31 =	simm.s32 $0x10800;
	s24 =	simm.s32 $0x12000;
	s5 =	sand.u32 $0x1, s5  }
0x8: {  	s26 =	simm.s32 $0x0;
	s6 =	sshll.u32 s6, $0x7;
	s7 =	sshll.u32 s5, $0x6  }
0x9: {  	[smem:$0x7FF] =	sst s2;
	s5 =	ssub.s32 $0x2, s5;
	s6 =	sor.u32 s7, s6  }
0xa: {  	_ =	strace $0x80000047;
	s29 =	sshrl.u32 s5, $0x1;
	s8 =	sadd.s32 s6, s3  }
0xb: {  	s3 =	sadd.s32 $0x187000, s3;
	s12 =	ssub.s32 s5, s29;
	s0 =	sadd.s32 s0, s6  }
0xc: {  	s30 =	sadd.s32 s1, s6;
	s6 =	sadd.s32 s4, s6;
	[dreg:$0x5] =	wrdreg s0  }
0xd: {  	s1 =	simm.s32 $0x11800;
	[dreg:$0x6] =	wrdreg s30;
	s7 =	sadd.s32 $0x600, s8  }
0xe: {  	v0 =	vlaneseq.u32;
	s8 =	sadd.s32 $0xE00, s8;
	s9 =	sadd.s32 $0x10, s6;
	s10 =	sadd.s32 $0x20, s6  }
0xf: {  	v0 =	vmul.u32 $0x10, v0;
	s11 =	sadd.s32 $0x30, s6;
	s12 =	smax.u32 s12, $0x1;
	s0 =	simm.s32 $0x11000  }
.LBB2_1:
0x10: {  	s4 =	rddreg [dreg:$0x5]  }
0x11: {  	[tilespmem:s2], [sflag:$0x2] =	stream.linear.gather [hbm4b:s4+s2], $0x200, $0x38;
	[tilespmem:$0x12080] =	vst v63  }
0x12: {  	_ =	swait.ge [sflag:s13], $0x200  }
0x13: {  	[sflag:s13] =	ssyncset.done $0x0  }
0x14: {  	s5 =	simm.s32 $0x200;
	s20 =	rddreg [dreg:$0x6];
	[sflag:s13] =	ssyncadd.s32 $0xFFFFFE00  }
0x15: {  	[tilespmem:s5], [sflag:$0x2] =	stream.linear.gather [hbm4b:s20+s2], $0x200, $0x38;
	[tilespmem:$0x12080] =	vst v63  }
0x16: {  	_ =	swait.ge [sflag:s13], $0x200  }
0x17: {  	[sflag:s13] =	ssyncset.done $0x0  }
0x18: {  	s21 =	simm.s32 $0x400;
	[sflag:s13] =	ssyncadd.s32 $0xFFFFFE00  }
0x19: {  	[tilespmem:s21], [sflag:$0x2] =	stream.linear.gather [hbm4b:s7+s2], $0x200, $0x38;
	[tilespmem:$0x12080] =	vst v63  }
0x1a: {  	_ =	swait.ge [sflag:s13], $0x200  }
0x1b: {  	[sflag:s13] =	ssyncset.done $0x0  }
0x1c: {  	s14 =	simm.s32 $0x600;
	[sflag:s13] =	ssyncadd.s32 $0xFFFFFE00  }
0x1d: {  	[tilespmem:s14], [sflag:$0x2] =	stream.linear.gather [hbm4b:s8+s2], $0x200, $0x38;
	[tilespmem:$0x12080] =	vst v63  }
0x1e: {  	_ =	swait.ge [sflag:s13], $0x200  }
0x1f: {  	[sflag:s13] =	ssyncset.done $0x0  }
0x20: {  	s15 =	simm.s32 $0x800;
	[sflag:s13] =	ssyncadd.s32 $0xFFFFFE00  }
0x21: {  	[tilespmem:s15], [sflag:$0x1] =	stream.indirect.gather [hbm4b:s3+s17], $0x40, s2, s17, $0xb8;
	[tilespmem:$0x12080] =	vst v63  }
0x22: {  	s23 =	simm.s32 $0x4800  }
0x23: {  	[tilespmem:s23], [sflag:$0x1] =	stream.indirect.gather [hbm4b:s3+s17], $0x40, s5, s17, $0xb8;
	[tilespmem:$0x12080] =	vst v63  }
0x24: {  	s25 =	simm.s32 $0x8800  }
0x25: {  	[tilespmem:s25], [sflag:$0x1] =	stream.indirect.gather [hbm4b:s3+s17], $0x40, s21, s17, $0xb8;
	[tilespmem:$0x12080] =	vst v63  }
0x26: {  	s15 =	simm.s32 $0xC800  }
0x27: {  	[tilespmem:s15], [sflag:$0x1] =	stream.indirect.gather [hbm4b:s3+s17], $0x40, s14, s17, $0xb8;
	[tilespmem:$0x12080] =	vst v63  }
0x28: {  	_ =	swait.ge [sflag:s22], $0x2000  }
0x29: {  	[sflag:s22] =	ssyncset.done $0x0  }
0x2a: {  	[sflag:s22] =	ssyncadd.s32 $0xFFFFE000  }
0x2b: {  	_ =	swait.ge [sflag:s22], $0x2000  }
0x2c: {  	[sflag:s22] =	ssyncset.done $0x0  }
0x2d: {  	[sflag:s22] =	ssyncadd.s32 $0xFFFFE000  }
0x2e: {  	_ =	swait.ge [sflag:s22], $0x2000  }
0x2f: {  	[sflag:s22] =	ssyncset.done $0x0  }
0x30: {  	[sflag:s22] =	ssyncadd.s32 $0xFFFFE000  }
0x31: {  	_ =	swait.ge [sflag:s22], $0x2000  }
0x32: {  	[sflag:s22] =	ssyncset.done $0x0  }
0x33: {  	s16 =	simm.s32 $0x2800;
	[sflag:s22] =	ssyncadd.s32 $0xFFFFE000  }
0x34: {  	[tilespmem:s16], [sflag:$0x1] =	stream.indirect.gather [hbm4b:s3+s17], $0x40, s17, s17, $0xb8;
	[tilespmem:$0x12080] =	vst v63  }
0x35: {  	s18 =	simm.s32 $0x280;
	s19 =	simm.s32 $0x6800  }
0x36: {  	[tilespmem:s19], [sflag:$0x1] =	stream.indirect.gather [hbm4b:s3+s17], $0x40, s18, s17, $0xb8;
	[tilespmem:$0x12080] =	vst v63  }
0x37: {  	s20 =	simm.s32 $0x480;
	s21 =	simm.s32 $0xA800  }
0x38: {  	[tilespmem:s21], [sflag:$0x1] =	stream.indirect.gather [hbm4b:s3+s17], $0x40, s20, s17, $0xb8;
	[tilespmem:$0x12080] =	vst v63  }
0x39: {  	s23 =	simm.s32 $0x680;
	s25 =	simm.s32 $0xE800;
	s21 =	simm.s32 $0x0  }
0x3a: {  	[tilespmem:s25], [sflag:$0x1] =	stream.indirect.gather [hbm4b:s3+s17], $0x40, s23, s17, $0xb8;
	[tilespmem:$0x12080] =	vst v63  }
0x3b: {  	v2 =	vld [tilespmem:s21+$0xC810]  }
0x3c: {  	v5 =	vld [tilespmem:s21+$0xC800]  }
0x3d: {  	v4 =	vld [tilespmem:s21+$0x8810]  }
0x3e: {  	v1 =	vld [tilespmem:s21+$0x830]  }
0x3f: {  	v3 =	vld [tilespmem:s21+$0x810]  }
0x40: {  	s28 =	simm.s32 $0x11810;
	s30 =	simm.s32 $0x200;
	v7 =	vld [tilespmem:s21+$0x4800]  }
0x41: {  	s29 =	simm.s32 $0x11010;
	s14 =	simm.s32 $0x10810;
	s15 =	simm.s32 $0x11810;
	v6 =	vld [tilespmem:s21+$0x800]  }
0x42: {  	s16 =	simm.s32 $0x40;
	s18 =	simm.s32 $0x10800;
	s19 =	simm.s32 $0x11000;
	v8 =	vld [tilespmem:s21+$0x4810]  }
0x43: {  	s20 =	simm.s32 $0x11800;
	s23 =	simm.s32 $0x10810;
	s25 =	simm.s32 $0x11010;
	v9 =	vld [tilespmem:s21+$0x8800]  }
.LBB2_2:
0x44: {  	s23 =	sadd.s32 $0x10, s23;
	s25 =	sadd.s32 $0x10, s25;
	s28 =	sadd.s32 $0x10, s28;
	v10 =	vld [tilespmem:s21+$0xC820]  }
0x45: {  	p0 =	sne.s32 s30, $0x7F00;
	s4 =	smov.u32 s30;
	s30 =	sadd.s32 $0x100, s30;
	v11 =	vld [tilespmem:s21+$0x820]  }
0x46: {  	v4 =	vmul.f32 v4, v3;
	v12 =	vld [tilespmem:s21+$0x4820];
	v5 =	vmul.f32 v5, v6  }
0x47: {  	v7 =	vmul.f32 v7, v6;
	v13 =	vld [tilespmem:s21+$0x8820];
	v8 =	vmul.f32 v8, v3  }
0x48: {  	v2 =	vmul.f32 v2, v3;
	v14 =	vld [tilespmem:s21+$0x4830];
	v6 =	vmul.f32 v9, v6;
	v5 =	vadd.f32 $0.0e+00, v5  }
0x49: {  	v7 =	vadd.f32 $0.0e+00, v7;
	v3 =	vld [tilespmem:s21+$0x8830]  }
0x4a: {  	v9 =	vld [tilespmem:s21+$0xC830];
	v6 =	vadd.f32 $0.0e+00, v6;
	v2 =	vadd.f32 v2, v5;
	v5 =	vmul.f32 v10, v11;
	s21 =	smov.u32 s16  }
0x4b: {  	s16 =	sshra.s32 s4, $0x2;
	v7 =	vadd.f32 v8, v7;
	v8 =	vmul.f32 v12, v11  }
0x4c: {  	v4 =	vadd.f32 v4, v6;
	v6 =	vmul.f32 v13, v11;
	v2 =	vadd.f32 v5, v2  }
0x4d: {  	v5 =	vadd.f32 v8, v7;
	v7 =	vmul.f32 v14, v1  }
0x4e: {  	v4 =	vadd.f32 v6, v4;
	v3 =	vmul.f32 v3, v1  }
0x4f: {  	v5 =	vadd.f32 v7, v5;
	v1 =	vmul.f32 v9, v1  }
0x50: {  	v3 =	vadd.f32 v3, v4  }
0x51: {  	v1 =	vadd.f32 v1, v2;
	[tilespmem:s18+$0x0] =	vst v5;
	s18 =	smov.u32 s14;
	s14 =	smov.u32 s23  }
0x52: {  	[tilespmem:s19+$0x0] =	vst v3;
	s19 =	smov.u32 s29;
	s29 =	smov.u32 s25  }
0x53: {  	[tilespmem:s20+$0x0] =	vst v1;
	s20 =	smov.u32 s15;
	s15 =	smov.u32 s28  }
0x54: {  	v2 =	vld [tilespmem:s21+$0xC810]  }
0x55: {  	v5 =	vld [tilespmem:s21+$0xC800]  }
0x56: {  	v4 =	vld [tilespmem:s21+$0x8810]  }
0x57: {  	v1 =	vld [tilespmem:s21+$0x830]  }
.Ltmp0:
0x58: {  	v3 =	vld [tilespmem:s21+$0x810];
	(pc) =	sbr.rel @p0 .LBB2_2-.Ltmp0, $4  }
0x59: {  	v7 =	vld [tilespmem:s21+$0x4800]  }
0x5a: {  	v6 =	vld [tilespmem:s21+$0x800]  }
0x5b: {  	v8 =	vld [tilespmem:s21+$0x4810]  }
0x5c: {  	v9 =	vld [tilespmem:s21+$0x8800]  }
0x5d: {  	v10 =	vld [tilespmem:s21+$0xC820]  }
0x5e: {  	v11 =	vld [tilespmem:s21+$0x820]  }
0x5f: {  	v12 =	vld [tilespmem:s21+$0x4820]  }
0x60: {  	v13 =	vld [tilespmem:s21+$0x8820];
	v7 =	vmul.f32 v7, v6  }
0x61: {  	v14 =	vld [tilespmem:s21+$0x4830];
	v5 =	vmul.f32 v5, v6;
	v6 =	vmul.f32 v9, v6  }
0x62: {  	v4 =	vmul.f32 v4, v3;
	v8 =	vmul.f32 v8, v3;
	v9 =	vld [tilespmem:s21+$0x8830];
	v7 =	vadd.f32 $0.0e+00, v7  }
0x63: {  	v2 =	vmul.f32 v2, v3;
	v3 =	vld [tilespmem:s21+$0xC830];
	v5 =	vadd.f32 $0.0e+00, v5;
	v6 =	vadd.f32 $0.0e+00, v6  }
0x64: {  	v7 =	vadd.f32 v8, v7;
	v8 =	vmul.f32 v12, v11  }
0x65: {  	v2 =	vadd.f32 v2, v5;
	v5 =	vmul.f32 v13, v11;
	v4 =	vadd.f32 v4, v6  }
0x66: {  	v6 =	vmul.f32 v10, v11;
	v7 =	vadd.f32 v8, v7;
	v8 =	vmul.f32 v14, v1  }
0x67: {  	v4 =	vadd.f32 v5, v4;
	v5 =	vmul.f32 v9, v1  }
0x68: {  	v2 =	vadd.f32 v6, v2;
	v6 =	vadd.f32 v8, v7;
	v1 =	vmul.f32 v3, v1  }
0x69: {  	v3 =	vadd.f32 v5, v4  }
0x6a: {  	v1 =	vadd.f32 v1, v2;
	[tilespmem:s18+$0x0] =	vst v6  }
0x6b: {  	[tilespmem:s19+$0x0] =	vst v3  }
0x6c: {  	[tilespmem:s20+$0x0] =	vst v1  }
0x6d: {  	v1 =	vld [tilespmem:s16+$0xC810]  }
0x6e: {  	v2 =	vld [tilespmem:s16+$0xC800]  }
0x6f: {  	v3 =	vld [tilespmem:s16+$0x8810]  }
0x70: {  	v4 =	vld [tilespmem:s16+$0x830]  }
0x71: {  	v5 =	vld [tilespmem:s16+$0x810]  }
0x72: {  	v6 =	vld [tilespmem:s16+$0x4800]  }
0x73: {  	v7 =	vld [tilespmem:s16+$0x800]  }
0x74: {  	v8 =	vld [tilespmem:s16+$0x8800]  }
0x75: {  	v9 =	vld [tilespmem:s16+$0x4810]  }
0x76: {  	v10 =	vld [tilespmem:s16+$0xC820]  }
0x77: {  	v11 =	vld [tilespmem:s16+$0x820]  }
0x78: {  	v12 =	vld [tilespmem:s16+$0x4820];
	v2 =	vmul.f32 v2, v7  }
0x79: {  	v13 =	vld [tilespmem:s16+$0x8820];
	v6 =	vmul.f32 v6, v7  }
0x7a: {  	v7 =	vmul.f32 v8, v7;
	v8 =	vld [tilespmem:s16+$0x4830];
	v1 =	vmul.f32 v1, v5;
	v2 =	vadd.f32 $0.0e+00, v2  }
0x7b: {  	v3 =	vmul.f32 v3, v5;
	v5 =	vmul.f32 v9, v5;
	v9 =	vld [tilespmem:s16+$0x8830];
	v6 =	vadd.f32 $0.0e+00, v6  }
0x7c: {  	v14 =	vld [tilespmem:s16+$0xC830];
	v7 =	vadd.f32 $0.0e+00, v7;
	v1 =	vadd.f32 v1, v2;
	v2 =	vmul.f32 v10, v11  }
0x7d: {  	v5 =	vadd.f32 v5, v6;
	v6 =	vmul.f32 v12, v11  }
0x7e: {  	s4 =	simm.s32 $0x0;
	v3 =	vadd.f32 v3, v7;
	v7 =	vmul.f32 v13, v11;
	v1 =	vadd.f32 v2, v1  }
0x7f: {  	v2 =	vmov s4;
	v5 =	vadd.f32 v6, v5;
	v6 =	vmul.f32 v8, v4  }
0x80: {  	v3 =	vadd.f32 v7, v3;
	v7 =	vmul.f32 v9, v4;
	v2 =	vshll.u32 v2, $0x4  }
0x81: {  	v4 =	vmul.f32 v14, v4;
	v2 =	vor.u32 v0, v2;
	v5 =	vadd.f32 v6, v5  }
0x82: {  	v3 =	vadd.f32 v7, v3  }
0x83: {  	v1 =	vadd.f32 v4, v1;
	[tilespmem:s14+$0x0] =	vst v5  }
0x84: {  	v6 =	vor.u32 $0xF, v2;
	v7 =	vor.u32 $0xE, v2;
	v4 =	vor.u32 $0xD, v2;
	[tilespmem:s29+$0x0] =	vst v3  }
0x85: {  	v9 =	vor.u32 $0x9, v2;
	v11 =	vor.u32 $0x8, v2;
	v13 =	vor.u32 $0x7, v2;
	[tilespmem:s15+$0x0] =	vst v1  }
0x86: {  	v15 =	vor.u32 $0x6, v2;
	v17 =	vor.u32 $0x5, v2;
	v19 =	vor.u32 $0x4, v2;
	v31 =	vld.idx.msk [tilespmem:v2+s31+$0x0], $0xffff  }
0x87: {  	v21 =	vor.u32 $0x3, v2;
	v23 =	vor.u32 $0x2, v2;
	v27 =	vor.u32 $0x1, v2;
	v32 =	vld.idx.msk [tilespmem:v2+s0+$0x0], $0xffff  }
0x88: {  	v5 =	vor.u32 $0xA, v2;
	v3 =	vor.u32 $0xC, v2;
	v1 =	vor.u32 $0xB, v2;
	v2 =	vld.idx.msk [tilespmem:v2+s1+$0x0], $0xffff  }
0x89: {  	v8 =	vld.idx.msk [tilespmem:v6+s31+$0x0], $0xffff  }
0x8a: {  	v10 =	vld.idx.msk [tilespmem:v7+s31+$0x0], $0xffff  }
0x8b: {  	v12 =	vld.idx.msk [tilespmem:v4+s31+$0x0], $0xffff  }
0x8c: {  	v20 =	vld.idx.msk [tilespmem:v9+s31+$0x0], $0xffff  }
0x8d: {  	v22 =	vld.idx.msk [tilespmem:v11+s31+$0x0], $0xffff  }
0x8e: {  	v24 =	vld.idx.msk [tilespmem:v13+s31+$0x0], $0xffff  }
0x8f: {  	v25 =	vld.idx.msk [tilespmem:v15+s31+$0x0], $0xffff  }
0x90: {  	v26 =	vld.idx.msk [tilespmem:v17+s31+$0x0], $0xffff  }
0x91: {  	v28 =	vld.idx.msk [tilespmem:v19+s31+$0x0], $0xffff  }
0x92: {  	v29 =	vld.idx.msk [tilespmem:v21+s31+$0x0], $0xffff  }
0x93: {  	v30 =	vld.idx.msk [tilespmem:v23+s31+$0x0], $0xffff  }
0x94: {  	v33 =	vld.idx.msk [tilespmem:v27+s31+$0x0], $0xffff  }
0x95: {  	v34 =	vld.idx.msk [tilespmem:v27+s0+$0x0], $0xffff  }
0x96: {  	v35 =	vld.idx.msk [tilespmem:v23+s0+$0x0], $0xffff  }
0x97: {  	v27 =	vld.idx.msk [tilespmem:v27+s1+$0x0], $0xffff  }
0x98: {  	v36 =	vld.idx.msk [tilespmem:v21+s0+$0x0], $0xffff  }
0x99: {  	v23 =	vld.idx.msk [tilespmem:v23+s1+$0x0], $0xffff  }
0x9a: {  	v55 =	vld.idx.msk [tilespmem:v19+s0+$0x0], $0xffff;
	v31 =	vadd.f32 $0.0e+00, v31;
	v32 =	vadd.f32 $0.0e+00, v32  }
0x9b: {  	v21 =	vld.idx.msk [tilespmem:v21+s1+$0x0], $0xffff  }
0x9c: {  	v57 =	vld.idx.msk [tilespmem:v17+s0+$0x0], $0xffff;
	v31 =	vadd.f32 v33, v31;
	v32 =	vadd.f32 v34, v32  }
0x9d: {  	v19 =	vld.idx.msk [tilespmem:v19+s1+$0x0], $0xffff;
	v2 =	vadd.f32 $0.0e+00, v2  }
0x9e: {  	v60 =	vld.idx.msk [tilespmem:v15+s0+$0x0], $0xffff;
	v30 =	vadd.f32 v30, v31;
	v56 =	vadd.f32 v35, v32  }
0x9f: {  	v17 =	vld.idx.msk [tilespmem:v17+s1+$0x0], $0xffff;
	v2 =	vadd.f32 v27, v2  }
0xa0: {  	v62 =	vld.idx.msk [tilespmem:v13+s0+$0x0], $0xffff;
	v58 =	vadd.f32 v29, v30;
	v59 =	vadd.f32 v36, v56  }
0xa1: {  	v15 =	vld.idx.msk [tilespmem:v15+s1+$0x0], $0xffff;
	v2 =	vadd.f32 v23, v2  }
0xa2: {  	v63 =	vld.idx.msk [tilespmem:v11+s0+$0x0], $0xffff;
	v23 =	vadd.f32 v28, v58;
	v61 =	vadd.f32 v55, v59  }
0xa3: {  	v13 =	vld.idx.msk [tilespmem:v13+s1+$0x0], $0xffff;
	v2 =	vadd.f32 v21, v2  }
0xa4: {  	v11 =	vld.idx.msk [tilespmem:v11+s1+$0x0], $0xffff;
	v21 =	vadd.f32 v26, v23;
	v23 =	vadd.f32 v57, v61  }
0xa5: {  	v18 =	vld.idx.msk [tilespmem:v5+s31+$0x0], $0xffff;
	v2 =	vadd.f32 v19, v2  }
0xa6: {  	v14 =	vld.idx.msk [tilespmem:v3+s31+$0x0], $0xffff;
	v19 =	vadd.f32 v25, v21;
	v21 =	vadd.f32 v60, v23  }
0xa7: {  	v2 =	vadd.f32 v17, v2;
	v23 =	vld.idx.msk [tilespmem:v9+s0+$0x0], $0xffff  }
0xa8: {  	v16 =	vld.idx.msk [tilespmem:v1+s31+$0x0], $0xffff;
	v17 =	vadd.f32 v24, v19;
	v19 =	vadd.f32 v62, v21  }
0xa9: {  	v2 =	vadd.f32 v15, v2;
	v21 =	vld.idx.msk [tilespmem:v5+s0+$0x0], $0xffff  }
0xaa: {  	v9 =	vld.idx.msk [tilespmem:v9+s1+$0x0], $0xffff;
	v15 =	vadd.f32 v22, v17;
	v17 =	vadd.f32 v63, v19  }
0xab: {  	v2 =	vadd.f32 v13, v2;
	v19 =	vld.idx.msk [tilespmem:v1+s0+$0x0], $0xffff  }
0xac: {  	v5 =	vld.idx.msk [tilespmem:v5+s1+$0x0], $0xffff;
	v13 =	vadd.f32 v20, v15;
	v15 =	vadd.f32 v23, v17  }
0xad: {  	v2 =	vadd.f32 v11, v2;
	v17 =	vld.idx.msk [tilespmem:v3+s0+$0x0], $0xffff  }
0xae: {  	v1 =	vld.idx.msk [tilespmem:v1+s1+$0x0], $0xffff;
	v11 =	vadd.f32 v18, v13;
	v13 =	vadd.f32 v21, v15  }
0xaf: {  	v2 =	vadd.f32 v9, v2;
	v15 =	vld.idx.msk [tilespmem:v4+s0+$0x0], $0xffff  }
0xb0: {  	v3 =	vld.idx.msk [tilespmem:v3+s1+$0x0], $0xffff;
	v9 =	vadd.f32 v16, v11;
	v11 =	vadd.f32 v19, v13  }
0xb1: {  	v2 =	vadd.f32 v5, v2;
	v13 =	vld.idx.msk [tilespmem:v7+s0+$0x0], $0xffff  }
0xb2: {  	v4 =	vld.idx.msk [tilespmem:v4+s1+$0x0], $0xffff;
	v5 =	vadd.f32 v14, v9;
	v9 =	vadd.f32 v17, v11  }
0xb3: {  	v1 =	vadd.f32 v1, v2;
	v11 =	vld.idx.msk [tilespmem:v6+s0+$0x0], $0xffff  }
0xb4: {  	v2 =	vadd.f32 v12, v5;
	v5 =	vld.idx.msk [tilespmem:v7+s1+$0x0], $0xffff;
	v7 =	vadd.f32 v15, v9;
	_ =	sdelay $0x1  }
0xb5: {  	v1 =	vadd.f32 v3, v1;
	v3 =	vld.idx.msk [tilespmem:v6+s1+$0x0], $0xffff;
	v6 =	vadd.f32 v13, v7  }
0xb6: {  	v2 =	vadd.f32 v10, v2  }
0xb7: {  	v1 =	vadd.f32 v4, v1;
	v4 =	vadd.f32 v11, v6  }
0xb8: {  	v2 =	vadd.f32 v8, v2  }
0xb9: {  	v1 =	vadd.f32 v5, v1;
	v5 =	vand.u32 $0x7FFFFFFF, v4  }
0xba: {  	v2 =	vsub.f32 $0.0e+00, v2;
	v5 =	vsub.f32 $0.0e+00, v5;
	_ =	sdelay $0x1  }
0xbb: {  	v1 =	vadd.f32 v3, v1;
	v3 =	vand.u32 $0x7FFFFFFF, v2;
	v5 =	vmul.f32 $1.442695020e+00, v5  }
0xbc: {  	v3 =	vsub.f32 $0.0e+00, v3  }
0xbd: {  	v6 =	vand.u32 $0x7FFFFFFF, v1;
	(erf) = vpow2.f32 v5  }
0xbe: {  	v6 =	vsub.f32 $0.0e+00, v6;
	v3 =	vmul.f32 $1.442695020e+00, v3;
	_ =	sdelay $0x1  }
0xbf: {  	v5 =	vmul.f32 $1.442695020e+00, v6;
	(erf) = vpow2.f32 v3;
	_ =	sdelay $0x1  }
0xc0: {  	(erf) = vpow2.f32 v5;
	_ =	sdelay $0x3  }
0xc1: {  	v3 =	vpop (erf)  }
0xc2: {  	v5 =	vadd.f32 $2.000000000e+00, v3;
	_ =	sdelay $0x1  }
0xc3: {  	v6 =	vpop (erf)  }
0xc4: {  	v7 =	vadd.f32 $2.000000000e+00, v6  }
0xc5: {  	(erf) = vrcp.f32 v5;
	v5 =	vpop (erf)  }
0xc6: {  	(erf) = vrcp.f32 v7;
	v8 =	vadd.f32 $2.000000000e+00, v5;
	_ =	sdelay $0x1  }
0xc7: {  	(erf) = vrcp.f32 v8;
	_ =	sdelay $0x5  }
0xc8: {  	v7 =	vpop (erf)  }
0xc9: {  	v3 =	vmul.f32 v7, v3;
	v7 =	vpop (erf)  }
0xca: {  	v6 =	vmul.f32 v7, v6  }
0xcb: {  	v7 =	vmul.f32 v3, v3;
	v8 =	vpop (erf)  }
0xcc: {  	v9 =	vmul.f32 v6, v6;
	v5 =	vmul.f32 v8, v5  }
0xcd: {  	v8 =	vmul.f32 $1.428571490e-01, v7  }
0xce: {  	v10 =	vmul.f32 $1.428571490e-01, v9;
	v11 =	vmul.f32 v5, v5;
	_ =	sdelay $0x1  }
0xcf: {  	v8 =	vadd.f32 $2.000000030e-01, v8;
	v10 =	vadd.f32 $2.000000030e-01, v10;
	v12 =	vmul.f32 $1.428571490e-01, v11;
	_ =	sdelay $0x1  }
0xd0: {  	v8 =	vmul.f32 v8, v7;
	v10 =	vmul.f32 v10, v9;
	v12 =	vadd.f32 $2.000000030e-01, v12;
	_ =	sdelay $0x1  }
0xd1: {  	v8 =	vadd.f32 $3.333333430e-01, v8;
	v10 =	vadd.f32 $3.333333430e-01, v10;
	v12 =	vmul.f32 v12, v11;
	_ =	sdelay $0x1  }
0xd2: {  	v7 =	vmul.f32 v8, v7;
	v8 =	vmul.f32 v10, v9;
	v9 =	vadd.f32 $3.333333430e-01, v12  }
0xd3: {  	v3 =	vadd.f32 v3, v3;
	v6 =	vadd.f32 v6, v6  }
0xd4: {  	s30 =	simm.s32 $0x10;
	v7 =	vadd.f32 $1.000000000e+00, v7;
	v8 =	vadd.f32 $1.000000000e+00, v8;
	v9 =	vmul.f32 v9, v11  }
0xd5: {  	v5 =	vadd.f32 v5, v5;
	v10 =	vmov s30  }
0xd6: {  	v3 =	vmul.f32 v7, v3;
	v6 =	vmul.f32 v8, v6;
	v7 =	vadd.f32 $1.000000000e+00, v9  }
0xd7: {  	v4 =	vmax.f32 v4, $0.0e+00;
	v2 =	vmax.f32 v2, $0.0e+00;
	v8 =	vshll.u32 v10, $0x4  }
0xd8: {  	v3 =	vadd.f32 v3, v4;
	v2 =	vadd.f32 v6, v2;
	v4 =	vmul.f32 v7, v5  }
0xd9: {  	v19 =	vor.u32 v0, v8;
	v5 =	vmax.f32 v1, $0.0e+00  }
0xda: {  	v1 =	vor.u32 $0xF, v19;
	v3 =	vadd.f32 v3, v2;
	v5 =	vadd.f32 v4, v5  }
0xdb: {  	v2 =	vor.u32 $0xE, v19  }
0xdc: {  	v4 =	vor.u32 $0xD, v19;
	v3 =	vadd.f32 v5, v3  }
0xdd: {  	s29 =	simm.s32 $0x12000;
	v7 =	vor.u32 $0xC, v19  }
0xde: {  	v9 =	vor.u32 $0xB, v19;
	[tilespmem:s29+$0x0] =	vst v3  }
0xdf: {  	v11 =	vor.u32 $0xA, v19;
	v3 =	vld.idx.msk [tilespmem:v1+s31+$0x0], $0xffff  }
0xe0: {  	v13 =	vor.u32 $0x9, v19;
	v5 =	vld.idx.msk [tilespmem:v2+s31+$0x0], $0xffff  }
0xe1: {  	v15 =	vor.u32 $0x8, v19;
	v6 =	vld.idx.msk [tilespmem:v4+s31+$0x0], $0xffff  }
0xe2: {  	v17 =	vor.u32 $0x7, v19;
	v8 =	vld.idx.msk [tilespmem:v7+s31+$0x0], $0xffff  }
0xe3: {  	v18 =	vor.u32 $0x6, v19;
	v10 =	vld.idx.msk [tilespmem:v9+s31+$0x0], $0xffff  }
0xe4: {  	v20 =	vor.u32 $0x5, v19;
	v12 =	vld.idx.msk [tilespmem:v11+s31+$0x0], $0xffff  }
0xe5: {  	v21 =	vor.u32 $0x4, v19;
	v14 =	vld.idx.msk [tilespmem:v13+s31+$0x0], $0xffff  }
0xe6: {  	s14 =	simm.s32 $0x20;
	v22 =	vor.u32 $0x3, v19;
	v16 =	vld.idx.msk [tilespmem:v15+s31+$0x0], $0xffff  }
.LBB2_4:
0xe7: {  	p0 =	sne.s32 s14, $0x70;
	v23 =	vor.u32 $0x2, v19;
	v24 =	vld.idx.msk [tilespmem:v17+s31+$0x0], $0xffff  }
0xe8: {  	v25 =	vld.idx.msk [tilespmem:v18+s31+$0x0], $0xffff  }
0xe9: {  	v26 =	vld.idx.msk [tilespmem:v20+s31+$0x0], $0xffff  }
0xea: {  	v27 =	vor.u32 $0x1, v19;
	v28 =	vld.idx.msk [tilespmem:v21+s31+$0x0], $0xffff  }
0xeb: {  	v29 =	vld.idx.msk [tilespmem:v22+s31+$0x0], $0xffff  }
0xec: {  	v30 =	vld.idx.msk [tilespmem:v23+s31+$0x0], $0xffff  }
0xed: {  	v31 =	vld.idx.msk [tilespmem:v19+s31+$0x0], $0xffff  }
0xee: {  	v32 =	vld.idx.msk [tilespmem:v19+s0+$0x0], $0xffff  }
0xef: {  	v33 =	vld.idx.msk [tilespmem:v27+s31+$0x0], $0xffff  }
0xf0: {  	v34 =	vld.idx.msk [tilespmem:v27+s0+$0x0], $0xffff  }
0xf1: {  	v19 =	vld.idx.msk [tilespmem:v19+s1+$0x0], $0xffff  }
0xf2: {  	v35 =	vld.idx.msk [tilespmem:v23+s0+$0x0], $0xffff  }
0xf3: {  	v31 =	vadd.f32 $0.0e+00, v31;
	v27 =	vld.idx.msk [tilespmem:v27+s1+$0x0], $0xffff  }
0xf4: {  	v32 =	vadd.f32 $0.0e+00, v32;
	v36 =	vld.idx.msk [tilespmem:v22+s0+$0x0], $0xffff  }
0xf5: {  	v31 =	vadd.f32 v33, v31;
	v23 =	vld.idx.msk [tilespmem:v23+s1+$0x0], $0xffff  }
0xf6: {  	v32 =	vadd.f32 v34, v32;
	v33 =	vld.idx.msk [tilespmem:v21+s0+$0x0], $0xffff  }
0xf7: {  	v19 =	vadd.f32 $0.0e+00, v19;
	v30 =	vadd.f32 v30, v31;
	v22 =	vld.idx.msk [tilespmem:v22+s1+$0x0], $0xffff  }
0xf8: {  	v31 =	vadd.f32 v35, v32;
	v32 =	vld.idx.msk [tilespmem:v20+s0+$0x0], $0xffff  }
0xf9: {  	v19 =	vadd.f32 v27, v19;
	v27 =	vadd.f32 v29, v30;
	v21 =	vld.idx.msk [tilespmem:v21+s1+$0x0], $0xffff  }
0xfa: {  	v29 =	vadd.f32 v36, v31;
	v30 =	vld.idx.msk [tilespmem:v18+s0+$0x0], $0xffff  }
0xfb: {  	v19 =	vadd.f32 v23, v19;
	v23 =	vadd.f32 v28, v27;
	v20 =	vld.idx.msk [tilespmem:v20+s1+$0x0], $0xffff  }
0xfc: {  	v27 =	vadd.f32 v33, v29;
	v28 =	vld.idx.msk [tilespmem:v17+s0+$0x0], $0xffff  }
0xfd: {  	v19 =	vadd.f32 v22, v19;
	v22 =	vadd.f32 v26, v23;
	v18 =	vld.idx.msk [tilespmem:v18+s1+$0x0], $0xffff  }
0xfe: {  	v23 =	vadd.f32 v32, v27;
	v26 =	vld.idx.msk [tilespmem:v15+s0+$0x0], $0xffff  }
0xff: {  	v19 =	vadd.f32 v21, v19;
	v21 =	vadd.f32 v25, v22;
	v17 =	vld.idx.msk [tilespmem:v17+s1+$0x0], $0xffff  }
0x100: {  	v22 =	vadd.f32 v30, v23;
	v23 =	vld.idx.msk [tilespmem:v13+s0+$0x0], $0xffff  }
0x101: {  	v19 =	vadd.f32 v20, v19;
	v20 =	vadd.f32 v24, v21;
	v15 =	vld.idx.msk [tilespmem:v15+s1+$0x0], $0xffff  }
0x102: {  	v21 =	vadd.f32 v28, v22;
	v22 =	vld.idx.msk [tilespmem:v11+s0+$0x0], $0xffff  }
0x103: {  	v18 =	vadd.f32 v18, v19;
	v16 =	vadd.f32 v16, v20;
	v13 =	vld.idx.msk [tilespmem:v13+s1+$0x0], $0xffff  }
0x104: {  	v19 =	vadd.f32 v26, v21;
	v20 =	vld.idx.msk [tilespmem:v9+s0+$0x0], $0xffff  }
0x105: {  	v17 =	vadd.f32 v17, v18;
	v14 =	vadd.f32 v14, v16;
	v11 =	vld.idx.msk [tilespmem:v11+s1+$0x0], $0xffff  }
0x106: {  	v16 =	vadd.f32 v23, v19;
	v18 =	vld.idx.msk [tilespmem:v7+s0+$0x0], $0xffff  }
0x107: {  	v15 =	vadd.f32 v15, v17;
	v12 =	vadd.f32 v12, v14;
	v9 =	vld.idx.msk [tilespmem:v9+s1+$0x0], $0xffff  }
0x108: {  	v14 =	vadd.f32 v22, v16;
	v16 =	vld.idx.msk [tilespmem:v4+s0+$0x0], $0xffff  }
0x109: {  	v13 =	vadd.f32 v13, v15;
	v10 =	vadd.f32 v10, v12;
	v7 =	vld.idx.msk [tilespmem:v7+s1+$0x0], $0xffff  }
0x10a: {  	v12 =	vadd.f32 v20, v14;
	v14 =	vld.idx.msk [tilespmem:v2+s0+$0x0], $0xffff  }
0x10b: {  	v11 =	vadd.f32 v11, v13;
	v8 =	vadd.f32 v8, v10;
	v4 =	vld.idx.msk [tilespmem:v4+s1+$0x0], $0xffff  }
0x10c: {  	v10 =	vadd.f32 v18, v12;
	v12 =	vld.idx.msk [tilespmem:v1+s0+$0x0], $0xffff  }
0x10d: {  	v9 =	vadd.f32 v9, v11;
	v6 =	vadd.f32 v6, v8;
	v2 =	vld.idx.msk [tilespmem:v2+s1+$0x0], $0xffff  }
0x10e: {  	v8 =	vadd.f32 v16, v10  }
0x10f: {  	v7 =	vadd.f32 v7, v9;
	v5 =	vadd.f32 v5, v6;
	v1 =	vld.idx.msk [tilespmem:v1+s1+$0x0], $0xffff  }
0x110: {  	v6 =	vadd.f32 v14, v8  }
0x111: {  	v4 =	vadd.f32 v4, v7;
	v3 =	vadd.f32 v3, v5  }
0x112: {  	v5 =	vadd.f32 v12, v6  }
0x113: {  	v2 =	vadd.f32 v2, v4;
	v3 =	vsub.f32 $0.0e+00, v3  }
0x114: {  	v4 =	vand.u32 $0x7FFFFFFF, v5  }
0x115: {  	v1 =	vadd.f32 v1, v2;
	v2 =	vand.u32 $0x7FFFFFFF, v3;
	v4 =	vsub.f32 $0.0e+00, v4  }
0x116: {  	v2 =	vsub.f32 $0.0e+00, v2  }
0x117: {  	v4 =	vmul.f32 $1.442695020e+00, v4;
	v6 =	vand.u32 $0x7FFFFFFF, v1  }
0x118: {  	v2 =	vmul.f32 $1.442695020e+00, v2;
	v6 =	vsub.f32 $0.0e+00, v6  }
0x119: {  	(erf) = vpow2.f32 v4  }
0x11a: {  	v4 =	vmul.f32 $1.442695020e+00, v6;
	(erf) = vpow2.f32 v2;
	_ =	sdelay $0x1  }
0x11b: {  	(erf) = vpow2.f32 v4;
	_ =	sdelay $0x5  }
0x11c: {  	v2 =	vpop (erf)  }
0x11d: {  	v8 =	vadd.f32 $2.000000000e+00, v2;
	v6 =	vpop (erf)  }
0x11e: {  	v7 =	vadd.f32 $2.000000000e+00, v6  }
0x11f: {  	(erf) = vrcp.f32 v8;
	v4 =	vpop (erf)  }
0x120: {  	v8 =	vadd.f32 $2.000000000e+00, v4;
	(erf) = vrcp.f32 v7;
	_ =	sdelay $0x1  }
0x121: {  	(erf) = vrcp.f32 v8;
	_ =	sdelay $0x5  }
0x122: {  	v7 =	vpop (erf)  }
0x123: {  	v2 =	vmul.f32 v7, v2;
	v7 =	vpop (erf)  }
0x124: {  	v6 =	vmul.f32 v7, v6  }
0x125: {  	v7 =	vmul.f32 v2, v2;
	v8 =	vpop (erf)  }
0x126: {  	v9 =	vmul.f32 v6, v6;
	v4 =	vmul.f32 v8, v4  }
0x127: {  	v8 =	vmul.f32 $1.428571490e-01, v7  }
0x128: {  	v10 =	vmul.f32 $1.428571490e-01, v9;
	v11 =	vmul.f32 v4, v4  }
0x129: {  	v8 =	vadd.f32 $2.000000030e-01, v8  }
0x12a: {  	v10 =	vadd.f32 $2.000000030e-01, v10;
	v12 =	vmul.f32 $1.428571490e-01, v11  }
0x12b: {  	v8 =	vmul.f32 v8, v7  }
0x12c: {  	v10 =	vmul.f32 v10, v9;
	v12 =	vadd.f32 $2.000000030e-01, v12  }
0x12d: {  	v8 =	vadd.f32 $3.333333430e-01, v8  }
0x12e: {  	v10 =	vadd.f32 $3.333333430e-01, v10;
	v12 =	vmul.f32 v12, v11  }
0x12f: {  	v7 =	vmul.f32 v8, v7  }
0x130: {  	v8 =	vmul.f32 v10, v9;
	v9 =	vadd.f32 $3.333333430e-01, v12  }
0x131: {  	v2 =	vadd.f32 v2, v2;
	v7 =	vadd.f32 $1.000000000e+00, v7  }
0x132: {  	v6 =	vadd.f32 v6, v6;
	v8 =	vadd.f32 $1.000000000e+00, v8;
	v9 =	vmul.f32 v9, v11  }
0x133: {  	v4 =	vadd.f32 v4, v4;
	v10 =	vmov s14  }
0x134: {  	v2 =	vmul.f32 v7, v2;
	v6 =	vmul.f32 v8, v6;
	v7 =	vadd.f32 $1.000000000e+00, v9  }
0x135: {  	v5 =	vmax.f32 v5, $0.0e+00;
	v3 =	vmax.f32 v3, $0.0e+00;
	v8 =	vshll.u32 v10, $0x4  }
0x136: {  	v2 =	vadd.f32 v2, v5;
	v3 =	vadd.f32 v6, v3;
	v4 =	vmul.f32 v7, v4  }
0x137: {  	v19 =	vor.u32 v0, v8;
	v5 =	vmax.f32 v1, $0.0e+00  }
0x138: {  	v1 =	vor.u32 $0xF, v19;
	v3 =	vadd.f32 v2, v3;
	v5 =	vadd.f32 v4, v5  }
0x139: {  	v2 =	vor.u32 $0xE, v19  }
0x13a: {  	v4 =	vor.u32 $0xD, v19;
	v3 =	vadd.f32 v5, v3  }
0x13b: {  	s29 =	sadd.s32 $0x10, s29;
	v7 =	vor.u32 $0xC, v19  }
0x13c: {  	v9 =	vor.u32 $0xB, v19;
	[tilespmem:s29+$0x0] =	vst v3  }
0x13d: {  	v11 =	vor.u32 $0xA, v19;
	v3 =	vld.idx.msk [tilespmem:v1+s31+$0x0], $0xffff  }
0x13e: {  	v13 =	vor.u32 $0x9, v19;
	v5 =	vld.idx.msk [tilespmem:v2+s31+$0x0], $0xffff  }
0x13f: {  	v15 =	vor.u32 $0x8, v19;
	v6 =	vld.idx.msk [tilespmem:v4+s31+$0x0], $0xffff  }
.Ltmp1:
0x140: {  	v17 =	vor.u32 $0x7, v19;
	v8 =	vld.idx.msk [tilespmem:v7+s31+$0x0], $0xffff;
	(pc) =	sbr.rel @p0 .LBB2_4-.Ltmp1, $4  }
0x141: {  	v18 =	vor.u32 $0x6, v19;
	v10 =	vld.idx.msk [tilespmem:v9+s31+$0x0], $0xffff  }
0x142: {  	v20 =	vor.u32 $0x5, v19;
	v12 =	vld.idx.msk [tilespmem:v11+s31+$0x0], $0xffff  }
0x143: {  	v21 =	vor.u32 $0x4, v19;
	v14 =	vld.idx.msk [tilespmem:v13+s31+$0x0], $0xffff  }
0x144: {  	s14 =	sadd.s32 $0x10, s14;
	v22 =	vor.u32 $0x3, v19;
	v16 =	vld.idx.msk [tilespmem:v15+s31+$0x0], $0xffff  }
0x145: {  	_ =	sdelay $0x3  }
0x146: {  	v24 =	vld.idx.msk [tilespmem:v17+s31+$0x0], $0xffff  }
0x147: {  	v25 =	vld.idx.msk [tilespmem:v18+s31+$0x0], $0xffff  }
0x148: {  	v26 =	vld.idx.msk [tilespmem:v20+s31+$0x0], $0xffff  }
0x149: {  	v27 =	vor.u32 $0x1, v19;
	v28 =	vld.idx.msk [tilespmem:v21+s31+$0x0], $0xffff  }
0x14a: {  	v29 =	vld.idx.msk [tilespmem:v22+s31+$0x0], $0xffff  }
0x14b: {  	v23 =	vor.u32 $0x2, v19;
	v31 =	vld.idx.msk [tilespmem:v19+s31+$0x0], $0xffff  }
0x14c: {  	v32 =	vld.idx.msk [tilespmem:v19+s0+$0x0], $0xffff  }
0x14d: {  	v58 =	vld.idx.msk [tilespmem:v19+s1+$0x0], $0xffff  }
0x14e: {  	v33 =	vld.idx.msk [tilespmem:v27+s31+$0x0], $0xffff  }
0x14f: {  	v34 =	vld.idx.msk [tilespmem:v27+s0+$0x0], $0xffff  }
0x150: {  	v30 =	vld.idx.msk [tilespmem:v23+s31+$0x0], $0xffff  }
0x151: {  	v35 =	vld.idx.msk [tilespmem:v23+s0+$0x0], $0xffff  }
0x152: {  	v31 =	vadd.f32 $0.0e+00, v31;
	v27 =	vld.idx.msk [tilespmem:v27+s1+$0x0], $0xffff;
	v32 =	vadd.f32 $0.0e+00, v32  }
0x153: {  	v36 =	vld.idx.msk [tilespmem:v22+s0+$0x0], $0xffff  }
0x154: {  	v23 =	vld.idx.msk [tilespmem:v23+s1+$0x0], $0xffff;
	v31 =	vadd.f32 v33, v31;
	v32 =	vadd.f32 v34, v32  }
0x155: {  	v59 =	vld.idx.msk [tilespmem:v21+s0+$0x0], $0xffff;
	v19 =	vadd.f32 $0.0e+00, v58  }
0x156: {  	v60 =	vld.idx.msk [tilespmem:v22+s1+$0x0], $0xffff;
	v30 =	vadd.f32 v30, v31;
	v61 =	vadd.f32 v35, v32  }
0x157: {  	v62 =	vld.idx.msk [tilespmem:v20+s0+$0x0], $0xffff;
	v19 =	vadd.f32 v27, v19  }
0x158: {  	v34 =	vld.idx.msk [tilespmem:v21+s1+$0x0], $0xffff;
	v63 =	vadd.f32 v29, v30;
	v35 =	vadd.f32 v36, v61  }
0x159: {  	v19 =	vadd.f32 v23, v19;
	v36 =	vld.idx.msk [tilespmem:v18+s0+$0x0], $0xffff  }
0x15a: {  	v38 =	vld.idx.msk [tilespmem:v20+s1+$0x0], $0xffff;
	v37 =	vadd.f32 v28, v63;
	v39 =	vadd.f32 v59, v35  }
0x15b: {  	v40 =	vld.idx.msk [tilespmem:v17+s0+$0x0], $0xffff;
	v19 =	vadd.f32 v60, v19  }
0x15c: {  	v42 =	vld.idx.msk [tilespmem:v18+s1+$0x0], $0xffff;
	v41 =	vadd.f32 v26, v37;
	v43 =	vadd.f32 v62, v39  }
0x15d: {  	v44 =	vld.idx.msk [tilespmem:v15+s0+$0x0], $0xffff;
	v19 =	vadd.f32 v34, v19  }
0x15e: {  	v46 =	vld.idx.msk [tilespmem:v17+s1+$0x0], $0xffff;
	v45 =	vadd.f32 v25, v41;
	v47 =	vadd.f32 v36, v43  }
0x15f: {  	v48 =	vld.idx.msk [tilespmem:v13+s0+$0x0], $0xffff;
	v19 =	vadd.f32 v38, v19  }
0x160: {  	v50 =	vld.idx.msk [tilespmem:v15+s1+$0x0], $0xffff;
	v49 =	vadd.f32 v24, v45;
	v51 =	vadd.f32 v40, v47  }
0x161: {  	v52 =	vld.idx.msk [tilespmem:v11+s0+$0x0], $0xffff;
	v18 =	vadd.f32 v42, v19  }
0x162: {  	v53 =	vld.idx.msk [tilespmem:v13+s1+$0x0], $0xffff;
	v16 =	vadd.f32 v16, v49;
	v54 =	vadd.f32 v44, v51  }
0x163: {  	v55 =	vld.idx.msk [tilespmem:v9+s0+$0x0], $0xffff;
	v17 =	vadd.f32 v46, v18  }
0x164: {  	v11 =	vld.idx.msk [tilespmem:v11+s1+$0x0], $0xffff;
	v14 =	vadd.f32 v14, v16;
	v56 =	vadd.f32 v48, v54  }
0x165: {  	v57 =	vld.idx.msk [tilespmem:v7+s0+$0x0], $0xffff;
	v15 =	vadd.f32 v50, v17  }
0x166: {  	v9 =	vld.idx.msk [tilespmem:v9+s1+$0x0], $0xffff;
	v12 =	vadd.f32 v12, v14;
	v58 =	vadd.f32 v52, v56  }
0x167: {  	v59 =	vld.idx.msk [tilespmem:v4+s0+$0x0], $0xffff;
	v13 =	vadd.f32 v53, v15  }
0x168: {  	v7 =	vld.idx.msk [tilespmem:v7+s1+$0x0], $0xffff;
	v10 =	vadd.f32 v10, v12;
	v60 =	vadd.f32 v55, v58  }
0x169: {  	v61 =	vld.idx.msk [tilespmem:v2+s0+$0x0], $0xffff;
	v11 =	vadd.f32 v11, v13  }
0x16a: {  	v4 =	vld.idx.msk [tilespmem:v4+s1+$0x0], $0xffff;
	v8 =	vadd.f32 v8, v10;
	v10 =	vadd.f32 v57, v60  }
0x16b: {  	v62 =	vld.idx.msk [tilespmem:v1+s0+$0x0], $0xffff;
	v9 =	vadd.f32 v9, v11  }
0x16c: {  	v6 =	vadd.f32 v6, v8;
	v8 =	vadd.f32 v59, v10  }
0x16d: {  	v2 =	vld.idx.msk [tilespmem:v2+s1+$0x0], $0xffff;
	v7 =	vadd.f32 v7, v9  }
0x16e: {  	v5 =	vadd.f32 v5, v6;
	v6 =	vadd.f32 v61, v8  }
0x16f: {  	v4 =	vadd.f32 v4, v7  }
0x170: {  	v1 =	vld.idx.msk [tilespmem:v1+s1+$0x0], $0xffff;
	v3 =	vadd.f32 v3, v5;
	v5 =	vadd.f32 v62, v6;
	_ =	sdelay $0x1  }
0x171: {  	v2 =	vadd.f32 v2, v4;
	v4 =	vand.u32 $0x7FFFFFFF, v5  }
0x172: {  	v3 =	vsub.f32 $0.0e+00, v3;
	v4 =	vsub.f32 $0.0e+00, v4;
	_ =	sdelay $0x1  }
0x173: {  	v1 =	vadd.f32 v1, v2;
	v2 =	vand.u32 $0x7FFFFFFF, v3;
	v4 =	vmul.f32 $1.442695020e+00, v4  }
0x174: {  	v2 =	vsub.f32 $0.0e+00, v2  }
0x175: {  	v6 =	vand.u32 $0x7FFFFFFF, v1;
	(erf) = vpow2.f32 v4  }
0x176: {  	v6 =	vsub.f32 $0.0e+00, v6;
	v2 =	vmul.f32 $1.442695020e+00, v2;
	_ =	sdelay $0x1  }
0x177: {  	v4 =	vmul.f32 $1.442695020e+00, v6;
	(erf) = vpow2.f32 v2;
	_ =	sdelay $0x1  }
0x178: {  	(erf) = vpow2.f32 v4;
	_ =	sdelay $0x3  }
0x179: {  	v2 =	vpop (erf)  }
0x17a: {  	v4 =	vadd.f32 $2.000000000e+00, v2;
	_ =	sdelay $0x1  }
0x17b: {  	v6 =	vpop (erf)  }
0x17c: {  	v7 =	vadd.f32 $2.000000000e+00, v6  }
0x17d: {  	(erf) = vrcp.f32 v4;
	v4 =	vpop (erf)  }
0x17e: {  	(erf) = vrcp.f32 v7;
	v8 =	vadd.f32 $2.000000000e+00, v4;
	_ =	sdelay $0x1  }
0x17f: {  	(erf) = vrcp.f32 v8;
	_ =	sdelay $0x5  }
0x180: {  	v7 =	vpop (erf)  }
0x181: {  	v2 =	vmul.f32 v7, v2;
	v7 =	vpop (erf)  }
0x182: {  	v6 =	vmul.f32 v7, v6  }
0x183: {  	v7 =	vmul.f32 v2, v2;
	v8 =	vpop (erf)  }
0x184: {  	v9 =	vmul.f32 v6, v6;
	v4 =	vmul.f32 v8, v4  }
0x185: {  	v8 =	vmul.f32 $1.428571490e-01, v7  }
0x186: {  	v10 =	vmul.f32 $1.428571490e-01, v9;
	v11 =	vmul.f32 v4, v4;
	_ =	sdelay $0x1  }
0x187: {  	v8 =	vadd.f32 $2.000000030e-01, v8;
	v10 =	vadd.f32 $2.000000030e-01, v10;
	v63 =	vmul.f32 $1.428571490e-01, v11;
	_ =	sdelay $0x1  }
0x188: {  	v8 =	vmul.f32 v8, v7;
	v10 =	vmul.f32 v10, v9;
	v12 =	vadd.f32 $2.000000030e-01, v63;
	_ =	sdelay $0x1  }
0x189: {  	v8 =	vadd.f32 $3.333333430e-01, v8;
	v10 =	vadd.f32 $3.333333430e-01, v10;
	v12 =	vmul.f32 v12, v11;
	_ =	sdelay $0x1  }
0x18a: {  	v7 =	vmul.f32 v8, v7;
	v8 =	vmul.f32 v10, v9;
	v9 =	vadd.f32 $3.333333430e-01, v12  }
0x18b: {  	v2 =	vadd.f32 v2, v2;
	v6 =	vadd.f32 v6, v6  }
0x18c: {  	v7 =	vadd.f32 $1.000000000e+00, v7;
	v8 =	vadd.f32 $1.000000000e+00, v8;
	v9 =	vmul.f32 v9, v11  }
0x18d: {  	v4 =	vadd.f32 v4, v4  }
0x18e: {  	v2 =	vmul.f32 v7, v2;
	v6 =	vmul.f32 v8, v6;
	v7 =	vadd.f32 $1.000000000e+00, v9  }
0x18f: {  	v5 =	vmax.f32 v5, $0.0e+00;
	v3 =	vmax.f32 v3, $0.0e+00  }
0x190: {  	v2 =	vadd.f32 v2, v5;
	v3 =	vadd.f32 v6, v3;
	v4 =	vmul.f32 v7, v4  }
0x191: {  	v1 =	vmax.f32 v1, $0.0e+00  }
0x192: {  	v2 =	vadd.f32 v2, v3;
	v1 =	vadd.f32 v4, v1;
	_ =	sdelay $0x1  }
0x193: {  	v1 =	vadd.f32 v1, v2  }
0x194: {  	s4 =	sadd.s32 $0x10, s29  }
0x195: {  	s14 =	simm.s32 $0x0;
	[tilespmem:s4+$0x0] =	vst v1  }
0x196: {  	[hbm4b:s6+s14] =	stream.linear.scatter [tilespmem:s24], [sflag:$0x2], $0x80, $0x38;
	[tilespmem:$0x12080] =	vst v63  }
0x197: {  	_ =	swait.ge [sflag:s13], $0x80  }
0x198: {  	[sflag:s13] =	ssyncset.done $0x0  }
0x199: {  	[sflag:s13] =	ssyncadd.s32 $0xFFFFFF80  }
0x19a: {  	_ =	swait.ge [sflag:s22], $0x2000  }
0x19b: {  	[sflag:s22] =	ssyncset.done $0x0  }
0x19c: {  	[sflag:s22] =	ssyncadd.s32 $0xFFFFE000  }
0x19d: {  	_ =	swait.ge [sflag:s22], $0x2000  }
0x19e: {  	[sflag:s22] =	ssyncset.done $0x0  }
0x19f: {  	[sflag:s22] =	ssyncadd.s32 $0xFFFFE000  }
0x1a0: {  	_ =	swait.ge [sflag:s22], $0x2000  }
0x1a1: {  	[sflag:s22] =	ssyncset.done $0x0  }
0x1a2: {  	[sflag:s22] =	ssyncadd.s32 $0xFFFFE000  }
0x1a3: {  	_ =	swait.ge [sflag:s22], $0x2000  }
0x1a4: {  	[sflag:s22] =	ssyncset.done $0x0  }
0x1a5: {  	s16 =	simm.s32 $0x800;
	s5 =	simm.s32 $0x100;
	[sflag:s22] =	ssyncadd.s32 $0xFFFFE000  }
0x1a6: {  	[tilespmem:s16], [sflag:$0x1] =	stream.indirect.gather [hbm4b:s3+s17], $0x40, s5, s17, $0xb8;
	[tilespmem:$0x12080] =	vst v63  }
0x1a7: {  	s18 =	simm.s32 $0x4800;
	s19 =	simm.s32 $0x300  }
0x1a8: {  	[tilespmem:s18], [sflag:$0x1] =	stream.indirect.gather [hbm4b:s3+s17], $0x40, s19, s17, $0xb8;
	[tilespmem:$0x12080] =	vst v63  }
0x1a9: {  	s20 =	simm.s32 $0x8800;
	s21 =	simm.s32 $0x500  }
0x1aa: {  	[tilespmem:s20], [sflag:$0x1] =	stream.indirect.gather [hbm4b:s3+s17], $0x40, s21, s17, $0xb8;
	[tilespmem:$0x12080] =	vst v63  }
0x1ab: {  	s23 =	simm.s32 $0xC800;
	s25 =	simm.s32 $0x700  }
0x1ac: {  	[tilespmem:s23], [sflag:$0x1] =	stream.indirect.gather [hbm4b:s3+s17], $0x40, s25, s17, $0xb8;
	[tilespmem:$0x12080] =	vst v63  }
0x1ad: {  	s23 =	simm.s32 $0x0  }
0x1ae: {  	v2 =	vld [tilespmem:s23+$0xE810]  }
0x1af: {  	v5 =	vld [tilespmem:s23+$0xE800]  }
0x1b0: {  	v4 =	vld [tilespmem:s23+$0xA810]  }
0x1b1: {  	v1 =	vld [tilespmem:s23+$0x2830]  }
0x1b2: {  	v3 =	vld [tilespmem:s23+$0x2810]  }
0x1b3: {  	s28 =	simm.s32 $0x11010;
	s30 =	simm.s32 $0x11810;
	v7 =	vld [tilespmem:s23+$0x6800]  }
0x1b4: {  	s29 =	simm.s32 $0x11010;
	s15 =	simm.s32 $0x11810;
	s4 =	simm.s32 $0x200;
	v6 =	vld [tilespmem:s23+$0x2800]  }
0x1b5: {  	s16 =	simm.s32 $0x10810;
	s19 =	simm.s32 $0x10800;
	s18 =	simm.s32 $0x40;
	v8 =	vld [tilespmem:s23+$0x6810]  }
0x1b6: {  	s20 =	simm.s32 $0x11000;
	s21 =	simm.s32 $0x11800;
	s25 =	simm.s32 $0x10810;
	v9 =	vld [tilespmem:s23+$0xA800]  }
.LBB2_6:
0x1b7: {  	s25 =	sadd.s32 $0x10, s25;
	s28 =	sadd.s32 $0x10, s28;
	s30 =	sadd.s32 $0x10, s30;
	v10 =	vld [tilespmem:s23+$0xE820]  }
0x1b8: {  	p0 =	sne.s32 s4, $0x7F00;
	s5 =	smov.u32 s4;
	s4 =	sadd.s32 $0x100, s4;
	v11 =	vld [tilespmem:s23+$0x2820]  }
0x1b9: {  	v4 =	vmul.f32 v4, v3;
	v12 =	vld [tilespmem:s23+$0x6820];
	v5 =	vmul.f32 v5, v6  }
0x1ba: {  	v7 =	vmul.f32 v7, v6;
	v13 =	vld [tilespmem:s23+$0xA820];
	v8 =	vmul.f32 v8, v3  }
0x1bb: {  	v2 =	vmul.f32 v2, v3;
	v14 =	vld [tilespmem:s23+$0x6830];
	v6 =	vmul.f32 v9, v6;
	v5 =	vadd.f32 $0.0e+00, v5  }
0x1bc: {  	v7 =	vadd.f32 $0.0e+00, v7;
	v3 =	vld [tilespmem:s23+$0xA830]  }
0x1bd: {  	v9 =	vld [tilespmem:s23+$0xE830];
	v6 =	vadd.f32 $0.0e+00, v6;
	v2 =	vadd.f32 v2, v5;
	v5 =	vmul.f32 v10, v11;
	s23 =	smov.u32 s18  }
0x1be: {  	s18 =	sshra.s32 s5, $0x2;
	v7 =	vadd.f32 v8, v7;
	v8 =	vmul.f32 v12, v11  }
0x1bf: {  	v4 =	vadd.f32 v4, v6;
	v6 =	vmul.f32 v13, v11;
	v2 =	vadd.f32 v5, v2  }
0x1c0: {  	v5 =	vadd.f32 v8, v7;
	v7 =	vmul.f32 v14, v1  }
0x1c1: {  	v4 =	vadd.f32 v6, v4;
	v3 =	vmul.f32 v3, v1  }
0x1c2: {  	v5 =	vadd.f32 v7, v5;
	v1 =	vmul.f32 v9, v1  }
0x1c3: {  	v3 =	vadd.f32 v3, v4  }
0x1c4: {  	v1 =	vadd.f32 v1, v2;
	[tilespmem:s19+$0x0] =	vst v5;
	s19 =	smov.u32 s16;
	s16 =	smov.u32 s25  }
0x1c5: {  	[tilespmem:s20+$0x0] =	vst v3;
	s20 =	smov.u32 s29;
	s29 =	smov.u32 s28  }
0x1c6: {  	[tilespmem:s21+$0x0] =	vst v1;
	s21 =	smov.u32 s15;
	s15 =	smov.u32 s30  }
0x1c7: {  	v2 =	vld [tilespmem:s23+$0xE810]  }
0x1c8: {  	v5 =	vld [tilespmem:s23+$0xE800]  }
0x1c9: {  	v4 =	vld [tilespmem:s23+$0xA810]  }
0x1ca: {  	v1 =	vld [tilespmem:s23+$0x2830]  }
.Ltmp2:
0x1cb: {  	v3 =	vld [tilespmem:s23+$0x2810];
	(pc) =	sbr.rel @p0 .LBB2_6-.Ltmp2, $4  }
0x1cc: {  	v7 =	vld [tilespmem:s23+$0x6800]  }
0x1cd: {  	v6 =	vld [tilespmem:s23+$0x2800]  }
0x1ce: {  	v8 =	vld [tilespmem:s23+$0x6810]  }
0x1cf: {  	v9 =	vld [tilespmem:s23+$0xA800]  }
0x1d0: {  	v10 =	vld [tilespmem:s23+$0xE820]  }
0x1d1: {  	v11 =	vld [tilespmem:s23+$0x2820]  }
0x1d2: {  	v12 =	vld [tilespmem:s23+$0x6820]  }
0x1d3: {  	v13 =	vld [tilespmem:s23+$0xA820];
	v7 =	vmul.f32 v7, v6  }
0x1d4: {  	v14 =	vld [tilespmem:s23+$0x6830];
	v5 =	vmul.f32 v5, v6;
	v6 =	vmul.f32 v9, v6  }
0x1d5: {  	v4 =	vmul.f32 v4, v3;
	v8 =	vmul.f32 v8, v3;
	v9 =	vld [tilespmem:s23+$0xA830];
	v7 =	vadd.f32 $0.0e+00, v7  }
0x1d6: {  	v2 =	vmul.f32 v2, v3;
	v3 =	vld [tilespmem:s23+$0xE830];
	v5 =	vadd.f32 $0.0e+00, v5;
	v6 =	vadd.f32 $0.0e+00, v6  }
0x1d7: {  	v7 =	vadd.f32 v8, v7;
	v8 =	vmul.f32 v12, v11  }
0x1d8: {  	v2 =	vadd.f32 v2, v5;
	v5 =	vmul.f32 v13, v11;
	v4 =	vadd.f32 v4, v6  }
0x1d9: {  	v6 =	vmul.f32 v10, v11;
	v7 =	vadd.f32 v8, v7;
	v8 =	vmul.f32 v14, v1  }
0x1da: {  	v4 =	vadd.f32 v5, v4;
	v5 =	vmul.f32 v9, v1  }
0x1db: {  	v2 =	vadd.f32 v6, v2;
	v6 =	vadd.f32 v8, v7;
	v1 =	vmul.f32 v3, v1  }
0x1dc: {  	v3 =	vadd.f32 v5, v4  }
0x1dd: {  	v1 =	vadd.f32 v1, v2;
	[tilespmem:s19+$0x0] =	vst v6  }
0x1de: {  	[tilespmem:s20+$0x0] =	vst v3  }
0x1df: {  	[tilespmem:s21+$0x0] =	vst v1  }
0x1e0: {  	v1 =	vld [tilespmem:s18+$0xE810]  }
0x1e1: {  	v2 =	vld [tilespmem:s18+$0xE800]  }
0x1e2: {  	v3 =	vld [tilespmem:s18+$0xA810]  }
0x1e3: {  	v4 =	vld [tilespmem:s18+$0x2830]  }
0x1e4: {  	v5 =	vld [tilespmem:s18+$0x2810]  }
0x1e5: {  	v6 =	vld [tilespmem:s18+$0x6800]  }
0x1e6: {  	v7 =	vld [tilespmem:s18+$0x2800]  }
0x1e7: {  	v8 =	vld [tilespmem:s18+$0xA800]  }
0x1e8: {  	v9 =	vld [tilespmem:s18+$0x6810]  }
0x1e9: {  	v10 =	vld [tilespmem:s18+$0xE820]  }
0x1ea: {  	v11 =	vld [tilespmem:s18+$0x2820]  }
0x1eb: {  	v12 =	vld [tilespmem:s18+$0x6820];
	v2 =	vmul.f32 v2, v7  }
0x1ec: {  	v13 =	vld [tilespmem:s18+$0xA820];
	v6 =	vmul.f32 v6, v7  }
0x1ed: {  	v7 =	vmul.f32 v8, v7;
	v8 =	vld [tilespmem:s18+$0x6830];
	v1 =	vmul.f32 v1, v5;
	v2 =	vadd.f32 $0.0e+00, v2  }
0x1ee: {  	v3 =	vmul.f32 v3, v5;
	v5 =	vmul.f32 v9, v5;
	v9 =	vld [tilespmem:s18+$0xA830];
	v6 =	vadd.f32 $0.0e+00, v6  }
0x1ef: {  	v14 =	vld [tilespmem:s18+$0xE830];
	v7 =	vadd.f32 $0.0e+00, v7;
	v1 =	vadd.f32 v1, v2;
	v2 =	vmul.f32 v10, v11  }
0x1f0: {  	v5 =	vadd.f32 v5, v6;
	v6 =	vmul.f32 v12, v11  }
0x1f1: {  	v3 =	vadd.f32 v3, v7;
	v7 =	vmul.f32 v13, v11;
	v1 =	vadd.f32 v2, v1  }
0x1f2: {  	v2 =	vmov s14;
	v5 =	vadd.f32 v6, v5;
	v6 =	vmul.f32 v8, v4  }
0x1f3: {  	v3 =	vadd.f32 v7, v3;
	v7 =	vmul.f32 v9, v4;
	v2 =	vshll.u32 v2, $0x4  }
0x1f4: {  	v4 =	vmul.f32 v14, v4;
	v2 =	vor.u32 v0, v2;
	v5 =	vadd.f32 v6, v5  }
0x1f5: {  	v3 =	vadd.f32 v7, v3  }
0x1f6: {  	v1 =	vadd.f32 v4, v1;
	[tilespmem:s16+$0x0] =	vst v5  }
0x1f7: {  	v6 =	vor.u32 $0xF, v2;
	v7 =	vor.u32 $0xE, v2;
	v4 =	vor.u32 $0xD, v2;
	[tilespmem:s29+$0x0] =	vst v3  }
0x1f8: {  	v9 =	vor.u32 $0x9, v2;
	v11 =	vor.u32 $0x8, v2;
	v13 =	vor.u32 $0x7, v2;
	[tilespmem:s15+$0x0] =	vst v1  }
0x1f9: {  	v15 =	vor.u32 $0x6, v2;
	v17 =	vor.u32 $0x5, v2;
	v19 =	vor.u32 $0x4, v2;
	v31 =	vld.idx.msk [tilespmem:v2+s31+$0x0], $0xffff  }
0x1fa: {  	v21 =	vor.u32 $0x3, v2;
	v23 =	vor.u32 $0x2, v2;
	v27 =	vor.u32 $0x1, v2;
	v32 =	vld.idx.msk [tilespmem:v2+s0+$0x0], $0xffff  }
0x1fb: {  	v5 =	vor.u32 $0xA, v2;
	v3 =	vor.u32 $0xC, v2;
	v1 =	vor.u32 $0xB, v2;
	v2 =	vld.idx.msk [tilespmem:v2+s1+$0x0], $0xffff  }
0x1fc: {  	v8 =	vld.idx.msk [tilespmem:v6+s31+$0x0], $0xffff  }
0x1fd: {  	v10 =	vld.idx.msk [tilespmem:v7+s31+$0x0], $0xffff  }
0x1fe: {  	v12 =	vld.idx.msk [tilespmem:v4+s31+$0x0], $0xffff  }
0x1ff: {  	v20 =	vld.idx.msk [tilespmem:v9+s31+$0x0], $0xffff  }
0x200: {  	v22 =	vld.idx.msk [tilespmem:v11+s31+$0x0], $0xffff  }
0x201: {  	v24 =	vld.idx.msk [tilespmem:v13+s31+$0x0], $0xffff  }
0x202: {  	v25 =	vld.idx.msk [tilespmem:v15+s31+$0x0], $0xffff  }
0x203: {  	v26 =	vld.idx.msk [tilespmem:v17+s31+$0x0], $0xffff  }
0x204: {  	v28 =	vld.idx.msk [tilespmem:v19+s31+$0x0], $0xffff  }
0x205: {  	v29 =	vld.idx.msk [tilespmem:v21+s31+$0x0], $0xffff  }
0x206: {  	v30 =	vld.idx.msk [tilespmem:v23+s31+$0x0], $0xffff  }
0x207: {  	v33 =	vld.idx.msk [tilespmem:v27+s31+$0x0], $0xffff  }
0x208: {  	v34 =	vld.idx.msk [tilespmem:v27+s0+$0x0], $0xffff  }
0x209: {  	v35 =	vld.idx.msk [tilespmem:v23+s0+$0x0], $0xffff  }
0x20a: {  	v27 =	vld.idx.msk [tilespmem:v27+s1+$0x0], $0xffff  }
0x20b: {  	v36 =	vld.idx.msk [tilespmem:v21+s0+$0x0], $0xffff  }
0x20c: {  	v23 =	vld.idx.msk [tilespmem:v23+s1+$0x0], $0xffff  }
0x20d: {  	v55 =	vld.idx.msk [tilespmem:v19+s0+$0x0], $0xffff;
	v31 =	vadd.f32 $0.0e+00, v31;
	v32 =	vadd.f32 $0.0e+00, v32  }
0x20e: {  	v21 =	vld.idx.msk [tilespmem:v21+s1+$0x0], $0xffff  }
0x20f: {  	v57 =	vld.idx.msk [tilespmem:v17+s0+$0x0], $0xffff;
	v31 =	vadd.f32 v33, v31;
	v32 =	vadd.f32 v34, v32  }
0x210: {  	v19 =	vld.idx.msk [tilespmem:v19+s1+$0x0], $0xffff;
	v2 =	vadd.f32 $0.0e+00, v2  }
0x211: {  	v60 =	vld.idx.msk [tilespmem:v15+s0+$0x0], $0xffff;
	v30 =	vadd.f32 v30, v31;
	v56 =	vadd.f32 v35, v32  }
0x212: {  	v17 =	vld.idx.msk [tilespmem:v17+s1+$0x0], $0xffff;
	v2 =	vadd.f32 v27, v2  }
0x213: {  	v62 =	vld.idx.msk [tilespmem:v13+s0+$0x0], $0xffff;
	v58 =	vadd.f32 v29, v30;
	v59 =	vadd.f32 v36, v56  }
0x214: {  	v15 =	vld.idx.msk [tilespmem:v15+s1+$0x0], $0xffff;
	v2 =	vadd.f32 v23, v2  }
0x215: {  	v63 =	vld.idx.msk [tilespmem:v11+s0+$0x0], $0xffff;
	v23 =	vadd.f32 v28, v58;
	v61 =	vadd.f32 v55, v59  }
0x216: {  	v13 =	vld.idx.msk [tilespmem:v13+s1+$0x0], $0xffff;
	v2 =	vadd.f32 v21, v2  }
0x217: {  	v11 =	vld.idx.msk [tilespmem:v11+s1+$0x0], $0xffff;
	v21 =	vadd.f32 v26, v23;
	v23 =	vadd.f32 v57, v61  }
0x218: {  	v18 =	vld.idx.msk [tilespmem:v5+s31+$0x0], $0xffff;
	v2 =	vadd.f32 v19, v2  }
0x219: {  	v14 =	vld.idx.msk [tilespmem:v3+s31+$0x0], $0xffff;
	v19 =	vadd.f32 v25, v21;
	v21 =	vadd.f32 v60, v23  }
0x21a: {  	v2 =	vadd.f32 v17, v2;
	v23 =	vld.idx.msk [tilespmem:v9+s0+$0x0], $0xffff  }
0x21b: {  	v16 =	vld.idx.msk [tilespmem:v1+s31+$0x0], $0xffff;
	v17 =	vadd.f32 v24, v19;
	v19 =	vadd.f32 v62, v21  }
0x21c: {  	v2 =	vadd.f32 v15, v2;
	v21 =	vld.idx.msk [tilespmem:v5+s0+$0x0], $0xffff  }
0x21d: {  	v9 =	vld.idx.msk [tilespmem:v9+s1+$0x0], $0xffff;
	v15 =	vadd.f32 v22, v17;
	v17 =	vadd.f32 v63, v19  }
0x21e: {  	v2 =	vadd.f32 v13, v2;
	v19 =	vld.idx.msk [tilespmem:v1+s0+$0x0], $0xffff  }
0x21f: {  	v5 =	vld.idx.msk [tilespmem:v5+s1+$0x0], $0xffff;
	v13 =	vadd.f32 v20, v15;
	v15 =	vadd.f32 v23, v17  }
0x220: {  	v2 =	vadd.f32 v11, v2;
	v17 =	vld.idx.msk [tilespmem:v3+s0+$0x0], $0xffff  }
0x221: {  	v1 =	vld.idx.msk [tilespmem:v1+s1+$0x0], $0xffff;
	v11 =	vadd.f32 v18, v13;
	v13 =	vadd.f32 v21, v15  }
0x222: {  	v2 =	vadd.f32 v9, v2;
	v15 =	vld.idx.msk [tilespmem:v4+s0+$0x0], $0xffff  }
0x223: {  	v3 =	vld.idx.msk [tilespmem:v3+s1+$0x0], $0xffff;
	v9 =	vadd.f32 v16, v11;
	v11 =	vadd.f32 v19, v13  }
0x224: {  	v2 =	vadd.f32 v5, v2;
	v13 =	vld.idx.msk [tilespmem:v7+s0+$0x0], $0xffff  }
0x225: {  	v4 =	vld.idx.msk [tilespmem:v4+s1+$0x0], $0xffff;
	v5 =	vadd.f32 v14, v9;
	v9 =	vadd.f32 v17, v11  }
0x226: {  	v1 =	vadd.f32 v1, v2;
	v11 =	vld.idx.msk [tilespmem:v6+s0+$0x0], $0xffff  }
0x227: {  	v2 =	vadd.f32 v12, v5;
	v5 =	vld.idx.msk [tilespmem:v7+s1+$0x0], $0xffff;
	v7 =	vadd.f32 v15, v9;
	_ =	sdelay $0x1  }
0x228: {  	v1 =	vadd.f32 v3, v1;
	v3 =	vld.idx.msk [tilespmem:v6+s1+$0x0], $0xffff;
	v6 =	vadd.f32 v13, v7  }
0x229: {  	v2 =	vadd.f32 v10, v2  }
0x22a: {  	v1 =	vadd.f32 v4, v1;
	v4 =	vadd.f32 v11, v6  }
0x22b: {  	v2 =	vadd.f32 v8, v2  }
0x22c: {  	v1 =	vadd.f32 v5, v1;
	v5 =	vand.u32 $0x7FFFFFFF, v4  }
0x22d: {  	v2 =	vsub.f32 $0.0e+00, v2;
	v5 =	vsub.f32 $0.0e+00, v5;
	_ =	sdelay $0x1  }
0x22e: {  	v1 =	vadd.f32 v3, v1;
	v3 =	vand.u32 $0x7FFFFFFF, v2;
	v5 =	vmul.f32 $1.442695020e+00, v5  }
0x22f: {  	v3 =	vsub.f32 $0.0e+00, v3  }
0x230: {  	v6 =	vand.u32 $0x7FFFFFFF, v1;
	(erf) = vpow2.f32 v5  }
0x231: {  	v6 =	vsub.f32 $0.0e+00, v6;
	v3 =	vmul.f32 $1.442695020e+00, v3;
	_ =	sdelay $0x1  }
0x232: {  	v5 =	vmul.f32 $1.442695020e+00, v6;
	(erf) = vpow2.f32 v3;
	_ =	sdelay $0x1  }
0x233: {  	(erf) = vpow2.f32 v5;
	_ =	sdelay $0x3  }
0x234: {  	v3 =	vpop (erf)  }
0x235: {  	v5 =	vadd.f32 $2.000000000e+00, v3;
	_ =	sdelay $0x1  }
0x236: {  	v6 =	vpop (erf)  }
0x237: {  	v7 =	vadd.f32 $2.000000000e+00, v6  }
0x238: {  	(erf) = vrcp.f32 v5;
	v5 =	vpop (erf)  }
0x239: {  	(erf) = vrcp.f32 v7;
	v8 =	vadd.f32 $2.000000000e+00, v5;
	_ =	sdelay $0x1  }
0x23a: {  	(erf) = vrcp.f32 v8;
	_ =	sdelay $0x5  }
0x23b: {  	v7 =	vpop (erf)  }
0x23c: {  	v3 =	vmul.f32 v7, v3;
	v7 =	vpop (erf)  }
0x23d: {  	v6 =	vmul.f32 v7, v6  }
0x23e: {  	v7 =	vmul.f32 v3, v3;
	v8 =	vpop (erf)  }
0x23f: {  	v9 =	vmul.f32 v6, v6;
	v5 =	vmul.f32 v8, v5  }
0x240: {  	v8 =	vmul.f32 $1.428571490e-01, v7  }
0x241: {  	v10 =	vmul.f32 $1.428571490e-01, v9;
	v11 =	vmul.f32 v5, v5;
	_ =	sdelay $0x1  }
0x242: {  	v8 =	vadd.f32 $2.000000030e-01, v8;
	v10 =	vadd.f32 $2.000000030e-01, v10;
	v12 =	vmul.f32 $1.428571490e-01, v11;
	_ =	sdelay $0x1  }
0x243: {  	v8 =	vmul.f32 v8, v7;
	v10 =	vmul.f32 v10, v9;
	v12 =	vadd.f32 $2.000000030e-01, v12;
	_ =	sdelay $0x1  }
0x244: {  	v8 =	vadd.f32 $3.333333430e-01, v8;
	v10 =	vadd.f32 $3.333333430e-01, v10;
	v12 =	vmul.f32 v12, v11;
	_ =	sdelay $0x1  }
0x245: {  	v7 =	vmul.f32 v8, v7;
	v8 =	vmul.f32 v10, v9;
	v9 =	vadd.f32 $3.333333430e-01, v12  }
0x246: {  	v3 =	vadd.f32 v3, v3;
	v6 =	vadd.f32 v6, v6  }
0x247: {  	s4 =	simm.s32 $0x10;
	v7 =	vadd.f32 $1.000000000e+00, v7;
	v8 =	vadd.f32 $1.000000000e+00, v8;
	v9 =	vmul.f32 v9, v11  }
0x248: {  	v5 =	vadd.f32 v5, v5;
	v10 =	vmov s4  }
0x249: {  	v3 =	vmul.f32 v7, v3;
	v6 =	vmul.f32 v8, v6;
	v7 =	vadd.f32 $1.000000000e+00, v9  }
0x24a: {  	v4 =	vmax.f32 v4, $0.0e+00;
	v2 =	vmax.f32 v2, $0.0e+00;
	v8 =	vshll.u32 v10, $0x4  }
0x24b: {  	v3 =	vadd.f32 v3, v4;
	v2 =	vadd.f32 v6, v2;
	v4 =	vmul.f32 v7, v5  }
0x24c: {  	v19 =	vor.u32 v0, v8;
	v5 =	vmax.f32 v1, $0.0e+00  }
0x24d: {  	v1 =	vor.u32 $0xF, v19;
	v3 =	vadd.f32 v3, v2;
	v5 =	vadd.f32 v4, v5  }
0x24e: {  	v2 =	vor.u32 $0xE, v19  }
0x24f: {  	v4 =	vor.u32 $0xD, v19;
	v3 =	vadd.f32 v5, v3  }
0x250: {  	s29 =	simm.s32 $0x12000;
	v7 =	vor.u32 $0xC, v19  }
0x251: {  	v9 =	vor.u32 $0xB, v19;
	[tilespmem:s29+$0x0] =	vst v3  }
0x252: {  	v11 =	vor.u32 $0xA, v19;
	v3 =	vld.idx.msk [tilespmem:v1+s31+$0x0], $0xffff  }
0x253: {  	v13 =	vor.u32 $0x9, v19;
	v5 =	vld.idx.msk [tilespmem:v2+s31+$0x0], $0xffff  }
0x254: {  	v15 =	vor.u32 $0x8, v19;
	v6 =	vld.idx.msk [tilespmem:v4+s31+$0x0], $0xffff  }
0x255: {  	v17 =	vor.u32 $0x7, v19;
	v8 =	vld.idx.msk [tilespmem:v7+s31+$0x0], $0xffff  }
0x256: {  	v18 =	vor.u32 $0x6, v19;
	v10 =	vld.idx.msk [tilespmem:v9+s31+$0x0], $0xffff  }
0x257: {  	v20 =	vor.u32 $0x5, v19;
	v12 =	vld.idx.msk [tilespmem:v11+s31+$0x0], $0xffff  }
0x258: {  	v21 =	vor.u32 $0x4, v19;
	v14 =	vld.idx.msk [tilespmem:v13+s31+$0x0], $0xffff  }
0x259: {  	s14 =	simm.s32 $0x20;
	v22 =	vor.u32 $0x3, v19;
	v16 =	vld.idx.msk [tilespmem:v15+s31+$0x0], $0xffff  }
.LBB2_8:
0x25a: {  	p0 =	sne.s32 s14, $0x70;
	v23 =	vor.u32 $0x2, v19;
	v24 =	vld.idx.msk [tilespmem:v17+s31+$0x0], $0xffff  }
0x25b: {  	v25 =	vld.idx.msk [tilespmem:v18+s31+$0x0], $0xffff  }
0x25c: {  	v26 =	vld.idx.msk [tilespmem:v20+s31+$0x0], $0xffff  }
0x25d: {  	v27 =	vor.u32 $0x1, v19;
	v28 =	vld.idx.msk [tilespmem:v21+s31+$0x0], $0xffff  }
0x25e: {  	v29 =	vld.idx.msk [tilespmem:v22+s31+$0x0], $0xffff  }
0x25f: {  	v30 =	vld.idx.msk [tilespmem:v23+s31+$0x0], $0xffff  }
0x260: {  	v31 =	vld.idx.msk [tilespmem:v19+s31+$0x0], $0xffff  }
0x261: {  	v32 =	vld.idx.msk [tilespmem:v19+s0+$0x0], $0xffff  }
0x262: {  	v33 =	vld.idx.msk [tilespmem:v27+s31+$0x0], $0xffff  }
0x263: {  	v34 =	vld.idx.msk [tilespmem:v27+s0+$0x0], $0xffff  }
0x264: {  	v19 =	vld.idx.msk [tilespmem:v19+s1+$0x0], $0xffff  }
0x265: {  	v35 =	vld.idx.msk [tilespmem:v23+s0+$0x0], $0xffff  }
0x266: {  	v31 =	vadd.f32 $0.0e+00, v31;
	v27 =	vld.idx.msk [tilespmem:v27+s1+$0x0], $0xffff  }
0x267: {  	v32 =	vadd.f32 $0.0e+00, v32;
	v36 =	vld.idx.msk [tilespmem:v22+s0+$0x0], $0xffff  }
0x268: {  	v31 =	vadd.f32 v33, v31;
	v23 =	vld.idx.msk [tilespmem:v23+s1+$0x0], $0xffff  }
0x269: {  	v32 =	vadd.f32 v34, v32;
	v33 =	vld.idx.msk [tilespmem:v21+s0+$0x0], $0xffff  }
0x26a: {  	v19 =	vadd.f32 $0.0e+00, v19;
	v30 =	vadd.f32 v30, v31;
	v22 =	vld.idx.msk [tilespmem:v22+s1+$0x0], $0xffff  }
0x26b: {  	v31 =	vadd.f32 v35, v32;
	v32 =	vld.idx.msk [tilespmem:v20+s0+$0x0], $0xffff  }
0x26c: {  	v19 =	vadd.f32 v27, v19;
	v27 =	vadd.f32 v29, v30;
	v21 =	vld.idx.msk [tilespmem:v21+s1+$0x0], $0xffff  }
0x26d: {  	v29 =	vadd.f32 v36, v31;
	v30 =	vld.idx.msk [tilespmem:v18+s0+$0x0], $0xffff  }
0x26e: {  	v19 =	vadd.f32 v23, v19;
	v23 =	vadd.f32 v28, v27;
	v20 =	vld.idx.msk [tilespmem:v20+s1+$0x0], $0xffff  }
0x26f: {  	v27 =	vadd.f32 v33, v29;
	v28 =	vld.idx.msk [tilespmem:v17+s0+$0x0], $0xffff  }
0x270: {  	v19 =	vadd.f32 v22, v19;
	v22 =	vadd.f32 v26, v23;
	v18 =	vld.idx.msk [tilespmem:v18+s1+$0x0], $0xffff  }
0x271: {  	v23 =	vadd.f32 v32, v27;
	v26 =	vld.idx.msk [tilespmem:v15+s0+$0x0], $0xffff  }
0x272: {  	v19 =	vadd.f32 v21, v19;
	v21 =	vadd.f32 v25, v22;
	v17 =	vld.idx.msk [tilespmem:v17+s1+$0x0], $0xffff  }
0x273: {  	v22 =	vadd.f32 v30, v23;
	v23 =	vld.idx.msk [tilespmem:v13+s0+$0x0], $0xffff  }
0x274: {  	v19 =	vadd.f32 v20, v19;
	v20 =	vadd.f32 v24, v21;
	v15 =	vld.idx.msk [tilespmem:v15+s1+$0x0], $0xffff  }
0x275: {  	v21 =	vadd.f32 v28, v22;
	v22 =	vld.idx.msk [tilespmem:v11+s0+$0x0], $0xffff  }
0x276: {  	v18 =	vadd.f32 v18, v19;
	v16 =	vadd.f32 v16, v20;
	v13 =	vld.idx.msk [tilespmem:v13+s1+$0x0], $0xffff  }
0x277: {  	v19 =	vadd.f32 v26, v21;
	v20 =	vld.idx.msk [tilespmem:v9+s0+$0x0], $0xffff  }
0x278: {  	v17 =	vadd.f32 v17, v18;
	v14 =	vadd.f32 v14, v16;
	v11 =	vld.idx.msk [tilespmem:v11+s1+$0x0], $0xffff  }
0x279: {  	v16 =	vadd.f32 v23, v19;
	v18 =	vld.idx.msk [tilespmem:v7+s0+$0x0], $0xffff  }
0x27a: {  	v15 =	vadd.f32 v15, v17;
	v12 =	vadd.f32 v12, v14;
	v9 =	vld.idx.msk [tilespmem:v9+s1+$0x0], $0xffff  }
0x27b: {  	v14 =	vadd.f32 v22, v16;
	v16 =	vld.idx.msk [tilespmem:v4+s0+$0x0], $0xffff  }
0x27c: {  	v13 =	vadd.f32 v13, v15;
	v10 =	vadd.f32 v10, v12;
	v7 =	vld.idx.msk [tilespmem:v7+s1+$0x0], $0xffff  }
0x27d: {  	v12 =	vadd.f32 v20, v14;
	v14 =	vld.idx.msk [tilespmem:v2+s0+$0x0], $0xffff  }
0x27e: {  	v11 =	vadd.f32 v11, v13;
	v8 =	vadd.f32 v8, v10;
	v4 =	vld.idx.msk [tilespmem:v4+s1+$0x0], $0xffff  }
0x27f: {  	v10 =	vadd.f32 v18, v12;
	v12 =	vld.idx.msk [tilespmem:v1+s0+$0x0], $0xffff  }
0x280: {  	v9 =	vadd.f32 v9, v11;
	v6 =	vadd.f32 v6, v8;
	v2 =	vld.idx.msk [tilespmem:v2+s1+$0x0], $0xffff  }
0x281: {  	v8 =	vadd.f32 v16, v10  }
0x282: {  	v7 =	vadd.f32 v7, v9;
	v5 =	vadd.f32 v5, v6;
	v1 =	vld.idx.msk [tilespmem:v1+s1+$0x0], $0xffff  }
0x283: {  	v6 =	vadd.f32 v14, v8  }
0x284: {  	v4 =	vadd.f32 v4, v7;
	v3 =	vadd.f32 v3, v5  }
0x285: {  	v5 =	vadd.f32 v12, v6  }
0x286: {  	v2 =	vadd.f32 v2, v4;
	v3 =	vsub.f32 $0.0e+00, v3  }
0x287: {  	v4 =	vand.u32 $0x7FFFFFFF, v5  }
0x288: {  	v1 =	vadd.f32 v1, v2;
	v2 =	vand.u32 $0x7FFFFFFF, v3;
	v4 =	vsub.f32 $0.0e+00, v4  }
0x289: {  	v2 =	vsub.f32 $0.0e+00, v2  }
0x28a: {  	v4 =	vmul.f32 $1.442695020e+00, v4;
	v6 =	vand.u32 $0x7FFFFFFF, v1  }
0x28b: {  	v2 =	vmul.f32 $1.442695020e+00, v2;
	v6 =	vsub.f32 $0.0e+00, v6  }
0x28c: {  	(erf) = vpow2.f32 v4  }
0x28d: {  	v4 =	vmul.f32 $1.442695020e+00, v6;
	(erf) = vpow2.f32 v2;
	_ =	sdelay $0x1  }
0x28e: {  	(erf) = vpow2.f32 v4;
	_ =	sdelay $0x5  }
0x28f: {  	v2 =	vpop (erf)  }
0x290: {  	v8 =	vadd.f32 $2.000000000e+00, v2;
	v6 =	vpop (erf)  }
0x291: {  	v7 =	vadd.f32 $2.000000000e+00, v6  }
0x292: {  	(erf) = vrcp.f32 v8;
	v4 =	vpop (erf)  }
0x293: {  	v8 =	vadd.f32 $2.000000000e+00, v4;
	(erf) = vrcp.f32 v7;
	_ =	sdelay $0x1  }
0x294: {  	(erf) = vrcp.f32 v8;
	_ =	sdelay $0x5  }
0x295: {  	v7 =	vpop (erf)  }
0x296: {  	v2 =	vmul.f32 v7, v2;
	v7 =	vpop (erf)  }
0x297: {  	v6 =	vmul.f32 v7, v6  }
0x298: {  	v7 =	vmul.f32 v2, v2;
	v8 =	vpop (erf)  }
0x299: {  	v9 =	vmul.f32 v6, v6;
	v4 =	vmul.f32 v8, v4  }
0x29a: {  	v8 =	vmul.f32 $1.428571490e-01, v7  }
0x29b: {  	v10 =	vmul.f32 $1.428571490e-01, v9;
	v11 =	vmul.f32 v4, v4  }
0x29c: {  	v8 =	vadd.f32 $2.000000030e-01, v8  }
0x29d: {  	v10 =	vadd.f32 $2.000000030e-01, v10;
	v12 =	vmul.f32 $1.428571490e-01, v11  }
0x29e: {  	v8 =	vmul.f32 v8, v7  }
0x29f: {  	v10 =	vmul.f32 v10, v9;
	v12 =	vadd.f32 $2.000000030e-01, v12  }
0x2a0: {  	v8 =	vadd.f32 $3.333333430e-01, v8  }
0x2a1: {  	v10 =	vadd.f32 $3.333333430e-01, v10;
	v12 =	vmul.f32 v12, v11  }
0x2a2: {  	v7 =	vmul.f32 v8, v7  }
0x2a3: {  	v8 =	vmul.f32 v10, v9;
	v9 =	vadd.f32 $3.333333430e-01, v12  }
0x2a4: {  	v2 =	vadd.f32 v2, v2;
	v7 =	vadd.f32 $1.000000000e+00, v7  }
0x2a5: {  	v6 =	vadd.f32 v6, v6;
	v8 =	vadd.f32 $1.000000000e+00, v8;
	v9 =	vmul.f32 v9, v11  }
0x2a6: {  	v4 =	vadd.f32 v4, v4;
	v10 =	vmov s14  }
0x2a7: {  	v2 =	vmul.f32 v7, v2;
	v6 =	vmul.f32 v8, v6;
	v7 =	vadd.f32 $1.000000000e+00, v9  }
0x2a8: {  	v5 =	vmax.f32 v5, $0.0e+00;
	v3 =	vmax.f32 v3, $0.0e+00;
	v8 =	vshll.u32 v10, $0x4  }
0x2a9: {  	v2 =	vadd.f32 v2, v5;
	v3 =	vadd.f32 v6, v3;
	v4 =	vmul.f32 v7, v4  }
0x2aa: {  	v19 =	vor.u32 v0, v8;
	v5 =	vmax.f32 v1, $0.0e+00  }
0x2ab: {  	v1 =	vor.u32 $0xF, v19;
	v3 =	vadd.f32 v2, v3;
	v5 =	vadd.f32 v4, v5  }
0x2ac: {  	v2 =	vor.u32 $0xE, v19  }
0x2ad: {  	v4 =	vor.u32 $0xD, v19;
	v3 =	vadd.f32 v5, v3  }
0x2ae: {  	s29 =	sadd.s32 $0x10, s29;
	v7 =	vor.u32 $0xC, v19  }
0x2af: {  	v9 =	vor.u32 $0xB, v19;
	[tilespmem:s29+$0x0] =	vst v3  }
0x2b0: {  	v11 =	vor.u32 $0xA, v19;
	v3 =	vld.idx.msk [tilespmem:v1+s31+$0x0], $0xffff  }
0x2b1: {  	v13 =	vor.u32 $0x9, v19;
	v5 =	vld.idx.msk [tilespmem:v2+s31+$0x0], $0xffff  }
0x2b2: {  	v15 =	vor.u32 $0x8, v19;
	v6 =	vld.idx.msk [tilespmem:v4+s31+$0x0], $0xffff  }
.Ltmp3:
0x2b3: {  	v17 =	vor.u32 $0x7, v19;
	v8 =	vld.idx.msk [tilespmem:v7+s31+$0x0], $0xffff;
	(pc) =	sbr.rel @p0 .LBB2_8-.Ltmp3, $4  }
0x2b4: {  	v18 =	vor.u32 $0x6, v19;
	v10 =	vld.idx.msk [tilespmem:v9+s31+$0x0], $0xffff  }
0x2b5: {  	v20 =	vor.u32 $0x5, v19;
	v12 =	vld.idx.msk [tilespmem:v11+s31+$0x0], $0xffff  }
0x2b6: {  	v21 =	vor.u32 $0x4, v19;
	v14 =	vld.idx.msk [tilespmem:v13+s31+$0x0], $0xffff  }
0x2b7: {  	s14 =	sadd.s32 $0x10, s14;
	v22 =	vor.u32 $0x3, v19;
	v16 =	vld.idx.msk [tilespmem:v15+s31+$0x0], $0xffff  }
0x2b8: {  	_ =	sdelay $0x3  }
0x2b9: {  	v24 =	vld.idx.msk [tilespmem:v17+s31+$0x0], $0xffff  }
0x2ba: {  	v25 =	vld.idx.msk [tilespmem:v18+s31+$0x0], $0xffff  }
0x2bb: {  	v26 =	vld.idx.msk [tilespmem:v20+s31+$0x0], $0xffff  }
0x2bc: {  	v27 =	vor.u32 $0x1, v19;
	v28 =	vld.idx.msk [tilespmem:v21+s31+$0x0], $0xffff  }
0x2bd: {  	v29 =	vld.idx.msk [tilespmem:v22+s31+$0x0], $0xffff  }
0x2be: {  	v23 =	vor.u32 $0x2, v19;
	v31 =	vld.idx.msk [tilespmem:v19+s31+$0x0], $0xffff  }
0x2bf: {  	v32 =	vld.idx.msk [tilespmem:v19+s0+$0x0], $0xffff  }
0x2c0: {  	v58 =	vld.idx.msk [tilespmem:v19+s1+$0x0], $0xffff  }
0x2c1: {  	v33 =	vld.idx.msk [tilespmem:v27+s31+$0x0], $0xffff  }
0x2c2: {  	v34 =	vld.idx.msk [tilespmem:v27+s0+$0x0], $0xffff  }
0x2c3: {  	v30 =	vld.idx.msk [tilespmem:v23+s31+$0x0], $0xffff  }
0x2c4: {  	v35 =	vld.idx.msk [tilespmem:v23+s0+$0x0], $0xffff  }
0x2c5: {  	v31 =	vadd.f32 $0.0e+00, v31;
	v27 =	vld.idx.msk [tilespmem:v27+s1+$0x0], $0xffff;
	v32 =	vadd.f32 $0.0e+00, v32  }
0x2c6: {  	v36 =	vld.idx.msk [tilespmem:v22+s0+$0x0], $0xffff  }
0x2c7: {  	v23 =	vld.idx.msk [tilespmem:v23+s1+$0x0], $0xffff;
	v31 =	vadd.f32 v33, v31;
	v32 =	vadd.f32 v34, v32  }
0x2c8: {  	v59 =	vld.idx.msk [tilespmem:v21+s0+$0x0], $0xffff;
	v19 =	vadd.f32 $0.0e+00, v58  }
0x2c9: {  	v60 =	vld.idx.msk [tilespmem:v22+s1+$0x0], $0xffff;
	v30 =	vadd.f32 v30, v31;
	v61 =	vadd.f32 v35, v32  }
0x2ca: {  	v62 =	vld.idx.msk [tilespmem:v20+s0+$0x0], $0xffff;
	v19 =	vadd.f32 v27, v19  }
0x2cb: {  	v34 =	vld.idx.msk [tilespmem:v21+s1+$0x0], $0xffff;
	v63 =	vadd.f32 v29, v30;
	v35 =	vadd.f32 v36, v61  }
0x2cc: {  	v19 =	vadd.f32 v23, v19;
	v36 =	vld.idx.msk [tilespmem:v18+s0+$0x0], $0xffff  }
0x2cd: {  	v38 =	vld.idx.msk [tilespmem:v20+s1+$0x0], $0xffff;
	v37 =	vadd.f32 v28, v63;
	v39 =	vadd.f32 v59, v35  }
0x2ce: {  	v40 =	vld.idx.msk [tilespmem:v17+s0+$0x0], $0xffff;
	v19 =	vadd.f32 v60, v19  }
0x2cf: {  	v42 =	vld.idx.msk [tilespmem:v18+s1+$0x0], $0xffff;
	v41 =	vadd.f32 v26, v37;
	v43 =	vadd.f32 v62, v39  }
0x2d0: {  	v44 =	vld.idx.msk [tilespmem:v15+s0+$0x0], $0xffff;
	v19 =	vadd.f32 v34, v19  }
0x2d1: {  	v46 =	vld.idx.msk [tilespmem:v17+s1+$0x0], $0xffff;
	v45 =	vadd.f32 v25, v41;
	v47 =	vadd.f32 v36, v43  }
0x2d2: {  	v48 =	vld.idx.msk [tilespmem:v13+s0+$0x0], $0xffff;
	v19 =	vadd.f32 v38, v19  }
0x2d3: {  	v50 =	vld.idx.msk [tilespmem:v15+s1+$0x0], $0xffff;
	v49 =	vadd.f32 v24, v45;
	v51 =	vadd.f32 v40, v47  }
0x2d4: {  	v52 =	vld.idx.msk [tilespmem:v11+s0+$0x0], $0xffff;
	v18 =	vadd.f32 v42, v19  }
0x2d5: {  	v53 =	vld.idx.msk [tilespmem:v13+s1+$0x0], $0xffff;
	v16 =	vadd.f32 v16, v49;
	v54 =	vadd.f32 v44, v51  }
0x2d6: {  	v55 =	vld.idx.msk [tilespmem:v9+s0+$0x0], $0xffff;
	v17 =	vadd.f32 v46, v18  }
0x2d7: {  	v11 =	vld.idx.msk [tilespmem:v11+s1+$0x0], $0xffff;
	v14 =	vadd.f32 v14, v16;
	v56 =	vadd.f32 v48, v54  }
0x2d8: {  	v57 =	vld.idx.msk [tilespmem:v7+s0+$0x0], $0xffff;
	v15 =	vadd.f32 v50, v17  }
0x2d9: {  	v9 =	vld.idx.msk [tilespmem:v9+s1+$0x0], $0xffff;
	v12 =	vadd.f32 v12, v14;
	v58 =	vadd.f32 v52, v56  }
0x2da: {  	v59 =	vld.idx.msk [tilespmem:v4+s0+$0x0], $0xffff;
	v13 =	vadd.f32 v53, v15  }
0x2db: {  	v7 =	vld.idx.msk [tilespmem:v7+s1+$0x0], $0xffff;
	v10 =	vadd.f32 v10, v12;
	v60 =	vadd.f32 v55, v58  }
0x2dc: {  	v61 =	vld.idx.msk [tilespmem:v2+s0+$0x0], $0xffff;
	v11 =	vadd.f32 v11, v13  }
0x2dd: {  	v4 =	vld.idx.msk [tilespmem:v4+s1+$0x0], $0xffff;
	v8 =	vadd.f32 v8, v10;
	v10 =	vadd.f32 v57, v60  }
0x2de: {  	v62 =	vld.idx.msk [tilespmem:v1+s0+$0x0], $0xffff;
	v9 =	vadd.f32 v9, v11  }
0x2df: {  	v6 =	vadd.f32 v6, v8;
	v8 =	vadd.f32 v59, v10  }
0x2e0: {  	v2 =	vld.idx.msk [tilespmem:v2+s1+$0x0], $0xffff;
	v7 =	vadd.f32 v7, v9  }
0x2e1: {  	v5 =	vadd.f32 v5, v6;
	v6 =	vadd.f32 v61, v8  }
0x2e2: {  	v4 =	vadd.f32 v4, v7  }
0x2e3: {  	v1 =	vld.idx.msk [tilespmem:v1+s1+$0x0], $0xffff;
	v3 =	vadd.f32 v3, v5;
	v5 =	vadd.f32 v62, v6;
	_ =	sdelay $0x1  }
0x2e4: {  	v2 =	vadd.f32 v2, v4;
	v4 =	vand.u32 $0x7FFFFFFF, v5  }
0x2e5: {  	v3 =	vsub.f32 $0.0e+00, v3;
	v4 =	vsub.f32 $0.0e+00, v4;
	_ =	sdelay $0x1  }
0x2e6: {  	v1 =	vadd.f32 v1, v2;
	v2 =	vand.u32 $0x7FFFFFFF, v3;
	v4 =	vmul.f32 $1.442695020e+00, v4  }
0x2e7: {  	v2 =	vsub.f32 $0.0e+00, v2  }
0x2e8: {  	v6 =	vand.u32 $0x7FFFFFFF, v1;
	(erf) = vpow2.f32 v4  }
0x2e9: {  	v6 =	vsub.f32 $0.0e+00, v6;
	v2 =	vmul.f32 $1.442695020e+00, v2;
	_ =	sdelay $0x1  }
0x2ea: {  	v4 =	vmul.f32 $1.442695020e+00, v6;
	(erf) = vpow2.f32 v2;
	_ =	sdelay $0x1  }
0x2eb: {  	(erf) = vpow2.f32 v4;
	_ =	sdelay $0x3  }
0x2ec: {  	v2 =	vpop (erf)  }
0x2ed: {  	v4 =	vadd.f32 $2.000000000e+00, v2;
	_ =	sdelay $0x1  }
0x2ee: {  	v6 =	vpop (erf)  }
0x2ef: {  	v7 =	vadd.f32 $2.000000000e+00, v6  }
0x2f0: {  	(erf) = vrcp.f32 v4;
	v4 =	vpop (erf)  }
0x2f1: {  	(erf) = vrcp.f32 v7;
	v8 =	vadd.f32 $2.000000000e+00, v4;
	_ =	sdelay $0x1  }
0x2f2: {  	(erf) = vrcp.f32 v8;
	_ =	sdelay $0x5  }
0x2f3: {  	v7 =	vpop (erf)  }
0x2f4: {  	v2 =	vmul.f32 v7, v2;
	v7 =	vpop (erf)  }
0x2f5: {  	v6 =	vmul.f32 v7, v6  }
0x2f6: {  	v7 =	vmul.f32 v2, v2;
	v8 =	vpop (erf)  }
0x2f7: {  	v9 =	vmul.f32 v6, v6;
	v4 =	vmul.f32 v8, v4  }
0x2f8: {  	v8 =	vmul.f32 $1.428571490e-01, v7  }
0x2f9: {  	v10 =	vmul.f32 $1.428571490e-01, v9;
	v11 =	vmul.f32 v4, v4;
	_ =	sdelay $0x1  }
0x2fa: {  	v8 =	vadd.f32 $2.000000030e-01, v8;
	v10 =	vadd.f32 $2.000000030e-01, v10;
	v63 =	vmul.f32 $1.428571490e-01, v11;
	_ =	sdelay $0x1  }
0x2fb: {  	v8 =	vmul.f32 v8, v7;
	v10 =	vmul.f32 v10, v9;
	v12 =	vadd.f32 $2.000000030e-01, v63;
	_ =	sdelay $0x1  }
0x2fc: {  	v8 =	vadd.f32 $3.333333430e-01, v8;
	v10 =	vadd.f32 $3.333333430e-01, v10;
	v12 =	vmul.f32 v12, v11;
	_ =	sdelay $0x1  }
0x2fd: {  	v7 =	vmul.f32 v8, v7;
	v8 =	vmul.f32 v10, v9;
	v9 =	vadd.f32 $3.333333430e-01, v12  }
0x2fe: {  	v2 =	vadd.f32 v2, v2;
	v6 =	vadd.f32 v6, v6  }
0x2ff: {  	v7 =	vadd.f32 $1.000000000e+00, v7;
	v8 =	vadd.f32 $1.000000000e+00, v8;
	v9 =	vmul.f32 v9, v11  }
0x300: {  	v4 =	vadd.f32 v4, v4  }
0x301: {  	v2 =	vmul.f32 v7, v2;
	v6 =	vmul.f32 v8, v6;
	v7 =	vadd.f32 $1.000000000e+00, v9  }
0x302: {  	v5 =	vmax.f32 v5, $0.0e+00;
	v3 =	vmax.f32 v3, $0.0e+00  }
0x303: {  	v2 =	vadd.f32 v2, v5;
	v3 =	vadd.f32 v6, v3;
	v4 =	vmul.f32 v7, v4  }
0x304: {  	v1 =	vmax.f32 v1, $0.0e+00  }
0x305: {  	v2 =	vadd.f32 v2, v3;
	v1 =	vadd.f32 v4, v1;
	_ =	sdelay $0x1  }
0x306: {  	v1 =	vadd.f32 v1, v2  }
0x307: {  	s4 =	sadd.s32 $0x10, s29  }
0x308: {  	s14 =	simm.s32 $0x0;
	[tilespmem:s4+$0x0] =	vst v1  }
0x309: {  	[hbm4b:s9+s14] =	stream.linear.scatter [tilespmem:s24], [sflag:$0x2], $0x80, $0x38;
	[tilespmem:$0x12080] =	vst v63  }
0x30a: {  	_ =	swait.ge [sflag:s13], $0x80  }
0x30b: {  	[sflag:s13] =	ssyncset.done $0x0  }
0x30c: {  	[sflag:s13] =	ssyncadd.s32 $0xFFFFFF80  }
0x30d: {  	_ =	swait.ge [sflag:s22], $0x2000  }
0x30e: {  	[sflag:s22] =	ssyncset.done $0x0  }
0x30f: {  	[sflag:s22] =	ssyncadd.s32 $0xFFFFE000  }
0x310: {  	_ =	swait.ge [sflag:s22], $0x2000  }
0x311: {  	[sflag:s22] =	ssyncset.done $0x0  }
0x312: {  	[sflag:s22] =	ssyncadd.s32 $0xFFFFE000  }
0x313: {  	_ =	swait.ge [sflag:s22], $0x2000  }
0x314: {  	[sflag:s22] =	ssyncset.done $0x0  }
0x315: {  	[sflag:s22] =	ssyncadd.s32 $0xFFFFE000  }
0x316: {  	_ =	swait.ge [sflag:s22], $0x2000  }
0x317: {  	[sflag:s22] =	ssyncset.done $0x0  }
0x318: {  	s16 =	simm.s32 $0x2800;
	s5 =	simm.s32 $0x180;
	[sflag:s22] =	ssyncadd.s32 $0xFFFFE000  }
0x319: {  	[tilespmem:s16], [sflag:$0x1] =	stream.indirect.gather [hbm4b:s3+s17], $0x40, s5, s17, $0xb8;
	[tilespmem:$0x12080] =	vst v63  }
0x31a: {  	s18 =	simm.s32 $0x6800;
	s19 =	simm.s32 $0x380  }
0x31b: {  	[tilespmem:s18], [sflag:$0x1] =	stream.indirect.gather [hbm4b:s3+s17], $0x40, s19, s17, $0xb8;
	[tilespmem:$0x12080] =	vst v63  }
0x31c: {  	s20 =	simm.s32 $0xA800;
	s21 =	simm.s32 $0x580  }
0x31d: {  	[tilespmem:s20], [sflag:$0x1] =	stream.indirect.gather [hbm4b:s3+s17], $0x40, s21, s17, $0xb8;
	[tilespmem:$0x12080] =	vst v63  }
0x31e: {  	s23 =	simm.s32 $0xE800;
	s25 =	simm.s32 $0x780  }
0x31f: {  	[tilespmem:s23], [sflag:$0x1] =	stream.indirect.gather [hbm4b:s3+s17], $0x40, s25, s17, $0xb8;
	[tilespmem:$0x12080] =	vst v63  }
0x320: {  	s23 =	simm.s32 $0x0  }
0x321: {  	v2 =	vld [tilespmem:s23+$0xC810]  }
0x322: {  	v5 =	vld [tilespmem:s23+$0xC800]  }
0x323: {  	v4 =	vld [tilespmem:s23+$0x8810]  }
0x324: {  	v1 =	vld [tilespmem:s23+$0x830]  }
0x325: {  	v3 =	vld [tilespmem:s23+$0x810]  }
0x326: {  	s28 =	simm.s32 $0x11010;
	s30 =	simm.s32 $0x11810;
	v7 =	vld [tilespmem:s23+$0x4800]  }
0x327: {  	s29 =	simm.s32 $0x11010;
	s15 =	simm.s32 $0x11810;
	s4 =	simm.s32 $0x200;
	v6 =	vld [tilespmem:s23+$0x800]  }
0x328: {  	s16 =	simm.s32 $0x10810;
	s19 =	simm.s32 $0x10800;
	s18 =	simm.s32 $0x40;
	v8 =	vld [tilespmem:s23+$0x4810]  }
0x329: {  	s20 =	simm.s32 $0x11000;
	s21 =	simm.s32 $0x11800;
	s25 =	simm.s32 $0x10810;
	v9 =	vld [tilespmem:s23+$0x8800]  }
.LBB2_10:
0x32a: {  	s25 =	sadd.s32 $0x10, s25;
	s28 =	sadd.s32 $0x10, s28;
	s30 =	sadd.s32 $0x10, s30;
	v10 =	vld [tilespmem:s23+$0xC820]  }
0x32b: {  	p0 =	sne.s32 s4, $0x7F00;
	s5 =	smov.u32 s4;
	s4 =	sadd.s32 $0x100, s4;
	v11 =	vld [tilespmem:s23+$0x820]  }
0x32c: {  	v4 =	vmul.f32 v4, v3;
	v12 =	vld [tilespmem:s23+$0x4820];
	v5 =	vmul.f32 v5, v6  }
0x32d: {  	v7 =	vmul.f32 v7, v6;
	v13 =	vld [tilespmem:s23+$0x8820];
	v8 =	vmul.f32 v8, v3  }
0x32e: {  	v2 =	vmul.f32 v2, v3;
	v14 =	vld [tilespmem:s23+$0x4830];
	v6 =	vmul.f32 v9, v6;
	v5 =	vadd.f32 $0.0e+00, v5  }
0x32f: {  	v7 =	vadd.f32 $0.0e+00, v7;
	v3 =	vld [tilespmem:s23+$0x8830]  }
0x330: {  	v9 =	vld [tilespmem:s23+$0xC830];
	v6 =	vadd.f32 $0.0e+00, v6;
	v2 =	vadd.f32 v2, v5;
	v5 =	vmul.f32 v10, v11;
	s23 =	smov.u32 s18  }
0x331: {  	s18 =	sshra.s32 s5, $0x2;
	v7 =	vadd.f32 v8, v7;
	v8 =	vmul.f32 v12, v11  }
0x332: {  	v4 =	vadd.f32 v4, v6;
	v6 =	vmul.f32 v13, v11;
	v2 =	vadd.f32 v5, v2  }
0x333: {  	v5 =	vadd.f32 v8, v7;
	v7 =	vmul.f32 v14, v1  }
0x334: {  	v4 =	vadd.f32 v6, v4;
	v3 =	vmul.f32 v3, v1  }
0x335: {  	v5 =	vadd.f32 v7, v5;
	v1 =	vmul.f32 v9, v1  }
0x336: {  	v3 =	vadd.f32 v3, v4  }
0x337: {  	v1 =	vadd.f32 v1, v2;
	[tilespmem:s19+$0x0] =	vst v5;
	s19 =	smov.u32 s16;
	s16 =	smov.u32 s25  }
0x338: {  	[tilespmem:s20+$0x0] =	vst v3;
	s20 =	smov.u32 s29;
	s29 =	smov.u32 s28  }
0x339: {  	[tilespmem:s21+$0x0] =	vst v1;
	s21 =	smov.u32 s15;
	s15 =	smov.u32 s30  }
0x33a: {  	v2 =	vld [tilespmem:s23+$0xC810]  }
0x33b: {  	v5 =	vld [tilespmem:s23+$0xC800]  }
0x33c: {  	v4 =	vld [tilespmem:s23+$0x8810]  }
0x33d: {  	v1 =	vld [tilespmem:s23+$0x830]  }
.Ltmp4:
0x33e: {  	v3 =	vld [tilespmem:s23+$0x810];
	(pc) =	sbr.rel @p0 .LBB2_10-.Ltmp4, $4  }
0x33f: {  	v7 =	vld [tilespmem:s23+$0x4800]  }
0x340: {  	v6 =	vld [tilespmem:s23+$0x800]  }
0x341: {  	v8 =	vld [tilespmem:s23+$0x4810]  }
0x342: {  	v9 =	vld [tilespmem:s23+$0x8800]  }
0x343: {  	v10 =	vld [tilespmem:s23+$0xC820]  }
0x344: {  	v11 =	vld [tilespmem:s23+$0x820]  }
0x345: {  	v12 =	vld [tilespmem:s23+$0x4820]  }
0x346: {  	v13 =	vld [tilespmem:s23+$0x8820];
	v7 =	vmul.f32 v7, v6  }
0x347: {  	v14 =	vld [tilespmem:s23+$0x4830];
	v5 =	vmul.f32 v5, v6;
	v6 =	vmul.f32 v9, v6  }
0x348: {  	v4 =	vmul.f32 v4, v3;
	v8 =	vmul.f32 v8, v3;
	v9 =	vld [tilespmem:s23+$0x8830];
	v7 =	vadd.f32 $0.0e+00, v7  }
0x349: {  	v2 =	vmul.f32 v2, v3;
	v3 =	vld [tilespmem:s23+$0xC830];
	v5 =	vadd.f32 $0.0e+00, v5;
	v6 =	vadd.f32 $0.0e+00, v6  }
0x34a: {  	v7 =	vadd.f32 v8, v7;
	v8 =	vmul.f32 v12, v11  }
0x34b: {  	v2 =	vadd.f32 v2, v5;
	v5 =	vmul.f32 v13, v11;
	v4 =	vadd.f32 v4, v6  }
0x34c: {  	v6 =	vmul.f32 v10, v11;
	v7 =	vadd.f32 v8, v7;
	v8 =	vmul.f32 v14, v1  }
0x34d: {  	v4 =	vadd.f32 v5, v4;
	v5 =	vmul.f32 v9, v1  }
0x34e: {  	v2 =	vadd.f32 v6, v2;
	v6 =	vadd.f32 v8, v7;
	v1 =	vmul.f32 v3, v1  }
0x34f: {  	v3 =	vadd.f32 v5, v4  }
0x350: {  	v1 =	vadd.f32 v1, v2;
	[tilespmem:s19+$0x0] =	vst v6  }
0x351: {  	[tilespmem:s20+$0x0] =	vst v3  }
0x352: {  	[tilespmem:s21+$0x0] =	vst v1  }
0x353: {  	v1 =	vld [tilespmem:s18+$0xC810]  }
0x354: {  	v2 =	vld [tilespmem:s18+$0xC800]  }
0x355: {  	v3 =	vld [tilespmem:s18+$0x8810]  }
0x356: {  	v4 =	vld [tilespmem:s18+$0x830]  }
0x357: {  	v5 =	vld [tilespmem:s18+$0x810]  }
0x358: {  	v6 =	vld [tilespmem:s18+$0x4800]  }
0x359: {  	v7 =	vld [tilespmem:s18+$0x800]  }
0x35a: {  	v8 =	vld [tilespmem:s18+$0x8800]  }
0x35b: {  	v9 =	vld [tilespmem:s18+$0x4810]  }
0x35c: {  	v10 =	vld [tilespmem:s18+$0xC820]  }
0x35d: {  	v11 =	vld [tilespmem:s18+$0x820]  }
0x35e: {  	v12 =	vld [tilespmem:s18+$0x4820];
	v2 =	vmul.f32 v2, v7  }
0x35f: {  	v13 =	vld [tilespmem:s18+$0x8820];
	v6 =	vmul.f32 v6, v7  }
0x360: {  	v7 =	vmul.f32 v8, v7;
	v8 =	vld [tilespmem:s18+$0x4830];
	v1 =	vmul.f32 v1, v5;
	v2 =	vadd.f32 $0.0e+00, v2  }
0x361: {  	v3 =	vmul.f32 v3, v5;
	v5 =	vmul.f32 v9, v5;
	v9 =	vld [tilespmem:s18+$0x8830];
	v6 =	vadd.f32 $0.0e+00, v6  }
0x362: {  	v14 =	vld [tilespmem:s18+$0xC830];
	v7 =	vadd.f32 $0.0e+00, v7;
	v1 =	vadd.f32 v1, v2;
	v2 =	vmul.f32 v10, v11  }
0x363: {  	v5 =	vadd.f32 v5, v6;
	v6 =	vmul.f32 v12, v11  }
0x364: {  	v3 =	vadd.f32 v3, v7;
	v7 =	vmul.f32 v13, v11;
	v1 =	vadd.f32 v2, v1  }
0x365: {  	v2 =	vmov s14;
	v5 =	vadd.f32 v6, v5;
	v6 =	vmul.f32 v8, v4  }
0x366: {  	v3 =	vadd.f32 v7, v3;
	v7 =	vmul.f32 v9, v4;
	v2 =	vshll.u32 v2, $0x4  }
0x367: {  	v4 =	vmul.f32 v14, v4;
	v2 =	vor.u32 v0, v2;
	v5 =	vadd.f32 v6, v5  }
0x368: {  	v3 =	vadd.f32 v7, v3  }
0x369: {  	v1 =	vadd.f32 v4, v1;
	[tilespmem:s16+$0x0] =	vst v5  }
0x36a: {  	v6 =	vor.u32 $0xF, v2;
	v7 =	vor.u32 $0xE, v2;
	v4 =	vor.u32 $0xD, v2;
	[tilespmem:s29+$0x0] =	vst v3  }
0x36b: {  	v9 =	vor.u32 $0x9, v2;
	v11 =	vor.u32 $0x8, v2;
	v13 =	vor.u32 $0x7, v2;
	[tilespmem:s15+$0x0] =	vst v1  }
0x36c: {  	v15 =	vor.u32 $0x6, v2;
	v17 =	vor.u32 $0x5, v2;
	v19 =	vor.u32 $0x4, v2;
	v31 =	vld.idx.msk [tilespmem:v2+s31+$0x0], $0xffff  }
0x36d: {  	v21 =	vor.u32 $0x3, v2;
	v23 =	vor.u32 $0x2, v2;
	v27 =	vor.u32 $0x1, v2;
	v32 =	vld.idx.msk [tilespmem:v2+s0+$0x0], $0xffff  }
0x36e: {  	v5 =	vor.u32 $0xA, v2;
	v3 =	vor.u32 $0xC, v2;
	v1 =	vor.u32 $0xB, v2;
	v2 =	vld.idx.msk [tilespmem:v2+s1+$0x0], $0xffff  }
0x36f: {  	v8 =	vld.idx.msk [tilespmem:v6+s31+$0x0], $0xffff  }
0x370: {  	v10 =	vld.idx.msk [tilespmem:v7+s31+$0x0], $0xffff  }
0x371: {  	v12 =	vld.idx.msk [tilespmem:v4+s31+$0x0], $0xffff  }
0x372: {  	v20 =	vld.idx.msk [tilespmem:v9+s31+$0x0], $0xffff  }
0x373: {  	v22 =	vld.idx.msk [tilespmem:v11+s31+$0x0], $0xffff  }
0x374: {  	v24 =	vld.idx.msk [tilespmem:v13+s31+$0x0], $0xffff  }
0x375: {  	v25 =	vld.idx.msk [tilespmem:v15+s31+$0x0], $0xffff  }
0x376: {  	v26 =	vld.idx.msk [tilespmem:v17+s31+$0x0], $0xffff  }
0x377: {  	v28 =	vld.idx.msk [tilespmem:v19+s31+$0x0], $0xffff  }
0x378: {  	v29 =	vld.idx.msk [tilespmem:v21+s31+$0x0], $0xffff  }
0x379: {  	v30 =	vld.idx.msk [tilespmem:v23+s31+$0x0], $0xffff  }
0x37a: {  	v33 =	vld.idx.msk [tilespmem:v27+s31+$0x0], $0xffff  }
0x37b: {  	v34 =	vld.idx.msk [tilespmem:v27+s0+$0x0], $0xffff  }
0x37c: {  	v35 =	vld.idx.msk [tilespmem:v23+s0+$0x0], $0xffff  }
0x37d: {  	v27 =	vld.idx.msk [tilespmem:v27+s1+$0x0], $0xffff  }
0x37e: {  	v36 =	vld.idx.msk [tilespmem:v21+s0+$0x0], $0xffff  }
0x37f: {  	v23 =	vld.idx.msk [tilespmem:v23+s1+$0x0], $0xffff  }
0x380: {  	v55 =	vld.idx.msk [tilespmem:v19+s0+$0x0], $0xffff;
	v31 =	vadd.f32 $0.0e+00, v31;
	v32 =	vadd.f32 $0.0e+00, v32  }
0x381: {  	v21 =	vld.idx.msk [tilespmem:v21+s1+$0x0], $0xffff  }
0x382: {  	v57 =	vld.idx.msk [tilespmem:v17+s0+$0x0], $0xffff;
	v31 =	vadd.f32 v33, v31;
	v32 =	vadd.f32 v34, v32  }
0x383: {  	v19 =	vld.idx.msk [tilespmem:v19+s1+$0x0], $0xffff;
	v2 =	vadd.f32 $0.0e+00, v2  }
0x384: {  	v60 =	vld.idx.msk [tilespmem:v15+s0+$0x0], $0xffff;
	v30 =	vadd.f32 v30, v31;
	v56 =	vadd.f32 v35, v32  }
0x385: {  	v17 =	vld.idx.msk [tilespmem:v17+s1+$0x0], $0xffff;
	v2 =	vadd.f32 v27, v2  }
0x386: {  	v62 =	vld.idx.msk [tilespmem:v13+s0+$0x0], $0xffff;
	v58 =	vadd.f32 v29, v30;
	v59 =	vadd.f32 v36, v56  }
0x387: {  	v15 =	vld.idx.msk [tilespmem:v15+s1+$0x0], $0xffff;
	v2 =	vadd.f32 v23, v2  }
0x388: {  	v63 =	vld.idx.msk [tilespmem:v11+s0+$0x0], $0xffff;
	v23 =	vadd.f32 v28, v58;
	v61 =	vadd.f32 v55, v59  }
0x389: {  	v13 =	vld.idx.msk [tilespmem:v13+s1+$0x0], $0xffff;
	v2 =	vadd.f32 v21, v2  }
0x38a: {  	v11 =	vld.idx.msk [tilespmem:v11+s1+$0x0], $0xffff;
	v21 =	vadd.f32 v26, v23;
	v23 =	vadd.f32 v57, v61  }
0x38b: {  	v18 =	vld.idx.msk [tilespmem:v5+s31+$0x0], $0xffff;
	v2 =	vadd.f32 v19, v2  }
0x38c: {  	v14 =	vld.idx.msk [tilespmem:v3+s31+$0x0], $0xffff;
	v19 =	vadd.f32 v25, v21;
	v21 =	vadd.f32 v60, v23  }
0x38d: {  	v2 =	vadd.f32 v17, v2;
	v23 =	vld.idx.msk [tilespmem:v9+s0+$0x0], $0xffff  }
0x38e: {  	v16 =	vld.idx.msk [tilespmem:v1+s31+$0x0], $0xffff;
	v17 =	vadd.f32 v24, v19;
	v19 =	vadd.f32 v62, v21  }
0x38f: {  	v2 =	vadd.f32 v15, v2;
	v21 =	vld.idx.msk [tilespmem:v5+s0+$0x0], $0xffff  }
0x390: {  	v9 =	vld.idx.msk [tilespmem:v9+s1+$0x0], $0xffff;
	v15 =	vadd.f32 v22, v17;
	v17 =	vadd.f32 v63, v19  }
0x391: {  	v2 =	vadd.f32 v13, v2;
	v19 =	vld.idx.msk [tilespmem:v1+s0+$0x0], $0xffff  }
0x392: {  	v5 =	vld.idx.msk [tilespmem:v5+s1+$0x0], $0xffff;
	v13 =	vadd.f32 v20, v15;
	v15 =	vadd.f32 v23, v17  }
0x393: {  	v2 =	vadd.f32 v11, v2;
	v17 =	vld.idx.msk [tilespmem:v3+s0+$0x0], $0xffff  }
0x394: {  	v1 =	vld.idx.msk [tilespmem:v1+s1+$0x0], $0xffff;
	v11 =	vadd.f32 v18, v13;
	v13 =	vadd.f32 v21, v15  }
0x395: {  	v2 =	vadd.f32 v9, v2;
	v15 =	vld.idx.msk [tilespmem:v4+s0+$0x0], $0xffff  }
0x396: {  	v3 =	vld.idx.msk [tilespmem:v3+s1+$0x0], $0xffff;
	v9 =	vadd.f32 v16, v11;
	v11 =	vadd.f32 v19, v13  }
0x397: {  	v2 =	vadd.f32 v5, v2;
	v13 =	vld.idx.msk [tilespmem:v7+s0+$0x0], $0xffff  }
0x398: {  	v4 =	vld.idx.msk [tilespmem:v4+s1+$0x0], $0xffff;
	v5 =	vadd.f32 v14, v9;
	v9 =	vadd.f32 v17, v11  }
0x399: {  	v1 =	vadd.f32 v1, v2;
	v11 =	vld.idx.msk [tilespmem:v6+s0+$0x0], $0xffff  }
0x39a: {  	v2 =	vadd.f32 v12, v5;
	v5 =	vld.idx.msk [tilespmem:v7+s1+$0x0], $0xffff;
	v7 =	vadd.f32 v15, v9;
	_ =	sdelay $0x1  }
0x39b: {  	v1 =	vadd.f32 v3, v1;
	v3 =	vld.idx.msk [tilespmem:v6+s1+$0x0], $0xffff;
	v6 =	vadd.f32 v13, v7  }
0x39c: {  	v2 =	vadd.f32 v10, v2  }
0x39d: {  	v1 =	vadd.f32 v4, v1;
	v4 =	vadd.f32 v11, v6  }
0x39e: {  	v2 =	vadd.f32 v8, v2  }
0x39f: {  	v1 =	vadd.f32 v5, v1;
	v5 =	vand.u32 $0x7FFFFFFF, v4  }
0x3a0: {  	v2 =	vsub.f32 $0.0e+00, v2;
	v5 =	vsub.f32 $0.0e+00, v5;
	_ =	sdelay $0x1  }
0x3a1: {  	v1 =	vadd.f32 v3, v1;
	v3 =	vand.u32 $0x7FFFFFFF, v2;
	v5 =	vmul.f32 $1.442695020e+00, v5  }
0x3a2: {  	v3 =	vsub.f32 $0.0e+00, v3  }
0x3a3: {  	v6 =	vand.u32 $0x7FFFFFFF, v1;
	(erf) = vpow2.f32 v5  }
0x3a4: {  	v6 =	vsub.f32 $0.0e+00, v6;
	v3 =	vmul.f32 $1.442695020e+00, v3;
	_ =	sdelay $0x1  }
0x3a5: {  	v5 =	vmul.f32 $1.442695020e+00, v6;
	(erf) = vpow2.f32 v3;
	_ =	sdelay $0x1  }
0x3a6: {  	(erf) = vpow2.f32 v5;
	_ =	sdelay $0x3  }
0x3a7: {  	v3 =	vpop (erf)  }
0x3a8: {  	v5 =	vadd.f32 $2.000000000e+00, v3;
	_ =	sdelay $0x1  }
0x3a9: {  	v6 =	vpop (erf)  }
0x3aa: {  	v7 =	vadd.f32 $2.000000000e+00, v6  }
0x3ab: {  	(erf) = vrcp.f32 v5;
	v5 =	vpop (erf)  }
0x3ac: {  	(erf) = vrcp.f32 v7;
	v8 =	vadd.f32 $2.000000000e+00, v5;
	_ =	sdelay $0x1  }
0x3ad: {  	(erf) = vrcp.f32 v8;
	_ =	sdelay $0x5  }
0x3ae: {  	v7 =	vpop (erf)  }
0x3af: {  	v3 =	vmul.f32 v7, v3;
	v7 =	vpop (erf)  }
0x3b0: {  	v6 =	vmul.f32 v7, v6  }
0x3b1: {  	v7 =	vmul.f32 v3, v3;
	v8 =	vpop (erf)  }
0x3b2: {  	v9 =	vmul.f32 v6, v6;
	v5 =	vmul.f32 v8, v5  }
0x3b3: {  	v8 =	vmul.f32 $1.428571490e-01, v7  }
0x3b4: {  	v10 =	vmul.f32 $1.428571490e-01, v9;
	v11 =	vmul.f32 v5, v5;
	_ =	sdelay $0x1  }
0x3b5: {  	v8 =	vadd.f32 $2.000000030e-01, v8;
	v10 =	vadd.f32 $2.000000030e-01, v10;
	v12 =	vmul.f32 $1.428571490e-01, v11;
	_ =	sdelay $0x1  }
0x3b6: {  	v8 =	vmul.f32 v8, v7;
	v10 =	vmul.f32 v10, v9;
	v12 =	vadd.f32 $2.000000030e-01, v12;
	_ =	sdelay $0x1  }
0x3b7: {  	v8 =	vadd.f32 $3.333333430e-01, v8;
	v10 =	vadd.f32 $3.333333430e-01, v10;
	v12 =	vmul.f32 v12, v11;
	_ =	sdelay $0x1  }
0x3b8: {  	v7 =	vmul.f32 v8, v7;
	v8 =	vmul.f32 v10, v9;
	v9 =	vadd.f32 $3.333333430e-01, v12  }
0x3b9: {  	v3 =	vadd.f32 v3, v3;
	v6 =	vadd.f32 v6, v6  }
0x3ba: {  	s4 =	simm.s32 $0x10;
	v7 =	vadd.f32 $1.000000000e+00, v7;
	v8 =	vadd.f32 $1.000000000e+00, v8;
	v9 =	vmul.f32 v9, v11  }
0x3bb: {  	v5 =	vadd.f32 v5, v5;
	v10 =	vmov s4  }
0x3bc: {  	v3 =	vmul.f32 v7, v3;
	v6 =	vmul.f32 v8, v6;
	v7 =	vadd.f32 $1.000000000e+00, v9  }
0x3bd: {  	v4 =	vmax.f32 v4, $0.0e+00;
	v2 =	vmax.f32 v2, $0.0e+00;
	v8 =	vshll.u32 v10, $0x4  }
0x3be: {  	v3 =	vadd.f32 v3, v4;
	v2 =	vadd.f32 v6, v2;
	v4 =	vmul.f32 v7, v5  }
0x3bf: {  	v19 =	vor.u32 v0, v8;
	v5 =	vmax.f32 v1, $0.0e+00  }
0x3c0: {  	v1 =	vor.u32 $0xF, v19;
	v3 =	vadd.f32 v3, v2;
	v5 =	vadd.f32 v4, v5  }
0x3c1: {  	v2 =	vor.u32 $0xE, v19  }
0x3c2: {  	v4 =	vor.u32 $0xD, v19;
	v3 =	vadd.f32 v5, v3  }
0x3c3: {  	s29 =	simm.s32 $0x12000;
	v7 =	vor.u32 $0xC, v19  }
0x3c4: {  	v9 =	vor.u32 $0xB, v19;
	[tilespmem:s29+$0x0] =	vst v3  }
0x3c5: {  	v11 =	vor.u32 $0xA, v19;
	v3 =	vld.idx.msk [tilespmem:v1+s31+$0x0], $0xffff  }
0x3c6: {  	v13 =	vor.u32 $0x9, v19;
	v5 =	vld.idx.msk [tilespmem:v2+s31+$0x0], $0xffff  }
0x3c7: {  	v15 =	vor.u32 $0x8, v19;
	v6 =	vld.idx.msk [tilespmem:v4+s31+$0x0], $0xffff  }
0x3c8: {  	v17 =	vor.u32 $0x7, v19;
	v8 =	vld.idx.msk [tilespmem:v7+s31+$0x0], $0xffff  }
0x3c9: {  	v18 =	vor.u32 $0x6, v19;
	v10 =	vld.idx.msk [tilespmem:v9+s31+$0x0], $0xffff  }
0x3ca: {  	v20 =	vor.u32 $0x5, v19;
	v12 =	vld.idx.msk [tilespmem:v11+s31+$0x0], $0xffff  }
0x3cb: {  	v21 =	vor.u32 $0x4, v19;
	v14 =	vld.idx.msk [tilespmem:v13+s31+$0x0], $0xffff  }
0x3cc: {  	s14 =	simm.s32 $0x20;
	v22 =	vor.u32 $0x3, v19;
	v16 =	vld.idx.msk [tilespmem:v15+s31+$0x0], $0xffff  }
.LBB2_12:
0x3cd: {  	p0 =	sne.s32 s14, $0x70;
	v23 =	vor.u32 $0x2, v19;
	v24 =	vld.idx.msk [tilespmem:v17+s31+$0x0], $0xffff  }
0x3ce: {  	v25 =	vld.idx.msk [tilespmem:v18+s31+$0x0], $0xffff  }
0x3cf: {  	v26 =	vld.idx.msk [tilespmem:v20+s31+$0x0], $0xffff  }
0x3d0: {  	v27 =	vor.u32 $0x1, v19;
	v28 =	vld.idx.msk [tilespmem:v21+s31+$0x0], $0xffff  }
0x3d1: {  	v29 =	vld.idx.msk [tilespmem:v22+s31+$0x0], $0xffff  }
0x3d2: {  	v30 =	vld.idx.msk [tilespmem:v23+s31+$0x0], $0xffff  }
0x3d3: {  	v31 =	vld.idx.msk [tilespmem:v19+s31+$0x0], $0xffff  }
0x3d4: {  	v32 =	vld.idx.msk [tilespmem:v19+s0+$0x0], $0xffff  }
0x3d5: {  	v33 =	vld.idx.msk [tilespmem:v27+s31+$0x0], $0xffff  }
0x3d6: {  	v34 =	vld.idx.msk [tilespmem:v27+s0+$0x0], $0xffff  }
0x3d7: {  	v19 =	vld.idx.msk [tilespmem:v19+s1+$0x0], $0xffff  }
0x3d8: {  	v35 =	vld.idx.msk [tilespmem:v23+s0+$0x0], $0xffff  }
0x3d9: {  	v31 =	vadd.f32 $0.0e+00, v31;
	v27 =	vld.idx.msk [tilespmem:v27+s1+$0x0], $0xffff  }
0x3da: {  	v32 =	vadd.f32 $0.0e+00, v32;
	v36 =	vld.idx.msk [tilespmem:v22+s0+$0x0], $0xffff  }
0x3db: {  	v31 =	vadd.f32 v33, v31;
	v23 =	vld.idx.msk [tilespmem:v23+s1+$0x0], $0xffff  }
0x3dc: {  	v32 =	vadd.f32 v34, v32;
	v33 =	vld.idx.msk [tilespmem:v21+s0+$0x0], $0xffff  }
0x3dd: {  	v19 =	vadd.f32 $0.0e+00, v19;
	v30 =	vadd.f32 v30, v31;
	v22 =	vld.idx.msk [tilespmem:v22+s1+$0x0], $0xffff  }
0x3de: {  	v31 =	vadd.f32 v35, v32;
	v32 =	vld.idx.msk [tilespmem:v20+s0+$0x0], $0xffff  }
0x3df: {  	v19 =	vadd.f32 v27, v19;
	v27 =	vadd.f32 v29, v30;
	v21 =	vld.idx.msk [tilespmem:v21+s1+$0x0], $0xffff  }
0x3e0: {  	v29 =	vadd.f32 v36, v31;
	v30 =	vld.idx.msk [tilespmem:v18+s0+$0x0], $0xffff  }
0x3e1: {  	v19 =	vadd.f32 v23, v19;
	v23 =	vadd.f32 v28, v27;
	v20 =	vld.idx.msk [tilespmem:v20+s1+$0x0], $0xffff  }
0x3e2: {  	v27 =	vadd.f32 v33, v29;
	v28 =	vld.idx.msk [tilespmem:v17+s0+$0x0], $0xffff  }
0x3e3: {  	v19 =	vadd.f32 v22, v19;
	v22 =	vadd.f32 v26, v23;
	v18 =	vld.idx.msk [tilespmem:v18+s1+$0x0], $0xffff  }
0x3e4: {  	v23 =	vadd.f32 v32, v27;
	v26 =	vld.idx.msk [tilespmem:v15+s0+$0x0], $0xffff  }
0x3e5: {  	v19 =	vadd.f32 v21, v19;
	v21 =	vadd.f32 v25, v22;
	v17 =	vld.idx.msk [tilespmem:v17+s1+$0x0], $0xffff  }
0x3e6: {  	v22 =	vadd.f32 v30, v23;
	v23 =	vld.idx.msk [tilespmem:v13+s0+$0x0], $0xffff  }
0x3e7: {  	v19 =	vadd.f32 v20, v19;
	v20 =	vadd.f32 v24, v21;
	v15 =	vld.idx.msk [tilespmem:v15+s1+$0x0], $0xffff  }
0x3e8: {  	v21 =	vadd.f32 v28, v22;
	v22 =	vld.idx.msk [tilespmem:v11+s0+$0x0], $0xffff  }
0x3e9: {  	v18 =	vadd.f32 v18, v19;
	v16 =	vadd.f32 v16, v20;
	v13 =	vld.idx.msk [tilespmem:v13+s1+$0x0], $0xffff  }
0x3ea: {  	v19 =	vadd.f32 v26, v21;
	v20 =	vld.idx.msk [tilespmem:v9+s0+$0x0], $0xffff  }
0x3eb: {  	v17 =	vadd.f32 v17, v18;
	v14 =	vadd.f32 v14, v16;
	v11 =	vld.idx.msk [tilespmem:v11+s1+$0x0], $0xffff  }
0x3ec: {  	v16 =	vadd.f32 v23, v19;
	v18 =	vld.idx.msk [tilespmem:v7+s0+$0x0], $0xffff  }
0x3ed: {  	v15 =	vadd.f32 v15, v17;
	v12 =	vadd.f32 v12, v14;
	v9 =	vld.idx.msk [tilespmem:v9+s1+$0x0], $0xffff  }
0x3ee: {  	v14 =	vadd.f32 v22, v16;
	v16 =	vld.idx.msk [tilespmem:v4+s0+$0x0], $0xffff  }
0x3ef: {  	v13 =	vadd.f32 v13, v15;
	v10 =	vadd.f32 v10, v12;
	v7 =	vld.idx.msk [tilespmem:v7+s1+$0x0], $0xffff  }
0x3f0: {  	v12 =	vadd.f32 v20, v14;
	v14 =	vld.idx.msk [tilespmem:v2+s0+$0x0], $0xffff  }
0x3f1: {  	v11 =	vadd.f32 v11, v13;
	v8 =	vadd.f32 v8, v10;
	v4 =	vld.idx.msk [tilespmem:v4+s1+$0x0], $0xffff  }
0x3f2: {  	v10 =	vadd.f32 v18, v12;
	v12 =	vld.idx.msk [tilespmem:v1+s0+$0x0], $0xffff  }
0x3f3: {  	v9 =	vadd.f32 v9, v11;
	v6 =	vadd.f32 v6, v8;
	v2 =	vld.idx.msk [tilespmem:v2+s1+$0x0], $0xffff  }
0x3f4: {  	v8 =	vadd.f32 v16, v10  }
0x3f5: {  	v7 =	vadd.f32 v7, v9;
	v5 =	vadd.f32 v5, v6;
	v1 =	vld.idx.msk [tilespmem:v1+s1+$0x0], $0xffff  }
0x3f6: {  	v6 =	vadd.f32 v14, v8  }
0x3f7: {  	v4 =	vadd.f32 v4, v7;
	v3 =	vadd.f32 v3, v5  }
0x3f8: {  	v5 =	vadd.f32 v12, v6  }
0x3f9: {  	v2 =	vadd.f32 v2, v4;
	v3 =	vsub.f32 $0.0e+00, v3  }
0x3fa: {  	v4 =	vand.u32 $0x7FFFFFFF, v5  }
0x3fb: {  	v1 =	vadd.f32 v1, v2;
	v2 =	vand.u32 $0x7FFFFFFF, v3;
	v4 =	vsub.f32 $0.0e+00, v4  }
0x3fc: {  	v2 =	vsub.f32 $0.0e+00, v2  }
0x3fd: {  	v4 =	vmul.f32 $1.442695020e+00, v4;
	v6 =	vand.u32 $0x7FFFFFFF, v1  }
0x3fe: {  	v2 =	vmul.f32 $1.442695020e+00, v2;
	v6 =	vsub.f32 $0.0e+00, v6  }
0x3ff: {  	(erf) = vpow2.f32 v4  }
0x400: {  	v4 =	vmul.f32 $1.442695020e+00, v6;
	(erf) = vpow2.f32 v2;
	_ =	sdelay $0x1  }
0x401: {  	(erf) = vpow2.f32 v4;
	_ =	sdelay $0x5  }
0x402: {  	v2 =	vpop (erf)  }
0x403: {  	v8 =	vadd.f32 $2.000000000e+00, v2;
	v6 =	vpop (erf)  }
0x404: {  	v7 =	vadd.f32 $2.000000000e+00, v6  }
0x405: {  	(erf) = vrcp.f32 v8;
	v4 =	vpop (erf)  }
0x406: {  	v8 =	vadd.f32 $2.000000000e+00, v4;
	(erf) = vrcp.f32 v7;
	_ =	sdelay $0x1  }
0x407: {  	(erf) = vrcp.f32 v8;
	_ =	sdelay $0x5  }
0x408: {  	v7 =	vpop (erf)  }
0x409: {  	v2 =	vmul.f32 v7, v2;
	v7 =	vpop (erf)  }
0x40a: {  	v6 =	vmul.f32 v7, v6  }
0x40b: {  	v7 =	vmul.f32 v2, v2;
	v8 =	vpop (erf)  }
0x40c: {  	v9 =	vmul.f32 v6, v6;
	v4 =	vmul.f32 v8, v4  }
0x40d: {  	v8 =	vmul.f32 $1.428571490e-01, v7  }
0x40e: {  	v10 =	vmul.f32 $1.428571490e-01, v9;
	v11 =	vmul.f32 v4, v4  }
0x40f: {  	v8 =	vadd.f32 $2.000000030e-01, v8  }
0x410: {  	v10 =	vadd.f32 $2.000000030e-01, v10;
	v12 =	vmul.f32 $1.428571490e-01, v11  }
0x411: {  	v8 =	vmul.f32 v8, v7  }
0x412: {  	v10 =	vmul.f32 v10, v9;
	v12 =	vadd.f32 $2.000000030e-01, v12  }
0x413: {  	v8 =	vadd.f32 $3.333333430e-01, v8  }
0x414: {  	v10 =	vadd.f32 $3.333333430e-01, v10;
	v12 =	vmul.f32 v12, v11  }
0x415: {  	v7 =	vmul.f32 v8, v7  }
0x416: {  	v8 =	vmul.f32 v10, v9;
	v9 =	vadd.f32 $3.333333430e-01, v12  }
0x417: {  	v2 =	vadd.f32 v2, v2;
	v7 =	vadd.f32 $1.000000000e+00, v7  }
0x418: {  	v6 =	vadd.f32 v6, v6;
	v8 =	vadd.f32 $1.000000000e+00, v8;
	v9 =	vmul.f32 v9, v11  }
0x419: {  	v4 =	vadd.f32 v4, v4;
	v10 =	vmov s14  }
0x41a: {  	v2 =	vmul.f32 v7, v2;
	v6 =	vmul.f32 v8, v6;
	v7 =	vadd.f32 $1.000000000e+00, v9  }
0x41b: {  	v5 =	vmax.f32 v5, $0.0e+00;
	v3 =	vmax.f32 v3, $0.0e+00;
	v8 =	vshll.u32 v10, $0x4  }
0x41c: {  	v2 =	vadd.f32 v2, v5;
	v3 =	vadd.f32 v6, v3;
	v4 =	vmul.f32 v7, v4  }
0x41d: {  	v19 =	vor.u32 v0, v8;
	v5 =	vmax.f32 v1, $0.0e+00  }
0x41e: {  	v1 =	vor.u32 $0xF, v19;
	v3 =	vadd.f32 v2, v3;
	v5 =	vadd.f32 v4, v5  }
0x41f: {  	v2 =	vor.u32 $0xE, v19  }
0x420: {  	v4 =	vor.u32 $0xD, v19;
	v3 =	vadd.f32 v5, v3  }
0x421: {  	s29 =	sadd.s32 $0x10, s29;
	v7 =	vor.u32 $0xC, v19  }
0x422: {  	v9 =	vor.u32 $0xB, v19;
	[tilespmem:s29+$0x0] =	vst v3  }
0x423: {  	v11 =	vor.u32 $0xA, v19;
	v3 =	vld.idx.msk [tilespmem:v1+s31+$0x0], $0xffff  }
0x424: {  	v13 =	vor.u32 $0x9, v19;
	v5 =	vld.idx.msk [tilespmem:v2+s31+$0x0], $0xffff  }
0x425: {  	v15 =	vor.u32 $0x8, v19;
	v6 =	vld.idx.msk [tilespmem:v4+s31+$0x0], $0xffff  }
.Ltmp5:
0x426: {  	v17 =	vor.u32 $0x7, v19;
	v8 =	vld.idx.msk [tilespmem:v7+s31+$0x0], $0xffff;
	(pc) =	sbr.rel @p0 .LBB2_12-.Ltmp5, $4  }
0x427: {  	v18 =	vor.u32 $0x6, v19;
	v10 =	vld.idx.msk [tilespmem:v9+s31+$0x0], $0xffff  }
0x428: {  	v20 =	vor.u32 $0x5, v19;
	v12 =	vld.idx.msk [tilespmem:v11+s31+$0x0], $0xffff  }
0x429: {  	v21 =	vor.u32 $0x4, v19;
	v14 =	vld.idx.msk [tilespmem:v13+s31+$0x0], $0xffff  }
0x42a: {  	s14 =	sadd.s32 $0x10, s14;
	v22 =	vor.u32 $0x3, v19;
	v16 =	vld.idx.msk [tilespmem:v15+s31+$0x0], $0xffff  }
0x42b: {  	_ =	sdelay $0x3  }
0x42c: {  	v24 =	vld.idx.msk [tilespmem:v17+s31+$0x0], $0xffff  }
0x42d: {  	v25 =	vld.idx.msk [tilespmem:v18+s31+$0x0], $0xffff  }
0x42e: {  	v26 =	vld.idx.msk [tilespmem:v20+s31+$0x0], $0xffff  }
0x42f: {  	v27 =	vor.u32 $0x1, v19;
	v28 =	vld.idx.msk [tilespmem:v21+s31+$0x0], $0xffff  }
0x430: {  	v29 =	vld.idx.msk [tilespmem:v22+s31+$0x0], $0xffff  }
0x431: {  	v23 =	vor.u32 $0x2, v19;
	v31 =	vld.idx.msk [tilespmem:v19+s31+$0x0], $0xffff  }
0x432: {  	v32 =	vld.idx.msk [tilespmem:v19+s0+$0x0], $0xffff  }
0x433: {  	v58 =	vld.idx.msk [tilespmem:v19+s1+$0x0], $0xffff  }
0x434: {  	v33 =	vld.idx.msk [tilespmem:v27+s31+$0x0], $0xffff  }
0x435: {  	v34 =	vld.idx.msk [tilespmem:v27+s0+$0x0], $0xffff  }
0x436: {  	v30 =	vld.idx.msk [tilespmem:v23+s31+$0x0], $0xffff  }
0x437: {  	v35 =	vld.idx.msk [tilespmem:v23+s0+$0x0], $0xffff  }
0x438: {  	v31 =	vadd.f32 $0.0e+00, v31;
	v27 =	vld.idx.msk [tilespmem:v27+s1+$0x0], $0xffff;
	v32 =	vadd.f32 $0.0e+00, v32  }
0x439: {  	v36 =	vld.idx.msk [tilespmem:v22+s0+$0x0], $0xffff  }
0x43a: {  	v23 =	vld.idx.msk [tilespmem:v23+s1+$0x0], $0xffff;
	v31 =	vadd.f32 v33, v31;
	v32 =	vadd.f32 v34, v32  }
0x43b: {  	v59 =	vld.idx.msk [tilespmem:v21+s0+$0x0], $0xffff;
	v19 =	vadd.f32 $0.0e+00, v58  }
0x43c: {  	v60 =	vld.idx.msk [tilespmem:v22+s1+$0x0], $0xffff;
	v30 =	vadd.f32 v30, v31;
	v61 =	vadd.f32 v35, v32  }
0x43d: {  	v62 =	vld.idx.msk [tilespmem:v20+s0+$0x0], $0xffff;
	v19 =	vadd.f32 v27, v19  }
0x43e: {  	v34 =	vld.idx.msk [tilespmem:v21+s1+$0x0], $0xffff;
	v63 =	vadd.f32 v29, v30;
	v35 =	vadd.f32 v36, v61  }
0x43f: {  	v19 =	vadd.f32 v23, v19;
	v36 =	vld.idx.msk [tilespmem:v18+s0+$0x0], $0xffff  }
0x440: {  	v38 =	vld.idx.msk [tilespmem:v20+s1+$0x0], $0xffff;
	v37 =	vadd.f32 v28, v63;
	v39 =	vadd.f32 v59, v35  }
0x441: {  	v40 =	vld.idx.msk [tilespmem:v17+s0+$0x0], $0xffff;
	v19 =	vadd.f32 v60, v19  }
0x442: {  	v42 =	vld.idx.msk [tilespmem:v18+s1+$0x0], $0xffff;
	v41 =	vadd.f32 v26, v37;
	v43 =	vadd.f32 v62, v39  }
0x443: {  	v44 =	vld.idx.msk [tilespmem:v15+s0+$0x0], $0xffff;
	v19 =	vadd.f32 v34, v19  }
0x444: {  	v46 =	vld.idx.msk [tilespmem:v17+s1+$0x0], $0xffff;
	v45 =	vadd.f32 v25, v41;
	v47 =	vadd.f32 v36, v43  }
0x445: {  	v48 =	vld.idx.msk [tilespmem:v13+s0+$0x0], $0xffff;
	v19 =	vadd.f32 v38, v19  }
0x446: {  	v50 =	vld.idx.msk [tilespmem:v15+s1+$0x0], $0xffff;
	v49 =	vadd.f32 v24, v45;
	v51 =	vadd.f32 v40, v47  }
0x447: {  	v52 =	vld.idx.msk [tilespmem:v11+s0+$0x0], $0xffff;
	v18 =	vadd.f32 v42, v19  }
0x448: {  	v53 =	vld.idx.msk [tilespmem:v13+s1+$0x0], $0xffff;
	v16 =	vadd.f32 v16, v49;
	v54 =	vadd.f32 v44, v51  }
0x449: {  	v55 =	vld.idx.msk [tilespmem:v9+s0+$0x0], $0xffff;
	v17 =	vadd.f32 v46, v18  }
0x44a: {  	v11 =	vld.idx.msk [tilespmem:v11+s1+$0x0], $0xffff;
	v14 =	vadd.f32 v14, v16;
	v56 =	vadd.f32 v48, v54  }
0x44b: {  	v57 =	vld.idx.msk [tilespmem:v7+s0+$0x0], $0xffff;
	v15 =	vadd.f32 v50, v17  }
0x44c: {  	v9 =	vld.idx.msk [tilespmem:v9+s1+$0x0], $0xffff;
	v12 =	vadd.f32 v12, v14;
	v58 =	vadd.f32 v52, v56  }
0x44d: {  	v59 =	vld.idx.msk [tilespmem:v4+s0+$0x0], $0xffff;
	v13 =	vadd.f32 v53, v15  }
0x44e: {  	v7 =	vld.idx.msk [tilespmem:v7+s1+$0x0], $0xffff;
	v10 =	vadd.f32 v10, v12;
	v60 =	vadd.f32 v55, v58  }
0x44f: {  	v61 =	vld.idx.msk [tilespmem:v2+s0+$0x0], $0xffff;
	v11 =	vadd.f32 v11, v13  }
0x450: {  	v4 =	vld.idx.msk [tilespmem:v4+s1+$0x0], $0xffff;
	v8 =	vadd.f32 v8, v10;
	v10 =	vadd.f32 v57, v60  }
0x451: {  	v62 =	vld.idx.msk [tilespmem:v1+s0+$0x0], $0xffff;
	v9 =	vadd.f32 v9, v11  }
0x452: {  	v6 =	vadd.f32 v6, v8;
	v8 =	vadd.f32 v59, v10  }
0x453: {  	v2 =	vld.idx.msk [tilespmem:v2+s1+$0x0], $0xffff;
	v7 =	vadd.f32 v7, v9  }
0x454: {  	v5 =	vadd.f32 v5, v6;
	v6 =	vadd.f32 v61, v8  }
0x455: {  	v4 =	vadd.f32 v4, v7  }
0x456: {  	v1 =	vld.idx.msk [tilespmem:v1+s1+$0x0], $0xffff;
	v3 =	vadd.f32 v3, v5;
	v5 =	vadd.f32 v62, v6;
	_ =	sdelay $0x1  }
0x457: {  	v2 =	vadd.f32 v2, v4;
	v4 =	vand.u32 $0x7FFFFFFF, v5  }
0x458: {  	v3 =	vsub.f32 $0.0e+00, v3;
	v4 =	vsub.f32 $0.0e+00, v4;
	_ =	sdelay $0x1  }
0x459: {  	v1 =	vadd.f32 v1, v2;
	v2 =	vand.u32 $0x7FFFFFFF, v3;
	v4 =	vmul.f32 $1.442695020e+00, v4  }
0x45a: {  	v2 =	vsub.f32 $0.0e+00, v2  }
0x45b: {  	v6 =	vand.u32 $0x7FFFFFFF, v1;
	(erf) = vpow2.f32 v4  }
0x45c: {  	v6 =	vsub.f32 $0.0e+00, v6;
	v2 =	vmul.f32 $1.442695020e+00, v2;
	_ =	sdelay $0x1  }
0x45d: {  	v4 =	vmul.f32 $1.442695020e+00, v6;
	(erf) = vpow2.f32 v2;
	_ =	sdelay $0x1  }
0x45e: {  	(erf) = vpow2.f32 v4;
	_ =	sdelay $0x3  }
0x45f: {  	v2 =	vpop (erf)  }
0x460: {  	v4 =	vadd.f32 $2.000000000e+00, v2;
	_ =	sdelay $0x1  }
0x461: {  	v6 =	vpop (erf)  }
0x462: {  	v7 =	vadd.f32 $2.000000000e+00, v6  }
0x463: {  	(erf) = vrcp.f32 v4;
	v4 =	vpop (erf)  }
0x464: {  	(erf) = vrcp.f32 v7;
	v8 =	vadd.f32 $2.000000000e+00, v4;
	_ =	sdelay $0x1  }
0x465: {  	(erf) = vrcp.f32 v8;
	_ =	sdelay $0x5  }
0x466: {  	v7 =	vpop (erf)  }
0x467: {  	v2 =	vmul.f32 v7, v2;
	v7 =	vpop (erf)  }
0x468: {  	v6 =	vmul.f32 v7, v6  }
0x469: {  	v7 =	vmul.f32 v2, v2;
	v8 =	vpop (erf)  }
0x46a: {  	v9 =	vmul.f32 v6, v6;
	v4 =	vmul.f32 v8, v4  }
0x46b: {  	v8 =	vmul.f32 $1.428571490e-01, v7  }
0x46c: {  	v10 =	vmul.f32 $1.428571490e-01, v9;
	v11 =	vmul.f32 v4, v4;
	_ =	sdelay $0x1  }
0x46d: {  	v8 =	vadd.f32 $2.000000030e-01, v8;
	v10 =	vadd.f32 $2.000000030e-01, v10;
	v63 =	vmul.f32 $1.428571490e-01, v11;
	_ =	sdelay $0x1  }
0x46e: {  	v8 =	vmul.f32 v8, v7;
	v10 =	vmul.f32 v10, v9;
	v12 =	vadd.f32 $2.000000030e-01, v63;
	_ =	sdelay $0x1  }
0x46f: {  	v8 =	vadd.f32 $3.333333430e-01, v8;
	v10 =	vadd.f32 $3.333333430e-01, v10;
	v12 =	vmul.f32 v12, v11;
	_ =	sdelay $0x1  }
0x470: {  	v7 =	vmul.f32 v8, v7;
	v8 =	vmul.f32 v10, v9;
	v9 =	vadd.f32 $3.333333430e-01, v12  }
0x471: {  	v2 =	vadd.f32 v2, v2;
	v6 =	vadd.f32 v6, v6  }
0x472: {  	v7 =	vadd.f32 $1.000000000e+00, v7;
	v8 =	vadd.f32 $1.000000000e+00, v8;
	v9 =	vmul.f32 v9, v11  }
0x473: {  	v4 =	vadd.f32 v4, v4  }
0x474: {  	v2 =	vmul.f32 v7, v2;
	v6 =	vmul.f32 v8, v6;
	v7 =	vadd.f32 $1.000000000e+00, v9  }
0x475: {  	v5 =	vmax.f32 v5, $0.0e+00;
	v3 =	vmax.f32 v3, $0.0e+00  }
0x476: {  	v2 =	vadd.f32 v2, v5;
	v3 =	vadd.f32 v6, v3;
	v4 =	vmul.f32 v7, v4  }
0x477: {  	v1 =	vmax.f32 v1, $0.0e+00  }
0x478: {  	v2 =	vadd.f32 v2, v3;
	v1 =	vadd.f32 v4, v1;
	_ =	sdelay $0x1  }
0x479: {  	v1 =	vadd.f32 v1, v2  }
0x47a: {  	s4 =	sadd.s32 $0x10, s29  }
0x47b: {  	s14 =	simm.s32 $0x0;
	[tilespmem:s4+$0x0] =	vst v1  }
0x47c: {  	[hbm4b:s10+s14] =	stream.linear.scatter [tilespmem:s24], [sflag:$0x2], $0x80, $0x38;
	[tilespmem:$0x12080] =	vst v63  }
0x47d: {  	_ =	swait.ge [sflag:s13], $0x80  }
0x47e: {  	[sflag:s13] =	ssyncset.done $0x0  }
0x47f: {  	[sflag:s13] =	ssyncadd.s32 $0xFFFFFF80  }
0x480: {  	_ =	swait.ge [sflag:s22], $0x2000  }
0x481: {  	[sflag:s22] =	ssyncset.done $0x0  }
0x482: {  	[sflag:s22] =	ssyncadd.s32 $0xFFFFE000  }
0x483: {  	_ =	swait.ge [sflag:s22], $0x2000  }
0x484: {  	[sflag:s22] =	ssyncset.done $0x0  }
0x485: {  	[sflag:s22] =	ssyncadd.s32 $0xFFFFE000  }
0x486: {  	_ =	swait.ge [sflag:s22], $0x2000  }
0x487: {  	[sflag:s22] =	ssyncset.done $0x0  }
0x488: {  	[sflag:s22] =	ssyncadd.s32 $0xFFFFE000  }
0x489: {  	_ =	swait.ge [sflag:s22], $0x2000  }
0x48a: {  	[sflag:s22] =	ssyncset.done $0x0  }
0x48b: {  	s23 =	simm.s32 $0x0;
	[sflag:s22] =	ssyncadd.s32 $0xFFFFE000  }
0x48c: {  	v2 =	vld [tilespmem:s23+$0xE810]  }
0x48d: {  	v5 =	vld [tilespmem:s23+$0xE800]  }
0x48e: {  	v4 =	vld [tilespmem:s23+$0xA810]  }
0x48f: {  	v1 =	vld [tilespmem:s23+$0x2830]  }
0x490: {  	v3 =	vld [tilespmem:s23+$0x2810]  }
0x491: {  	s19 =	simm.s32 $0x10800;
	s20 =	simm.s32 $0x11000;
	v7 =	vld [tilespmem:s23+$0x6800]  }
0x492: {  	s21 =	simm.s32 $0x11800;
	s25 =	simm.s32 $0x10810;
	s28 =	simm.s32 $0x11010;
	v6 =	vld [tilespmem:s23+$0x2800]  }
0x493: {  	s30 =	simm.s32 $0x11810;
	s18 =	simm.s32 $0x40;
	s16 =	simm.s32 $0x10810;
	v8 =	vld [tilespmem:s23+$0x6810]  }
0x494: {  	s29 =	simm.s32 $0x11010;
	s15 =	simm.s32 $0x11810;
	s4 =	simm.s32 $0x200;
	v9 =	vld [tilespmem:s23+$0xA800]  }
.LBB2_14:
0x495: {  	s25 =	sadd.s32 $0x10, s25;
	s28 =	sadd.s32 $0x10, s28;
	s30 =	sadd.s32 $0x10, s30;
	v10 =	vld [tilespmem:s23+$0xE820]  }
0x496: {  	p0 =	sne.s32 s4, $0x7F00;
	s5 =	smov.u32 s4;
	s4 =	sadd.s32 $0x100, s4;
	v11 =	vld [tilespmem:s23+$0x2820]  }
0x497: {  	v4 =	vmul.f32 v4, v3;
	v12 =	vld [tilespmem:s23+$0x6820];
	v5 =	vmul.f32 v5, v6  }
0x498: {  	v7 =	vmul.f32 v7, v6;
	v13 =	vld [tilespmem:s23+$0xA820];
	v8 =	vmul.f32 v8, v3  }
0x499: {  	v2 =	vmul.f32 v2, v3;
	v14 =	vld [tilespmem:s23+$0x6830];
	v6 =	vmul.f32 v9, v6;
	v5 =	vadd.f32 $0.0e+00, v5  }
0x49a: {  	v7 =	vadd.f32 $0.0e+00, v7;
	v3 =	vld [tilespmem:s23+$0xA830]  }
0x49b: {  	v9 =	vld [tilespmem:s23+$0xE830];
	v6 =	vadd.f32 $0.0e+00, v6;
	v2 =	vadd.f32 v2, v5;
	v5 =	vmul.f32 v10, v11;
	s23 =	smov.u32 s18  }
0x49c: {  	s18 =	sshra.s32 s5, $0x2;
	v7 =	vadd.f32 v8, v7;
	v8 =	vmul.f32 v12, v11  }
0x49d: {  	v4 =	vadd.f32 v4, v6;
	v6 =	vmul.f32 v13, v11;
	v2 =	vadd.f32 v5, v2  }
0x49e: {  	v5 =	vadd.f32 v8, v7;
	v7 =	vmul.f32 v14, v1  }
0x49f: {  	v4 =	vadd.f32 v6, v4;
	v3 =	vmul.f32 v3, v1  }
0x4a0: {  	v5 =	vadd.f32 v7, v5;
	v1 =	vmul.f32 v9, v1  }
0x4a1: {  	v3 =	vadd.f32 v3, v4  }
0x4a2: {  	v1 =	vadd.f32 v1, v2;
	[tilespmem:s19+$0x0] =	vst v5;
	s19 =	smov.u32 s16;
	s16 =	smov.u32 s25  }
0x4a3: {  	[tilespmem:s20+$0x0] =	vst v3;
	s20 =	smov.u32 s29;
	s29 =	smov.u32 s28  }
0x4a4: {  	[tilespmem:s21+$0x0] =	vst v1;
	s21 =	smov.u32 s15;
	s15 =	smov.u32 s30  }
0x4a5: {  	v2 =	vld [tilespmem:s23+$0xE810]  }
0x4a6: {  	v5 =	vld [tilespmem:s23+$0xE800]  }
0x4a7: {  	v4 =	vld [tilespmem:s23+$0xA810]  }
0x4a8: {  	v1 =	vld [tilespmem:s23+$0x2830]  }
.Ltmp6:
0x4a9: {  	v3 =	vld [tilespmem:s23+$0x2810];
	(pc) =	sbr.rel @p0 .LBB2_14-.Ltmp6, $4  }
0x4aa: {  	v7 =	vld [tilespmem:s23+$0x6800]  }
0x4ab: {  	v6 =	vld [tilespmem:s23+$0x2800]  }
0x4ac: {  	v8 =	vld [tilespmem:s23+$0x6810]  }
0x4ad: {  	v9 =	vld [tilespmem:s23+$0xA800]  }
0x4ae: {  	v10 =	vld [tilespmem:s23+$0xE820]  }
0x4af: {  	v11 =	vld [tilespmem:s23+$0x2820]  }
0x4b0: {  	v12 =	vld [tilespmem:s23+$0x6820]  }
0x4b1: {  	v13 =	vld [tilespmem:s23+$0xA820];
	v7 =	vmul.f32 v7, v6  }
0x4b2: {  	v14 =	vld [tilespmem:s23+$0x6830];
	v5 =	vmul.f32 v5, v6;
	v6 =	vmul.f32 v9, v6  }
0x4b3: {  	v4 =	vmul.f32 v4, v3;
	v8 =	vmul.f32 v8, v3;
	v9 =	vld [tilespmem:s23+$0xA830];
	v7 =	vadd.f32 $0.0e+00, v7  }
0x4b4: {  	v2 =	vmul.f32 v2, v3;
	v3 =	vld [tilespmem:s23+$0xE830];
	v5 =	vadd.f32 $0.0e+00, v5;
	v6 =	vadd.f32 $0.0e+00, v6  }
0x4b5: {  	v7 =	vadd.f32 v8, v7;
	v8 =	vmul.f32 v12, v11  }
0x4b6: {  	v2 =	vadd.f32 v2, v5;
	v5 =	vmul.f32 v13, v11;
	v4 =	vadd.f32 v4, v6  }
0x4b7: {  	v6 =	vmul.f32 v10, v11;
	v7 =	vadd.f32 v8, v7;
	v8 =	vmul.f32 v14, v1  }
0x4b8: {  	v4 =	vadd.f32 v5, v4;
	v5 =	vmul.f32 v9, v1  }
0x4b9: {  	v2 =	vadd.f32 v6, v2;
	v6 =	vadd.f32 v8, v7;
	v1 =	vmul.f32 v3, v1  }
0x4ba: {  	v3 =	vadd.f32 v5, v4  }
0x4bb: {  	v1 =	vadd.f32 v1, v2;
	[tilespmem:s19+$0x0] =	vst v6  }
0x4bc: {  	[tilespmem:s20+$0x0] =	vst v3  }
0x4bd: {  	[tilespmem:s21+$0x0] =	vst v1  }
0x4be: {  	v1 =	vld [tilespmem:s18+$0xE810]  }
0x4bf: {  	v2 =	vld [tilespmem:s18+$0xE800]  }
0x4c0: {  	v3 =	vld [tilespmem:s18+$0xA810]  }
0x4c1: {  	v4 =	vld [tilespmem:s18+$0x2830]  }
0x4c2: {  	v5 =	vld [tilespmem:s18+$0x2810]  }
0x4c3: {  	v6 =	vld [tilespmem:s18+$0x6800]  }
0x4c4: {  	v7 =	vld [tilespmem:s18+$0x2800]  }
0x4c5: {  	v8 =	vld [tilespmem:s18+$0xA800]  }
0x4c6: {  	v9 =	vld [tilespmem:s18+$0x6810]  }
0x4c7: {  	v10 =	vld [tilespmem:s18+$0xE820]  }
0x4c8: {  	v11 =	vld [tilespmem:s18+$0x2820]  }
0x4c9: {  	v12 =	vld [tilespmem:s18+$0x6820];
	v2 =	vmul.f32 v2, v7  }
0x4ca: {  	v13 =	vld [tilespmem:s18+$0xA820];
	v6 =	vmul.f32 v6, v7  }
0x4cb: {  	v7 =	vmul.f32 v8, v7;
	v8 =	vld [tilespmem:s18+$0x6830];
	v1 =	vmul.f32 v1, v5;
	v2 =	vadd.f32 $0.0e+00, v2  }
0x4cc: {  	v3 =	vmul.f32 v3, v5;
	v5 =	vmul.f32 v9, v5;
	v9 =	vld [tilespmem:s18+$0xA830];
	v6 =	vadd.f32 $0.0e+00, v6  }
0x4cd: {  	v14 =	vld [tilespmem:s18+$0xE830];
	v7 =	vadd.f32 $0.0e+00, v7;
	v1 =	vadd.f32 v1, v2;
	v2 =	vmul.f32 v10, v11  }
0x4ce: {  	v5 =	vadd.f32 v5, v6;
	v6 =	vmul.f32 v12, v11  }
0x4cf: {  	v3 =	vadd.f32 v3, v7;
	v7 =	vmul.f32 v13, v11;
	v1 =	vadd.f32 v2, v1  }
0x4d0: {  	v2 =	vmov s14;
	v5 =	vadd.f32 v6, v5;
	v6 =	vmul.f32 v8, v4  }
0x4d1: {  	v3 =	vadd.f32 v7, v3;
	v7 =	vmul.f32 v9, v4;
	v2 =	vshll.u32 v2, $0x4  }
0x4d2: {  	v4 =	vmul.f32 v14, v4;
	v2 =	vor.u32 v0, v2;
	v5 =	vadd.f32 v6, v5  }
0x4d3: {  	v3 =	vadd.f32 v7, v3  }
0x4d4: {  	v1 =	vadd.f32 v4, v1;
	[tilespmem:s16+$0x0] =	vst v5  }
0x4d5: {  	v6 =	vor.u32 $0xF, v2;
	v7 =	vor.u32 $0xE, v2;
	v4 =	vor.u32 $0xD, v2;
	[tilespmem:s29+$0x0] =	vst v3  }
0x4d6: {  	v9 =	vor.u32 $0x9, v2;
	v11 =	vor.u32 $0x8, v2;
	v13 =	vor.u32 $0x7, v2;
	[tilespmem:s15+$0x0] =	vst v1  }
0x4d7: {  	v15 =	vor.u32 $0x6, v2;
	v17 =	vor.u32 $0x5, v2;
	v19 =	vor.u32 $0x4, v2;
	v31 =	vld.idx.msk [tilespmem:v2+s31+$0x0], $0xffff  }
0x4d8: {  	v21 =	vor.u32 $0x3, v2;
	v23 =	vor.u32 $0x2, v2;
	v27 =	vor.u32 $0x1, v2;
	v32 =	vld.idx.msk [tilespmem:v2+s0+$0x0], $0xffff  }
0x4d9: {  	v5 =	vor.u32 $0xA, v2;
	v3 =	vor.u32 $0xC, v2;
	v1 =	vor.u32 $0xB, v2;
	v2 =	vld.idx.msk [tilespmem:v2+s1+$0x0], $0xffff  }
0x4da: {  	v8 =	vld.idx.msk [tilespmem:v6+s31+$0x0], $0xffff  }
0x4db: {  	v10 =	vld.idx.msk [tilespmem:v7+s31+$0x0], $0xffff  }
0x4dc: {  	v12 =	vld.idx.msk [tilespmem:v4+s31+$0x0], $0xffff  }
0x4dd: {  	v20 =	vld.idx.msk [tilespmem:v9+s31+$0x0], $0xffff  }
0x4de: {  	v22 =	vld.idx.msk [tilespmem:v11+s31+$0x0], $0xffff  }
0x4df: {  	v24 =	vld.idx.msk [tilespmem:v13+s31+$0x0], $0xffff  }
0x4e0: {  	v25 =	vld.idx.msk [tilespmem:v15+s31+$0x0], $0xffff  }
0x4e1: {  	v26 =	vld.idx.msk [tilespmem:v17+s31+$0x0], $0xffff  }
0x4e2: {  	v28 =	vld.idx.msk [tilespmem:v19+s31+$0x0], $0xffff  }
0x4e3: {  	v29 =	vld.idx.msk [tilespmem:v21+s31+$0x0], $0xffff  }
0x4e4: {  	v30 =	vld.idx.msk [tilespmem:v23+s31+$0x0], $0xffff  }
0x4e5: {  	v33 =	vld.idx.msk [tilespmem:v27+s31+$0x0], $0xffff  }
0x4e6: {  	v34 =	vld.idx.msk [tilespmem:v27+s0+$0x0], $0xffff  }
0x4e7: {  	v35 =	vld.idx.msk [tilespmem:v23+s0+$0x0], $0xffff  }
0x4e8: {  	v27 =	vld.idx.msk [tilespmem:v27+s1+$0x0], $0xffff  }
0x4e9: {  	v36 =	vld.idx.msk [tilespmem:v21+s0+$0x0], $0xffff  }
0x4ea: {  	v23 =	vld.idx.msk [tilespmem:v23+s1+$0x0], $0xffff  }
0x4eb: {  	v55 =	vld.idx.msk [tilespmem:v19+s0+$0x0], $0xffff;
	v31 =	vadd.f32 $0.0e+00, v31;
	v32 =	vadd.f32 $0.0e+00, v32  }
0x4ec: {  	v21 =	vld.idx.msk [tilespmem:v21+s1+$0x0], $0xffff  }
0x4ed: {  	v57 =	vld.idx.msk [tilespmem:v17+s0+$0x0], $0xffff;
	v31 =	vadd.f32 v33, v31;
	v32 =	vadd.f32 v34, v32  }
0x4ee: {  	v19 =	vld.idx.msk [tilespmem:v19+s1+$0x0], $0xffff;
	v2 =	vadd.f32 $0.0e+00, v2  }
0x4ef: {  	v60 =	vld.idx.msk [tilespmem:v15+s0+$0x0], $0xffff;
	v30 =	vadd.f32 v30, v31;
	v56 =	vadd.f32 v35, v32  }
0x4f0: {  	v17 =	vld.idx.msk [tilespmem:v17+s1+$0x0], $0xffff;
	v2 =	vadd.f32 v27, v2  }
0x4f1: {  	v62 =	vld.idx.msk [tilespmem:v13+s0+$0x0], $0xffff;
	v58 =	vadd.f32 v29, v30;
	v59 =	vadd.f32 v36, v56  }
0x4f2: {  	v15 =	vld.idx.msk [tilespmem:v15+s1+$0x0], $0xffff;
	v2 =	vadd.f32 v23, v2  }
0x4f3: {  	v63 =	vld.idx.msk [tilespmem:v11+s0+$0x0], $0xffff;
	v23 =	vadd.f32 v28, v58;
	v61 =	vadd.f32 v55, v59  }
0x4f4: {  	v13 =	vld.idx.msk [tilespmem:v13+s1+$0x0], $0xffff;
	v2 =	vadd.f32 v21, v2  }
0x4f5: {  	v11 =	vld.idx.msk [tilespmem:v11+s1+$0x0], $0xffff;
	v21 =	vadd.f32 v26, v23;
	v23 =	vadd.f32 v57, v61  }
0x4f6: {  	v18 =	vld.idx.msk [tilespmem:v5+s31+$0x0], $0xffff;
	v2 =	vadd.f32 v19, v2  }
0x4f7: {  	v14 =	vld.idx.msk [tilespmem:v3+s31+$0x0], $0xffff;
	v19 =	vadd.f32 v25, v21;
	v21 =	vadd.f32 v60, v23  }
0x4f8: {  	v2 =	vadd.f32 v17, v2;
	v23 =	vld.idx.msk [tilespmem:v9+s0+$0x0], $0xffff  }
0x4f9: {  	v16 =	vld.idx.msk [tilespmem:v1+s31+$0x0], $0xffff;
	v17 =	vadd.f32 v24, v19;
	v19 =	vadd.f32 v62, v21  }
0x4fa: {  	v2 =	vadd.f32 v15, v2;
	v21 =	vld.idx.msk [tilespmem:v5+s0+$0x0], $0xffff  }
0x4fb: {  	v9 =	vld.idx.msk [tilespmem:v9+s1+$0x0], $0xffff;
	v15 =	vadd.f32 v22, v17;
	v17 =	vadd.f32 v63, v19  }
0x4fc: {  	v2 =	vadd.f32 v13, v2;
	v19 =	vld.idx.msk [tilespmem:v1+s0+$0x0], $0xffff  }
0x4fd: {  	v5 =	vld.idx.msk [tilespmem:v5+s1+$0x0], $0xffff;
	v13 =	vadd.f32 v20, v15;
	v15 =	vadd.f32 v23, v17  }
0x4fe: {  	v2 =	vadd.f32 v11, v2;
	v17 =	vld.idx.msk [tilespmem:v3+s0+$0x0], $0xffff  }
0x4ff: {  	v1 =	vld.idx.msk [tilespmem:v1+s1+$0x0], $0xffff;
	v11 =	vadd.f32 v18, v13;
	v13 =	vadd.f32 v21, v15  }
0x500: {  	v2 =	vadd.f32 v9, v2;
	v15 =	vld.idx.msk [tilespmem:v4+s0+$0x0], $0xffff  }
0x501: {  	v3 =	vld.idx.msk [tilespmem:v3+s1+$0x0], $0xffff;
	v9 =	vadd.f32 v16, v11;
	v11 =	vadd.f32 v19, v13  }
0x502: {  	v2 =	vadd.f32 v5, v2;
	v13 =	vld.idx.msk [tilespmem:v7+s0+$0x0], $0xffff  }
0x503: {  	v4 =	vld.idx.msk [tilespmem:v4+s1+$0x0], $0xffff;
	v5 =	vadd.f32 v14, v9;
	v9 =	vadd.f32 v17, v11  }
0x504: {  	v1 =	vadd.f32 v1, v2;
	v11 =	vld.idx.msk [tilespmem:v6+s0+$0x0], $0xffff  }
0x505: {  	v2 =	vadd.f32 v12, v5;
	v5 =	vld.idx.msk [tilespmem:v7+s1+$0x0], $0xffff;
	v7 =	vadd.f32 v15, v9;
	_ =	sdelay $0x1  }
0x506: {  	v1 =	vadd.f32 v3, v1;
	v3 =	vld.idx.msk [tilespmem:v6+s1+$0x0], $0xffff;
	v6 =	vadd.f32 v13, v7  }
0x507: {  	v2 =	vadd.f32 v10, v2  }
0x508: {  	v1 =	vadd.f32 v4, v1;
	v4 =	vadd.f32 v11, v6  }
0x509: {  	v2 =	vadd.f32 v8, v2  }
0x50a: {  	v1 =	vadd.f32 v5, v1;
	v5 =	vand.u32 $0x7FFFFFFF, v4  }
0x50b: {  	v2 =	vsub.f32 $0.0e+00, v2;
	v5 =	vsub.f32 $0.0e+00, v5;
	_ =	sdelay $0x1  }
0x50c: {  	v1 =	vadd.f32 v3, v1;
	v3 =	vand.u32 $0x7FFFFFFF, v2;
	v5 =	vmul.f32 $1.442695020e+00, v5  }
0x50d: {  	v3 =	vsub.f32 $0.0e+00, v3  }
0x50e: {  	v6 =	vand.u32 $0x7FFFFFFF, v1;
	(erf) = vpow2.f32 v5  }
0x50f: {  	v6 =	vsub.f32 $0.0e+00, v6;
	v3 =	vmul.f32 $1.442695020e+00, v3;
	_ =	sdelay $0x1  }
0x510: {  	v5 =	vmul.f32 $1.442695020e+00, v6;
	(erf) = vpow2.f32 v3;
	_ =	sdelay $0x1  }
0x511: {  	(erf) = vpow2.f32 v5;
	_ =	sdelay $0x3  }
0x512: {  	v3 =	vpop (erf)  }
0x513: {  	v5 =	vadd.f32 $2.000000000e+00, v3;
	_ =	sdelay $0x1  }
0x514: {  	v6 =	vpop (erf)  }
0x515: {  	v7 =	vadd.f32 $2.000000000e+00, v6  }
0x516: {  	(erf) = vrcp.f32 v5;
	v5 =	vpop (erf)  }
0x517: {  	(erf) = vrcp.f32 v7;
	v8 =	vadd.f32 $2.000000000e+00, v5;
	_ =	sdelay $0x1  }
0x518: {  	(erf) = vrcp.f32 v8;
	_ =	sdelay $0x5  }
0x519: {  	v7 =	vpop (erf)  }
0x51a: {  	v3 =	vmul.f32 v7, v3;
	v7 =	vpop (erf)  }
0x51b: {  	v6 =	vmul.f32 v7, v6  }
0x51c: {  	v7 =	vmul.f32 v3, v3;
	v8 =	vpop (erf)  }
0x51d: {  	v9 =	vmul.f32 v6, v6;
	v5 =	vmul.f32 v8, v5  }
0x51e: {  	v8 =	vmul.f32 $1.428571490e-01, v7  }
0x51f: {  	v10 =	vmul.f32 $1.428571490e-01, v9;
	v11 =	vmul.f32 v5, v5;
	_ =	sdelay $0x1  }
0x520: {  	v8 =	vadd.f32 $2.000000030e-01, v8;
	v10 =	vadd.f32 $2.000000030e-01, v10;
	v12 =	vmul.f32 $1.428571490e-01, v11;
	_ =	sdelay $0x1  }
0x521: {  	v8 =	vmul.f32 v8, v7;
	v10 =	vmul.f32 v10, v9;
	v12 =	vadd.f32 $2.000000030e-01, v12;
	_ =	sdelay $0x1  }
0x522: {  	v8 =	vadd.f32 $3.333333430e-01, v8;
	v10 =	vadd.f32 $3.333333430e-01, v10;
	v12 =	vmul.f32 v12, v11;
	_ =	sdelay $0x1  }
0x523: {  	v7 =	vmul.f32 v8, v7;
	v8 =	vmul.f32 v10, v9;
	v9 =	vadd.f32 $3.333333430e-01, v12  }
0x524: {  	v3 =	vadd.f32 v3, v3;
	v6 =	vadd.f32 v6, v6  }
0x525: {  	s4 =	simm.s32 $0x10;
	v7 =	vadd.f32 $1.000000000e+00, v7;
	v8 =	vadd.f32 $1.000000000e+00, v8;
	v9 =	vmul.f32 v9, v11  }
0x526: {  	v5 =	vadd.f32 v5, v5;
	v10 =	vmov s4  }
0x527: {  	v3 =	vmul.f32 v7, v3;
	v6 =	vmul.f32 v8, v6;
	v7 =	vadd.f32 $1.000000000e+00, v9  }
0x528: {  	v4 =	vmax.f32 v4, $0.0e+00;
	v2 =	vmax.f32 v2, $0.0e+00;
	v8 =	vshll.u32 v10, $0x4  }
0x529: {  	v3 =	vadd.f32 v3, v4;
	v2 =	vadd.f32 v6, v2;
	v4 =	vmul.f32 v7, v5  }
0x52a: {  	v19 =	vor.u32 v0, v8;
	v5 =	vmax.f32 v1, $0.0e+00  }
0x52b: {  	v1 =	vor.u32 $0xF, v19;
	v3 =	vadd.f32 v3, v2;
	v5 =	vadd.f32 v4, v5  }
0x52c: {  	v2 =	vor.u32 $0xE, v19  }
0x52d: {  	v4 =	vor.u32 $0xD, v19;
	v3 =	vadd.f32 v5, v3  }
0x52e: {  	s29 =	simm.s32 $0x12000;
	v7 =	vor.u32 $0xC, v19  }
0x52f: {  	v9 =	vor.u32 $0xB, v19;
	[tilespmem:s29+$0x0] =	vst v3  }
0x530: {  	v11 =	vor.u32 $0xA, v19;
	v3 =	vld.idx.msk [tilespmem:v1+s31+$0x0], $0xffff  }
0x531: {  	v13 =	vor.u32 $0x9, v19;
	v5 =	vld.idx.msk [tilespmem:v2+s31+$0x0], $0xffff  }
0x532: {  	v15 =	vor.u32 $0x8, v19;
	v6 =	vld.idx.msk [tilespmem:v4+s31+$0x0], $0xffff  }
0x533: {  	v17 =	vor.u32 $0x7, v19;
	v8 =	vld.idx.msk [tilespmem:v7+s31+$0x0], $0xffff  }
0x534: {  	v18 =	vor.u32 $0x6, v19;
	v10 =	vld.idx.msk [tilespmem:v9+s31+$0x0], $0xffff  }
0x535: {  	v20 =	vor.u32 $0x5, v19;
	v12 =	vld.idx.msk [tilespmem:v11+s31+$0x0], $0xffff  }
0x536: {  	v21 =	vor.u32 $0x4, v19;
	v14 =	vld.idx.msk [tilespmem:v13+s31+$0x0], $0xffff  }
0x537: {  	s14 =	simm.s32 $0x20;
	v22 =	vor.u32 $0x3, v19;
	v16 =	vld.idx.msk [tilespmem:v15+s31+$0x0], $0xffff  }
.LBB2_16:
0x538: {  	p0 =	sne.s32 s14, $0x70;
	v23 =	vor.u32 $0x2, v19;
	v24 =	vld.idx.msk [tilespmem:v17+s31+$0x0], $0xffff  }
0x539: {  	v25 =	vld.idx.msk [tilespmem:v18+s31+$0x0], $0xffff  }
0x53a: {  	v26 =	vld.idx.msk [tilespmem:v20+s31+$0x0], $0xffff  }
0x53b: {  	v27 =	vor.u32 $0x1, v19;
	v28 =	vld.idx.msk [tilespmem:v21+s31+$0x0], $0xffff  }
0x53c: {  	v29 =	vld.idx.msk [tilespmem:v22+s31+$0x0], $0xffff  }
0x53d: {  	v30 =	vld.idx.msk [tilespmem:v23+s31+$0x0], $0xffff  }
0x53e: {  	v31 =	vld.idx.msk [tilespmem:v19+s31+$0x0], $0xffff  }
0x53f: {  	v32 =	vld.idx.msk [tilespmem:v19+s0+$0x0], $0xffff  }
0x540: {  	v33 =	vld.idx.msk [tilespmem:v27+s31+$0x0], $0xffff  }
0x541: {  	v34 =	vld.idx.msk [tilespmem:v27+s0+$0x0], $0xffff  }
0x542: {  	v19 =	vld.idx.msk [tilespmem:v19+s1+$0x0], $0xffff  }
0x543: {  	v35 =	vld.idx.msk [tilespmem:v23+s0+$0x0], $0xffff  }
0x544: {  	v31 =	vadd.f32 $0.0e+00, v31;
	v27 =	vld.idx.msk [tilespmem:v27+s1+$0x0], $0xffff  }
0x545: {  	v32 =	vadd.f32 $0.0e+00, v32;
	v36 =	vld.idx.msk [tilespmem:v22+s0+$0x0], $0xffff  }
0x546: {  	v31 =	vadd.f32 v33, v31;
	v23 =	vld.idx.msk [tilespmem:v23+s1+$0x0], $0xffff  }
0x547: {  	v32 =	vadd.f32 v34, v32;
	v33 =	vld.idx.msk [tilespmem:v21+s0+$0x0], $0xffff  }
0x548: {  	v19 =	vadd.f32 $0.0e+00, v19;
	v30 =	vadd.f32 v30, v31;
	v22 =	vld.idx.msk [tilespmem:v22+s1+$0x0], $0xffff  }
0x549: {  	v31 =	vadd.f32 v35, v32;
	v32 =	vld.idx.msk [tilespmem:v20+s0+$0x0], $0xffff  }
0x54a: {  	v19 =	vadd.f32 v27, v19;
	v27 =	vadd.f32 v29, v30;
	v21 =	vld.idx.msk [tilespmem:v21+s1+$0x0], $0xffff  }
0x54b: {  	v29 =	vadd.f32 v36, v31;
	v30 =	vld.idx.msk [tilespmem:v18+s0+$0x0], $0xffff  }
0x54c: {  	v19 =	vadd.f32 v23, v19;
	v23 =	vadd.f32 v28, v27;
	v20 =	vld.idx.msk [tilespmem:v20+s1+$0x0], $0xffff  }
0x54d: {  	v27 =	vadd.f32 v33, v29;
	v28 =	vld.idx.msk [tilespmem:v17+s0+$0x0], $0xffff  }
0x54e: {  	v19 =	vadd.f32 v22, v19;
	v22 =	vadd.f32 v26, v23;
	v18 =	vld.idx.msk [tilespmem:v18+s1+$0x0], $0xffff  }
0x54f: {  	v23 =	vadd.f32 v32, v27;
	v26 =	vld.idx.msk [tilespmem:v15+s0+$0x0], $0xffff  }
0x550: {  	v19 =	vadd.f32 v21, v19;
	v21 =	vadd.f32 v25, v22;
	v17 =	vld.idx.msk [tilespmem:v17+s1+$0x0], $0xffff  }
0x551: {  	v22 =	vadd.f32 v30, v23;
	v23 =	vld.idx.msk [tilespmem:v13+s0+$0x0], $0xffff  }
0x552: {  	v19 =	vadd.f32 v20, v19;
	v20 =	vadd.f32 v24, v21;
	v15 =	vld.idx.msk [tilespmem:v15+s1+$0x0], $0xffff  }
0x553: {  	v21 =	vadd.f32 v28, v22;
	v22 =	vld.idx.msk [tilespmem:v11+s0+$0x0], $0xffff  }
0x554: {  	v18 =	vadd.f32 v18, v19;
	v16 =	vadd.f32 v16, v20;
	v13 =	vld.idx.msk [tilespmem:v13+s1+$0x0], $0xffff  }
0x555: {  	v19 =	vadd.f32 v26, v21;
	v20 =	vld.idx.msk [tilespmem:v9+s0+$0x0], $0xffff  }
0x556: {  	v17 =	vadd.f32 v17, v18;
	v14 =	vadd.f32 v14, v16;
	v11 =	vld.idx.msk [tilespmem:v11+s1+$0x0], $0xffff  }
0x557: {  	v16 =	vadd.f32 v23, v19;
	v18 =	vld.idx.msk [tilespmem:v7+s0+$0x0], $0xffff  }
0x558: {  	v15 =	vadd.f32 v15, v17;
	v12 =	vadd.f32 v12, v14;
	v9 =	vld.idx.msk [tilespmem:v9+s1+$0x0], $0xffff  }
0x559: {  	v14 =	vadd.f32 v22, v16;
	v16 =	vld.idx.msk [tilespmem:v4+s0+$0x0], $0xffff  }
0x55a: {  	v13 =	vadd.f32 v13, v15;
	v10 =	vadd.f32 v10, v12;
	v7 =	vld.idx.msk [tilespmem:v7+s1+$0x0], $0xffff  }
0x55b: {  	v12 =	vadd.f32 v20, v14;
	v14 =	vld.idx.msk [tilespmem:v2+s0+$0x0], $0xffff  }
0x55c: {  	v11 =	vadd.f32 v11, v13;
	v8 =	vadd.f32 v8, v10;
	v4 =	vld.idx.msk [tilespmem:v4+s1+$0x0], $0xffff  }
0x55d: {  	v10 =	vadd.f32 v18, v12;
	v12 =	vld.idx.msk [tilespmem:v1+s0+$0x0], $0xffff  }
0x55e: {  	v9 =	vadd.f32 v9, v11;
	v6 =	vadd.f32 v6, v8;
	v2 =	vld.idx.msk [tilespmem:v2+s1+$0x0], $0xffff  }
0x55f: {  	v8 =	vadd.f32 v16, v10  }
0x560: {  	v7 =	vadd.f32 v7, v9;
	v5 =	vadd.f32 v5, v6;
	v1 =	vld.idx.msk [tilespmem:v1+s1+$0x0], $0xffff  }
0x561: {  	v6 =	vadd.f32 v14, v8  }
0x562: {  	v4 =	vadd.f32 v4, v7;
	v3 =	vadd.f32 v3, v5  }
0x563: {  	v5 =	vadd.f32 v12, v6  }
0x564: {  	v2 =	vadd.f32 v2, v4;
	v3 =	vsub.f32 $0.0e+00, v3  }
0x565: {  	v4 =	vand.u32 $0x7FFFFFFF, v5  }
0x566: {  	v1 =	vadd.f32 v1, v2;
	v2 =	vand.u32 $0x7FFFFFFF, v3;
	v4 =	vsub.f32 $0.0e+00, v4  }
0x567: {  	v2 =	vsub.f32 $0.0e+00, v2  }
0x568: {  	v4 =	vmul.f32 $1.442695020e+00, v4;
	v6 =	vand.u32 $0x7FFFFFFF, v1  }
0x569: {  	v2 =	vmul.f32 $1.442695020e+00, v2;
	v6 =	vsub.f32 $0.0e+00, v6  }
0x56a: {  	(erf) = vpow2.f32 v4  }
0x56b: {  	v4 =	vmul.f32 $1.442695020e+00, v6;
	(erf) = vpow2.f32 v2;
	_ =	sdelay $0x1  }
0x56c: {  	(erf) = vpow2.f32 v4;
	_ =	sdelay $0x5  }
0x56d: {  	v2 =	vpop (erf)  }
0x56e: {  	v8 =	vadd.f32 $2.000000000e+00, v2;
	v6 =	vpop (erf)  }
0x56f: {  	v7 =	vadd.f32 $2.000000000e+00, v6  }
0x570: {  	(erf) = vrcp.f32 v8;
	v4 =	vpop (erf)  }
0x571: {  	v8 =	vadd.f32 $2.000000000e+00, v4;
	(erf) = vrcp.f32 v7;
	_ =	sdelay $0x1  }
0x572: {  	(erf) = vrcp.f32 v8;
	_ =	sdelay $0x5  }
0x573: {  	v7 =	vpop (erf)  }
0x574: {  	v2 =	vmul.f32 v7, v2;
	v7 =	vpop (erf)  }
0x575: {  	v6 =	vmul.f32 v7, v6  }
0x576: {  	v7 =	vmul.f32 v2, v2;
	v8 =	vpop (erf)  }
0x577: {  	v9 =	vmul.f32 v6, v6;
	v4 =	vmul.f32 v8, v4  }
0x578: {  	v8 =	vmul.f32 $1.428571490e-01, v7  }
0x579: {  	v10 =	vmul.f32 $1.428571490e-01, v9;
	v11 =	vmul.f32 v4, v4  }
0x57a: {  	v8 =	vadd.f32 $2.000000030e-01, v8  }
0x57b: {  	v10 =	vadd.f32 $2.000000030e-01, v10;
	v12 =	vmul.f32 $1.428571490e-01, v11  }
0x57c: {  	v8 =	vmul.f32 v8, v7  }
0x57d: {  	v10 =	vmul.f32 v10, v9;
	v12 =	vadd.f32 $2.000000030e-01, v12  }
0x57e: {  	v8 =	vadd.f32 $3.333333430e-01, v8  }
0x57f: {  	v10 =	vadd.f32 $3.333333430e-01, v10;
	v12 =	vmul.f32 v12, v11  }
0x580: {  	v7 =	vmul.f32 v8, v7  }
0x581: {  	v8 =	vmul.f32 v10, v9;
	v9 =	vadd.f32 $3.333333430e-01, v12  }
0x582: {  	v2 =	vadd.f32 v2, v2;
	v7 =	vadd.f32 $1.000000000e+00, v7  }
0x583: {  	v6 =	vadd.f32 v6, v6;
	v8 =	vadd.f32 $1.000000000e+00, v8;
	v9 =	vmul.f32 v9, v11  }
0x584: {  	v4 =	vadd.f32 v4, v4;
	v10 =	vmov s14  }
0x585: {  	v2 =	vmul.f32 v7, v2;
	v6 =	vmul.f32 v8, v6;
	v7 =	vadd.f32 $1.000000000e+00, v9  }
0x586: {  	v5 =	vmax.f32 v5, $0.0e+00;
	v3 =	vmax.f32 v3, $0.0e+00;
	v8 =	vshll.u32 v10, $0x4  }
0x587: {  	v2 =	vadd.f32 v2, v5;
	v3 =	vadd.f32 v6, v3;
	v4 =	vmul.f32 v7, v4  }
0x588: {  	v19 =	vor.u32 v0, v8;
	v5 =	vmax.f32 v1, $0.0e+00  }
0x589: {  	v1 =	vor.u32 $0xF, v19;
	v3 =	vadd.f32 v2, v3;
	v5 =	vadd.f32 v4, v5  }
0x58a: {  	v2 =	vor.u32 $0xE, v19  }
0x58b: {  	v4 =	vor.u32 $0xD, v19;
	v3 =	vadd.f32 v5, v3  }
0x58c: {  	s29 =	sadd.s32 $0x10, s29;
	v7 =	vor.u32 $0xC, v19  }
0x58d: {  	v9 =	vor.u32 $0xB, v19;
	[tilespmem:s29+$0x0] =	vst v3  }
0x58e: {  	v11 =	vor.u32 $0xA, v19;
	v3 =	vld.idx.msk [tilespmem:v1+s31+$0x0], $0xffff  }
0x58f: {  	v13 =	vor.u32 $0x9, v19;
	v5 =	vld.idx.msk [tilespmem:v2+s31+$0x0], $0xffff  }
0x590: {  	v15 =	vor.u32 $0x8, v19;
	v6 =	vld.idx.msk [tilespmem:v4+s31+$0x0], $0xffff  }
.Ltmp7:
0x591: {  	v17 =	vor.u32 $0x7, v19;
	v8 =	vld.idx.msk [tilespmem:v7+s31+$0x0], $0xffff;
	(pc) =	sbr.rel @p0 .LBB2_16-.Ltmp7, $4  }
0x592: {  	v18 =	vor.u32 $0x6, v19;
	v10 =	vld.idx.msk [tilespmem:v9+s31+$0x0], $0xffff  }
0x593: {  	v20 =	vor.u32 $0x5, v19;
	v12 =	vld.idx.msk [tilespmem:v11+s31+$0x0], $0xffff  }
0x594: {  	v21 =	vor.u32 $0x4, v19;
	v14 =	vld.idx.msk [tilespmem:v13+s31+$0x0], $0xffff  }
0x595: {  	s14 =	sadd.s32 $0x10, s14;
	v22 =	vor.u32 $0x3, v19;
	v16 =	vld.idx.msk [tilespmem:v15+s31+$0x0], $0xffff  }
0x596: {  	_ =	sdelay $0x3  }
0x597: {  	v24 =	vld.idx.msk [tilespmem:v17+s31+$0x0], $0xffff  }
0x598: {  	v25 =	vld.idx.msk [tilespmem:v18+s31+$0x0], $0xffff  }
0x599: {  	v26 =	vld.idx.msk [tilespmem:v20+s31+$0x0], $0xffff  }
0x59a: {  	v27 =	vor.u32 $0x1, v19;
	v28 =	vld.idx.msk [tilespmem:v21+s31+$0x0], $0xffff  }
0x59b: {  	v29 =	vld.idx.msk [tilespmem:v22+s31+$0x0], $0xffff  }
0x59c: {  	v23 =	vor.u32 $0x2, v19;
	v31 =	vld.idx.msk [tilespmem:v19+s31+$0x0], $0xffff  }
0x59d: {  	v32 =	vld.idx.msk [tilespmem:v19+s0+$0x0], $0xffff  }
0x59e: {  	v41 =	vld.idx.msk [tilespmem:v19+s1+$0x0], $0xffff  }
0x59f: {  	v33 =	vld.idx.msk [tilespmem:v27+s31+$0x0], $0xffff  }
0x5a0: {  	v34 =	vld.idx.msk [tilespmem:v27+s0+$0x0], $0xffff  }
0x5a1: {  	v30 =	vld.idx.msk [tilespmem:v23+s31+$0x0], $0xffff  }
0x5a2: {  	v35 =	vld.idx.msk [tilespmem:v23+s0+$0x0], $0xffff;
	v31 =	vadd.f32 $0.0e+00, v31  }
0x5a3: {  	v27 =	vld.idx.msk [tilespmem:v27+s1+$0x0], $0xffff;
	v32 =	vadd.f32 $0.0e+00, v32  }
0x5a4: {  	v36 =	vld.idx.msk [tilespmem:v22+s0+$0x0], $0xffff;
	v31 =	vadd.f32 v33, v31  }
0x5a5: {  	v23 =	vld.idx.msk [tilespmem:v23+s1+$0x0], $0xffff;
	v32 =	vadd.f32 v34, v32  }
0x5a6: {  	v42 =	vld.idx.msk [tilespmem:v21+s0+$0x0], $0xffff;
	v19 =	vadd.f32 $0.0e+00, v41;
	v30 =	vadd.f32 v30, v31  }
0x5a7: {  	v43 =	vld.idx.msk [tilespmem:v22+s1+$0x0], $0xffff;
	v44 =	vadd.f32 v35, v32  }
0x5a8: {  	v45 =	vld.idx.msk [tilespmem:v20+s0+$0x0], $0xffff;
	v19 =	vadd.f32 v27, v19;
	v46 =	vadd.f32 v29, v30  }
0x5a9: {  	v47 =	vld.idx.msk [tilespmem:v21+s1+$0x0], $0xffff;
	v48 =	vadd.f32 v36, v44  }
0x5aa: {  	v49 =	vld.idx.msk [tilespmem:v18+s0+$0x0], $0xffff;
	v19 =	vadd.f32 v23, v19;
	v50 =	vadd.f32 v28, v46  }
0x5ab: {  	v51 =	vld.idx.msk [tilespmem:v20+s1+$0x0], $0xffff;
	v52 =	vadd.f32 v42, v48  }
0x5ac: {  	v53 =	vld.idx.msk [tilespmem:v17+s0+$0x0], $0xffff;
	v19 =	vadd.f32 v43, v19;
	v54 =	vadd.f32 v26, v50  }
0x5ad: {  	v55 =	vld.idx.msk [tilespmem:v18+s1+$0x0], $0xffff;
	v56 =	vadd.f32 v45, v52  }
0x5ae: {  	v57 =	vld.idx.msk [tilespmem:v15+s0+$0x0], $0xffff;
	v19 =	vadd.f32 v47, v19;
	v58 =	vadd.f32 v25, v54  }
0x5af: {  	v59 =	vld.idx.msk [tilespmem:v17+s1+$0x0], $0xffff;
	v60 =	vadd.f32 v49, v56  }
0x5b0: {  	v61 =	vld.idx.msk [tilespmem:v13+s0+$0x0], $0xffff;
	v19 =	vadd.f32 v51, v19;
	v62 =	vadd.f32 v24, v58  }
0x5b1: {  	v63 =	vld.idx.msk [tilespmem:v15+s1+$0x0], $0xffff;
	v24 =	vadd.f32 v53, v60  }
0x5b2: {  	v25 =	vld.idx.msk [tilespmem:v11+s0+$0x0], $0xffff;
	v18 =	vadd.f32 v55, v19;
	v16 =	vadd.f32 v16, v62  }
0x5b3: {  	v27 =	vld.idx.msk [tilespmem:v13+s1+$0x0], $0xffff;
	v28 =	vadd.f32 v57, v24  }
0x5b4: {  	v29 =	vld.idx.msk [tilespmem:v9+s0+$0x0], $0xffff;
	v17 =	vadd.f32 v59, v18;
	v14 =	vadd.f32 v14, v16  }
0x5b5: {  	v30 =	vld.idx.msk [tilespmem:v11+s1+$0x0], $0xffff;
	v31 =	vadd.f32 v61, v28  }
0x5b6: {  	v32 =	vld.idx.msk [tilespmem:v7+s0+$0x0], $0xffff;
	v15 =	vadd.f32 v63, v17;
	v12 =	vadd.f32 v12, v14  }
0x5b7: {  	v33 =	vld.idx.msk [tilespmem:v9+s1+$0x0], $0xffff;
	v34 =	vadd.f32 v25, v31  }
0x5b8: {  	v35 =	vld.idx.msk [tilespmem:v4+s0+$0x0], $0xffff;
	v13 =	vadd.f32 v27, v15;
	v10 =	vadd.f32 v10, v12  }
0x5b9: {  	v36 =	vld.idx.msk [tilespmem:v7+s1+$0x0], $0xffff;
	v37 =	vadd.f32 v29, v34  }
0x5ba: {  	v38 =	vld.idx.msk [tilespmem:v2+s0+$0x0], $0xffff;
	v11 =	vadd.f32 v30, v13;
	v8 =	vadd.f32 v8, v10  }
0x5bb: {  	v39 =	vld.idx.msk [tilespmem:v4+s1+$0x0], $0xffff;
	v40 =	vadd.f32 v32, v37  }
0x5bc: {  	v41 =	vld.idx.msk [tilespmem:v1+s0+$0x0], $0xffff;
	v9 =	vadd.f32 v33, v11;
	v6 =	vadd.f32 v6, v8  }
0x5bd: {  	v2 =	vld.idx.msk [tilespmem:v2+s1+$0x0], $0xffff;
	v42 =	vadd.f32 v35, v40  }
0x5be: {  	v7 =	vadd.f32 v36, v9;
	v5 =	vadd.f32 v5, v6  }
0x5bf: {  	v1 =	vld.idx.msk [tilespmem:v1+s1+$0x0], $0xffff;
	v43 =	vadd.f32 v38, v42  }
0x5c0: {  	v4 =	vadd.f32 v39, v7;
	v3 =	vadd.f32 v3, v5  }
0x5c1: {  	v44 =	vadd.f32 v41, v43  }
0x5c2: {  	v2 =	vadd.f32 v2, v4;
	v3 =	vsub.f32 $0.0e+00, v3  }
0x5c3: {  	v45 =	vand.u32 $0x7FFFFFFF, v44  }
0x5c4: {  	v1 =	vadd.f32 v1, v2;
	v4 =	vsub.f32 $0.0e+00, v45;
	v2 =	vand.u32 $0x7FFFFFFF, v3  }
0x5c5: {  	v2 =	vsub.f32 $0.0e+00, v2  }
0x5c6: {  	v46 =	vand.u32 $0x7FFFFFFF, v1;
	v4 =	vmul.f32 $1.442695020e+00, v4  }
0x5c7: {  	v6 =	vsub.f32 $0.0e+00, v46;
	v2 =	vmul.f32 $1.442695020e+00, v2  }
0x5c8: {  	(erf) = vpow2.f32 v4  }
0x5c9: {  	v47 =	vmul.f32 $1.442695020e+00, v6;
	(erf) = vpow2.f32 v2;
	_ =	sdelay $0x1  }
0x5ca: {  	(erf) = vpow2.f32 v47;
	_ =	sdelay $0x5  }
0x5cb: {  	v2 =	vpop (erf)  }
0x5cc: {  	v48 =	vadd.f32 $2.000000000e+00, v2;
	v49 =	vpop (erf)  }
0x5cd: {  	v50 =	vadd.f32 $2.000000000e+00, v49  }
0x5ce: {  	(erf) = vrcp.f32 v48;
	v51 =	vpop (erf)  }
0x5cf: {  	v52 =	vadd.f32 $2.000000000e+00, v51;
	(erf) = vrcp.f32 v50;
	_ =	sdelay $0x1  }
0x5d0: {  	(erf) = vrcp.f32 v52;
	_ =	sdelay $0x5  }
0x5d1: {  	v53 =	vpop (erf)  }
0x5d2: {  	v2 =	vmul.f32 v53, v2;
	v54 =	vpop (erf)  }
0x5d3: {  	v6 =	vmul.f32 v54, v49  }
0x5d4: {  	v55 =	vmul.f32 v2, v2;
	v8 =	vpop (erf)  }
0x5d5: {  	v4 =	vmul.f32 v8, v51;
	v56 =	vmul.f32 v6, v6  }
0x5d6: {  	v57 =	vmul.f32 $1.428571490e-01, v55  }
0x5d7: {  	v59 =	vmul.f32 v4, v4;
	v58 =	vmul.f32 $1.428571490e-01, v56;
	_ =	sdelay $0x1  }
0x5d8: {  	v8 =	vadd.f32 $2.000000030e-01, v57;
	v60 =	vmul.f32 $1.428571490e-01, v59;
	v10 =	vadd.f32 $2.000000030e-01, v58;
	_ =	sdelay $0x1  }
0x5d9: {  	v8 =	vmul.f32 v8, v55;
	v12 =	vadd.f32 $2.000000030e-01, v60;
	v10 =	vmul.f32 v10, v56;
	_ =	sdelay $0x1  }
0x5da: {  	v8 =	vadd.f32 $3.333333430e-01, v8;
	v12 =	vmul.f32 v12, v59;
	v10 =	vadd.f32 $3.333333430e-01, v10;
	_ =	sdelay $0x1  }
0x5db: {  	v7 =	vmul.f32 v8, v55;
	v62 =	vadd.f32 $3.333333430e-01, v12;
	v61 =	vmul.f32 v10, v56  }
0x5dc: {  	v2 =	vadd.f32 v2, v2;
	v6 =	vadd.f32 v6, v6  }
0x5dd: {  	v7 =	vadd.f32 $1.000000000e+00, v7;
	v9 =	vmul.f32 v62, v59;
	v8 =	vadd.f32 $1.000000000e+00, v61  }
0x5de: {  	v4 =	vadd.f32 v4, v4  }
0x5df: {  	v2 =	vmul.f32 v7, v2;
	v63 =	vadd.f32 $1.000000000e+00, v9;
	v6 =	vmul.f32 v8, v6  }
0x5e0: {  	v5 =	vmax.f32 v44, $0.0e+00;
	v3 =	vmax.f32 v3, $0.0e+00  }
0x5e1: {  	v2 =	vadd.f32 v2, v5;
	v4 =	vmul.f32 v63, v4;
	v3 =	vadd.f32 v6, v3  }
0x5e2: {  	v1 =	vmax.f32 v1, $0.0e+00  }
0x5e3: {  	v1 =	vadd.f32 v4, v1;
	v2 =	vadd.f32 v2, v3;
	_ =	sdelay $0x1  }
0x5e4: {  	s26 =	sadd.s32 $0x1, s26;
	v1 =	vadd.f32 v1, v2  }
0x5e5: {  	s4 =	sadd.s32 $0x10, s29;
	p0 =	sne.s32 s26, s12  }
.Ltmp8:
0x5e6: {  	[tilespmem:s4+$0x0] =	vst v1;
	(pc) =	sbr.rel @p0 .LBB2_1-.Ltmp8, $4  }
0x5e7: {  	[hbm4b:s11+s2] =	stream.linear.scatter [tilespmem:s24], [sflag:$0x2], $0x80, $0x38;
	[tilespmem:$0x12080] =	vst v63  }
0x5e8: {  	_ =	swait.ge [sflag:s13], $0x80  }
0x5e9: {  	[sflag:s13] =	ssyncset.done $0x0  }
0x5ea: {  	[sflag:s13] =	ssyncadd.s32 $0xFFFFFF80  }
0x5eb: {  	_ =	sfence.sel $0x180000  }
0x5ec: {  	[bflag:$0x0] =	sbarrier.arrive $0xFFFF  }
0x5ed: {  	_ =	strace $0x90000047  }
0x5ee: {  	s0 =	stileid.u32;
	[bflag:$0x2] =	sbarrier.arrive $0xFFFF  }
0x5ef: {  	p0 =	sne.s32 s0, $0x0;
	s0 =	rddreg [dreg:$0x4]  }
0x5f0: {  	s0 =	sadd.s32 @!p0 $0x100000, s0  }
0x5f1: {  	[sflag:s0] =	ssyncadd.tile.s32 @!p0 $0x1;
	_ =	shalt  }
.Lfunc_end2:
_tile_overlayer_lowered:
.L_overlay_start_2:
0x5f2: {  	(tag) =	ssettag $0x2  }
0x5f3: {  	s0 =	rddreg [dreg:$0x0];
	s2 =	stileid.u32  }
0x5f4: {  	s1 =	rddreg [dreg:$0x1];
	p0 =	sne.s32 s2, $0x0  }
0x5f5: {  	s3 =	rddreg [dreg:$0x2];
	[bflag:$0x3] =	sbarrier.arrive $0xFFFF;
	s2 =	simm.s32 @!p0 $0x1C02  }
0x5f6: {  	[timem:s3], [sflag:s2] =	dma.local @!p0 [hbm:s0], s1  }
0x5f7: {  	s0 =	simm.s32 @!p0 $0x2  }
0x5f8: {  	_ =	swait.ge @!p0 [sflag:s0], s1  }
0x5f9: {  	s1 =	ssub.s32 @!p0 $0x0, s1;
	[sflag:s0] =	ssyncset.done @!p0 $0x0  }
0x5fa: {  	[sflag:s0] =	ssyncadd.s32 @!p0 s1  }
0x5fb: {  	[bflag:$0x3] =	sbarrier.arrive $0xFFFF  }
0x5fc: {  	_ =	shalt  }

</sc_bundles>
